<compile_context>
chip_gen: v7x
topology: tpu7x:2x2x1
jax: 0.10.2.dev20260603
libtpu: 0.0.44.dev20260713+nightly
codegen_flags: <defaults>
</compile_context>

<pallas_src>
import functools

import jax
import jax.numpy as jnp
from jax import lax
from jax.experimental import pallas as pl
from jax.experimental.pallas import tpu as pltpu
from jax.experimental.pallas import tpu_sc as plsc

N_NODES = 10000
N_EDGES = 320000
D = 128

NC = 2
NS = 16
NW = NC * NS
CHUNK = 64
NBUF = 4
PER_WORKER = N_EDGES // NW
NCHUNKS = PER_WORKER // CHUNK
TAIL = PER_WORKER - NCHUNKS * CHUNK
N_PAD = 10112
STRIPE = N_PAD // NS


@functools.partial(
    pl.kernel,
    out_type=jax.ShapeDtypeStruct((NC, N_PAD, D), jnp.float32),
    mesh=plsc.VectorSubcoreMesh(core_axis_name="c", subcore_axis_name="s"),
    scratch_types=[
        pltpu.VMEM((2 * NBUF, CHUNK), jnp.int32),
        pltpu.VMEM((2 * NBUF, CHUNK), jnp.int32),
        pltpu.VMEM((NBUF, CHUNK, D), jnp.float32),
        pltpu.VMEM((1, TAIL), jnp.int32),
        pltpu.VMEM((1, TAIL), jnp.int32),
        pltpu.VMEM((TAIL, D), jnp.float32),
        pltpu.VMEM_SHARED((N_PAD, D), jnp.float32),
        pltpu.SemaphoreType.DMA((2 * NBUF,)),
        pltpu.SemaphoreType.DMA((NBUF,)),
        pltpu.SemaphoreType.DMA,
        pltpu.SemaphoreType.DMA,
    ],
)
def _sc_segment_sum(edges_hbm, x_hbm, out_hbm,
                    sidx, didx, rows, tsidx, tdidx, trows, acc,
                    isems, gsems, tsem, zsem):
    cid = lax.axis_index("c")
    sid = lax.axis_index("s")
    base = (cid * NS + sid) * PER_WORKER
    tbase = base + NCHUNKS * CHUNK

    def idx_load(c, b):
        off = base + c * CHUNK
        pltpu.async_copy(edges_hbm.at[pl.ds(off, CHUNK)], sidx.at[b],
                         isems.at[b])
        pltpu.async_copy(edges_hbm.at[pl.ds(N_EDGES + off, CHUNK)],
                         didx.at[b], isems.at[b])

    def idx_wait(c, b):
        off = base + c * CHUNK
        pltpu.make_async_copy(edges_hbm.at[pl.ds(off, CHUNK)],
                              sidx.at[b], isems.at[b]).wait()
        pltpu.make_async_copy(edges_hbm.at[pl.ds(N_EDGES + off, CHUNK)],
                              didx.at[b], isems.at[b]).wait()

    def g_start(s, p):
        pltpu.async_copy(x_hbm.at[sidx.at[s]], rows.at[p], gsems.at[p])

    def g_wait(s, p):
        pltpu.make_async_copy(x_hbm.at[sidx.at[s]], rows.at[p],
                              gsems.at[p]).wait()

    def scatter(s, p):
        pltpu.sync_copy(rows.at[p], acc.at[didx.at[s]], add=True)

    for k in range(2 * NBUF):
        idx_load(k, k)

    pltpu.sync_copy(edges_hbm.at[pl.ds(tbase, TAIL)], tsidx.at[0])
    pltpu.sync_copy(edges_hbm.at[pl.ds(N_EDGES + tbase, TAIL)], tdidx.at[0])
    pltpu.async_copy(x_hbm.at[tsidx.at[0]], trows, tsem)

    for k in range(1, NBUF):
        idx_wait(k, k)
        g_start(k, k)

    @pl.loop(0, CHUNK)
    def _(r):
        for j in range(D // 16):
            rows[0, r, pl.ds(j * 16, 16)] = jnp.zeros((16,), jnp.float32)

    sbase = sid * STRIPE
    for off in range(0, STRIPE, CHUNK):
        n = min(CHUNK, STRIPE - off)
        pltpu.async_copy(rows.at[0].at[pl.ds(0, n)],
                         acc.at[pl.ds(sbase + off, n)], zsem)
    for off in range(0, STRIPE, CHUNK):
        n = min(CHUNK, STRIPE - off)
        pltpu.make_async_copy(rows.at[0].at[pl.ds(0, n)],
                              acc.at[pl.ds(sbase + off, n)], zsem).wait()

    idx_wait(0, 0)
    g_start(0, 0)
    plsc.subcore_barrier()

    @pl.loop(0, NCHUNKS - NBUF, step=2 * NBUF)
    def _(c):
        for k in range(2 * NBUF):
            p = k % NBUF
            s = k
            s2 = (k + NBUF) % (2 * NBUF)
            g_wait(s, p)
            scatter(s, p)
            if k >= NBUF:
                @pl.when(c + k + 2 * NBUF < NCHUNKS)
                def _():
                    idx_load(c + k + 2 * NBUF, s)
            else:
                idx_load(c + k + 2 * NBUF, s)
            idx_wait(c + k + NBUF, s2)
            g_start(s2, p)

    for j in range(NBUF):
        g_wait(j, j)
        scatter(j, j)

    pltpu.make_async_copy(x_hbm.at[tsidx.at[0]], trows, tsem).wait()
    pltpu.sync_copy(trows, acc.at[tdidx.at[0]], add=True)

    plsc.subcore_barrier()
    pltpu.sync_copy(acc.at[pl.ds(sid * STRIPE, STRIPE)],
                    out_hbm.at[cid, pl.ds(sid * STRIPE, STRIPE)])


def _tc_mlp_body(x_ref, a0_ref, a1_ref, w1_ref, b1_ref, w2_ref, b2_ref, o_ref):
    h = x_ref[...] + a0_ref[0] + a1_ref[0]
    h = jnp.dot(h, w1_ref[...], preferred_element_type=jnp.float32) + b1_ref[...]
    h = jnp.maximum(h, 0.0)
    o_ref[...] = (jnp.dot(h, w2_ref[...], preferred_element_type=jnp.float32)
                  + b2_ref[...])


def _tc_mlp(x, agg2, W1, b1, W2, b2):
    blk = 1000
    grid = (N_NODES // blk,)
    return pl.pallas_call(
        _tc_mlp_body,
        grid=grid,
        in_specs=[
            pl.BlockSpec((blk, D), lambda i: (i, 0)),
            pl.BlockSpec((1, blk, D), lambda i: (0, i, 0)),
            pl.BlockSpec((1, blk, D), lambda i: (1, i, 0)),
            pl.BlockSpec((D, D), lambda i: (0, 0)),
            pl.BlockSpec((1, D), lambda i: (0, 0)),
            pl.BlockSpec((D, D), lambda i: (0, 0)),
            pl.BlockSpec((1, D), lambda i: (0, 0)),
        ],
        out_specs=pl.BlockSpec((blk, D), lambda i: (i, 0)),
        out_shape=jax.ShapeDtypeStruct((N_NODES, D), jnp.float32),
    )(x, agg2, agg2, W1, b1.reshape(1, D), W2, b2.reshape(1, D))


def kernel(x, edge_index, W1, b1, W2, b2):
    edges = edge_index.astype(jnp.int32).reshape(2 * N_EDGES)
    agg2 = _sc_segment_sum(edges, x)
    return _tc_mlp(x, agg2, W1, b1, W2, b2)

# --- scband reference (transcript-rebuilt; emitter-appended) ---
"""Pipeline reference for scband-ginlayer-49675591746182 (READ-ONLY COPY).

The authoritative reference and input builder live on the scoring server;
editing this copy changes nothing except your own understanding.
"""

import jax, jax.numpy as jnp
import numpy as np

N_NODES = 10000
N_EDGES = 320000
D_IN = 128
D_OUT = 128
EPS = 0.0


def setup_inputs(seed: int = 0) -> dict:
    key = jax.random.key(seed)
    k_x, k_e, k_w1, k_b1, k_w2, k_b2 = jax.random.split(key, 6)
    x = jax.random.normal(k_x, (N_NODES, D_IN), dtype=jnp.float32)
    edge_index = jax.random.randint(k_e, (2, N_EDGES), 0, N_NODES, dtype=jnp.int64)
    # MLP: Linear(D_IN, D_OUT) -> ReLU -> Linear(D_OUT, D_OUT)
    lim1 = 1.0 / np.sqrt(D_IN)
    lim2 = 1.0 / np.sqrt(D_OUT)
    W1 = jax.random.uniform(k_w1, (D_IN, D_OUT), minval=-lim1, maxval=lim1, dtype=jnp.float32)
    b1 = jax.random.uniform(k_b1, (D_OUT,), minval=-lim1, maxval=lim1, dtype=jnp.float32)
    W2 = jax.random.uniform(k_w2, (D_OUT, D_OUT), minval=-lim2, maxval=lim2, dtype=jnp.float32)
    b2 = jax.random.uniform(k_b2, (D_OUT,), minval=-lim2, maxval=lim2, dtype=jnp.float32)
    return {"x": x, "edge_index": edge_index, "W1": W1, "b1": b1, "W2": W2, "b2": b2}


def reference(x, edge_index, W1, b1, W2, b2):
    # GINConv: out_i = MLP((1 + eps) * x_i + sum_{j in N(i)} x_j)
    src = edge_index[0]
    dst = edge_index[1]
    msgs = jnp.take(x, src, axis=0)  # gather source node features per edge
    agg = jax.ops.segment_sum(msgs, dst, num_segments=x.shape[0])  # scatter-add to dst
    h = (1.0 + EPS) * x + agg
    h = h @ W1 + b1
    h = jax.nn.relu(h)
    h = h @ W2 + b2
    return h

if __name__ == "__main__":
    import jax
    _d = setup_inputs()
    print(jax.jit(kernel)(*tuple(_d.values())))

</pallas_src>

<mosaic_0001>
#map = affine_map<(d0, d1) -> (0)>
#map1 = affine_map<(d0, d1) -> (0, 0)>
#map2 = affine_map<(d0, d1) -> (0, 0, 0)>
module attributes {stable_mosaic.version = 14 : i64} {
  func.func @_sc_segment_sum(%arg0: i32, %arg1: i32, %arg2: memref<640000xi32, #tpu.memory_space<hbm>>, %arg3: memref<10000x128xf32, #tpu.memory_space<hbm>>, %arg4: memref<2x10112x128xf32, #tpu.memory_space<hbm>>, %arg5: memref<8x64xi32, #tpu.memory_space<vmem>>, %arg6: memref<8x64xi32, #tpu.memory_space<vmem>>, %arg7: memref<4x64x128xf32, #tpu.memory_space<vmem>>, %arg8: memref<1x16xi32, #tpu.memory_space<vmem>>, %arg9: memref<1x16xi32, #tpu.memory_space<vmem>>, %arg10: memref<16x128xf32, #tpu.memory_space<vmem>>, %arg11: memref<10112x128xf32, #tpu.memory_space<vmem_shared>>, %arg12: memref<8x!tpu.dma_semaphore, #tpu.memory_space<semaphore_mem>>, %arg13: memref<4x!tpu.dma_semaphore, #tpu.memory_space<semaphore_mem>>, %arg14: memref<!tpu.dma_semaphore, #tpu.memory_space<semaphore_mem>>, %arg15: memref<!tpu.dma_semaphore, #tpu.memory_space<semaphore_mem>>) attributes {dimension_semantics = [#tpu.dimension_semantics<core_parallel>, #tpu.dimension_semantics<subcore_parallel>], iteration_bounds = array<i64: 2, 16>, scalar_prefetch = 0 : i64, scratch_operands = 11 : i64, tpu.core_type = #tpu.core_type<sc_vector_subcore>, window_params = [{transform_indices = #map}, {transform_indices = #map1}, {transform_indices = #map2}]} {
    %mul3A = arith.constant 16 : i32
    %mul3A_0 = arith.muli %arg0, %mul3A : i32
    %add3A = arith.addi %mul3A_0, %arg1 : i32
    %mul3A_1 = arith.constant 10000 : i32
    %mul3A_2 = arith.muli %add3A, %mul3A_1 : i32
    %add3A_3 = arith.constant 9984 : i32
    %add3A_4 = arith.addi %mul3A_2, %add3A_3 : i32
    %add3A_5 = arith.constant 0 : i32
    %add3A_6 = arith.addi %mul3A_2, %add3A_5 : i32
    %dma_start3A = arith.constant 0 : i32
    %dma_start3A_7 = arith.constant 0 : i32
    %dma_start3A_8 = arith.constant 0 : i32
    %dma_start3A_9 = tpu.memref_slice %arg5[%dma_start3A, %dma_start3A_8] : memref<8x64xi32, #tpu.memory_space<vmem>> -> memref<1x64xi32, #tpu.memory_space<vmem>>
    %dma_start3A_10 = tpu.memref_squeeze %dma_start3A_9 : memref<1x64xi32, #tpu.memory_space<vmem>> -> memref<64xi32, #tpu.memory_space<vmem>>
    %dma_start3A_11 = tpu.memref_slice %arg2[%add3A_6] : memref<640000xi32, #tpu.memory_space<hbm>> -> memref<64xi32, #tpu.memory_space<hbm>>
    %dma_start3A_12 = tpu.memref_slice %arg12[%dma_start3A_7] : memref<8x!tpu.dma_semaphore, #tpu.memory_space<semaphore_mem>> -> memref<1x!tpu.dma_semaphore, #tpu.memory_space<semaphore_mem>>
    %dma_start3A_13 = tpu.memref_squeeze %dma_start3A_12 : memref<1x!tpu.dma_semaphore, #tpu.memory_space<semaphore_mem>> -> memref<!tpu.dma_semaphore, #tpu.memory_space<semaphore_mem>>
    %dma_start3A_14 = arith.constant 0 : i32
    %dma_start3A_15 = tpu.memref_slice %arg5[%dma_start3A, %dma_start3A_14] : memref<8x64xi32, #tpu.memory_space<vmem>> -> memref<1x64xi32, #tpu.memory_space<vmem>>
    %dma_start3A_16 = tpu.memref_squeeze %dma_start3A_15 : memref<1x64xi32, #tpu.memory_space<vmem>> -> memref<64xi32, #tpu.memory_space<vmem>>
    %dma_start3A_17 = tpu.memref_slice %arg2[%add3A_6] : memref<640000xi32, #tpu.memory_space<hbm>> -> memref<64xi32, #tpu.memory_space<hbm>>
    tpu.enqueue_dma source(%dma_start3A_17 : memref<64xi32, #tpu.memory_space<hbm>>) target(%dma_start3A_16 : memref<64xi32, #tpu.memory_space<vmem>>) target_semaphore(%dma_start3A_13 : memref<!tpu.dma_semaphore, #tpu.memory_space<semaphore_mem>>)
    %add3A_18 = arith.constant 320000 : i32
    %add3A_19 = arith.addi %add3A_18, %add3A_6 : i32
    %dma_start3A_20 = arith.constant 0 : i32
    %dma_start3A_21 = arith.constant 0 : i32
    %dma_start3A_22 = arith.constant 0 : i32
    %dma_start3A_23 = tpu.memref_slice %arg6[%dma_start3A_20, %dma_start3A_22] : memref<8x64xi32, #tpu.memory_space<vmem>> -> memref<1x64xi32, #tpu.memory_space<vmem>>
    %dma_start3A_24 = tpu.memref_squeeze %dma_start3A_23 : memref<1x64xi32, #tpu.memory_space<vmem>> -> memref<64xi32, #tpu.memory_space<vmem>>
    %dma_start3A_25 = tpu.memref_slice %arg2[%add3A_19] : memref<640000xi32, #tpu.memory_space<hbm>> -> memref<64xi32, #tpu.memory_space<hbm>>
    %dma_start3A_26 = tpu.memref_slice %arg12[%dma_start3A_21] : memref<8x!tpu.dma_semaphore, #tpu.memory_space<semaphore_mem>> -> memref<1x!tpu.dma_semaphore, #tpu.memory_space<semaphore_mem>>
    %dma_start3A_27 = tpu.memref_squeeze %dma_start3A_26 : memref<1x!tpu.dma_semaphore, #tpu.memory_space<semaphore_mem>> -> memref<!tpu.dma_semaphore, #tpu.memory_space<semaphore_mem>>
    %dma_start3A_28 = arith.constant 0 : i32
    %dma_start3A_29 = tpu.memref_slice %arg6[%dma_start3A_20, %dma_start3A_28] : memref<8x64xi32, #tpu.memory_space<vmem>> -> memref<1x64xi32, #tpu.memory_space<vmem>>
    %dma_start3A_30 = tpu.memref_squeeze %dma_start3A_29 : memref<1x64xi32, #tpu.memory_space<vmem>> -> memref<64xi32, #tpu.memory_space<vmem>>
    %dma_start3A_31 = tpu.memref_slice %arg2[%add3A_19] : memref<640000xi32, #tpu.memory_space<hbm>> -> memref<64xi32, #tpu.memory_space<hbm>>
    tpu.enqueue_dma source(%dma_start3A_31 : memref<64xi32, #tpu.memory_space<hbm>>) target(%dma_start3A_30 : memref<64xi32, #tpu.memory_space<vmem>>) target_semaphore(%dma_start3A_27 : memref<!tpu.dma_semaphore, #tpu.memory_space<semaphore_mem>>)
    %add3A_32 = arith.constant 64 : i32
    %add3A_33 = arith.addi %mul3A_2, %add3A_32 : i32
    %dma_start3A_34 = arith.constant 1 : i32
    %dma_start3A_35 = arith.constant 1 : i32
    %dma_start3A_36 = arith.constant 0 : i32
    %dma_start3A_37 = tpu.memref_slice %arg5[%dma_start3A_34, %dma_start3A_36] : memref<8x64xi32, #tpu.memory_space<vmem>> -> memref<1x64xi32, #tpu.memory_space<vmem>>
    %dma_start3A_38 = tpu.memref_squeeze %dma_start3A_37 : memref<1x64xi32, #tpu.memory_space<vmem>> -> memref<64xi32, #tpu.memory_space<vmem>>
    %dma_start3A_39 = tpu.memref_slice %arg2[%add3A_33] : memref<640000xi32, #tpu.memory_space<hbm>> -> memref<64xi32, #tpu.memory_space<hbm>>
    %dma_start3A_40 = tpu.memref_slice %arg12[%dma_start3A_35] : memref<8x!tpu.dma_semaphore, #tpu.memory_space<semaphore_mem>> -> memref<1x!tpu.dma_semaphore, #tpu.memory_space<semaphore_mem>>
    %dma_start3A_41 = tpu.memref_squeeze %dma_start3A_40 : memref<1x!tpu.dma_semaphore, #tpu.memory_space<semaphore_mem>> -> memref<!tpu.dma_semaphore, #tpu.memory_space<semaphore_mem>>
    %dma_start3A_42 = arith.constant 0 : i32
    %dma_start3A_43 = tpu.memref_slice %arg5[%dma_start3A_34, %dma_start3A_42] : memref<8x64xi32, #tpu.memory_space<vmem>> -> memref<1x64xi32, #tpu.memory_space<vmem>>
    %dma_start3A_44 = tpu.memref_squeeze %dma_start3A_43 : memref<1x64xi32, #tpu.memory_space<vmem>> -> memref<64xi32, #tpu.memory_space<vmem>>
    %dma_start3A_45 = tpu.memref_slice %arg2[%add3A_33] : memref<640000xi32, #tpu.memory_space<hbm>> -> memref<64xi32, #tpu.memory_space<hbm>>
    tpu.enqueue_dma source(%dma_start3A_45 : memref<64xi32, #tpu.memory_space<hbm>>) target(%dma_start3A_44 : memref<64xi32, #tpu.memory_space<vmem>>) target_semaphore(%dma_start3A_41 : memref<!tpu.dma_semaphore, #tpu.memory_space<semaphore_mem>>)
    %add3A_46 = arith.constant 320000 : i32
    %add3A_47 = arith.addi %add3A_46, %add3A_33 : i32
    %dma_start3A_48 = arith.constant 1 : i32
    %dma_start3A_49 = arith.constant 1 : i32
    %dma_start3A_50 = arith.constant 0 : i32
    %dma_start3A_51 = tpu.memref_slice %arg6[%dma_start3A_48, %dma_start3A_50] : memref<8x64xi32, #tpu.memory_space<vmem>> -> memref<1x64xi32, #tpu.memory_space<vmem>>
    %dma_start3A_52 = tpu.memref_squeeze %dma_start3A_51 : memref<1x64xi32, #tpu.memory_space<vmem>> -> memref<64xi32, #tpu.memory_space<vmem>>
    %dma_start3A_53 = tpu.memref_slice %arg2[%add3A_47] : memref<640000xi32, #tpu.memory_space<hbm>> -> memref<64xi32, #tpu.memory_space<hbm>>
    %dma_start3A_54 = tpu.memref_slice %arg12[%dma_start3A_49] : memref<8x!tpu.dma_semaphore, #tpu.memory_space<semaphore_mem>> -> memref<1x!tpu.dma_semaphore, #tpu.memory_space<semaphore_mem>>
    %dma_start3A_55 = tpu.memref_squeeze %dma_start3A_54 : memref<1x!tpu.dma_semaphore, #tpu.memory_space<semaphore_mem>> -> memref<!tpu.dma_semaphore, #tpu.memory_space<semaphore_mem>>
    %dma_start3A_56 = arith.constant 0 : i32
    %dma_start3A_57 = tpu.memref_slice %arg6[%dma_start3A_48, %dma_start3A_56] : memref<8x64xi32, #tpu.memory_space<vmem>> -> memref<1x64xi32, #tpu.memory_space<vmem>>
    %dma_start3A_58 = tpu.memref_squeeze %dma_start3A_57 : memref<1x64xi32, #tpu.memory_space<vmem>> -> memref<64xi32, #tpu.memory_space<vmem>>
    %dma_start3A_59 = tpu.memref_slice %arg2[%add3A_47] : memref<640000xi32, #tpu.memory_space<hbm>> -> memref<64xi32, #tpu.memory_space<hbm>>
    tpu.enqueue_dma source(%dma_start3A_59 : memref<64xi32, #tpu.memory_space<hbm>>) target(%dma_start3A_58 : memref<64xi32, #tpu.memory_space<vmem>>) target_semaphore(%dma_start3A_55 : memref<!tpu.dma_semaphore, #tpu.memory_space<semaphore_mem>>)
    %add3A_60 = arith.constant 128 : i32
    %add3A_61 = arith.addi %mul3A_2, %add3A_60 : i32
    %dma_start3A_62 = arith.constant 2 : i32
    %dma_start3A_63 = arith.constant 2 : i32
    %dma_start3A_64 = arith.constant 0 : i32
    %dma_start3A_65 = tpu.memref_slice %arg5[%dma_start3A_62, %dma_start3A_64] : memref<8x64xi32, #tpu.memory_space<vmem>> -> memref<1x64xi32, #tpu.memory_space<vmem>>
    %dma_start3A_66 = tpu.memref_squeeze %dma_start3A_65 : memref<1x64xi32, #tpu.memory_space<vmem>> -> memref<64xi32, #tpu.memory_space<vmem>>
    %dma_start3A_67 = tpu.memref_slice %arg2[%add3A_61] : memref<640000xi32, #tpu.memory_space<hbm>> -> memref<64xi32, #tpu.memory_space<hbm>>
    %dma_start3A_68 = tpu.memref_slice %arg12[%dma_start3A_63] : memref<8x!tpu.dma_semaphore, #tpu.memory_space<semaphore_mem>> -> memref<1x!tpu.dma_semaphore, #tpu.memory_space<semaphore_mem>>
    %dma_start3A_69 = tpu.memref_squeeze %dma_start3A_68 : memref<1x!tpu.dma_semaphore, #tpu.memory_space<semaphore_mem>> -> memref<!tpu.dma_semaphore, #tpu.memory_space<semaphore_mem>>
    %dma_start3A_70 = arith.constant 0 : i32
    %dma_start3A_71 = tpu.memref_slice %arg5[%dma_start3A_62, %dma_start3A_70] : memref<8x64xi32, #tpu.memory_space<vmem>> -> memref<1x64xi32, #tpu.memory_space<vmem>>
    %dma_start3A_72 = tpu.memref_squeeze %dma_start3A_71 : memref<1x64xi32, #tpu.memory_space<vmem>> -> memref<64xi32, #tpu.memory_space<vmem>>
    %dma_start3A_73 = tpu.memref_slice %arg2[%add3A_61] : memref<640000xi32, #tpu.memory_space<hbm>> -> memref<64xi32, #tpu.memory_space<hbm>>
    tpu.enqueue_dma source(%dma_start3A_73 : memref<64xi32, #tpu.memory_space<hbm>>) target(%dma_start3A_72 : memref<64xi32, #tpu.memory_space<vmem>>) target_semaphore(%dma_start3A_69 : memref<!tpu.dma_semaphore, #tpu.memory_space<semaphore_mem>>)
    %add3A_74 = arith.constant 320000 : i32
    %add3A_75 = arith.addi %add3A_74, %add3A_61 : i32
    %dma_start3A_76 = arith.constant 2 : i32
    %dma_start3A_77 = arith.constant 2 : i32
    %dma_start3A_78 = arith.constant 0 : i32
    %dma_start3A_79 = tpu.memref_slice %arg6[%dma_start3A_76, %dma_start3A_78] : memref<8x64xi32, #tpu.memory_space<vmem>> -> memref<1x64xi32, #tpu.memory_space<vmem>>
    %dma_start3A_80 = tpu.memref_squeeze %dma_start3A_79 : memref<1x64xi32, #tpu.memory_space<vmem>> -> memref<64xi32, #tpu.memory_space<vmem>>
    %dma_start3A_81 = tpu.memref_slice %arg2[%add3A_75] : memref<640000xi32, #tpu.memory_space<hbm>> -> memref<64xi32, #tpu.memory_space<hbm>>
    %dma_start3A_82 = tpu.memref_slice %arg12[%dma_start3A_77] : memref<8x!tpu.dma_semaphore, #tpu.memory_space<semaphore_mem>> -> memref<1x!tpu.dma_semaphore, #tpu.memory_space<semaphore_mem>>
    %dma_start3A_83 = tpu.memref_squeeze %dma_start3A_82 : memref<1x!tpu.dma_semaphore, #tpu.memory_space<semaphore_mem>> -> memref<!tpu.dma_semaphore, #tpu.memory_space<semaphore_mem>>
    %dma_start3A_84 = arith.constant 0 : i32
    %dma_start3A_85 = tpu.memref_slice %arg6[%dma_start3A_76, %dma_start3A_84] : memref<8x64xi32, #tpu.memory_space<vmem>> -> memref<1x64xi32, #tpu.memory_space<vmem>>
    %dma_start3A_86 = tpu.memref_squeeze %dma_start3A_85 : memref<1x64xi32, #tpu.memory_space<vmem>> -> memref<64xi32, #tpu.memory_space<vmem>>
    %dma_start3A_87 = tpu.memref_slice %arg2[%add3A_75] : memref<640000xi32, #tpu.memory_space<hbm>> -> memref<64xi32, #tpu.memory_space<hbm>>
    tpu.enqueue_dma source(%dma_start3A_87 : memref<64xi32, #tpu.memory_space<hbm>>) target(%dma_start3A_86 : memref<64xi32, #tpu.memory_space<vmem>>) target_semaphore(%dma_start3A_83 : memref<!tpu.dma_semaphore, #tpu.memory_space<semaphore_mem>>)
    %add3A_88 = arith.constant 192 : i32
    %add3A_89 = arith.addi %mul3A_2, %add3A_88 : i32
    %dma_start3A_90 = arith.constant 3 : i32
    %dma_start3A_91 = arith.constant 3 : i32
    %dma_start3A_92 = arith.constant 0 : i32
    %dma_start3A_93 = tpu.memref_slice %arg5[%dma_start3A_90, %dma_start3A_92] : memref<8x64xi32, #tpu.memory_space<vmem>> -> memref<1x64xi32, #tpu.memory_space<vmem>>
    %dma_start3A_94 = tpu.memref_squeeze %dma_start3A_93 : memref<1x64xi32, #tpu.memory_space<vmem>> -> memref<64xi32, #tpu.memory_space<vmem>>
    %dma_start3A_95 = tpu.memref_slice %arg2[%add3A_89] : memref<640000xi32, #tpu.memory_space<hbm>> -> memref<64xi32, #tpu.memory_space<hbm>>
    %dma_start3A_96 = tpu.memref_slice %arg12[%dma_start3A_91] : memref<8x!tpu.dma_semaphore, #tpu.memory_space<semaphore_mem>> -> memref<1x!tpu.dma_semaphore, #tpu.memory_space<semaphore_mem>>
    %dma_start3A_97 = tpu.memref_squeeze %dma_start3A_96 : memref<1x!tpu.dma_semaphore, #tpu.memory_space<semaphore_mem>> -> memref<!tpu.dma_semaphore, #tpu.memory_space<semaphore_mem>>
    %dma_start3A_98 = arith.constant 0 : i32
    %dma_start3A_99 = tpu.memref_slice %arg5[%dma_start3A_90, %dma_start3A_98] : memref<8x64xi32, #tpu.memory_space<vmem>> -> memref<1x64xi32, #tpu.memory_space<vmem>>
    %dma_start3A_100 = tpu.memref_squeeze %dma_start3A_99 : memref<1x64xi32, #tpu.memory_space<vmem>> -> memref<64xi32, #tpu.memory_space<vmem>>
    %dma_start3A_101 = tpu.memref_slice %arg2[%add3A_89] : memref<640000xi32, #tpu.memory_space<hbm>> -> memref<64xi32, #tpu.memory_space<hbm>>
    tpu.enqueue_dma source(%dma_start3A_101 : memref<64xi32, #tpu.memory_space<hbm>>) target(%dma_start3A_100 : memref<64xi32, #tpu.memory_space<vmem>>) target_semaphore(%dma_start3A_97 : memref<!tpu.dma_semaphore, #tpu.memory_space<semaphore_mem>>)
    %add3A_102 = arith.constant 320000 : i32
    %add3A_103 = arith.addi %add3A_102, %add3A_89 : i32
    %dma_start3A_104 = arith.constant 3 : i32
    %dma_start3A_105 = arith.constant 3 : i32
    %dma_start3A_106 = arith.constant 0 : i32
    %dma_start3A_107 = tpu.memref_slice %arg6[%dma_start3A_104, %dma_start3A_106] : memref<8x64xi32, #tpu.memory_space<vmem>> -> memref<1x64xi32, #tpu.memory_space<vmem>>
    %dma_start3A_108 = tpu.memref_squeeze %dma_start3A_107 : memref<1x64xi32, #tpu.memory_space<vmem>> -> memref<64xi32, #tpu.memory_space<vmem>>
    %dma_start3A_109 = tpu.memref_slice %arg2[%add3A_103] : memref<640000xi32, #tpu.memory_space<hbm>> -> memref<64xi32, #tpu.memory_space<hbm>>
    %dma_start3A_110 = tpu.memref_slice %arg12[%dma_start3A_105] : memref<8x!tpu.dma_semaphore, #tpu.memory_space<semaphore_mem>> -> memref<1x!tpu.dma_semaphore, #tpu.memory_space<semaphore_mem>>
    %dma_start3A_111 = tpu.memref_squeeze %dma_start3A_110 : memref<1x!tpu.dma_semaphore, #tpu.memory_space<semaphore_mem>> -> memref<!tpu.dma_semaphore, #tpu.memory_space<semaphore_mem>>
    %dma_start3A_112 = arith.constant 0 : i32
    %dma_start3A_113 = tpu.memref_slice %arg6[%dma_start3A_104, %dma_start3A_112] : memref<8x64xi32, #tpu.memory_space<vmem>> -> memref<1x64xi32, #tpu.memory_space<vmem>>
    %dma_start3A_114 = tpu.memref_squeeze %dma_start3A_113 : memref<1x64xi32, #tpu.memory_space<vmem>> -> memref<64xi32, #tpu.memory_space<vmem>>
    %dma_start3A_115 = tpu.memref_slice %arg2[%add3A_103] : memref<640000xi32, #tpu.memory_space<hbm>> -> memref<64xi32, #tpu.memory_space<hbm>>
    tpu.enqueue_dma source(%dma_start3A_115 : memref<64xi32, #tpu.memory_space<hbm>>) target(%dma_start3A_114 : memref<64xi32, #tpu.memory_space<vmem>>) target_semaphore(%dma_start3A_111 : memref<!tpu.dma_semaphore, #tpu.memory_space<semaphore_mem>>)
    %add3A_116 = arith.constant 256 : i32
    %add3A_117 = arith.addi %mul3A_2, %add3A_116 : i32
    %dma_start3A_118 = arith.constant 4 : i32
    %dma_start3A_119 = arith.constant 4 : i32
    %dma_start3A_120 = arith.constant 0 : i32
    %dma_start3A_121 = tpu.memref_slice %arg5[%dma_start3A_118, %dma_start3A_120] : memref<8x64xi32, #tpu.memory_space<vmem>> -> memref<1x64xi32, #tpu.memory_space<vmem>>
    %dma_start3A_122 = tpu.memref_squeeze %dma_start3A_121 : memref<1x64xi32, #tpu.memory_space<vmem>> -> memref<64xi32, #tpu.memory_space<vmem>>
    %dma_start3A_123 = tpu.memref_slice %arg2[%add3A_117] : memref<640000xi32, #tpu.memory_space<hbm>> -> memref<64xi32, #tpu.memory_space<hbm>>
    %dma_start3A_124 = tpu.memref_slice %arg12[%dma_start3A_119] : memref<8x!tpu.dma_semaphore, #tpu.memory_space<semaphore_mem>> -> memref<1x!tpu.dma_semaphore, #tpu.memory_space<semaphore_mem>>
    %dma_start3A_125 = tpu.memref_squeeze %dma_start3A_124 : memref<1x!tpu.dma_semaphore, #tpu.memory_space<semaphore_mem>> -> memref<!tpu.dma_semaphore, #tpu.memory_space<semaphore_mem>>
    %dma_start3A_126 = arith.constant 0 : i32
    %dma_start3A_127 = tpu.memref_slice %arg5[%dma_start3A_118, %dma_start3A_126] : memref<8x64xi32, #tpu.memory_space<vmem>> -> memref<1x64xi32, #tpu.memory_space<vmem>>
    %dma_start3A_128 = tpu.memref_squeeze %dma_start3A_127 : memref<1x64xi32, #tpu.memory_space<vmem>> -> memref<64xi32, #tpu.memory_space<vmem>>
    %dma_start3A_129 = tpu.memref_slice %arg2[%add3A_117] : memref<640000xi32, #tpu.memory_space<hbm>> -> memref<64xi32, #tpu.memory_space<hbm>>
    tpu.enqueue_dma source(%dma_start3A_129 : memref<64xi32, #tpu.memory_space<hbm>>) target(%dma_start3A_128 : memref<64xi32, #tpu.memory_space<vmem>>) target_semaphore(%dma_start3A_125 : memref<!tpu.dma_semaphore, #tpu.memory_space<semaphore_mem>>)
    %add3A_130 = arith.constant 320000 : i32
    %add3A_131 = arith.addi %add3A_130, %add3A_117 : i32
    %dma_start3A_132 = arith.constant 4 : i32
    %dma_start3A_133 = arith.constant 4 : i32
    %dma_start3A_134 = arith.constant 0 : i32
    %dma_start3A_135 = tpu.memref_slice %arg6[%dma_start3A_132, %dma_start3A_134] : memref<8x64xi32, #tpu.memory_space<vmem>> -> memref<1x64xi32, #tpu.memory_space<vmem>>
    %dma_start3A_136 = tpu.memref_squeeze %dma_start3A_135 : memref<1x64xi32, #tpu.memory_space<vmem>> -> memref<64xi32, #tpu.memory_space<vmem>>
    %dma_start3A_137 = tpu.memref_slice %arg2[%add3A_131] : memref<640000xi32, #tpu.memory_space<hbm>> -> memref<64xi32, #tpu.memory_space<hbm>>
    %dma_start3A_138 = tpu.memref_slice %arg12[%dma_start3A_133] : memref<8x!tpu.dma_semaphore, #tpu.memory_space<semaphore_mem>> -> memref<1x!tpu.dma_semaphore, #tpu.memory_space<semaphore_mem>>
    %dma_start3A_139 = tpu.memref_squeeze %dma_start3A_138 : memref<1x!tpu.dma_semaphore, #tpu.memory_space<semaphore_mem>> -> memref<!tpu.dma_semaphore, #tpu.memory_space<semaphore_mem>>
    %dma_start3A_140 = arith.constant 0 : i32
    %dma_start3A_141 = tpu.memref_slice %arg6[%dma_start3A_132, %dma_start3A_140] : memref<8x64xi32, #tpu.memory_space<vmem>> -> memref<1x64xi32, #tpu.memory_space<vmem>>
    %dma_start3A_142 = tpu.memref_squeeze %dma_start3A_141 : memref<1x64xi32, #tpu.memory_space<vmem>> -> memref<64xi32, #tpu.memory_space<vmem>>
    %dma_start3A_143 = tpu.memref_slice %arg2[%add3A_131] : memref<640000xi32, #tpu.memory_space<hbm>> -> memref<64xi32, #tpu.memory_space<hbm>>
    tpu.enqueue_dma source(%dma_start3A_143 : memref<64xi32, #tpu.memory_space<hbm>>) target(%dma_start3A_142 : memref<64xi32, #tpu.memory_space<vmem>>) target_semaphore(%dma_start3A_139 : memref<!tpu.dma_semaphore, #tpu.memory_space<semaphore_mem>>)
    %add3A_144 = arith.constant 320 : i32
    %add3A_145 = arith.addi %mul3A_2, %add3A_144 : i32
    %dma_start3A_146 = arith.constant 5 : i32
    %dma_start3A_147 = arith.constant 5 : i32
    %dma_start3A_148 = arith.constant 0 : i32
    %dma_start3A_149 = tpu.memref_slice %arg5[%dma_start3A_146, %dma_start3A_148] : memref<8x64xi32, #tpu.memory_space<vmem>> -> memref<1x64xi32, #tpu.memory_space<vmem>>
    %dma_start3A_150 = tpu.memref_squeeze %dma_start3A_149 : memref<1x64xi32, #tpu.memory_space<vmem>> -> memref<64xi32, #tpu.memory_space<vmem>>
    %dma_start3A_151 = tpu.memref_slice %arg2[%add3A_145] : memref<640000xi32, #tpu.memory_space<hbm>> -> memref<64xi32, #tpu.memory_space<hbm>>
    %dma_start3A_152 = tpu.memref_slice %arg12[%dma_start3A_147] : memref<8x!tpu.dma_semaphore, #tpu.memory_space<semaphore_mem>> -> memref<1x!tpu.dma_semaphore, #tpu.memory_space<semaphore_mem>>
    %dma_start3A_153 = tpu.memref_squeeze %dma_start3A_152 : memref<1x!tpu.dma_semaphore, #tpu.memory_space<semaphore_mem>> -> memref<!tpu.dma_semaphore, #tpu.memory_space<semaphore_mem>>
    %dma_start3A_154 = arith.constant 0 : i32
    %dma_start3A_155 = tpu.memref_slice %arg5[%dma_start3A_146, %dma_start3A_154] : memref<8x64xi32, #tpu.memory_space<vmem>> -> memref<1x64xi32, #tpu.memory_space<vmem>>
    %dma_start3A_156 = tpu.memref_squeeze %dma_start3A_155 : memref<1x64xi32, #tpu.memory_space<vmem>> -> memref<64xi32, #tpu.memory_space<vmem>>
    %dma_start3A_157 = tpu.memref_slice %arg2[%add3A_145] : memref<640000xi32, #tpu.memory_space<hbm>> -> memref<64xi32, #tpu.memory_space<hbm>>
    tpu.enqueue_dma source(%dma_start3A_157 : memref<64xi32, #tpu.memory_space<hbm>>) target(%dma_start3A_156 : memref<64xi32, #tpu.memory_space<vmem>>) target_semaphore(%dma_start3A_153 : memref<!tpu.dma_semaphore, #tpu.memory_space<semaphore_mem>>)
    %add3A_158 = arith.constant 320000 : i32
    %add3A_159 = arith.addi %add3A_158, %add3A_145 : i32
    %dma_start3A_160 = arith.constant 5 : i32
    %dma_start3A_161 = arith.constant 5 : i32
    %dma_start3A_162 = arith.constant 0 : i32
    %dma_start3A_163 = tpu.memref_slice %arg6[%dma_start3A_160, %dma_start3A_162] : memref<8x64xi32, #tpu.memory_space<vmem>> -> memref<1x64xi32, #tpu.memory_space<vmem>>
    %dma_start3A_164 = tpu.memref_squeeze %dma_start3A_163 : memref<1x64xi32, #tpu.memory_space<vmem>> -> memref<64xi32, #tpu.memory_space<vmem>>
    %dma_start3A_165 = tpu.memref_slice %arg2[%add3A_159] : memref<640000xi32, #tpu.memory_space<hbm>> -> memref<64xi32, #tpu.memory_space<hbm>>
    %dma_start3A_166 = tpu.memref_slice %arg12[%dma_start3A_161] : memref<8x!tpu.dma_semaphore, #tpu.memory_space<semaphore_mem>> -> memref<1x!tpu.dma_semaphore, #tpu.memory_space<semaphore_mem>>
    %dma_start3A_167 = tpu.memref_squeeze %dma_start3A_166 : memref<1x!tpu.dma_semaphore, #tpu.memory_space<semaphore_mem>> -> memref<!tpu.dma_semaphore, #tpu.memory_space<semaphore_mem>>
    %dma_start3A_168 = arith.constant 0 : i32
    %dma_start3A_169 = tpu.memref_slice %arg6[%dma_start3A_160, %dma_start3A_168] : memref<8x64xi32, #tpu.memory_space<vmem>> -> memref<1x64xi32, #tpu.memory_space<vmem>>
    %dma_start3A_170 = tpu.memref_squeeze %dma_start3A_169 : memref<1x64xi32, #tpu.memory_space<vmem>> -> memref<64xi32, #tpu.memory_space<vmem>>
    %dma_start3A_171 = tpu.memref_slice %arg2[%add3A_159] : memref<640000xi32, #tpu.memory_space<hbm>> -> memref<64xi32, #tpu.memory_space<hbm>>
    tpu.enqueue_dma source(%dma_start3A_171 : memref<64xi32, #tpu.memory_space<hbm>>) target(%dma_start3A_170 : memref<64xi32, #tpu.memory_space<vmem>>) target_semaphore(%dma_start3A_167 : memref<!tpu.dma_semaphore, #tpu.memory_space<semaphore_mem>>)
    %add3A_172 = arith.constant 384 : i32
    %add3A_173 = arith.addi %mul3A_2, %add3A_172 : i32
    %dma_start3A_174 = arith.constant 6 : i32
    %dma_start3A_175 = arith.constant 6 : i32
    %dma_start3A_176 = arith.constant 0 : i32
    %dma_start3A_177 = tpu.memref_slice %arg5[%dma_start3A_174, %dma_start3A_176] : memref<8x64xi32, #tpu.memory_space<vmem>> -> memref<1x64xi32, #tpu.memory_space<vmem>>
    %dma_start3A_178 = tpu.memref_squeeze %dma_start3A_177 : memref<1x64xi32, #tpu.memory_space<vmem>> -> memref<64xi32, #tpu.memory_space<vmem>>
    %dma_start3A_179 = tpu.memref_slice %arg2[%add3A_173] : memref<640000xi32, #tpu.memory_space<hbm>> -> memref<64xi32, #tpu.memory_space<hbm>>
    %dma_start3A_180 = tpu.memref_slice %arg12[%dma_start3A_175] : memref<8x!tpu.dma_semaphore, #tpu.memory_space<semaphore_mem>> -> memref<1x!tpu.dma_semaphore, #tpu.memory_space<semaphore_mem>>
    %dma_start3A_181 = tpu.memref_squeeze %dma_start3A_180 : memref<1x!tpu.dma_semaphore, #tpu.memory_space<semaphore_mem>> -> memref<!tpu.dma_semaphore, #tpu.memory_space<semaphore_mem>>
    %dma_start3A_182 = arith.constant 0 : i32
    %dma_start3A_183 = tpu.memref_slice %arg5[%dma_start3A_174, %dma_start3A_182] : memref<8x64xi32, #tpu.memory_space<vmem>> -> memref<1x64xi32, #tpu.memory_space<vmem>>
    %dma_start3A_184 = tpu.memref_squeeze %dma_start3A_183 : memref<1x64xi32, #tpu.memory_space<vmem>> -> memref<64xi32, #tpu.memory_space<vmem>>
    %dma_start3A_185 = tpu.memref_slice %arg2[%add3A_173] : memref<640000xi32, #tpu.memory_space<hbm>> -> memref<64xi32, #tpu.memory_space<hbm>>
    tpu.enqueue_dma source(%dma_start3A_185 : memref<64xi32, #tpu.memory_space<hbm>>) target(%dma_start3A_184 : memref<64xi32, #tpu.memory_space<vmem>>) target_semaphore(%dma_start3A_181 : memref<!tpu.dma_semaphore, #tpu.memory_space<semaphore_mem>>)
    %add3A_186 = arith.constant 320000 : i32
    %add3A_187 = arith.addi %add3A_186, %add3A_173 : i32
    %dma_start3A_188 = arith.constant 6 : i32
    %dma_start3A_189 = arith.constant 6 : i32
    %dma_start3A_190 = arith.constant 0 : i32
    %dma_start3A_191 = tpu.memref_slice %arg6[%dma_start3A_188, %dma_start3A_190] : memref<8x64xi32, #tpu.memory_space<vmem>> -> memref<1x64xi32, #tpu.memory_space<vmem>>
    %dma_start3A_192 = tpu.memref_squeeze %dma_start3A_191 : memref<1x64xi32, #tpu.memory_space<vmem>> -> memref<64xi32, #tpu.memory_space<vmem>>
    %dma_start3A_193 = tpu.memref_slice %arg2[%add3A_187] : memref<640000xi32, #tpu.memory_space<hbm>> -> memref<64xi32, #tpu.memory_space<hbm>>
    %dma_start3A_194 = tpu.memref_slice %arg12[%dma_start3A_189] : memref<8x!tpu.dma_semaphore, #tpu.memory_space<semaphore_mem>> -> memref<1x!tpu.dma_semaphore, #tpu.memory_space<semaphore_mem>>
    %dma_start3A_195 = tpu.memref_squeeze %dma_start3A_194 : memref<1x!tpu.dma_semaphore, #tpu.memory_space<semaphore_mem>> -> memref<!tpu.dma_semaphore, #tpu.memory_space<semaphore_mem>>
    %dma_start3A_196 = arith.constant 0 : i32
    %dma_start3A_197 = tpu.memref_slice %arg6[%dma_start3A_188, %dma_start3A_196] : memref<8x64xi32, #tpu.memory_space<vmem>> -> memref<1x64xi32, #tpu.memory_space<vmem>>
    %dma_start3A_198 = tpu.memref_squeeze %dma_start3A_197 : memref<1x64xi32, #tpu.memory_space<vmem>> -> memref<64xi32, #tpu.memory_space<vmem>>
    %dma_start3A_199 = tpu.memref_slice %arg2[%add3A_187] : memref<640000xi32, #tpu.memory_space<hbm>> -> memref<64xi32, #tpu.memory_space<hbm>>
    tpu.enqueue_dma source(%dma_start3A_199 : memref<64xi32, #tpu.memory_space<hbm>>) target(%dma_start3A_198 : memref<64xi32, #tpu.memory_space<vmem>>) target_semaphore(%dma_start3A_195 : memref<!tpu.dma_semaphore, #tpu.memory_space<semaphore_mem>>)
    %add3A_200 = arith.constant 448 : i32
    %add3A_201 = arith.addi %mul3A_2, %add3A_200 : i32
    %dma_start3A_202 = arith.constant 7 : i32
    %dma_start3A_203 = arith.constant 7 : i32
    %dma_start3A_204 = arith.constant 0 : i32
    %dma_start3A_205 = tpu.memref_slice %arg5[%dma_start3A_202, %dma_start3A_204] : memref<8x64xi32, #tpu.memory_space<vmem>> -> memref<1x64xi32, #tpu.memory_space<vmem>>
    %dma_start3A_206 = tpu.memref_squeeze %dma_start3A_205 : memref<1x64xi32, #tpu.memory_space<vmem>> -> memref<64xi32, #tpu.memory_space<vmem>>
    %dma_start3A_207 = tpu.memref_slice %arg2[%add3A_201] : memref<640000xi32, #tpu.memory_space<hbm>> -> memref<64xi32, #tpu.memory_space<hbm>>
    %dma_start3A_208 = tpu.memref_slice %arg12[%dma_start3A_203] : memref<8x!tpu.dma_semaphore, #tpu.memory_space<semaphore_mem>> -> memref<1x!tpu.dma_semaphore, #tpu.memory_space<semaphore_mem>>
    %dma_start3A_209 = tpu.memref_squeeze %dma_start3A_208 : memref<1x!tpu.dma_semaphore, #tpu.memory_space<semaphore_mem>> -> memref<!tpu.dma_semaphore, #tpu.memory_space<semaphore_mem>>
    %dma_start3A_210 = arith.constant 0 : i32
    %dma_start3A_211 = tpu.memref_slice %arg5[%dma_start3A_202, %dma_start3A_210] : memref<8x64xi32, #tpu.memory_space<vmem>> -> memref<1x64xi32, #tpu.memory_space<vmem>>
    %dma_start3A_212 = tpu.memref_squeeze %dma_start3A_211 : memref<1x64xi32, #tpu.memory_space<vmem>> -> memref<64xi32, #tpu.memory_space<vmem>>
    %dma_start3A_213 = tpu.memref_slice %arg2[%add3A_201] : memref<640000xi32, #tpu.memory_space<hbm>> -> memref<64xi32, #tpu.memory_space<hbm>>
    tpu.enqueue_dma source(%dma_start3A_213 : memref<64xi32, #tpu.memory_space<hbm>>) target(%dma_start3A_212 : memref<64xi32, #tpu.memory_space<vmem>>) target_semaphore(%dma_start3A_209 : memref<!tpu.dma_semaphore, #tpu.memory_space<semaphore_mem>>)
    %add3A_214 = arith.constant 320000 : i32
    %add3A_215 = arith.addi %add3A_214, %add3A_201 : i32
    %dma_start3A_216 = arith.constant 7 : i32
    %dma_start3A_217 = arith.constant 7 : i32
    %dma_start3A_218 = arith.constant 0 : i32
    %dma_start3A_219 = tpu.memref_slice %arg6[%dma_start3A_216, %dma_start3A_218] : memref<8x64xi32, #tpu.memory_space<vmem>> -> memref<1x64xi32, #tpu.memory_space<vmem>>
    %dma_start3A_220 = tpu.memref_squeeze %dma_start3A_219 : memref<1x64xi32, #tpu.memory_space<vmem>> -> memref<64xi32, #tpu.memory_space<vmem>>
    %dma_start3A_221 = tpu.memref_slice %arg2[%add3A_215] : memref<640000xi32, #tpu.memory_space<hbm>> -> memref<64xi32, #tpu.memory_space<hbm>>
    %dma_start3A_222 = tpu.memref_slice %arg12[%dma_start3A_217] : memref<8x!tpu.dma_semaphore, #tpu.memory_space<semaphore_mem>> -> memref<1x!tpu.dma_semaphore, #tpu.memory_space<semaphore_mem>>
    %dma_start3A_223 = tpu.memref_squeeze %dma_start3A_222 : memref<1x!tpu.dma_semaphore, #tpu.memory_space<semaphore_mem>> -> memref<!tpu.dma_semaphore, #tpu.memory_space<semaphore_mem>>
    %dma_start3A_224 = arith.constant 0 : i32
    %dma_start3A_225 = tpu.memref_slice %arg6[%dma_start3A_216, %dma_start3A_224] : memref<8x64xi32, #tpu.memory_space<vmem>> -> memref<1x64xi32, #tpu.memory_space<vmem>>
    %dma_start3A_226 = tpu.memref_squeeze %dma_start3A_225 : memref<1x64xi32, #tpu.memory_space<vmem>> -> memref<64xi32, #tpu.memory_space<vmem>>
    %dma_start3A_227 = tpu.memref_slice %arg2[%add3A_215] : memref<640000xi32, #tpu.memory_space<hbm>> -> memref<64xi32, #tpu.memory_space<hbm>>
    tpu.enqueue_dma source(%dma_start3A_227 : memref<64xi32, #tpu.memory_space<hbm>>) target(%dma_start3A_226 : memref<64xi32, #tpu.memory_space<vmem>>) target_semaphore(%dma_start3A_223 : memref<!tpu.dma_semaphore, #tpu.memory_space<semaphore_mem>>)
    %run_scoped3A = arith.constant 0 : i32
    "tpu.region"() ({
      %run_scoped3A_921 = tpu.sem_alloc : memref<!tpu.dma_semaphore, #tpu.memory_space<semaphore_mem>>
      %dma_start3A_922 = arith.constant 0 : i32
      %dma_start3A_923 = tpu.memref_slice %arg8[%run_scoped3A, %dma_start3A_922] : memref<1x16xi32, #tpu.memory_space<vmem>> -> memref<1x16xi32, #tpu.memory_space<vmem>>
      %dma_start3A_924 = tpu.memref_squeeze %dma_start3A_923 : memref<1x16xi32, #tpu.memory_space<vmem>> -> memref<16xi32, #tpu.memory_space<vmem>>
      %dma_start3A_925 = tpu.memref_slice %arg2[%add3A_4] : memref<640000xi32, #tpu.memory_space<hbm>> -> memref<16xi32, #tpu.memory_space<hbm>>
      %dma_start3A_926 = arith.constant 0 : i32
      %dma_start3A_927 = tpu.memref_slice %arg8[%run_scoped3A, %dma_start3A_926] : memref<1x16xi32, #tpu.memory_space<vmem>> -> memref<1x16xi32, #tpu.memory_space<vmem>>
      %dma_start3A_928 = tpu.memref_squeeze %dma_start3A_927 : memref<1x16xi32, #tpu.memory_space<vmem>> -> memref<16xi32, #tpu.memory_space<vmem>>
      %dma_start3A_929 = tpu.memref_slice %arg2[%add3A_4] : memref<640000xi32, #tpu.memory_space<hbm>> -> memref<16xi32, #tpu.memory_space<hbm>>
      tpu.enqueue_dma source(%dma_start3A_929 : memref<16xi32, #tpu.memory_space<hbm>>) target(%dma_start3A_928 : memref<16xi32, #tpu.memory_space<vmem>>) target_semaphore(%run_scoped3A_921 : memref<!tpu.dma_semaphore, #tpu.memory_space<semaphore_mem>>)
      %dma_wait3A_930 = arith.constant 0 : i32
      %dma_wait3A_931 = tpu.memref_slice %arg8[%run_scoped3A, %dma_wait3A_930] : memref<1x16xi32, #tpu.memory_space<vmem>> -> memref<1x16xi32, #tpu.memory_space<vmem>>
      %dma_wait3A_932 = tpu.memref_squeeze %dma_wait3A_931 : memref<1x16xi32, #tpu.memory_space<vmem>> -> memref<16xi32, #tpu.memory_space<vmem>>
      %dma_wait3A_933 = tpu.memref_slice %arg2[%add3A_4] : memref<640000xi32, #tpu.memory_space<hbm>> -> memref<16xi32, #tpu.memory_space<hbm>>
      %dma_wait3A_934 = arith.constant 0 : i32
      %dma_wait3A_935 = tpu.memref_slice %arg8[%run_scoped3A, %dma_wait3A_934] : memref<1x16xi32, #tpu.memory_space<vmem>> -> memref<1x16xi32, #tpu.memory_space<vmem>>
      %dma_wait3A_936 = tpu.memref_squeeze %dma_wait3A_935 : memref<1x16xi32, #tpu.memory_space<vmem>> -> memref<16xi32, #tpu.memory_space<vmem>>
      %dma_wait3A_937 = tpu.memref_slice %arg2[%add3A_4] : memref<640000xi32, #tpu.memory_space<hbm>> -> memref<16xi32, #tpu.memory_space<hbm>>
      tpu.wait_dma2 semaphore(%run_scoped3A_921 : memref<!tpu.dma_semaphore, #tpu.memory_space<semaphore_mem>>) src(%dma_wait3A_937 : memref<16xi32, #tpu.memory_space<hbm>>) dst(%dma_wait3A_936 : memref<16xi32, #tpu.memory_space<vmem>>)
      tpu.yield
    }) : () -> ()
    %add3A_228 = arith.constant 320000 : i32
    %add3A_229 = arith.addi %add3A_228, %add3A_4 : i32
    %run_scoped3A_230 = arith.constant 0 : i32
    "tpu.region"() ({
      %run_scoped3A_921 = tpu.sem_alloc : memref<!tpu.dma_semaphore, #tpu.memory_space<semaphore_mem>>
      %dma_start3A_922 = arith.constant 0 : i32
      %dma_start3A_923 = tpu.memref_slice %arg9[%run_scoped3A_230, %dma_start3A_922] : memref<1x16xi32, #tpu.memory_space<vmem>> -> memref<1x16xi32, #tpu.memory_space<vmem>>
      %dma_start3A_924 = tpu.memref_squeeze %dma_start3A_923 : memref<1x16xi32, #tpu.memory_space<vmem>> -> memref<16xi32, #tpu.memory_space<vmem>>
      %dma_start3A_925 = tpu.memref_slice %arg2[%add3A_229] : memref<640000xi32, #tpu.memory_space<hbm>> -> memref<16xi32, #tpu.memory_space<hbm>>
      %dma_start3A_926 = arith.constant 0 : i32
      %dma_start3A_927 = tpu.memref_slice %arg9[%run_scoped3A_230, %dma_start3A_926] : memref<1x16xi32, #tpu.memory_space<vmem>> -> memref<1x16xi32, #tpu.memory_space<vmem>>
      %dma_start3A_928 = tpu.memref_squeeze %dma_start3A_927 : memref<1x16xi32, #tpu.memory_space<vmem>> -> memref<16xi32, #tpu.memory_space<vmem>>
      %dma_start3A_929 = tpu.memref_slice %arg2[%add3A_229] : memref<640000xi32, #tpu.memory_space<hbm>> -> memref<16xi32, #tpu.memory_space<hbm>>
      tpu.enqueue_dma source(%dma_start3A_929 : memref<16xi32, #tpu.memory_space<hbm>>) target(%dma_start3A_928 : memref<16xi32, #tpu.memory_space<vmem>>) target_semaphore(%run_scoped3A_921 : memref<!tpu.dma_semaphore, #tpu.memory_space<semaphore_mem>>)
      %dma_wait3A_930 = arith.constant 0 : i32
      %dma_wait3A_931 = tpu.memref_slice %arg9[%run_scoped3A_230, %dma_wait3A_930] : memref<1x16xi32, #tpu.memory_space<vmem>> -> memref<1x16xi32, #tpu.memory_space<vmem>>
      %dma_wait3A_932 = tpu.memref_squeeze %dma_wait3A_931 : memref<1x16xi32, #tpu.memory_space<vmem>> -> memref<16xi32, #tpu.memory_space<vmem>>
      %dma_wait3A_933 = tpu.memref_slice %arg2[%add3A_229] : memref<640000xi32, #tpu.memory_space<hbm>> -> memref<16xi32, #tpu.memory_space<hbm>>
      %dma_wait3A_934 = arith.constant 0 : i32
      %dma_wait3A_935 = tpu.memref_slice %arg9[%run_scoped3A_230, %dma_wait3A_934] : memref<1x16xi32, #tpu.memory_space<vmem>> -> memref<1x16xi32, #tpu.memory_space<vmem>>
      %dma_wait3A_936 = tpu.memref_squeeze %dma_wait3A_935 : memref<1x16xi32, #tpu.memory_space<vmem>> -> memref<16xi32, #tpu.memory_space<vmem>>
      %dma_wait3A_937 = tpu.memref_slice %arg2[%add3A_229] : memref<640000xi32, #tpu.memory_space<hbm>> -> memref<16xi32, #tpu.memory_space<hbm>>
      tpu.wait_dma2 semaphore(%run_scoped3A_921 : memref<!tpu.dma_semaphore, #tpu.memory_space<semaphore_mem>>) src(%dma_wait3A_937 : memref<16xi32, #tpu.memory_space<hbm>>) dst(%dma_wait3A_936 : memref<16xi32, #tpu.memory_space<vmem>>)
      tpu.yield
    }) : () -> ()
    %dma_start3A_231 = arith.constant 0 : i32
    %dma_start3A_232 = arith.constant 0 : i32
    %dma_start3A_233 = tpu.memref_slice %arg8[%dma_start3A_231, %dma_start3A_232] : memref<1x16xi32, #tpu.memory_space<vmem>> -> memref<1x16xi32, #tpu.memory_space<vmem>>
    %dma_start3A_234 = tpu.memref_squeeze %dma_start3A_233 : memref<1x16xi32, #tpu.memory_space<vmem>> -> memref<16xi32, #tpu.memory_space<vmem>>
    %dma_start3A_235 = arith.constant 0 : i32
    %dma_start3A_236 = arith.constant 0 : i32
    %dma_start3A_237 = tpu.memref_slice %arg3[%dma_start3A_235, %dma_start3A_236] : memref<10000x128xf32, #tpu.memory_space<hbm>> -> memref<10000x128xf32, #tpu.memory_space<hbm>>
    tpu.enqueue_indirect_dma source(%dma_start3A_237 : memref<10000x128xf32, #tpu.memory_space<hbm>>) target(%arg10 : memref<16x128xf32, #tpu.memory_space<vmem>>) offsets(%dma_start3A_234 : memref<16xi32, #tpu.memory_space<vmem>>) semaphore(%arg14 : memref<!tpu.dma_semaphore, #tpu.memory_space<semaphore_mem>>)
    %add3A_238 = arith.constant 64 : i32
    %add3A_239 = arith.addi %mul3A_2, %add3A_238 : i32
    %dma_wait3A = arith.constant 1 : i32
    %dma_wait3A_240 = arith.constant 1 : i32
    %dma_wait3A_241 = arith.constant 0 : i32
    %dma_wait3A_242 = tpu.memref_slice %arg5[%dma_wait3A, %dma_wait3A_241] : memref<8x64xi32, #tpu.memory_space<vmem>> -> memref<1x64xi32, #tpu.memory_space<vmem>>
    %dma_wait3A_243 = tpu.memref_squeeze %dma_wait3A_242 : memref<1x64xi32, #tpu.memory_space<vmem>> -> memref<64xi32, #tpu.memory_space<vmem>>
    %dma_wait3A_244 = tpu.memref_slice %arg2[%add3A_239] : memref<640000xi32, #tpu.memory_space<hbm>> -> memref<64xi32, #tpu.memory_space<hbm>>
    %dma_wait3A_245 = tpu.memref_slice %arg12[%dma_wait3A_240] : memref<8x!tpu.dma_semaphore, #tpu.memory_space<semaphore_mem>> -> memref<1x!tpu.dma_semaphore, #tpu.memory_space<semaphore_mem>>
    %dma_wait3A_246 = tpu.memref_squeeze %dma_wait3A_245 : memref<1x!tpu.dma_semaphore, #tpu.memory_space<semaphore_mem>> -> memref<!tpu.dma_semaphore, #tpu.memory_space<semaphore_mem>>
    %dma_wait3A_247 = arith.constant 0 : i32
    %dma_wait3A_248 = tpu.memref_slice %arg5[%dma_wait3A, %dma_wait3A_247] : memref<8x64xi32, #tpu.memory_space<vmem>> -> memref<1x64xi32, #tpu.memory_space<vmem>>
    %dma_wait3A_249 = tpu.memref_squeeze %dma_wait3A_248 : memref<1x64xi32, #tpu.memory_space<vmem>> -> memref<64xi32, #tpu.memory_space<vmem>>
    %dma_wait3A_250 = tpu.memref_slice %arg2[%add3A_239] : memref<640000xi32, #tpu.memory_space<hbm>> -> memref<64xi32, #tpu.memory_space<hbm>>
    tpu.wait_dma2 semaphore(%dma_wait3A_246 : memref<!tpu.dma_semaphore, #tpu.memory_space<semaphore_mem>>) src(%dma_wait3A_250 : memref<64xi32, #tpu.memory_space<hbm>>) dst(%dma_wait3A_249 : memref<64xi32, #tpu.memory_space<vmem>>)
    %add3A_251 = arith.constant 320000 : i32
    %add3A_252 = arith.addi %add3A_251, %add3A_239 : i32
    %dma_wait3A_253 = arith.constant 1 : i32
    %dma_wait3A_254 = arith.constant 1 : i32
    %dma_wait3A_255 = arith.constant 0 : i32
    %dma_wait3A_256 = tpu.memref_slice %arg6[%dma_wait3A_253, %dma_wait3A_255] : memref<8x64xi32, #tpu.memory_space<vmem>> -> memref<1x64xi32, #tpu.memory_space<vmem>>
    %dma_wait3A_257 = tpu.memref_squeeze %dma_wait3A_256 : memref<1x64xi32, #tpu.memory_space<vmem>> -> memref<64xi32, #tpu.memory_space<vmem>>
    %dma_wait3A_258 = tpu.memref_slice %arg2[%add3A_252] : memref<640000xi32, #tpu.memory_space<hbm>> -> memref<64xi32, #tpu.memory_space<hbm>>
    %dma_wait3A_259 = tpu.memref_slice %arg12[%dma_wait3A_254] : memref<8x!tpu.dma_semaphore, #tpu.memory_space<semaphore_mem>> -> memref<1x!tpu.dma_semaphore, #tpu.memory_space<semaphore_mem>>
    %dma_wait3A_260 = tpu.memref_squeeze %dma_wait3A_259 : memref<1x!tpu.dma_semaphore, #tpu.memory_space<semaphore_mem>> -> memref<!tpu.dma_semaphore, #tpu.memory_space<semaphore_mem>>
    %dma_wait3A_261 = arith.constant 0 : i32
    %dma_wait3A_262 = tpu.memref_slice %arg6[%dma_wait3A_253, %dma_wait3A_261] : memref<8x64xi32, #tpu.memory_space<vmem>> -> memref<1x64xi32, #tpu.memory_space<vmem>>
    %dma_wait3A_263 = tpu.memref_squeeze %dma_wait3A_262 : memref<1x64xi32, #tpu.memory_space<vmem>> -> memref<64xi32, #tpu.memory_space<vmem>>
    %dma_wait3A_264 = tpu.memref_slice %arg2[%add3A_252] : memref<640000xi32, #tpu.memory_space<hbm>> -> memref<64xi32, #tpu.memory_space<hbm>>
    tpu.wait_dma2 semaphore(%dma_wait3A_260 : memref<!tpu.dma_semaphore, #tpu.memory_space<semaphore_mem>>) src(%dma_wait3A_264 : memref<64xi32, #tpu.memory_space<hbm>>) dst(%dma_wait3A_263 : memref<64xi32, #tpu.memory_space<vmem>>)
    %dma_start3A_265 = arith.constant 1 : i32
    %dma_start3A_266 = arith.constant 1 : i32
    %dma_start3A_267 = arith.constant 1 : i32
    %dma_start3A_268 = arith.constant 0 : i32
    %dma_start3A_269 = arith.constant 0 : i32
    %dma_start3A_270 = tpu.memref_slice %arg7[%dma_start3A_266, %dma_start3A_268, %dma_start3A_269] : memref<4x64x128xf32, #tpu.memory_space<vmem>> -> memref<1x64x128xf32, #tpu.memory_space<vmem>>
    %dma_start3A_271 = tpu.memref_squeeze %dma_start3A_270 : memref<1x64x128xf32, #tpu.memory_space<vmem>> -> memref<64x128xf32, #tpu.memory_space<vmem>>
    %dma_start3A_272 = arith.constant 0 : i32
    %dma_start3A_273 = tpu.memref_slice %arg5[%dma_start3A_265, %dma_start3A_272] : memref<8x64xi32, #tpu.memory_space<vmem>> -> memref<1x64xi32, #tpu.memory_space<vmem>>
    %dma_start3A_274 = tpu.memref_squeeze %dma_start3A_273 : memref<1x64xi32, #tpu.memory_space<vmem>> -> memref<64xi32, #tpu.memory_space<vmem>>
    %dma_start3A_275 = arith.constant 0 : i32
    %dma_start3A_276 = arith.constant 0 : i32
    %dma_start3A_277 = tpu.memref_slice %arg3[%dma_start3A_275, %dma_start3A_276] : memref<10000x128xf32, #tpu.memory_space<hbm>> -> memref<10000x128xf32, #tpu.memory_space<hbm>>
    %dma_start3A_278 = tpu.memref_slice %arg13[%dma_start3A_267] : memref<4x!tpu.dma_semaphore, #tpu.memory_space<semaphore_mem>> -> memref<1x!tpu.dma_semaphore, #tpu.memory_space<semaphore_mem>>
    %dma_start3A_279 = tpu.memref_squeeze %dma_start3A_278 : memref<1x!tpu.dma_semaphore, #tpu.memory_space<semaphore_mem>> -> memref<!tpu.dma_semaphore, #tpu.memory_space<semaphore_mem>>
    tpu.enqueue_indirect_dma source(%dma_start3A_277 : memref<10000x128xf32, #tpu.memory_space<hbm>>) target(%dma_start3A_271 : memref<64x128xf32, #tpu.memory_space<vmem>>) offsets(%dma_start3A_274 : memref<64xi32, #tpu.memory_space<vmem>>) semaphore(%dma_start3A_279 : memref<!tpu.dma_semaphore, #tpu.memory_space<semaphore_mem>>)
    %add3A_280 = arith.constant 128 : i32
    %add3A_281 = arith.addi %mul3A_2, %add3A_280 : i32
    %dma_wait3A_282 = arith.constant 2 : i32
    %dma_wait3A_283 = arith.constant 2 : i32
    %dma_wait3A_284 = arith.constant 0 : i32
    %dma_wait3A_285 = tpu.memref_slice %arg5[%dma_wait3A_282, %dma_wait3A_284] : memref<8x64xi32, #tpu.memory_space<vmem>> -> memref<1x64xi32, #tpu.memory_space<vmem>>
    %dma_wait3A_286 = tpu.memref_squeeze %dma_wait3A_285 : memref<1x64xi32, #tpu.memory_space<vmem>> -> memref<64xi32, #tpu.memory_space<vmem>>
    %dma_wait3A_287 = tpu.memref_slice %arg2[%add3A_281] : memref<640000xi32, #tpu.memory_space<hbm>> -> memref<64xi32, #tpu.memory_space<hbm>>
    %dma_wait3A_288 = tpu.memref_slice %arg12[%dma_wait3A_283] : memref<8x!tpu.dma_semaphore, #tpu.memory_space<semaphore_mem>> -> memref<1x!tpu.dma_semaphore, #tpu.memory_space<semaphore_mem>>
    %dma_wait3A_289 = tpu.memref_squeeze %dma_wait3A_288 : memref<1x!tpu.dma_semaphore, #tpu.memory_space<semaphore_mem>> -> memref<!tpu.dma_semaphore, #tpu.memory_space<semaphore_mem>>
    %dma_wait3A_290 = arith.constant 0 : i32
    %dma_wait3A_291 = tpu.memref_slice %arg5[%dma_wait3A_282, %dma_wait3A_290] : memref<8x64xi32, #tpu.memory_space<vmem>> -> memref<1x64xi32, #tpu.memory_space<vmem>>
    %dma_wait3A_292 = tpu.memref_squeeze %dma_wait3A_291 : memref<1x64xi32, #tpu.memory_space<vmem>> -> memref<64xi32, #tpu.memory_space<vmem>>
    %dma_wait3A_293 = tpu.memref_slice %arg2[%add3A_281] : memref<640000xi32, #tpu.memory_space<hbm>> -> memref<64xi32, #tpu.memory_space<hbm>>
    tpu.wait_dma2 semaphore(%dma_wait3A_289 : memref<!tpu.dma_semaphore, #tpu.memory_space<semaphore_mem>>) src(%dma_wait3A_293 : memref<64xi32, #tpu.memory_space<hbm>>) dst(%dma_wait3A_292 : memref<64xi32, #tpu.memory_space<vmem>>)
    %add3A_294 = arith.constant 320000 : i32
    %add3A_295 = arith.addi %add3A_294, %add3A_281 : i32
    %dma_wait3A_296 = arith.constant 2 : i32
    %dma_wait3A_297 = arith.constant 2 : i32
    %dma_wait3A_298 = arith.constant 0 : i32
    %dma_wait3A_299 = tpu.memref_slice %arg6[%dma_wait3A_296, %dma_wait3A_298] : memref<8x64xi32, #tpu.memory_space<vmem>> -> memref<1x64xi32, #tpu.memory_space<vmem>>
    %dma_wait3A_300 = tpu.memref_squeeze %dma_wait3A_299 : memref<1x64xi32, #tpu.memory_space<vmem>> -> memref<64xi32, #tpu.memory_space<vmem>>
    %dma_wait3A_301 = tpu.memref_slice %arg2[%add3A_295] : memref<640000xi32, #tpu.memory_space<hbm>> -> memref<64xi32, #tpu.memory_space<hbm>>
    %dma_wait3A_302 = tpu.memref_slice %arg12[%dma_wait3A_297] : memref<8x!tpu.dma_semaphore, #tpu.memory_space<semaphore_mem>> -> memref<1x!tpu.dma_semaphore, #tpu.memory_space<semaphore_mem>>
    %dma_wait3A_303 = tpu.memref_squeeze %dma_wait3A_302 : memref<1x!tpu.dma_semaphore, #tpu.memory_space<semaphore_mem>> -> memref<!tpu.dma_semaphore, #tpu.memory_space<semaphore_mem>>
    %dma_wait3A_304 = arith.constant 0 : i32
    %dma_wait3A_305 = tpu.memref_slice %arg6[%dma_wait3A_296, %dma_wait3A_304] : memref<8x64xi32, #tpu.memory_space<vmem>> -> memref<1x64xi32, #tpu.memory_space<vmem>>
    %dma_wait3A_306 = tpu.memref_squeeze %dma_wait3A_305 : memref<1x64xi32, #tpu.memory_space<vmem>> -> memref<64xi32, #tpu.memory_space<vmem>>
    %dma_wait3A_307 = tpu.memref_slice %arg2[%add3A_295] : memref<640000xi32, #tpu.memory_space<hbm>> -> memref<64xi32, #tpu.memory_space<hbm>>
    tpu.wait_dma2 semaphore(%dma_wait3A_303 : memref<!tpu.dma_semaphore, #tpu.memory_space<semaphore_mem>>) src(%dma_wait3A_307 : memref<64xi32, #tpu.memory_space<hbm>>) dst(%dma_wait3A_306 : memref<64xi32, #tpu.memory_space<vmem>>)
    %dma_start3A_308 = arith.constant 2 : i32
    %dma_start3A_309 = arith.constant 2 : i32
    %dma_start3A_310 = arith.constant 2 : i32
    %dma_start3A_311 = arith.constant 0 : i32
    %dma_start3A_312 = arith.constant 0 : i32
    %dma_start3A_313 = tpu.memref_slice %arg7[%dma_start3A_309, %dma_start3A_311, %dma_start3A_312] : memref<4x64x128xf32, #tpu.memory_space<vmem>> -> memref<1x64x128xf32, #tpu.memory_space<vmem>>
    %dma_start3A_314 = tpu.memref_squeeze %dma_start3A_313 : memref<1x64x128xf32, #tpu.memory_space<vmem>> -> memref<64x128xf32, #tpu.memory_space<vmem>>
    %dma_start3A_315 = arith.constant 0 : i32
    %dma_start3A_316 = tpu.memref_slice %arg5[%dma_start3A_308, %dma_start3A_315] : memref<8x64xi32, #tpu.memory_space<vmem>> -> memref<1x64xi32, #tpu.memory_space<vmem>>
    %dma_start3A_317 = tpu.memref_squeeze %dma_start3A_316 : memref<1x64xi32, #tpu.memory_space<vmem>> -> memref<64xi32, #tpu.memory_space<vmem>>
    %dma_start3A_318 = arith.constant 0 : i32
    %dma_start3A_319 = arith.constant 0 : i32
    %dma_start3A_320 = tpu.memref_slice %arg3[%dma_start3A_318, %dma_start3A_319] : memref<10000x128xf32, #tpu.memory_space<hbm>> -> memref<10000x128xf32, #tpu.memory_space<hbm>>
    %dma_start3A_321 = tpu.memref_slice %arg13[%dma_start3A_310] : memref<4x!tpu.dma_semaphore, #tpu.memory_space<semaphore_mem>> -> memref<1x!tpu.dma_semaphore, #tpu.memory_space<semaphore_mem>>
    %dma_start3A_322 = tpu.memref_squeeze %dma_start3A_321 : memref<1x!tpu.dma_semaphore, #tpu.memory_space<semaphore_mem>> -> memref<!tpu.dma_semaphore, #tpu.memory_space<semaphore_mem>>
    tpu.enqueue_indirect_dma source(%dma_start3A_320 : memref<10000x128xf32, #tpu.memory_space<hbm>>) target(%dma_start3A_314 : memref<64x128xf32, #tpu.memory_space<vmem>>) offsets(%dma_start3A_317 : memref<64xi32, #tpu.memory_space<vmem>>) semaphore(%dma_start3A_322 : memref<!tpu.dma_semaphore, #tpu.memory_space<semaphore_mem>>)
    %add3A_323 = arith.constant 192 : i32
    %add3A_324 = arith.addi %mul3A_2, %add3A_323 : i32
    %dma_wait3A_325 = arith.constant 3 : i32
    %dma_wait3A_326 = arith.constant 3 : i32
    %dma_wait3A_327 = arith.constant 0 : i32
    %dma_wait3A_328 = tpu.memref_slice %arg5[%dma_wait3A_325, %dma_wait3A_327] : memref<8x64xi32, #tpu.memory_space<vmem>> -> memref<1x64xi32, #tpu.memory_space<vmem>>
    %dma_wait3A_329 = tpu.memref_squeeze %dma_wait3A_328 : memref<1x64xi32, #tpu.memory_space<vmem>> -> memref<64xi32, #tpu.memory_space<vmem>>
    %dma_wait3A_330 = tpu.memref_slice %arg2[%add3A_324] : memref<640000xi32, #tpu.memory_space<hbm>> -> memref<64xi32, #tpu.memory_space<hbm>>
    %dma_wait3A_331 = tpu.memref_slice %arg12[%dma_wait3A_326] : memref<8x!tpu.dma_semaphore, #tpu.memory_space<semaphore_mem>> -> memref<1x!tpu.dma_semaphore, #tpu.memory_space<semaphore_mem>>
    %dma_wait3A_332 = tpu.memref_squeeze %dma_wait3A_331 : memref<1x!tpu.dma_semaphore, #tpu.memory_space<semaphore_mem>> -> memref<!tpu.dma_semaphore, #tpu.memory_space<semaphore_mem>>
    %dma_wait3A_333 = arith.constant 0 : i32
    %dma_wait3A_334 = tpu.memref_slice %arg5[%dma_wait3A_325, %dma_wait3A_333] : memref<8x64xi32, #tpu.memory_space<vmem>> -> memref<1x64xi32, #tpu.memory_space<vmem>>
    %dma_wait3A_335 = tpu.memref_squeeze %dma_wait3A_334 : memref<1x64xi32, #tpu.memory_space<vmem>> -> memref<64xi32, #tpu.memory_space<vmem>>
    %dma_wait3A_336 = tpu.memref_slice %arg2[%add3A_324] : memref<640000xi32, #tpu.memory_space<hbm>> -> memref<64xi32, #tpu.memory_space<hbm>>
    tpu.wait_dma2 semaphore(%dma_wait3A_332 : memref<!tpu.dma_semaphore, #tpu.memory_space<semaphore_mem>>) src(%dma_wait3A_336 : memref<64xi32, #tpu.memory_space<hbm>>) dst(%dma_wait3A_335 : memref<64xi32, #tpu.memory_space<vmem>>)
    %add3A_337 = arith.constant 320000 : i32
    %add3A_338 = arith.addi %add3A_337, %add3A_324 : i32
    %dma_wait3A_339 = arith.constant 3 : i32
    %dma_wait3A_340 = arith.constant 3 : i32
    %dma_wait3A_341 = arith.constant 0 : i32
    %dma_wait3A_342 = tpu.memref_slice %arg6[%dma_wait3A_339, %dma_wait3A_341] : memref<8x64xi32, #tpu.memory_space<vmem>> -> memref<1x64xi32, #tpu.memory_space<vmem>>
    %dma_wait3A_343 = tpu.memref_squeeze %dma_wait3A_342 : memref<1x64xi32, #tpu.memory_space<vmem>> -> memref<64xi32, #tpu.memory_space<vmem>>
    %dma_wait3A_344 = tpu.memref_slice %arg2[%add3A_338] : memref<640000xi32, #tpu.memory_space<hbm>> -> memref<64xi32, #tpu.memory_space<hbm>>
    %dma_wait3A_345 = tpu.memref_slice %arg12[%dma_wait3A_340] : memref<8x!tpu.dma_semaphore, #tpu.memory_space<semaphore_mem>> -> memref<1x!tpu.dma_semaphore, #tpu.memory_space<semaphore_mem>>
    %dma_wait3A_346 = tpu.memref_squeeze %dma_wait3A_345 : memref<1x!tpu.dma_semaphore, #tpu.memory_space<semaphore_mem>> -> memref<!tpu.dma_semaphore, #tpu.memory_space<semaphore_mem>>
    %dma_wait3A_347 = arith.constant 0 : i32
    %dma_wait3A_348 = tpu.memref_slice %arg6[%dma_wait3A_339, %dma_wait3A_347] : memref<8x64xi32, #tpu.memory_space<vmem>> -> memref<1x64xi32, #tpu.memory_space<vmem>>
    %dma_wait3A_349 = tpu.memref_squeeze %dma_wait3A_348 : memref<1x64xi32, #tpu.memory_space<vmem>> -> memref<64xi32, #tpu.memory_space<vmem>>
    %dma_wait3A_350 = tpu.memref_slice %arg2[%add3A_338] : memref<640000xi32, #tpu.memory_space<hbm>> -> memref<64xi32, #tpu.memory_space<hbm>>
    tpu.wait_dma2 semaphore(%dma_wait3A_346 : memref<!tpu.dma_semaphore, #tpu.memory_space<semaphore_mem>>) src(%dma_wait3A_350 : memref<64xi32, #tpu.memory_space<hbm>>) dst(%dma_wait3A_349 : memref<64xi32, #tpu.memory_space<vmem>>)
    %dma_start3A_351 = arith.constant 3 : i32
    %dma_start3A_352 = arith.constant 3 : i32
    %dma_start3A_353 = arith.constant 3 : i32
    %dma_start3A_354 = arith.constant 0 : i32
    %dma_start3A_355 = arith.constant 0 : i32
    %dma_start3A_356 = tpu.memref_slice %arg7[%dma_start3A_352, %dma_start3A_354, %dma_start3A_355] : memref<4x64x128xf32, #tpu.memory_space<vmem>> -> memref<1x64x128xf32, #tpu.memory_space<vmem>>
    %dma_start3A_357 = tpu.memref_squeeze %dma_start3A_356 : memref<1x64x128xf32, #tpu.memory_space<vmem>> -> memref<64x128xf32, #tpu.memory_space<vmem>>
    %dma_start3A_358 = arith.constant 0 : i32
    %dma_start3A_359 = tpu.memref_slice %arg5[%dma_start3A_351, %dma_start3A_358] : memref<8x64xi32, #tpu.memory_space<vmem>> -> memref<1x64xi32, #tpu.memory_space<vmem>>
    %dma_start3A_360 = tpu.memref_squeeze %dma_start3A_359 : memref<1x64xi32, #tpu.memory_space<vmem>> -> memref<64xi32, #tpu.memory_space<vmem>>
    %dma_start3A_361 = arith.constant 0 : i32
    %dma_start3A_362 = arith.constant 0 : i32
    %dma_start3A_363 = tpu.memref_slice %arg3[%dma_start3A_361, %dma_start3A_362] : memref<10000x128xf32, #tpu.memory_space<hbm>> -> memref<10000x128xf32, #tpu.memory_space<hbm>>
    %dma_start3A_364 = tpu.memref_slice %arg13[%dma_start3A_353] : memref<4x!tpu.dma_semaphore, #tpu.memory_space<semaphore_mem>> -> memref<1x!tpu.dma_semaphore, #tpu.memory_space<semaphore_mem>>
    %dma_start3A_365 = tpu.memref_squeeze %dma_start3A_364 : memref<1x!tpu.dma_semaphore, #tpu.memory_space<semaphore_mem>> -> memref<!tpu.dma_semaphore, #tpu.memory_space<semaphore_mem>>
    tpu.enqueue_indirect_dma source(%dma_start3A_363 : memref<10000x128xf32, #tpu.memory_space<hbm>>) target(%dma_start3A_357 : memref<64x128xf32, #tpu.memory_space<vmem>>) offsets(%dma_start3A_360 : memref<64xi32, #tpu.memory_space<vmem>>) semaphore(%dma_start3A_365 : memref<!tpu.dma_semaphore, #tpu.memory_space<semaphore_mem>>)
    %scan3A = arith.constant 0 : i32
    %scan3A_366 = arith.constant 64 : i32
    %scan3A_367 = arith.addi %scan3A, %scan3A_366 : i32
    %scan3A_368 = arith.constant 1 : i32
    scf.for %scan3A_921 = %scan3A to %scan3A_367 step %scan3A_368  : i32 {
      %mul3A_922 = arith.constant 1 : i32
      %mul3A_923 = arith.muli %scan3A_921, %mul3A_922 : i32
      %add3A_924 = arith.constant 0 : i32
      %add3A_925 = arith.addi %add3A_924, %mul3A_923 : i32
      %broadcast_in_dim3A = arith.constant 0.000000e+00 : f32
      %broadcast_in_dim3A_926 = vector.broadcast %broadcast_in_dim3A : f32 to vector<16xf32>
      %swap3A = arith.constant 0 : i32
      %swap3A_927 = arith.index_cast %swap3A : i32 to index
      %swap3A_928 = arith.index_cast %add3A_925 : i32 to index
      %swap3A_929 = arith.constant 0 : index
      %swap3A_930 = tpu.vector_load %arg7[%swap3A_927, %swap3A_928, %swap3A_929] {strides = array<i32>} : memref<4x64x128xf32, #tpu.memory_space<vmem>>, vector<1x1x16xf32>,
      %swap3A_931 = vector.shape_cast %swap3A_930 : vector<1x1x16xf32> to vector<16xf32>
      %swap3A_932 = vector.shape_cast %broadcast_in_dim3A_926 : vector<16xf32> to vector<1x1x16xf32>
      tpu.vector_store %arg7[%swap3A_927, %swap3A_928, %swap3A_929], %swap3A_932 {strides = array<i32>} : memref<4x64x128xf32, #tpu.memory_space<vmem>>, vector<1x1x16xf32>,
      %broadcast_in_dim3A_933 = arith.constant 0.000000e+00 : f32
      %broadcast_in_dim3A_934 = vector.broadcast %broadcast_in_dim3A_933 : f32 to vector<16xf32>
      %swap3A_935 = arith.constant 0 : i32
      %swap3A_936 = arith.index_cast %swap3A_935 : i32 to index
      %swap3A_937 = arith.index_cast %add3A_925 : i32 to index
      %swap3A_938 = arith.constant 16 : index
      %swap3A_939 = tpu.vector_load %arg7[%swap3A_936, %swap3A_937, %swap3A_938] {strides = array<i32>} : memref<4x64x128xf32, #tpu.memory_space<vmem>>, vector<1x1x16xf32>,
      %swap3A_940 = vector.shape_cast %swap3A_939 : vector<1x1x16xf32> to vector<16xf32>
      %swap3A_941 = vector.shape_cast %broadcast_in_dim3A_934 : vector<16xf32> to vector<1x1x16xf32>
      tpu.vector_store %arg7[%swap3A_936, %swap3A_937, %swap3A_938], %swap3A_941 {strides = array<i32>} : memref<4x64x128xf32, #tpu.memory_space<vmem>>, vector<1x1x16xf32>,
      %broadcast_in_dim3A_942 = arith.constant 0.000000e+00 : f32
      %broadcast_in_dim3A_943 = vector.broadcast %broadcast_in_dim3A_942 : f32 to vector<16xf32>
      %swap3A_944 = arith.constant 0 : i32
      %swap3A_945 = arith.index_cast %swap3A_944 : i32 to index
      %swap3A_946 = arith.index_cast %add3A_925 : i32 to index
      %swap3A_947 = arith.constant 32 : index
      %swap3A_948 = tpu.vector_load %arg7[%swap3A_945, %swap3A_946, %swap3A_947] {strides = array<i32>} : memref<4x64x128xf32, #tpu.memory_space<vmem>>, vector<1x1x16xf32>,
      %swap3A_949 = vector.shape_cast %swap3A_948 : vector<1x1x16xf32> to vector<16xf32>
      %swap3A_950 = vector.shape_cast %broadcast_in_dim3A_943 : vector<16xf32> to vector<1x1x16xf32>
      tpu.vector_store %arg7[%swap3A_945, %swap3A_946, %swap3A_947], %swap3A_950 {strides = array<i32>} : memref<4x64x128xf32, #tpu.memory_space<vmem>>, vector<1x1x16xf32>,
      %broadcast_in_dim3A_951 = arith.constant 0.000000e+00 : f32
      %broadcast_in_dim3A_952 = vector.broadcast %broadcast_in_dim3A_951 : f32 to vector<16xf32>
      %swap3A_953 = arith.constant 0 : i32
      %swap3A_954 = arith.index_cast %swap3A_953 : i32 to index
      %swap3A_955 = arith.index_cast %add3A_925 : i32 to index
      %swap3A_956 = arith.constant 48 : index
      %swap3A_957 = tpu.vector_load %arg7[%swap3A_954, %swap3A_955, %swap3A_956] {strides = array<i32>} : memref<4x64x128xf32, #tpu.memory_space<vmem>>, vector<1x1x16xf32>,
      %swap3A_958 = vector.shape_cast %swap3A_957 : vector<1x1x16xf32> to vector<16xf32>
      %swap3A_959 = vector.shape_cast %broadcast_in_dim3A_952 : vector<16xf32> to vector<1x1x16xf32>
      tpu.vector_store %arg7[%swap3A_954, %swap3A_955, %swap3A_956], %swap3A_959 {strides = array<i32>} : memref<4x64x128xf32, #tpu.memory_space<vmem>>, vector<1x1x16xf32>,
      %broadcast_in_dim3A_960 = arith.constant 0.000000e+00 : f32
      %broadcast_in_dim3A_961 = vector.broadcast %broadcast_in_dim3A_960 : f32 to vector<16xf32>
      %swap3A_962 = arith.constant 0 : i32
      %swap3A_963 = arith.index_cast %swap3A_962 : i32 to index
      %swap3A_964 = arith.index_cast %add3A_925 : i32 to index
      %swap3A_965 = arith.constant 64 : index
      %swap3A_966 = tpu.vector_load %arg7[%swap3A_963, %swap3A_964, %swap3A_965] {strides = array<i32>} : memref<4x64x128xf32, #tpu.memory_space<vmem>>, vector<1x1x16xf32>,
      %swap3A_967 = vector.shape_cast %swap3A_966 : vector<1x1x16xf32> to vector<16xf32>
      %swap3A_968 = vector.shape_cast %broadcast_in_dim3A_961 : vector<16xf32> to vector<1x1x16xf32>
      tpu.vector_store %arg7[%swap3A_963, %swap3A_964, %swap3A_965], %swap3A_968 {strides = array<i32>} : memref<4x64x128xf32, #tpu.memory_space<vmem>>, vector<1x1x16xf32>,
      %broadcast_in_dim3A_969 = arith.constant 0.000000e+00 : f32
      %broadcast_in_dim3A_970 = vector.broadcast %broadcast_in_dim3A_969 : f32 to vector<16xf32>
      %swap3A_971 = arith.constant 0 : i32
      %swap3A_972 = arith.index_cast %swap3A_971 : i32 to index
      %swap3A_973 = arith.index_cast %add3A_925 : i32 to index
      %swap3A_974 = arith.constant 80 : index
      %swap3A_975 = tpu.vector_load %arg7[%swap3A_972, %swap3A_973, %swap3A_974] {strides = array<i32>} : memref<4x64x128xf32, #tpu.memory_space<vmem>>, vector<1x1x16xf32>,
      %swap3A_976 = vector.shape_cast %swap3A_975 : vector<1x1x16xf32> to vector<16xf32>
      %swap3A_977 = vector.shape_cast %broadcast_in_dim3A_970 : vector<16xf32> to vector<1x1x16xf32>
      tpu.vector_store %arg7[%swap3A_972, %swap3A_973, %swap3A_974], %swap3A_977 {strides = array<i32>} : memref<4x64x128xf32, #tpu.memory_space<vmem>>, vector<1x1x16xf32>,
      %broadcast_in_dim3A_978 = arith.constant 0.000000e+00 : f32
      %broadcast_in_dim3A_979 = vector.broadcast %broadcast_in_dim3A_978 : f32 to vector<16xf32>
      %swap3A_980 = arith.constant 0 : i32
      %swap3A_981 = arith.index_cast %swap3A_980 : i32 to index
      %swap3A_982 = arith.index_cast %add3A_925 : i32 to index
      %swap3A_983 = arith.constant 96 : index
      %swap3A_984 = tpu.vector_load %arg7[%swap3A_981, %swap3A_982, %swap3A_983] {strides = array<i32>} : memref<4x64x128xf32, #tpu.memory_space<vmem>>, vector<1x1x16xf32>,
      %swap3A_985 = vector.shape_cast %swap3A_984 : vector<1x1x16xf32> to vector<16xf32>
      %swap3A_986 = vector.shape_cast %broadcast_in_dim3A_979 : vector<16xf32> to vector<1x1x16xf32>
      tpu.vector_store %arg7[%swap3A_981, %swap3A_982, %swap3A_983], %swap3A_986 {strides = array<i32>} : memref<4x64x128xf32, #tpu.memory_space<vmem>>, vector<1x1x16xf32>,
      %broadcast_in_dim3A_987 = arith.constant 0.000000e+00 : f32
      %broadcast_in_dim3A_988 = vector.broadcast %broadcast_in_dim3A_987 : f32 to vector<16xf32>
      %swap3A_989 = arith.constant 0 : i32
      %swap3A_990 = arith.index_cast %swap3A_989 : i32 to index
      %swap3A_991 = arith.index_cast %add3A_925 : i32 to index
      %swap3A_992 = arith.constant 112 : index
      %swap3A_993 = tpu.vector_load %arg7[%swap3A_990, %swap3A_991, %swap3A_992] {strides = array<i32>} : memref<4x64x128xf32, #tpu.memory_space<vmem>>, vector<1x1x16xf32>,
      %swap3A_994 = vector.shape_cast %swap3A_993 : vector<1x1x16xf32> to vector<16xf32>
      %swap3A_995 = vector.shape_cast %broadcast_in_dim3A_988 : vector<16xf32> to vector<1x1x16xf32>
      tpu.vector_store %arg7[%swap3A_990, %swap3A_991, %swap3A_992], %swap3A_995 {strides = array<i32>} : memref<4x64x128xf32, #tpu.memory_space<vmem>>, vector<1x1x16xf32>,
    }
    %scan3A_369 = arith.constant 64 : i32
    %mul3A_370 = arith.constant 632 : i32
    %mul3A_371 = arith.muli %arg1, %mul3A_370 : i32
    %add3A_372 = arith.constant 0 : i32
    %add3A_373 = arith.addi %mul3A_371, %add3A_372 : i32
    %dma_start3A_374 = arith.constant 0 : i32
    %dma_start3A_375 = arith.constant 0 : i32
    %dma_start3A_376 = arith.constant 0 : i32
    %dma_start3A_377 = tpu.memref_slice %arg7[%dma_start3A_374, %dma_start3A_375, %dma_start3A_376] : memref<4x64x128xf32, #tpu.memory_space<vmem>> -> memref<1x64x128xf32, #tpu.memory_space<vmem>>
    %dma_start3A_378 = tpu.memref_squeeze %dma_start3A_377 : memref<1x64x128xf32, #tpu.memory_space<vmem>> -> memref<64x128xf32, #tpu.memory_space<vmem>>
    %dma_start3A_379 = arith.constant 0 : i32
    %dma_start3A_380 = arith.constant 0 : i32
    %dma_start3A_381 = tpu.memref_slice %dma_start3A_378[%dma_start3A_379, %dma_start3A_380] : memref<64x128xf32, #tpu.memory_space<vmem>> -> memref<64x128xf32, #tpu.memory_space<vmem>>
    %dma_start3A_382 = arith.constant 0 : i32
    %dma_start3A_383 = tpu.memref_slice %arg11[%add3A_373, %dma_start3A_382] : memref<10112x128xf32, #tpu.memory_space<vmem_shared>> -> memref<64x128xf32, #tpu.memory_space<vmem_shared>>
    %dma_start3A_384 = arith.constant 0 : i32
    %dma_start3A_385 = tpu.memref_slice %arg11[%add3A_373, %dma_start3A_384] : memref<10112x128xf32, #tpu.memory_space<vmem_shared>> -> memref<64x128xf32, #tpu.memory_space<vmem_shared>>
    %dma_start3A_386 = arith.constant 0 : i32
    %dma_start3A_387 = arith.constant 0 : i32
    %dma_start3A_388 = tpu.memref_slice %arg7[%dma_start3A_374, %dma_start3A_386, %dma_start3A_387] : memref<4x64x128xf32, #tpu.memory_space<vmem>> -> memref<1x64x128xf32, #tpu.memory_space<vmem>>
    %dma_start3A_389 = tpu.memref_squeeze %dma_start3A_388 : memref<1x64x128xf32, #tpu.memory_space<vmem>> -> memref<64x128xf32, #tpu.memory_space<vmem>>
    %dma_start3A_390 = arith.constant 0 : i32
    %dma_start3A_391 = arith.constant 0 : i32
    %dma_start3A_392 = tpu.memref_slice %dma_start3A_389[%dma_start3A_390, %dma_start3A_391] : memref<64x128xf32, #tpu.memory_space<vmem>> -> memref<64x128xf32, #tpu.memory_space<vmem>>
    tpu.enqueue_dma source(%dma_start3A_392 : memref<64x128xf32, #tpu.memory_space<vmem>>) target(%dma_start3A_385 : memref<64x128xf32, #tpu.memory_space<vmem_shared>>) target_semaphore(%arg15 : memref<!tpu.dma_semaphore, #tpu.memory_space<semaphore_mem>>)
    %add3A_393 = arith.constant 64 : i32
    %add3A_394 = arith.addi %mul3A_371, %add3A_393 : i32
    %dma_start3A_395 = arith.constant 0 : i32
    %dma_start3A_396 = arith.constant 0 : i32
    %dma_start3A_397 = arith.constant 0 : i32
    %dma_start3A_398 = tpu.memref_slice %arg7[%dma_start3A_395, %dma_start3A_396, %dma_start3A_397] : memref<4x64x128xf32, #tpu.memory_space<vmem>> -> memref<1x64x128xf32, #tpu.memory_space<vmem>>
    %dma_start3A_399 = tpu.memref_squeeze %dma_start3A_398 : memref<1x64x128xf32, #tpu.memory_space<vmem>> -> memref<64x128xf32, #tpu.memory_space<vmem>>
    %dma_start3A_400 = arith.constant 0 : i32
    %dma_start3A_401 = arith.constant 0 : i32
    %dma_start3A_402 = tpu.memref_slice %dma_start3A_399[%dma_start3A_400, %dma_start3A_401] : memref<64x128xf32, #tpu.memory_space<vmem>> -> memref<64x128xf32, #tpu.memory_space<vmem>>
    %dma_start3A_403 = arith.constant 0 : i32
    %dma_start3A_404 = tpu.memref_slice %arg11[%add3A_394, %dma_start3A_403] : memref<10112x128xf32, #tpu.memory_space<vmem_shared>> -> memref<64x128xf32, #tpu.memory_space<vmem_shared>>
    %dma_start3A_405 = arith.constant 0 : i32
    %dma_start3A_406 = tpu.memref_slice %arg11[%add3A_394, %dma_start3A_405] : memref<10112x128xf32, #tpu.memory_space<vmem_shared>> -> memref<64x128xf32, #tpu.memory_space<vmem_shared>>
    %dma_start3A_407 = arith.constant 0 : i32
    %dma_start3A_408 = arith.constant 0 : i32
    %dma_start3A_409 = tpu.memref_slice %arg7[%dma_start3A_395, %dma_start3A_407, %dma_start3A_408] : memref<4x64x128xf32, #tpu.memory_space<vmem>> -> memref<1x64x128xf32, #tpu.memory_space<vmem>>
    %dma_start3A_410 = tpu.memref_squeeze %dma_start3A_409 : memref<1x64x128xf32, #tpu.memory_space<vmem>> -> memref<64x128xf32, #tpu.memory_space<vmem>>
    %dma_start3A_411 = arith.constant 0 : i32
    %dma_start3A_412 = arith.constant 0 : i32
    %dma_start3A_413 = tpu.memref_slice %dma_start3A_410[%dma_start3A_411, %dma_start3A_412] : memref<64x128xf32, #tpu.memory_space<vmem>> -> memref<64x128xf32, #tpu.memory_space<vmem>>
    tpu.enqueue_dma source(%dma_start3A_413 : memref<64x128xf32, #tpu.memory_space<vmem>>) target(%dma_start3A_406 : memref<64x128xf32, #tpu.memory_space<vmem_shared>>) target_semaphore(%arg15 : memref<!tpu.dma_semaphore, #tpu.memory_space<semaphore_mem>>)
    %add3A_414 = arith.constant 128 : i32
    %add3A_415 = arith.addi %mul3A_371, %add3A_414 : i32
    %dma_start3A_416 = arith.constant 0 : i32
    %dma_start3A_417 = arith.constant 0 : i32
    %dma_start3A_418 = arith.constant 0 : i32
    %dma_start3A_419 = tpu.memref_slice %arg7[%dma_start3A_416, %dma_start3A_417, %dma_start3A_418] : memref<4x64x128xf32, #tpu.memory_space<vmem>> -> memref<1x64x128xf32, #tpu.memory_space<vmem>>
    %dma_start3A_420 = tpu.memref_squeeze %dma_start3A_419 : memref<1x64x128xf32, #tpu.memory_space<vmem>> -> memref<64x128xf32, #tpu.memory_space<vmem>>
    %dma_start3A_421 = arith.constant 0 : i32
    %dma_start3A_422 = arith.constant 0 : i32
    %dma_start3A_423 = tpu.memref_slice %dma_start3A_420[%dma_start3A_421, %dma_start3A_422] : memref<64x128xf32, #tpu.memory_space<vmem>> -> memref<64x128xf32, #tpu.memory_space<vmem>>
    %dma_start3A_424 = arith.constant 0 : i32
    %dma_start3A_425 = tpu.memref_slice %arg11[%add3A_415, %dma_start3A_424] : memref<10112x128xf32, #tpu.memory_space<vmem_shared>> -> memref<64x128xf32, #tpu.memory_space<vmem_shared>>
    %dma_start3A_426 = arith.constant 0 : i32
    %dma_start3A_427 = tpu.memref_slice %arg11[%add3A_415, %dma_start3A_426] : memref<10112x128xf32, #tpu.memory_space<vmem_shared>> -> memref<64x128xf32, #tpu.memory_space<vmem_shared>>
    %dma_start3A_428 = arith.constant 0 : i32
    %dma_start3A_429 = arith.constant 0 : i32
    %dma_start3A_430 = tpu.memref_slice %arg7[%dma_start3A_416, %dma_start3A_428, %dma_start3A_429] : memref<4x64x128xf32, #tpu.memory_space<vmem>> -> memref<1x64x128xf32, #tpu.memory_space<vmem>>
    %dma_start3A_431 = tpu.memref_squeeze %dma_start3A_430 : memref<1x64x128xf32, #tpu.memory_space<vmem>> -> memref<64x128xf32, #tpu.memory_space<vmem>>
    %dma_start3A_432 = arith.constant 0 : i32
    %dma_start3A_433 = arith.constant 0 : i32
    %dma_start3A_434 = tpu.memref_slice %dma_start3A_431[%dma_start3A_432, %dma_start3A_433] : memref<64x128xf32, #tpu.memory_space<vmem>> -> memref<64x128xf32, #tpu.memory_space<vmem>>
    tpu.enqueue_dma source(%dma_start3A_434 : memref<64x128xf32, #tpu.memory_space<vmem>>) target(%dma_start3A_427 : memref<64x128xf32, #tpu.memory_space<vmem_shared>>) target_semaphore(%arg15 : memref<!tpu.dma_semaphore, #tpu.memory_space<semaphore_mem>>)
    %add3A_435 = arith.constant 192 : i32
    %add3A_436 = arith.addi %mul3A_371, %add3A_435 : i32
    %dma_start3A_437 = arith.constant 0 : i32
    %dma_start3A_438 = arith.constant 0 : i32
    %dma_start3A_439 = arith.constant 0 : i32
    %dma_start3A_440 = tpu.memref_slice %arg7[%dma_start3A_437, %dma_start3A_438, %dma_start3A_439] : memref<4x64x128xf32, #tpu.memory_space<vmem>> -> memref<1x64x128xf32, #tpu.memory_space<vmem>>
    %dma_start3A_441 = tpu.memref_squeeze %dma_start3A_440 : memref<1x64x128xf32, #tpu.memory_space<vmem>> -> memref<64x128xf32, #tpu.memory_space<vmem>>
    %dma_start3A_442 = arith.constant 0 : i32
    %dma_start3A_443 = arith.constant 0 : i32
    %dma_start3A_444 = tpu.memref_slice %dma_start3A_441[%dma_start3A_442, %dma_start3A_443] : memref<64x128xf32, #tpu.memory_space<vmem>> -> memref<64x128xf32, #tpu.memory_space<vmem>>
    %dma_start3A_445 = arith.constant 0 : i32
    %dma_start3A_446 = tpu.memref_slice %arg11[%add3A_436, %dma_start3A_445] : memref<10112x128xf32, #tpu.memory_space<vmem_shared>> -> memref<64x128xf32, #tpu.memory_space<vmem_shared>>
    %dma_start3A_447 = arith.constant 0 : i32
    %dma_start3A_448 = tpu.memref_slice %arg11[%add3A_436, %dma_start3A_447] : memref<10112x128xf32, #tpu.memory_space<vmem_shared>> -> memref<64x128xf32, #tpu.memory_space<vmem_shared>>
    %dma_start3A_449 = arith.constant 0 : i32
    %dma_start3A_450 = arith.constant 0 : i32
    %dma_start3A_451 = tpu.memref_slice %arg7[%dma_start3A_437, %dma_start3A_449, %dma_start3A_450] : memref<4x64x128xf32, #tpu.memory_space<vmem>> -> memref<1x64x128xf32, #tpu.memory_space<vmem>>
    %dma_start3A_452 = tpu.memref_squeeze %dma_start3A_451 : memref<1x64x128xf32, #tpu.memory_space<vmem>> -> memref<64x128xf32, #tpu.memory_space<vmem>>
    %dma_start3A_453 = arith.constant 0 : i32
    %dma_start3A_454 = arith.constant 0 : i32
    %dma_start3A_455 = tpu.memref_slice %dma_start3A_452[%dma_start3A_453, %dma_start3A_454] : memref<64x128xf32, #tpu.memory_space<vmem>> -> memref<64x128xf32, #tpu.memory_space<vmem>>
    tpu.enqueue_dma source(%dma_start3A_455 : memref<64x128xf32, #tpu.memory_space<vmem>>) target(%dma_start3A_448 : memref<64x128xf32, #tpu.memory_space<vmem_shared>>) target_semaphore(%arg15 : memref<!tpu.dma_semaphore, #tpu.memory_space<semaphore_mem>>)
    %add3A_456 = arith.constant 256 : i32
    %add3A_457 = arith.addi %mul3A_371, %add3A_456 : i32
    %dma_start3A_458 = arith.constant 0 : i32
    %dma_start3A_459 = arith.constant 0 : i32
    %dma_start3A_460 = arith.constant 0 : i32
    %dma_start3A_461 = tpu.memref_slice %arg7[%dma_start3A_458, %dma_start3A_459, %dma_start3A_460] : memref<4x64x128xf32, #tpu.memory_space<vmem>> -> memref<1x64x128xf32, #tpu.memory_space<vmem>>
    %dma_start3A_462 = tpu.memref_squeeze %dma_start3A_461 : memref<1x64x128xf32, #tpu.memory_space<vmem>> -> memref<64x128xf32, #tpu.memory_space<vmem>>
    %dma_start3A_463 = arith.constant 0 : i32
    %dma_start3A_464 = arith.constant 0 : i32
    %dma_start3A_465 = tpu.memref_slice %dma_start3A_462[%dma_start3A_463, %dma_start3A_464] : memref<64x128xf32, #tpu.memory_space<vmem>> -> memref<64x128xf32, #tpu.memory_space<vmem>>
    %dma_start3A_466 = arith.constant 0 : i32
    %dma_start3A_467 = tpu.memref_slice %arg11[%add3A_457, %dma_start3A_466] : memref<10112x128xf32, #tpu.memory_space<vmem_shared>> -> memref<64x128xf32, #tpu.memory_space<vmem_shared>>
    %dma_start3A_468 = arith.constant 0 : i32
    %dma_start3A_469 = tpu.memref_slice %arg11[%add3A_457, %dma_start3A_468] : memref<10112x128xf32, #tpu.memory_space<vmem_shared>> -> memref<64x128xf32, #tpu.memory_space<vmem_shared>>
    %dma_start3A_470 = arith.constant 0 : i32
    %dma_start3A_471 = arith.constant 0 : i32
    %dma_start3A_472 = tpu.memref_slice %arg7[%dma_start3A_458, %dma_start3A_470, %dma_start3A_471] : memref<4x64x128xf32, #tpu.memory_space<vmem>> -> memref<1x64x128xf32, #tpu.memory_space<vmem>>
    %dma_start3A_473 = tpu.memref_squeeze %dma_start3A_472 : memref<1x64x128xf32, #tpu.memory_space<vmem>> -> memref<64x128xf32, #tpu.memory_space<vmem>>
    %dma_start3A_474 = arith.constant 0 : i32
    %dma_start3A_475 = arith.constant 0 : i32
    %dma_start3A_476 = tpu.memref_slice %dma_start3A_473[%dma_start3A_474, %dma_start3A_475] : memref<64x128xf32, #tpu.memory_space<vmem>> -> memref<64x128xf32, #tpu.memory_space<vmem>>
    tpu.enqueue_dma source(%dma_start3A_476 : memref<64x128xf32, #tpu.memory_space<vmem>>) target(%dma_start3A_469 : memref<64x128xf32, #tpu.memory_space<vmem_shared>>) target_semaphore(%arg15 : memref<!tpu.dma_semaphore, #tpu.memory_space<semaphore_mem>>)
    %add3A_477 = arith.constant 320 : i32
    %add3A_478 = arith.addi %mul3A_371, %add3A_477 : i32
    %dma_start3A_479 = arith.constant 0 : i32
    %dma_start3A_480 = arith.constant 0 : i32
    %dma_start3A_481 = arith.constant 0 : i32
    %dma_start3A_482 = tpu.memref_slice %arg7[%dma_start3A_479, %dma_start3A_480, %dma_start3A_481] : memref<4x64x128xf32, #tpu.memory_space<vmem>> -> memref<1x64x128xf32, #tpu.memory_space<vmem>>
    %dma_start3A_483 = tpu.memref_squeeze %dma_start3A_482 : memref<1x64x128xf32, #tpu.memory_space<vmem>> -> memref<64x128xf32, #tpu.memory_space<vmem>>
    %dma_start3A_484 = arith.constant 0 : i32
    %dma_start3A_485 = arith.constant 0 : i32
    %dma_start3A_486 = tpu.memref_slice %dma_start3A_483[%dma_start3A_484, %dma_start3A_485] : memref<64x128xf32, #tpu.memory_space<vmem>> -> memref<64x128xf32, #tpu.memory_space<vmem>>
    %dma_start3A_487 = arith.constant 0 : i32
    %dma_start3A_488 = tpu.memref_slice %arg11[%add3A_478, %dma_start3A_487] : memref<10112x128xf32, #tpu.memory_space<vmem_shared>> -> memref<64x128xf32, #tpu.memory_space<vmem_shared>>
    %dma_start3A_489 = arith.constant 0 : i32
    %dma_start3A_490 = tpu.memref_slice %arg11[%add3A_478, %dma_start3A_489] : memref<10112x128xf32, #tpu.memory_space<vmem_shared>> -> memref<64x128xf32, #tpu.memory_space<vmem_shared>>
    %dma_start3A_491 = arith.constant 0 : i32
    %dma_start3A_492 = arith.constant 0 : i32
    %dma_start3A_493 = tpu.memref_slice %arg7[%dma_start3A_479, %dma_start3A_491, %dma_start3A_492] : memref<4x64x128xf32, #tpu.memory_space<vmem>> -> memref<1x64x128xf32, #tpu.memory_space<vmem>>
    %dma_start3A_494 = tpu.memref_squeeze %dma_start3A_493 : memref<1x64x128xf32, #tpu.memory_space<vmem>> -> memref<64x128xf32, #tpu.memory_space<vmem>>
    %dma_start3A_495 = arith.constant 0 : i32
    %dma_start3A_496 = arith.constant 0 : i32
    %dma_start3A_497 = tpu.memref_slice %dma_start3A_494[%dma_start3A_495, %dma_start3A_496] : memref<64x128xf32, #tpu.memory_space<vmem>> -> memref<64x128xf32, #tpu.memory_space<vmem>>
    tpu.enqueue_dma source(%dma_start3A_497 : memref<64x128xf32, #tpu.memory_space<vmem>>) target(%dma_start3A_490 : memref<64x128xf32, #tpu.memory_space<vmem_shared>>) target_semaphore(%arg15 : memref<!tpu.dma_semaphore, #tpu.memory_space<semaphore_mem>>)
    %add3A_498 = arith.constant 384 : i32
    %add3A_499 = arith.addi %mul3A_371, %add3A_498 : i32
    %dma_start3A_500 = arith.constant 0 : i32
    %dma_start3A_501 = arith.constant 0 : i32
    %dma_start3A_502 = arith.constant 0 : i32
    %dma_start3A_503 = tpu.memref_slice %arg7[%dma_start3A_500, %dma_start3A_501, %dma_start3A_502] : memref<4x64x128xf32, #tpu.memory_space<vmem>> -> memref<1x64x128xf32, #tpu.memory_space<vmem>>
    %dma_start3A_504 = tpu.memref_squeeze %dma_start3A_503 : memref<1x64x128xf32, #tpu.memory_space<vmem>> -> memref<64x128xf32, #tpu.memory_space<vmem>>
    %dma_start3A_505 = arith.constant 0 : i32
    %dma_start3A_506 = arith.constant 0 : i32
    %dma_start3A_507 = tpu.memref_slice %dma_start3A_504[%dma_start3A_505, %dma_start3A_506] : memref<64x128xf32, #tpu.memory_space<vmem>> -> memref<64x128xf32, #tpu.memory_space<vmem>>
    %dma_start3A_508 = arith.constant 0 : i32
    %dma_start3A_509 = tpu.memref_slice %arg11[%add3A_499, %dma_start3A_508] : memref<10112x128xf32, #tpu.memory_space<vmem_shared>> -> memref<64x128xf32, #tpu.memory_space<vmem_shared>>
    %dma_start3A_510 = arith.constant 0 : i32
    %dma_start3A_511 = tpu.memref_slice %arg11[%add3A_499, %dma_start3A_510] : memref<10112x128xf32, #tpu.memory_space<vmem_shared>> -> memref<64x128xf32, #tpu.memory_space<vmem_shared>>
    %dma_start3A_512 = arith.constant 0 : i32
    %dma_start3A_513 = arith.constant 0 : i32
    %dma_start3A_514 = tpu.memref_slice %arg7[%dma_start3A_500, %dma_start3A_512, %dma_start3A_513] : memref<4x64x128xf32, #tpu.memory_space<vmem>> -> memref<1x64x128xf32, #tpu.memory_space<vmem>>
    %dma_start3A_515 = tpu.memref_squeeze %dma_start3A_514 : memref<1x64x128xf32, #tpu.memory_space<vmem>> -> memref<64x128xf32, #tpu.memory_space<vmem>>
    %dma_start3A_516 = arith.constant 0 : i32
    %dma_start3A_517 = arith.constant 0 : i32
    %dma_start3A_518 = tpu.memref_slice %dma_start3A_515[%dma_start3A_516, %dma_start3A_517] : memref<64x128xf32, #tpu.memory_space<vmem>> -> memref<64x128xf32, #tpu.memory_space<vmem>>
    tpu.enqueue_dma source(%dma_start3A_518 : memref<64x128xf32, #tpu.memory_space<vmem>>) target(%dma_start3A_511 : memref<64x128xf32, #tpu.memory_space<vmem_shared>>) target_semaphore(%arg15 : memref<!tpu.dma_semaphore, #tpu.memory_space<semaphore_mem>>)
    %add3A_519 = arith.constant 448 : i32
    %add3A_520 = arith.addi %mul3A_371, %add3A_519 : i32
    %dma_start3A_521 = arith.constant 0 : i32
    %dma_start3A_522 = arith.constant 0 : i32
    %dma_start3A_523 = arith.constant 0 : i32
    %dma_start3A_524 = tpu.memref_slice %arg7[%dma_start3A_521, %dma_start3A_522, %dma_start3A_523] : memref<4x64x128xf32, #tpu.memory_space<vmem>> -> memref<1x64x128xf32, #tpu.memory_space<vmem>>
    %dma_start3A_525 = tpu.memref_squeeze %dma_start3A_524 : memref<1x64x128xf32, #tpu.memory_space<vmem>> -> memref<64x128xf32, #tpu.memory_space<vmem>>
    %dma_start3A_526 = arith.constant 0 : i32
    %dma_start3A_527 = arith.constant 0 : i32
    %dma_start3A_528 = tpu.memref_slice %dma_start3A_525[%dma_start3A_526, %dma_start3A_527] : memref<64x128xf32, #tpu.memory_space<vmem>> -> memref<64x128xf32, #tpu.memory_space<vmem>>
    %dma_start3A_529 = arith.constant 0 : i32
    %dma_start3A_530 = tpu.memref_slice %arg11[%add3A_520, %dma_start3A_529] : memref<10112x128xf32, #tpu.memory_space<vmem_shared>> -> memref<64x128xf32, #tpu.memory_space<vmem_shared>>
    %dma_start3A_531 = arith.constant 0 : i32
    %dma_start3A_532 = tpu.memref_slice %arg11[%add3A_520, %dma_start3A_531] : memref<10112x128xf32, #tpu.memory_space<vmem_shared>> -> memref<64x128xf32, #tpu.memory_space<vmem_shared>>
    %dma_start3A_533 = arith.constant 0 : i32
    %dma_start3A_534 = arith.constant 0 : i32
    %dma_start3A_535 = tpu.memref_slice %arg7[%dma_start3A_521, %dma_start3A_533, %dma_start3A_534] : memref<4x64x128xf32, #tpu.memory_space<vmem>> -> memref<1x64x128xf32, #tpu.memory_space<vmem>>
    %dma_start3A_536 = tpu.memref_squeeze %dma_start3A_535 : memref<1x64x128xf32, #tpu.memory_space<vmem>> -> memref<64x128xf32, #tpu.memory_space<vmem>>
    %dma_start3A_537 = arith.constant 0 : i32
    %dma_start3A_538 = arith.constant 0 : i32
    %dma_start3A_539 = tpu.memref_slice %dma_start3A_536[%dma_start3A_537, %dma_start3A_538] : memref<64x128xf32, #tpu.memory_space<vmem>> -> memref<64x128xf32, #tpu.memory_space<vmem>>
    tpu.enqueue_dma source(%dma_start3A_539 : memref<64x128xf32, #tpu.memory_space<vmem>>) target(%dma_start3A_532 : memref<64x128xf32, #tpu.memory_space<vmem_shared>>) target_semaphore(%arg15 : memref<!tpu.dma_semaphore, #tpu.memory_space<semaphore_mem>>)
    %add3A_540 = arith.constant 512 : i32
    %add3A_541 = arith.addi %mul3A_371, %add3A_540 : i32
    %dma_start3A_542 = arith.constant 0 : i32
    %dma_start3A_543 = arith.constant 0 : i32
    %dma_start3A_544 = arith.constant 0 : i32
    %dma_start3A_545 = tpu.memref_slice %arg7[%dma_start3A_542, %dma_start3A_543, %dma_start3A_544] : memref<4x64x128xf32, #tpu.memory_space<vmem>> -> memref<1x64x128xf32, #tpu.memory_space<vmem>>
    %dma_start3A_546 = tpu.memref_squeeze %dma_start3A_545 : memref<1x64x128xf32, #tpu.memory_space<vmem>> -> memref<64x128xf32, #tpu.memory_space<vmem>>
    %dma_start3A_547 = arith.constant 0 : i32
    %dma_start3A_548 = arith.constant 0 : i32
    %dma_start3A_549 = tpu.memref_slice %dma_start3A_546[%dma_start3A_547, %dma_start3A_548] : memref<64x128xf32, #tpu.memory_space<vmem>> -> memref<64x128xf32, #tpu.memory_space<vmem>>
    %dma_start3A_550 = arith.constant 0 : i32
    %dma_start3A_551 = tpu.memref_slice %arg11[%add3A_541, %dma_start3A_550] : memref<10112x128xf32, #tpu.memory_space<vmem_shared>> -> memref<64x128xf32, #tpu.memory_space<vmem_shared>>
    %dma_start3A_552 = arith.constant 0 : i32
    %dma_start3A_553 = tpu.memref_slice %arg11[%add3A_541, %dma_start3A_552] : memref<10112x128xf32, #tpu.memory_space<vmem_shared>> -> memref<64x128xf32, #tpu.memory_space<vmem_shared>>
    %dma_start3A_554 = arith.constant 0 : i32
    %dma_start3A_555 = arith.constant 0 : i32
    %dma_start3A_556 = tpu.memref_slice %arg7[%dma_start3A_542, %dma_start3A_554, %dma_start3A_555] : memref<4x64x128xf32, #tpu.memory_space<vmem>> -> memref<1x64x128xf32, #tpu.memory_space<vmem>>
    %dma_start3A_557 = tpu.memref_squeeze %dma_start3A_556 : memref<1x64x128xf32, #tpu.memory_space<vmem>> -> memref<64x128xf32, #tpu.memory_space<vmem>>
    %dma_start3A_558 = arith.constant 0 : i32
    %dma_start3A_559 = arith.constant 0 : i32
    %dma_start3A_560 = tpu.memref_slice %dma_start3A_557[%dma_start3A_558, %dma_start3A_559] : memref<64x128xf32, #tpu.memory_space<vmem>> -> memref<64x128xf32, #tpu.memory_space<vmem>>
    tpu.enqueue_dma source(%dma_start3A_560 : memref<64x128xf32, #tpu.memory_space<vmem>>) target(%dma_start3A_553 : memref<64x128xf32, #tpu.memory_space<vmem_shared>>) target_semaphore(%arg15 : memref<!tpu.dma_semaphore, #tpu.memory_space<semaphore_mem>>)
    %add3A_561 = arith.constant 576 : i32
    %add3A_562 = arith.addi %mul3A_371, %add3A_561 : i32
    %dma_start3A_563 = arith.constant 0 : i32
    %dma_start3A_564 = arith.constant 0 : i32
    %dma_start3A_565 = arith.constant 0 : i32
    %dma_start3A_566 = tpu.memref_slice %arg7[%dma_start3A_563, %dma_start3A_564, %dma_start3A_565] : memref<4x64x128xf32, #tpu.memory_space<vmem>> -> memref<1x64x128xf32, #tpu.memory_space<vmem>>
    %dma_start3A_567 = tpu.memref_squeeze %dma_start3A_566 : memref<1x64x128xf32, #tpu.memory_space<vmem>> -> memref<64x128xf32, #tpu.memory_space<vmem>>
    %dma_start3A_568 = arith.constant 0 : i32
    %dma_start3A_569 = arith.constant 0 : i32
    %dma_start3A_570 = tpu.memref_slice %dma_start3A_567[%dma_start3A_568, %dma_start3A_569] : memref<64x128xf32, #tpu.memory_space<vmem>> -> memref<56x128xf32, #tpu.memory_space<vmem>>
    %dma_start3A_571 = arith.constant 0 : i32
    %dma_start3A_572 = tpu.memref_slice %arg11[%add3A_562, %dma_start3A_571] : memref<10112x128xf32, #tpu.memory_space<vmem_shared>> -> memref<56x128xf32, #tpu.memory_space<vmem_shared>>
    %dma_start3A_573 = arith.constant 0 : i32
    %dma_start3A_574 = tpu.memref_slice %arg11[%add3A_562, %dma_start3A_573] : memref<10112x128xf32, #tpu.memory_space<vmem_shared>> -> memref<56x128xf32, #tpu.memory_space<vmem_shared>>
    %dma_start3A_575 = arith.constant 0 : i32
    %dma_start3A_576 = arith.constant 0 : i32
    %dma_start3A_577 = tpu.memref_slice %arg7[%dma_start3A_563, %dma_start3A_575, %dma_start3A_576] : memref<4x64x128xf32, #tpu.memory_space<vmem>> -> memref<1x64x128xf32, #tpu.memory_space<vmem>>
    %dma_start3A_578 = tpu.memref_squeeze %dma_start3A_577 : memref<1x64x128xf32, #tpu.memory_space<vmem>> -> memref<64x128xf32, #tpu.memory_space<vmem>>
    %dma_start3A_579 = arith.constant 0 : i32
    %dma_start3A_580 = arith.constant 0 : i32
    %dma_start3A_581 = tpu.memref_slice %dma_start3A_578[%dma_start3A_579, %dma_start3A_580] : memref<64x128xf32, #tpu.memory_space<vmem>> -> memref<56x128xf32, #tpu.memory_space<vmem>>
    tpu.enqueue_dma source(%dma_start3A_581 : memref<56x128xf32, #tpu.memory_space<vmem>>) target(%dma_start3A_574 : memref<56x128xf32, #tpu.memory_space<vmem_shared>>) target_semaphore(%arg15 : memref<!tpu.dma_semaphore, #tpu.memory_space<semaphore_mem>>)
    %add3A_582 = arith.constant 0 : i32
    %add3A_583 = arith.addi %mul3A_371, %add3A_582 : i32
    %dma_wait3A_584 = arith.constant 0 : i32
    %dma_wait3A_585 = arith.constant 0 : i32
    %dma_wait3A_586 = arith.constant 0 : i32
    %dma_wait3A_587 = tpu.memref_slice %arg7[%dma_wait3A_584, %dma_wait3A_585, %dma_wait3A_586] : memref<4x64x128xf32, #tpu.memory_space<vmem>> -> memref<1x64x128xf32, #tpu.memory_space<vmem>>
    %dma_wait3A_588 = tpu.memref_squeeze %dma_wait3A_587 : memref<1x64x128xf32, #tpu.memory_space<vmem>> -> memref<64x128xf32, #tpu.memory_space<vmem>>
    %dma_wait3A_589 = arith.constant 0 : i32
    %dma_wait3A_590 = arith.constant 0 : i32
    %dma_wait3A_591 = tpu.memref_slice %dma_wait3A_588[%dma_wait3A_589, %dma_wait3A_590] : memref<64x128xf32, #tpu.memory_space<vmem>> -> memref<64x128xf32, #tpu.memory_space<vmem>>
    %dma_wait3A_592 = arith.constant 0 : i32
    %dma_wait3A_593 = tpu.memref_slice %arg11[%add3A_583, %dma_wait3A_592] : memref<10112x128xf32, #tpu.memory_space<vmem_shared>> -> memref<64x128xf32, #tpu.memory_space<vmem_shared>>
    %dma_wait3A_594 = arith.constant 0 : i32
    %dma_wait3A_595 = tpu.memref_slice %arg11[%add3A_583, %dma_wait3A_594] : memref<10112x128xf32, #tpu.memory_space<vmem_shared>> -> memref<64x128xf32, #tpu.memory_space<vmem_shared>>
    %dma_wait3A_596 = arith.constant 0 : i32
    %dma_wait3A_597 = arith.constant 0 : i32
    %dma_wait3A_598 = tpu.memref_slice %arg7[%dma_wait3A_584, %dma_wait3A_596, %dma_wait3A_597] : memref<4x64x128xf32, #tpu.memory_space<vmem>> -> memref<1x64x128xf32, #tpu.memory_space<vmem>>
    %dma_wait3A_599 = tpu.memref_squeeze %dma_wait3A_598 : memref<1x64x128xf32, #tpu.memory_space<vmem>> -> memref<64x128xf32, #tpu.memory_space<vmem>>
    %dma_wait3A_600 = arith.constant 0 : i32
    %dma_wait3A_601 = arith.constant 0 : i32
    %dma_wait3A_602 = tpu.memref_slice %dma_wait3A_599[%dma_wait3A_600, %dma_wait3A_601] : memref<64x128xf32, #tpu.memory_space<vmem>> -> memref<64x128xf32, #tpu.memory_space<vmem>>
    tpu.wait_dma2 semaphore(%arg15 : memref<!tpu.dma_semaphore, #tpu.memory_space<semaphore_mem>>) src(%dma_wait3A_602 : memref<64x128xf32, #tpu.memory_space<vmem>>) dst(%dma_wait3A_595 : memref<64x128xf32, #tpu.memory_space<vmem_shared>>)
    %add3A_603 = arith.constant 64 : i32
    %add3A_604 = arith.addi %mul3A_371, %add3A_603 : i32
    %dma_wait3A_605 = arith.constant 0 : i32
    %dma_wait3A_606 = arith.constant 0 : i32
    %dma_wait3A_607 = arith.constant 0 : i32
    %dma_wait3A_608 = tpu.memref_slice %arg7[%dma_wait3A_605, %dma_wait3A_606, %dma_wait3A_607] : memref<4x64x128xf32, #tpu.memory_space<vmem>> -> memref<1x64x128xf32, #tpu.memory_space<vmem>>
    %dma_wait3A_609 = tpu.memref_squeeze %dma_wait3A_608 : memref<1x64x128xf32, #tpu.memory_space<vmem>> -> memref<64x128xf32, #tpu.memory_space<vmem>>
    %dma_wait3A_610 = arith.constant 0 : i32
    %dma_wait3A_611 = arith.constant 0 : i32
    %dma_wait3A_612 = tpu.memref_slice %dma_wait3A_609[%dma_wait3A_610, %dma_wait3A_611] : memref<64x128xf32, #tpu.memory_space<vmem>> -> memref<64x128xf32, #tpu.memory_space<vmem>>
    %dma_wait3A_613 = arith.constant 0 : i32
    %dma_wait3A_614 = tpu.memref_slice %arg11[%add3A_604, %dma_wait3A_613] : memref<10112x128xf32, #tpu.memory_space<vmem_shared>> -> memref<64x128xf32, #tpu.memory_space<vmem_shared>>
    %dma_wait3A_615 = arith.constant 0 : i32
    %dma_wait3A_616 = tpu.memref_slice %arg11[%add3A_604, %dma_wait3A_615] : memref<10112x128xf32, #tpu.memory_space<vmem_shared>> -> memref<64x128xf32, #tpu.memory_space<vmem_shared>>
    %dma_wait3A_617 = arith.constant 0 : i32
    %dma_wait3A_618 = arith.constant 0 : i32
    %dma_wait3A_619 = tpu.memref_slice %arg7[%dma_wait3A_605, %dma_wait3A_617, %dma_wait3A_618] : memref<4x64x128xf32, #tpu.memory_space<vmem>> -> memref<1x64x128xf32, #tpu.memory_space<vmem>>
    %dma_wait3A_620 = tpu.memref_squeeze %dma_wait3A_619 : memref<1x64x128xf32, #tpu.memory_space<vmem>> -> memref<64x128xf32, #tpu.memory_space<vmem>>
    %dma_wait3A_621 = arith.constant 0 : i32
    %dma_wait3A_622 = arith.constant 0 : i32
    %dma_wait3A_623 = tpu.memref_slice %dma_wait3A_620[%dma_wait3A_621, %dma_wait3A_622] : memref<64x128xf32, #tpu.memory_space<vmem>> -> memref<64x128xf32, #tpu.memory_space<vmem>>
    tpu.wait_dma2 semaphore(%arg15 : memref<!tpu.dma_semaphore, #tpu.memory_space<semaphore_mem>>) src(%dma_wait3A_623 : memref<64x128xf32, #tpu.memory_space<vmem>>) dst(%dma_wait3A_616 : memref<64x128xf32, #tpu.memory_space<vmem_shared>>)
    %add3A_624 = arith.constant 128 : i32
    %add3A_625 = arith.addi %mul3A_371, %add3A_624 : i32
    %dma_wait3A_626 = arith.constant 0 : i32
    %dma_wait3A_627 = arith.constant 0 : i32
    %dma_wait3A_628 = arith.constant 0 : i32
    %dma_wait3A_629 = tpu.memref_slice %arg7[%dma_wait3A_626, %dma_wait3A_627, %dma_wait3A_628] : memref<4x64x128xf32, #tpu.memory_space<vmem>> -> memref<1x64x128xf32, #tpu.memory_space<vmem>>
    %dma_wait3A_630 = tpu.memref_squeeze %dma_wait3A_629 : memref<1x64x128xf32, #tpu.memory_space<vmem>> -> memref<64x128xf32, #tpu.memory_space<vmem>>
    %dma_wait3A_631 = arith.constant 0 : i32
    %dma_wait3A_632 = arith.constant 0 : i32
    %dma_wait3A_633 = tpu.memref_slice %dma_wait3A_630[%dma_wait3A_631, %dma_wait3A_632] : memref<64x128xf32, #tpu.memory_space<vmem>> -> memref<64x128xf32, #tpu.memory_space<vmem>>
    %dma_wait3A_634 = arith.constant 0 : i32
    %dma_wait3A_635 = tpu.memref_slice %arg11[%add3A_625, %dma_wait3A_634] : memref<10112x128xf32, #tpu.memory_space<vmem_shared>> -> memref<64x128xf32, #tpu.memory_space<vmem_shared>>
    %dma_wait3A_636 = arith.constant 0 : i32
    %dma_wait3A_637 = tpu.memref_slice %arg11[%add3A_625, %dma_wait3A_636] : memref<10112x128xf32, #tpu.memory_space<vmem_shared>> -> memref<64x128xf32, #tpu.memory_space<vmem_shared>>
    %dma_wait3A_638 = arith.constant 0 : i32
    %dma_wait3A_639 = arith.constant 0 : i32
    %dma_wait3A_640 = tpu.memref_slice %arg7[%dma_wait3A_626, %dma_wait3A_638, %dma_wait3A_639] : memref<4x64x128xf32, #tpu.memory_space<vmem>> -> memref<1x64x128xf32, #tpu.memory_space<vmem>>
    %dma_wait3A_641 = tpu.memref_squeeze %dma_wait3A_640 : memref<1x64x128xf32, #tpu.memory_space<vmem>> -> memref<64x128xf32, #tpu.memory_space<vmem>>
    %dma_wait3A_642 = arith.constant 0 : i32
    %dma_wait3A_643 = arith.constant 0 : i32
    %dma_wait3A_644 = tpu.memref_slice %dma_wait3A_641[%dma_wait3A_642, %dma_wait3A_643] : memref<64x128xf32, #tpu.memory_space<vmem>> -> memref<64x128xf32, #tpu.memory_space<vmem>>
    tpu.wait_dma2 semaphore(%arg15 : memref<!tpu.dma_semaphore, #tpu.memory_space<semaphore_mem>>) src(%dma_wait3A_644 : memref<64x128xf32, #tpu.memory_space<vmem>>) dst(%dma_wait3A_637 : memref<64x128xf32, #tpu.memory_space<vmem_shared>>)
    %add3A_645 = arith.constant 192 : i32
    %add3A_646 = arith.addi %mul3A_371, %add3A_645 : i32
    %dma_wait3A_647 = arith.constant 0 : i32
    %dma_wait3A_648 = arith.constant 0 : i32
    %dma_wait3A_649 = arith.constant 0 : i32
    %dma_wait3A_650 = tpu.memref_slice %arg7[%dma_wait3A_647, %dma_wait3A_648, %dma_wait3A_649] : memref<4x64x128xf32, #tpu.memory_space<vmem>> -> memref<1x64x128xf32, #tpu.memory_space<vmem>>
    %dma_wait3A_651 = tpu.memref_squeeze %dma_wait3A_650 : memref<1x64x128xf32, #tpu.memory_space<vmem>> -> memref<64x128xf32, #tpu.memory_space<vmem>>
    %dma_wait3A_652 = arith.constant 0 : i32
    %dma_wait3A_653 = arith.constant 0 : i32
    %dma_wait3A_654 = tpu.memref_slice %dma_wait3A_651[%dma_wait3A_652, %dma_wait3A_653] : memref<64x128xf32, #tpu.memory_space<vmem>> -> memref<64x128xf32, #tpu.memory_space<vmem>>
    %dma_wait3A_655 = arith.constant 0 : i32
    %dma_wait3A_656 = tpu.memref_slice %arg11[%add3A_646, %dma_wait3A_655] : memref<10112x128xf32, #tpu.memory_space<vmem_shared>> -> memref<64x128xf32, #tpu.memory_space<vmem_shared>>
    %dma_wait3A_657 = arith.constant 0 : i32
    %dma_wait3A_658 = tpu.memref_slice %arg11[%add3A_646, %dma_wait3A_657] : memref<10112x128xf32, #tpu.memory_space<vmem_shared>> -> memref<64x128xf32, #tpu.memory_space<vmem_shared>>
    %dma_wait3A_659 = arith.constant 0 : i32
    %dma_wait3A_660 = arith.constant 0 : i32
    %dma_wait3A_661 = tpu.memref_slice %arg7[%dma_wait3A_647, %dma_wait3A_659, %dma_wait3A_660] : memref<4x64x128xf32, #tpu.memory_space<vmem>> -> memref<1x64x128xf32, #tpu.memory_space<vmem>>
    %dma_wait3A_662 = tpu.memref_squeeze %dma_wait3A_661 : memref<1x64x128xf32, #tpu.memory_space<vmem>> -> memref<64x128xf32, #tpu.memory_space<vmem>>
    %dma_wait3A_663 = arith.constant 0 : i32
    %dma_wait3A_664 = arith.constant 0 : i32
    %dma_wait3A_665 = tpu.memref_slice %dma_wait3A_662[%dma_wait3A_663, %dma_wait3A_664] : memref<64x128xf32, #tpu.memory_space<vmem>> -> memref<64x128xf32, #tpu.memory_space<vmem>>
    tpu.wait_dma2 semaphore(%arg15 : memref<!tpu.dma_semaphore, #tpu.memory_space<semaphore_mem>>) src(%dma_wait3A_665 : memref<64x128xf32, #tpu.memory_space<vmem>>) dst(%dma_wait3A_658 : memref<64x128xf32, #tpu.memory_space<vmem_shared>>)
    %add3A_666 = arith.constant 256 : i32
    %add3A_667 = arith.addi %mul3A_371, %add3A_666 : i32
    %dma_wait3A_668 = arith.constant 0 : i32
    %dma_wait3A_669 = arith.constant 0 : i32
    %dma_wait3A_670 = arith.constant 0 : i32
    %dma_wait3A_671 = tpu.memref_slice %arg7[%dma_wait3A_668, %dma_wait3A_669, %dma_wait3A_670] : memref<4x64x128xf32, #tpu.memory_space<vmem>> -> memref<1x64x128xf32, #tpu.memory_space<vmem>>
    %dma_wait3A_672 = tpu.memref_squeeze %dma_wait3A_671 : memref<1x64x128xf32, #tpu.memory_space<vmem>> -> memref<64x128xf32, #tpu.memory_space<vmem>>
    %dma_wait3A_673 = arith.constant 0 : i32
    %dma_wait3A_674 = arith.constant 0 : i32
    %dma_wait3A_675 = tpu.memref_slice %dma_wait3A_672[%dma_wait3A_673, %dma_wait3A_674] : memref<64x128xf32, #tpu.memory_space<vmem>> -> memref<64x128xf32, #tpu.memory_space<vmem>>
    %dma_wait3A_676 = arith.constant 0 : i32
    %dma_wait3A_677 = tpu.memref_slice %arg11[%add3A_667, %dma_wait3A_676] : memref<10112x128xf32, #tpu.memory_space<vmem_shared>> -> memref<64x128xf32, #tpu.memory_space<vmem_shared>>
    %dma_wait3A_678 = arith.constant 0 : i32
    %dma_wait3A_679 = tpu.memref_slice %arg11[%add3A_667, %dma_wait3A_678] : memref<10112x128xf32, #tpu.memory_space<vmem_shared>> -> memref<64x128xf32, #tpu.memory_space<vmem_shared>>
    %dma_wait3A_680 = arith.constant 0 : i32
    %dma_wait3A_681 = arith.constant 0 : i32
    %dma_wait3A_682 = tpu.memref_slice %arg7[%dma_wait3A_668, %dma_wait3A_680, %dma_wait3A_681] : memref<4x64x128xf32, #tpu.memory_space<vmem>> -> memref<1x64x128xf32, #tpu.memory_space<vmem>>
    %dma_wait3A_683 = tpu.memref_squeeze %dma_wait3A_682 : memref<1x64x128xf32, #tpu.memory_space<vmem>> -> memref<64x128xf32, #tpu.memory_space<vmem>>
    %dma_wait3A_684 = arith.constant 0 : i32
    %dma_wait3A_685 = arith.constant 0 : i32
    %dma_wait3A_686 = tpu.memref_slice %dma_wait3A_683[%dma_wait3A_684, %dma_wait3A_685] : memref<64x128xf32, #tpu.memory_space<vmem>> -> memref<64x128xf32, #tpu.memory_space<vmem>>
    tpu.wait_dma2 semaphore(%arg15 : memref<!tpu.dma_semaphore, #tpu.memory_space<semaphore_mem>>) src(%dma_wait3A_686 : memref<64x128xf32, #tpu.memory_space<vmem>>) dst(%dma_wait3A_679 : memref<64x128xf32, #tpu.memory_space<vmem_shared>>)
    %add3A_687 = arith.constant 320 : i32
    %add3A_688 = arith.addi %mul3A_371, %add3A_687 : i32
    %dma_wait3A_689 = arith.constant 0 : i32
    %dma_wait3A_690 = arith.constant 0 : i32
    %dma_wait3A_691 = arith.constant 0 : i32
    %dma_wait3A_692 = tpu.memref_slice %arg7[%dma_wait3A_689, %dma_wait3A_690, %dma_wait3A_691] : memref<4x64x128xf32, #tpu.memory_space<vmem>> -> memref<1x64x128xf32, #tpu.memory_space<vmem>>
    %dma_wait3A_693 = tpu.memref_squeeze %dma_wait3A_692 : memref<1x64x128xf32, #tpu.memory_space<vmem>> -> memref<64x128xf32, #tpu.memory_space<vmem>>
    %dma_wait3A_694 = arith.constant 0 : i32
    %dma_wait3A_695 = arith.constant 0 : i32
    %dma_wait3A_696 = tpu.memref_slice %dma_wait3A_693[%dma_wait3A_694, %dma_wait3A_695] : memref<64x128xf32, #tpu.memory_space<vmem>> -> memref<64x128xf32, #tpu.memory_space<vmem>>
    %dma_wait3A_697 = arith.constant 0 : i32
    %dma_wait3A_698 = tpu.memref_slice %arg11[%add3A_688, %dma_wait3A_697] : memref<10112x128xf32, #tpu.memory_space<vmem_shared>> -> memref<64x128xf32, #tpu.memory_space<vmem_shared>>
    %dma_wait3A_699 = arith.constant 0 : i32
    %dma_wait3A_700 = tpu.memref_slice %arg11[%add3A_688, %dma_wait3A_699] : memref<10112x128xf32, #tpu.memory_space<vmem_shared>> -> memref<64x128xf32, #tpu.memory_space<vmem_shared>>
    %dma_wait3A_701 = arith.constant 0 : i32
    %dma_wait3A_702 = arith.constant 0 : i32
    %dma_wait3A_703 = tpu.memref_slice %arg7[%dma_wait3A_689, %dma_wait3A_701, %dma_wait3A_702] : memref<4x64x128xf32, #tpu.memory_space<vmem>> -> memref<1x64x128xf32, #tpu.memory_space<vmem>>
    %dma_wait3A_704 = tpu.memref_squeeze %dma_wait3A_703 : memref<1x64x128xf32, #tpu.memory_space<vmem>> -> memref<64x128xf32, #tpu.memory_space<vmem>>
    %dma_wait3A_705 = arith.constant 0 : i32
    %dma_wait3A_706 = arith.constant 0 : i32
    %dma_wait3A_707 = tpu.memref_slice %dma_wait3A_704[%dma_wait3A_705, %dma_wait3A_706] : memref<64x128xf32, #tpu.memory_space<vmem>> -> memref<64x128xf32, #tpu.memory_space<vmem>>
    tpu.wait_dma2 semaphore(%arg15 : memref<!tpu.dma_semaphore, #tpu.memory_space<semaphore_mem>>) src(%dma_wait3A_707 : memref<64x128xf32, #tpu.memory_space<vmem>>) dst(%dma_wait3A_700 : memref<64x128xf32, #tpu.memory_space<vmem_shared>>)
    %add3A_708 = arith.constant 384 : i32
    %add3A_709 = arith.addi %mul3A_371, %add3A_708 : i32
    %dma_wait3A_710 = arith.constant 0 : i32
    %dma_wait3A_711 = arith.constant 0 : i32
    %dma_wait3A_712 = arith.constant 0 : i32
    %dma_wait3A_713 = tpu.memref_slice %arg7[%dma_wait3A_710, %dma_wait3A_711, %dma_wait3A_712] : memref<4x64x128xf32, #tpu.memory_space<vmem>> -> memref<1x64x128xf32, #tpu.memory_space<vmem>>
    %dma_wait3A_714 = tpu.memref_squeeze %dma_wait3A_713 : memref<1x64x128xf32, #tpu.memory_space<vmem>> -> memref<64x128xf32, #tpu.memory_space<vmem>>
    %dma_wait3A_715 = arith.constant 0 : i32
    %dma_wait3A_716 = arith.constant 0 : i32
    %dma_wait3A_717 = tpu.memref_slice %dma_wait3A_714[%dma_wait3A_715, %dma_wait3A_716] : memref<64x128xf32, #tpu.memory_space<vmem>> -> memref<64x128xf32, #tpu.memory_space<vmem>>
    %dma_wait3A_718 = arith.constant 0 : i32
    %dma_wait3A_719 = tpu.memref_slice %arg11[%add3A_709, %dma_wait3A_718] : memref<10112x128xf32, #tpu.memory_space<vmem_shared>> -> memref<64x128xf32, #tpu.memory_space<vmem_shared>>
    %dma_wait3A_720 = arith.constant 0 : i32
    %dma_wait3A_721 = tpu.memref_slice %arg11[%add3A_709, %dma_wait3A_720] : memref<10112x128xf32, #tpu.memory_space<vmem_shared>> -> memref<64x128xf32, #tpu.memory_space<vmem_shared>>
    %dma_wait3A_722 = arith.constant 0 : i32
    %dma_wait3A_723 = arith.constant 0 : i32
    %dma_wait3A_724 = tpu.memref_slice %arg7[%dma_wait3A_710, %dma_wait3A_722, %dma_wait3A_723] : memref<4x64x128xf32, #tpu.memory_space<vmem>> -> memref<1x64x128xf32, #tpu.memory_space<vmem>>
    %dma_wait3A_725 = tpu.memref_squeeze %dma_wait3A_724 : memref<1x64x128xf32, #tpu.memory_space<vmem>> -> memref<64x128xf32, #tpu.memory_space<vmem>>
    %dma_wait3A_726 = arith.constant 0 : i32
    %dma_wait3A_727 = arith.constant 0 : i32
    %dma_wait3A_728 = tpu.memref_slice %dma_wait3A_725[%dma_wait3A_726, %dma_wait3A_727] : memref<64x128xf32, #tpu.memory_space<vmem>> -> memref<64x128xf32, #tpu.memory_space<vmem>>
    tpu.wait_dma2 semaphore(%arg15 : memref<!tpu.dma_semaphore, #tpu.memory_space<semaphore_mem>>) src(%dma_wait3A_728 : memref<64x128xf32, #tpu.memory_space<vmem>>) dst(%dma_wait3A_721 : memref<64x128xf32, #tpu.memory_space<vmem_shared>>)
    %add3A_729 = arith.constant 448 : i32
    %add3A_730 = arith.addi %mul3A_371, %add3A_729 : i32
    %dma_wait3A_731 = arith.constant 0 : i32
    %dma_wait3A_732 = arith.constant 0 : i32
    %dma_wait3A_733 = arith.constant 0 : i32
    %dma_wait3A_734 = tpu.memref_slice %arg7[%dma_wait3A_731, %dma_wait3A_732, %dma_wait3A_733] : memref<4x64x128xf32, #tpu.memory_space<vmem>> -> memref<1x64x128xf32, #tpu.memory_space<vmem>>
    %dma_wait3A_735 = tpu.memref_squeeze %dma_wait3A_734 : memref<1x64x128xf32, #tpu.memory_space<vmem>> -> memref<64x128xf32, #tpu.memory_space<vmem>>
    %dma_wait3A_736 = arith.constant 0 : i32
    %dma_wait3A_737 = arith.constant 0 : i32
    %dma_wait3A_738 = tpu.memref_slice %dma_wait3A_735[%dma_wait3A_736, %dma_wait3A_737] : memref<64x128xf32, #tpu.memory_space<vmem>> -> memref<64x128xf32, #tpu.memory_space<vmem>>
    %dma_wait3A_739 = arith.constant 0 : i32
    %dma_wait3A_740 = tpu.memref_slice %arg11[%add3A_730, %dma_wait3A_739] : memref<10112x128xf32, #tpu.memory_space<vmem_shared>> -> memref<64x128xf32, #tpu.memory_space<vmem_shared>>
    %dma_wait3A_741 = arith.constant 0 : i32
    %dma_wait3A_742 = tpu.memref_slice %arg11[%add3A_730, %dma_wait3A_741] : memref<10112x128xf32, #tpu.memory_space<vmem_shared>> -> memref<64x128xf32, #tpu.memory_space<vmem_shared>>
    %dma_wait3A_743 = arith.constant 0 : i32
    %dma_wait3A_744 = arith.constant 0 : i32
    %dma_wait3A_745 = tpu.memref_slice %arg7[%dma_wait3A_731, %dma_wait3A_743, %dma_wait3A_744] : memref<4x64x128xf32, #tpu.memory_space<vmem>> -> memref<1x64x128xf32, #tpu.memory_space<vmem>>
    %dma_wait3A_746 = tpu.memref_squeeze %dma_wait3A_745 : memref<1x64x128xf32, #tpu.memory_space<vmem>> -> memref<64x128xf32, #tpu.memory_space<vmem>>
    %dma_wait3A_747 = arith.constant 0 : i32
    %dma_wait3A_748 = arith.constant 0 : i32
    %dma_wait3A_749 = tpu.memref_slice %dma_wait3A_746[%dma_wait3A_747, %dma_wait3A_748] : memref<64x128xf32, #tpu.memory_space<vmem>> -> memref<64x128xf32, #tpu.memory_space<vmem>>
    tpu.wait_dma2 semaphore(%arg15 : memref<!tpu.dma_semaphore, #tpu.memory_space<semaphore_mem>>) src(%dma_wait3A_749 : memref<64x128xf32, #tpu.memory_space<vmem>>) dst(%dma_wait3A_742 : memref<64x128xf32, #tpu.memory_space<vmem_shared>>)
    %add3A_750 = arith.constant 512 : i32
    %add3A_751 = arith.addi %mul3A_371, %add3A_750 : i32
    %dma_wait3A_752 = arith.constant 0 : i32
    %dma_wait3A_753 = arith.constant 0 : i32
    %dma_wait3A_754 = arith.constant 0 : i32
    %dma_wait3A_755 = tpu.memref_slice %arg7[%dma_wait3A_752, %dma_wait3A_753, %dma_wait3A_754] : memref<4x64x128xf32, #tpu.memory_space<vmem>> -> memref<1x64x128xf32, #tpu.memory_space<vmem>>
    %dma_wait3A_756 = tpu.memref_squeeze %dma_wait3A_755 : memref<1x64x128xf32, #tpu.memory_space<vmem>> -> memref<64x128xf32, #tpu.memory_space<vmem>>
    %dma_wait3A_757 = arith.constant 0 : i32
    %dma_wait3A_758 = arith.constant 0 : i32
    %dma_wait3A_759 = tpu.memref_slice %dma_wait3A_756[%dma_wait3A_757, %dma_wait3A_758] : memref<64x128xf32, #tpu.memory_space<vmem>> -> memref<64x128xf32, #tpu.memory_space<vmem>>
    %dma_wait3A_760 = arith.constant 0 : i32
    %dma_wait3A_761 = tpu.memref_slice %arg11[%add3A_751, %dma_wait3A_760] : memref<10112x128xf32, #tpu.memory_space<vmem_shared>> -> memref<64x128xf32, #tpu.memory_space<vmem_shared>>
    %dma_wait3A_762 = arith.constant 0 : i32
    %dma_wait3A_763 = tpu.memref_slice %arg11[%add3A_751, %dma_wait3A_762] : memref<10112x128xf32, #tpu.memory_space<vmem_shared>> -> memref<64x128xf32, #tpu.memory_space<vmem_shared>>
    %dma_wait3A_764 = arith.constant 0 : i32
    %dma_wait3A_765 = arith.constant 0 : i32
    %dma_wait3A_766 = tpu.memref_slice %arg7[%dma_wait3A_752, %dma_wait3A_764, %dma_wait3A_765] : memref<4x64x128xf32, #tpu.memory_space<vmem>> -> memref<1x64x128xf32, #tpu.memory_space<vmem>>
    %dma_wait3A_767 = tpu.memref_squeeze %dma_wait3A_766 : memref<1x64x128xf32, #tpu.memory_space<vmem>> -> memref<64x128xf32, #tpu.memory_space<vmem>>
    %dma_wait3A_768 = arith.constant 0 : i32
    %dma_wait3A_769 = arith.constant 0 : i32
    %dma_wait3A_770 = tpu.memref_slice %dma_wait3A_767[%dma_wait3A_768, %dma_wait3A_769] : memref<64x128xf32, #tpu.memory_space<vmem>> -> memref<64x128xf32, #tpu.memory_space<vmem>>
    tpu.wait_dma2 semaphore(%arg15 : memref<!tpu.dma_semaphore, #tpu.memory_space<semaphore_mem>>) src(%dma_wait3A_770 : memref<64x128xf32, #tpu.memory_space<vmem>>) dst(%dma_wait3A_763 : memref<64x128xf32, #tpu.memory_space<vmem_shared>>)
    %add3A_771 = arith.constant 576 : i32
    %add3A_772 = arith.addi %mul3A_371, %add3A_771 : i32
    %dma_wait3A_773 = arith.constant 0 : i32
    %dma_wait3A_774 = arith.constant 0 : i32
    %dma_wait3A_775 = arith.constant 0 : i32
    %dma_wait3A_776 = tpu.memref_slice %arg7[%dma_wait3A_773, %dma_wait3A_774, %dma_wait3A_775] : memref<4x64x128xf32, #tpu.memory_space<vmem>> -> memref<1x64x128xf32, #tpu.memory_space<vmem>>
    %dma_wait3A_777 = tpu.memref_squeeze %dma_wait3A_776 : memref<1x64x128xf32, #tpu.memory_space<vmem>> -> memref<64x128xf32, #tpu.memory_space<vmem>>
    %dma_wait3A_778 = arith.constant 0 : i32
    %dma_wait3A_779 = arith.constant 0 : i32
    %dma_wait3A_780 = tpu.memref_slice %dma_wait3A_777[%dma_wait3A_778, %dma_wait3A_779] : memref<64x128xf32, #tpu.memory_space<vmem>> -> memref<56x128xf32, #tpu.memory_space<vmem>>
    %dma_wait3A_781 = arith.constant 0 : i32
    %dma_wait3A_782 = tpu.memref_slice %arg11[%add3A_772, %dma_wait3A_781] : memref<10112x128xf32, #tpu.memory_space<vmem_shared>> -> memref<56x128xf32, #tpu.memory_space<vmem_shared>>
    %dma_wait3A_783 = arith.constant 0 : i32
    %dma_wait3A_784 = tpu.memref_slice %arg11[%add3A_772, %dma_wait3A_783] : memref<10112x128xf32, #tpu.memory_space<vmem_shared>> -> memref<56x128xf32, #tpu.memory_space<vmem_shared>>
    %dma_wait3A_785 = arith.constant 0 : i32
    %dma_wait3A_786 = arith.constant 0 : i32
    %dma_wait3A_787 = tpu.memref_slice %arg7[%dma_wait3A_773, %dma_wait3A_785, %dma_wait3A_786] : memref<4x64x128xf32, #tpu.memory_space<vmem>> -> memref<1x64x128xf32, #tpu.memory_space<vmem>>
    %dma_wait3A_788 = tpu.memref_squeeze %dma_wait3A_787 : memref<1x64x128xf32, #tpu.memory_space<vmem>> -> memref<64x128xf32, #tpu.memory_space<vmem>>
    %dma_wait3A_789 = arith.constant 0 : i32
    %dma_wait3A_790 = arith.constant 0 : i32
    %dma_wait3A_791 = tpu.memref_slice %dma_wait3A_788[%dma_wait3A_789, %dma_wait3A_790] : memref<64x128xf32, #tpu.memory_space<vmem>> -> memref<56x128xf32, #tpu.memory_space<vmem>>
    tpu.wait_dma2 semaphore(%arg15 : memref<!tpu.dma_semaphore, #tpu.memory_space<semaphore_mem>>) src(%dma_wait3A_791 : memref<56x128xf32, #tpu.memory_space<vmem>>) dst(%dma_wait3A_784 : memref<56x128xf32, #tpu.memory_space<vmem_shared>>)
    %add3A_792 = arith.constant 0 : i32
    %add3A_793 = arith.addi %mul3A_2, %add3A_792 : i32
    %dma_wait3A_794 = arith.constant 0 : i32
    %dma_wait3A_795 = arith.constant 0 : i32
    %dma_wait3A_796 = arith.constant 0 : i32
    %dma_wait3A_797 = tpu.memref_slice %arg5[%dma_wait3A_794, %dma_wait3A_796] : memref<8x64xi32, #tpu.memory_space<vmem>> -> memref<1x64xi32, #tpu.memory_space<vmem>>
    %dma_wait3A_798 = tpu.memref_squeeze %dma_wait3A_797 : memref<1x64xi32, #tpu.memory_space<vmem>> -> memref<64xi32, #tpu.memory_space<vmem>>
    %dma_wait3A_799 = tpu.memref_slice %arg2[%add3A_793] : memref<640000xi32, #tpu.memory_space<hbm>> -> memref<64xi32, #tpu.memory_space<hbm>>
    %dma_wait3A_800 = tpu.memref_slice %arg12[%dma_wait3A_795] : memref<8x!tpu.dma_semaphore, #tpu.memory_space<semaphore_mem>> -> memref<1x!tpu.dma_semaphore, #tpu.memory_space<semaphore_mem>>
    %dma_wait3A_801 = tpu.memref_squeeze %dma_wait3A_800 : memref<1x!tpu.dma_semaphore, #tpu.memory_space<semaphore_mem>> -> memref<!tpu.dma_semaphore, #tpu.memory_space<semaphore_mem>>
    %dma_wait3A_802 = arith.constant 0 : i32
    %dma_wait3A_803 = tpu.memref_slice %arg5[%dma_wait3A_794, %dma_wait3A_802] : memref<8x64xi32, #tpu.memory_space<vmem>> -> memref<1x64xi32, #tpu.memory_space<vmem>>
    %dma_wait3A_804 = tpu.memref_squeeze %dma_wait3A_803 : memref<1x64xi32, #tpu.memory_space<vmem>> -> memref<64xi32, #tpu.memory_space<vmem>>
    %dma_wait3A_805 = tpu.memref_slice %arg2[%add3A_793] : memref<640000xi32, #tpu.memory_space<hbm>> -> memref<64xi32, #tpu.memory_space<hbm>>
    tpu.wait_dma2 semaphore(%dma_wait3A_801 : memref<!tpu.dma_semaphore, #tpu.memory_space<semaphore_mem>>) src(%dma_wait3A_805 : memref<64xi32, #tpu.memory_space<hbm>>) dst(%dma_wait3A_804 : memref<64xi32, #tpu.memory_space<vmem>>)
    %add3A_806 = arith.constant 320000 : i32
    %add3A_807 = arith.addi %add3A_806, %add3A_793 : i32
    %dma_wait3A_808 = arith.constant 0 : i32
    %dma_wait3A_809 = arith.constant 0 : i32
    %dma_wait3A_810 = arith.constant 0 : i32
    %dma_wait3A_811 = tpu.memref_slice %arg6[%dma_wait3A_808, %dma_wait3A_810] : memref<8x64xi32, #tpu.memory_space<vmem>> -> memref<1x64xi32, #tpu.memory_space<vmem>>
    %dma_wait3A_812 = tpu.memref_squeeze %dma_wait3A_811 : memref<1x64xi32, #tpu.memory_space<vmem>> -> memref<64xi32, #tpu.memory_space<vmem>>
    %dma_wait3A_813 = tpu.memref_slice %arg2[%add3A_807] : memref<640000xi32, #tpu.memory_space<hbm>> -> memref<64xi32, #tpu.memory_space<hbm>>
    %dma_wait3A_814 = tpu.memref_slice %arg12[%dma_wait3A_809] : memref<8x!tpu.dma_semaphore, #tpu.memory_space<semaphore_mem>> -> memref<1x!tpu.dma_semaphore, #tpu.memory_space<semaphore_mem>>
    %dma_wait3A_815 = tpu.memref_squeeze %dma_wait3A_814 : memref<1x!tpu.dma_semaphore, #tpu.memory_space<semaphore_mem>> -> memref<!tpu.dma_semaphore, #tpu.memory_space<semaphore_mem>>
    %dma_wait3A_816 = arith.constant 0 : i32
    %dma_wait3A_817 = tpu.memref_slice %arg6[%dma_wait3A_808, %dma_wait3A_816] : memref<8x64xi32, #tpu.memory_space<vmem>> -> memref<1x64xi32, #tpu.memory_space<vmem>>
    %dma_wait3A_818 = tpu.memref_squeeze %dma_wait3A_817 : memref<1x64xi32, #tpu.memory_space<vmem>> -> memref<64xi32, #tpu.memory_space<vmem>>
    %dma_wait3A_819 = tpu.memref_slice %arg2[%add3A_807] : memref<640000xi32, #tpu.memory_space<hbm>> -> memref<64xi32, #tpu.memory_space<hbm>>
    tpu.wait_dma2 semaphore(%dma_wait3A_815 : memref<!tpu.dma_semaphore, #tpu.memory_space<semaphore_mem>>) src(%dma_wait3A_819 : memref<64xi32, #tpu.memory_space<hbm>>) dst(%dma_wait3A_818 : memref<64xi32, #tpu.memory_space<vmem>>)
    %dma_start3A_820 = arith.constant 0 : i32
    %dma_start3A_821 = arith.constant 0 : i32
    %dma_start3A_822 = arith.constant 0 : i32
    %dma_start3A_823 = arith.constant 0 : i32
    %dma_start3A_824 = arith.constant 0 : i32
    %dma_start3A_825 = tpu.memref_slice %arg7[%dma_start3A_821, %dma_start3A_823, %dma_start3A_824] : memref<4x64x128xf32, #tpu.memory_space<vmem>> -> memref<1x64x128xf32, #tpu.memory_space<vmem>>
    %dma_start3A_826 = tpu.memref_squeeze %dma_start3A_825 : memref<1x64x128xf32, #tpu.memory_space<vmem>> -> memref<64x128xf32, #tpu.memory_space<vmem>>
    %dma_start3A_827 = arith.constant 0 : i32
    %dma_start3A_828 = tpu.memref_slice %arg5[%dma_start3A_820, %dma_start3A_827] : memref<8x64xi32, #tpu.memory_space<vmem>> -> memref<1x64xi32, #tpu.memory_space<vmem>>
    %dma_start3A_829 = tpu.memref_squeeze %dma_start3A_828 : memref<1x64xi32, #tpu.memory_space<vmem>> -> memref<64xi32, #tpu.memory_space<vmem>>
    %dma_start3A_830 = arith.constant 0 : i32
    %dma_start3A_831 = arith.constant 0 : i32
    %dma_start3A_832 = tpu.memref_slice %arg3[%dma_start3A_830, %dma_start3A_831] : memref<10000x128xf32, #tpu.memory_space<hbm>> -> memref<10000x128xf32, #tpu.memory_space<hbm>>
    %dma_start3A_833 = tpu.memref_slice %arg13[%dma_start3A_822] : memref<4x!tpu.dma_semaphore, #tpu.memory_space<semaphore_mem>> -> memref<1x!tpu.dma_semaphore, #tpu.memory_space<semaphore_mem>>
    %dma_start3A_834 = tpu.memref_squeeze %dma_start3A_833 : memref<1x!tpu.dma_semaphore, #tpu.memory_space<semaphore_mem>> -> memref<!tpu.dma_semaphore, #tpu.memory_space<semaphore_mem>>
    tpu.enqueue_indirect_dma source(%dma_start3A_832 : memref<10000x128xf32, #tpu.memory_space<hbm>>) target(%dma_start3A_826 : memref<64x128xf32, #tpu.memory_space<vmem>>) offsets(%dma_start3A_829 : memref<64xi32, #tpu.memory_space<vmem>>) semaphore(%dma_start3A_834 : memref<!tpu.dma_semaphore, #tpu.memory_space<semaphore_mem>>)
    %barrier3A = arith.constant 0 : index
    tpu.barrier barrier_id(%barrier3A)
    %scan3A_835 = arith.constant 0 : i32
    %scan3A_836 = arith.constant 19 : i32
    %scan3A_837 = arith.addi %scan3A_835, %scan3A_836 : i32
    %scan3A_838 = arith.constant 1 : i32
    scf.for %scan3A_921 = %scan3A_835 to %scan3A_837 step %scan3A_838  : i32 {
      %mul3A_922 = arith.constant 8 : i32
      %mul3A_923 = arith.muli %scan3A_921, %mul3A_922 : i32
      %add3A_924 = arith.constant 0 : i32
      %add3A_925 = arith.addi %add3A_924, %mul3A_923 : i32
      %dma_wait3A_926 = arith.constant 0 : i32
      %dma_wait3A_927 = arith.constant 0 : i32
      %dma_wait3A_928 = arith.constant 0 : i32
      %dma_wait3A_929 = arith.constant 0 : i32
      %dma_wait3A_930 = arith.constant 0 : i32
      %dma_wait3A_931 = tpu.memref_slice %arg7[%dma_wait3A_927, %dma_wait3A_929, %dma_wait3A_930] : memref<4x64x128xf32, #tpu.memory_space<vmem>> -> memref<1x64x128xf32, #tpu.memory_space<vmem>>
      %dma_wait3A_932 = tpu.memref_squeeze %dma_wait3A_931 : memref<1x64x128xf32, #tpu.memory_space<vmem>> -> memref<64x128xf32, #tpu.memory_space<vmem>>
      %dma_wait3A_933 = arith.constant 0 : i32
      %dma_wait3A_934 = tpu.memref_slice %arg5[%dma_wait3A_926, %dma_wait3A_933] : memref<8x64xi32, #tpu.memory_space<vmem>> -> memref<1x64xi32, #tpu.memory_space<vmem>>
      %dma_wait3A_935 = tpu.memref_squeeze %dma_wait3A_934 : memref<1x64xi32, #tpu.memory_space<vmem>> -> memref<64xi32, #tpu.memory_space<vmem>>
      %dma_wait3A_936 = arith.constant 0 : i32
      %dma_wait3A_937 = arith.constant 0 : i32
      %dma_wait3A_938 = tpu.memref_slice %arg3[%dma_wait3A_936, %dma_wait3A_937] : memref<10000x128xf32, #tpu.memory_space<hbm>> -> memref<10000x128xf32, #tpu.memory_space<hbm>>
      %dma_wait3A_939 = tpu.memref_slice %arg13[%dma_wait3A_928] : memref<4x!tpu.dma_semaphore, #tpu.memory_space<semaphore_mem>> -> memref<1x!tpu.dma_semaphore, #tpu.memory_space<semaphore_mem>>
      %dma_wait3A_940 = tpu.memref_squeeze %dma_wait3A_939 : memref<1x!tpu.dma_semaphore, #tpu.memory_space<semaphore_mem>> -> memref<!tpu.dma_semaphore, #tpu.memory_space<semaphore_mem>>
      tpu.wait_indirect_dma semaphore(%dma_wait3A_940 : memref<!tpu.dma_semaphore, #tpu.memory_space<semaphore_mem>>) src(%dma_wait3A_938 : memref<10000x128xf32, #tpu.memory_space<hbm>>) dst(%dma_wait3A_932 : memref<64x128xf32, #tpu.memory_space<vmem>>)
      %run_scoped3A_941 = arith.constant 0 : i32
      %run_scoped3A_942 = arith.constant 0 : i32
      "tpu.region"() ({
        %run_scoped3A_1611 = tpu.sem_alloc : memref<!tpu.dma_semaphore, #tpu.memory_space<semaphore_mem>>
        %dma_start3A_1612 = arith.constant 0 : i32
        %dma_start3A_1613 = arith.constant 0 : i32
        %dma_start3A_1614 = tpu.memref_slice %arg7[%run_scoped3A_941, %dma_start3A_1612, %dma_start3A_1613] : memref<4x64x128xf32, #tpu.memory_space<vmem>> -> memref<1x64x128xf32, #tpu.memory_space<vmem>>
        %dma_start3A_1615 = tpu.memref_squeeze %dma_start3A_1614 : memref<1x64x128xf32, #tpu.memory_space<vmem>> -> memref<64x128xf32, #tpu.memory_space<vmem>>
        %dma_start3A_1616 = arith.constant 0 : i32
        %dma_start3A_1617 = tpu.memref_slice %arg6[%run_scoped3A_942, %dma_start3A_1616] : memref<8x64xi32, #tpu.memory_space<vmem>> -> memref<1x64xi32, #tpu.memory_space<vmem>>
        %dma_start3A_1618 = tpu.memref_squeeze %dma_start3A_1617 : memref<1x64xi32, #tpu.memory_space<vmem>> -> memref<64xi32, #tpu.memory_space<vmem>>
        %dma_start3A_1619 = arith.constant 0 : i32
        %dma_start3A_1620 = arith.constant 0 : i32
        %dma_start3A_1621 = tpu.memref_slice %arg11[%dma_start3A_1619, %dma_start3A_1620] : memref<10112x128xf32, #tpu.memory_space<vmem_shared>> -> memref<10112x128xf32, #tpu.memory_space<vmem_shared>>
        tpu.enqueue_indirect_dma source(%dma_start3A_1615 : memref<64x128xf32, #tpu.memory_space<vmem>>) target(%dma_start3A_1621 : memref<10112x128xf32, #tpu.memory_space<vmem_shared>>) offsets(%dma_start3A_1618 : memref<64xi32, #tpu.memory_space<vmem>>) semaphore(%run_scoped3A_1611 : memref<!tpu.dma_semaphore, #tpu.memory_space<semaphore_mem>>) {add = true}
        %dma_wait3A_1622 = arith.constant 0 : i32
        %dma_wait3A_1623 = arith.constant 0 : i32
        %dma_wait3A_1624 = tpu.memref_slice %arg7[%run_scoped3A_941, %dma_wait3A_1622, %dma_wait3A_1623] : memref<4x64x128xf32, #tpu.memory_space<vmem>> -> memref<1x64x128xf32, #tpu.memory_space<vmem>>
        %dma_wait3A_1625 = tpu.memref_squeeze %dma_wait3A_1624 : memref<1x64x128xf32, #tpu.memory_space<vmem>> -> memref<64x128xf32, #tpu.memory_space<vmem>>
        %dma_wait3A_1626 = arith.constant 0 : i32
        %dma_wait3A_1627 = tpu.memref_slice %arg6[%run_scoped3A_942, %dma_wait3A_1626] : memref<8x64xi32, #tpu.memory_space<vmem>> -> memref<1x64xi32, #tpu.memory_space<vmem>>
        %dma_wait3A_1628 = tpu.memref_squeeze %dma_wait3A_1627 : memref<1x64xi32, #tpu.memory_space<vmem>> -> memref<64xi32, #tpu.memory_space<vmem>>
        %dma_wait3A_1629 = arith.constant 0 : i32
        %dma_wait3A_1630 = arith.constant 0 : i32
        %dma_wait3A_1631 = tpu.memref_slice %arg11[%dma_wait3A_1629, %dma_wait3A_1630] : memref<10112x128xf32, #tpu.memory_space<vmem_shared>> -> memref<10112x128xf32, #tpu.memory_space<vmem_shared>>
        tpu.wait_indirect_dma semaphore(%run_scoped3A_1611 : memref<!tpu.dma_semaphore, #tpu.memory_space<semaphore_mem>>) src(%dma_wait3A_1625 : memref<64x128xf32, #tpu.memory_space<vmem>>) dst(%dma_wait3A_1631 : memref<10112x128xf32, #tpu.memory_space<vmem_shared>>)
        tpu.yield
      }) : () -> ()
      %add3A_943 = arith.constant 0 : i32
      %add3A_944 = arith.addi %add3A_925, %add3A_943 : i32
      %add3A_945 = arith.constant 8 : i32
      %add3A_946 = arith.addi %add3A_944, %add3A_945 : i32
      %mul3A_947 = arith.constant 64 : i32
      %mul3A_948 = arith.muli %add3A_946, %mul3A_947 : i32
      %add3A_949 = arith.addi %mul3A_2, %mul3A_948 : i32
      %dma_start3A_950 = arith.constant 0 : i32
      %dma_start3A_951 = arith.constant 0 : i32
      %dma_start3A_952 = arith.constant 0 : i32
      %dma_start3A_953 = tpu.memref_slice %arg5[%dma_start3A_950, %dma_start3A_952] : memref<8x64xi32, #tpu.memory_space<vmem>> -> memref<1x64xi32, #tpu.memory_space<vmem>>
      %dma_start3A_954 = tpu.memref_squeeze %dma_start3A_953 : memref<1x64xi32, #tpu.memory_space<vmem>> -> memref<64xi32, #tpu.memory_space<vmem>>
      %dma_start3A_955 = tpu.memref_slice %arg2[%add3A_949] : memref<640000xi32, #tpu.memory_space<hbm>> -> memref<64xi32, #tpu.memory_space<hbm>>
      %dma_start3A_956 = tpu.memref_slice %arg12[%dma_start3A_951] : memref<8x!tpu.dma_semaphore, #tpu.memory_space<semaphore_mem>> -> memref<1x!tpu.dma_semaphore, #tpu.memory_space<semaphore_mem>>
      %dma_start3A_957 = tpu.memref_squeeze %dma_start3A_956 : memref<1x!tpu.dma_semaphore, #tpu.memory_space<semaphore_mem>> -> memref<!tpu.dma_semaphore, #tpu.memory_space<semaphore_mem>>
      %dma_start3A_958 = arith.constant 0 : i32
      %dma_start3A_959 = tpu.memref_slice %arg5[%dma_start3A_950, %dma_start3A_958] : memref<8x64xi32, #tpu.memory_space<vmem>> -> memref<1x64xi32, #tpu.memory_space<vmem>>
      %dma_start3A_960 = tpu.memref_squeeze %dma_start3A_959 : memref<1x64xi32, #tpu.memory_space<vmem>> -> memref<64xi32, #tpu.memory_space<vmem>>
      %dma_start3A_961 = tpu.memref_slice %arg2[%add3A_949] : memref<640000xi32, #tpu.memory_space<hbm>> -> memref<64xi32, #tpu.memory_space<hbm>>
      tpu.enqueue_dma source(%dma_start3A_961 : memref<64xi32, #tpu.memory_space<hbm>>) target(%dma_start3A_960 : memref<64xi32, #tpu.memory_space<vmem>>) target_semaphore(%dma_start3A_957 : memref<!tpu.dma_semaphore, #tpu.memory_space<semaphore_mem>>)
      %add3A_962 = arith.constant 320000 : i32
      %add3A_963 = arith.addi %add3A_962, %add3A_949 : i32
      %dma_start3A_964 = arith.constant 0 : i32
      %dma_start3A_965 = arith.constant 0 : i32
      %dma_start3A_966 = arith.constant 0 : i32
      %dma_start3A_967 = tpu.memref_slice %arg6[%dma_start3A_964, %dma_start3A_966] : memref<8x64xi32, #tpu.memory_space<vmem>> -> memref<1x64xi32, #tpu.memory_space<vmem>>
      %dma_start3A_968 = tpu.memref_squeeze %dma_start3A_967 : memref<1x64xi32, #tpu.memory_space<vmem>> -> memref<64xi32, #tpu.memory_space<vmem>>
      %dma_start3A_969 = tpu.memref_slice %arg2[%add3A_963] : memref<640000xi32, #tpu.memory_space<hbm>> -> memref<64xi32, #tpu.memory_space<hbm>>
      %dma_start3A_970 = tpu.memref_slice %arg12[%dma_start3A_965] : memref<8x!tpu.dma_semaphore, #tpu.memory_space<semaphore_mem>> -> memref<1x!tpu.dma_semaphore, #tpu.memory_space<semaphore_mem>>
      %dma_start3A_971 = tpu.memref_squeeze %dma_start3A_970 : memref<1x!tpu.dma_semaphore, #tpu.memory_space<semaphore_mem>> -> memref<!tpu.dma_semaphore, #tpu.memory_space<semaphore_mem>>
      %dma_start3A_972 = arith.constant 0 : i32
      %dma_start3A_973 = tpu.memref_slice %arg6[%dma_start3A_964, %dma_start3A_972] : memref<8x64xi32, #tpu.memory_space<vmem>> -> memref<1x64xi32, #tpu.memory_space<vmem>>
      %dma_start3A_974 = tpu.memref_squeeze %dma_start3A_973 : memref<1x64xi32, #tpu.memory_space<vmem>> -> memref<64xi32, #tpu.memory_space<vmem>>
      %dma_start3A_975 = tpu.memref_slice %arg2[%add3A_963] : memref<640000xi32, #tpu.memory_space<hbm>> -> memref<64xi32, #tpu.memory_space<hbm>>
      tpu.enqueue_dma source(%dma_start3A_975 : memref<64xi32, #tpu.memory_space<hbm>>) target(%dma_start3A_974 : memref<64xi32, #tpu.memory_space<vmem>>) target_semaphore(%dma_start3A_971 : memref<!tpu.dma_semaphore, #tpu.memory_space<semaphore_mem>>)
      %add3A_976 = arith.constant 0 : i32
      %add3A_977 = arith.addi %add3A_925, %add3A_976 : i32
      %add3A_978 = arith.constant 4 : i32
      %add3A_979 = arith.addi %add3A_977, %add3A_978 : i32
      %mul3A_980 = arith.constant 64 : i32
      %mul3A_981 = arith.muli %add3A_979, %mul3A_980 : i32
      %add3A_982 = arith.addi %mul3A_2, %mul3A_981 : i32
      %dma_wait3A_983 = arith.constant 4 : i32
      %dma_wait3A_984 = arith.constant 4 : i32
      %dma_wait3A_985 = arith.constant 0 : i32
      %dma_wait3A_986 = tpu.memref_slice %arg5[%dma_wait3A_983, %dma_wait3A_985] : memref<8x64xi32, #tpu.memory_space<vmem>> -> memref<1x64xi32, #tpu.memory_space<vmem>>
      %dma_wait3A_987 = tpu.memref_squeeze %dma_wait3A_986 : memref<1x64xi32, #tpu.memory_space<vmem>> -> memref<64xi32, #tpu.memory_space<vmem>>
      %dma_wait3A_988 = tpu.memref_slice %arg2[%add3A_982] : memref<640000xi32, #tpu.memory_space<hbm>> -> memref<64xi32, #tpu.memory_space<hbm>>
      %dma_wait3A_989 = tpu.memref_slice %arg12[%dma_wait3A_984] : memref<8x!tpu.dma_semaphore, #tpu.memory_space<semaphore_mem>> -> memref<1x!tpu.dma_semaphore, #tpu.memory_space<semaphore_mem>>
      %dma_wait3A_990 = tpu.memref_squeeze %dma_wait3A_989 : memref<1x!tpu.dma_semaphore, #tpu.memory_space<semaphore_mem>> -> memref<!tpu.dma_semaphore, #tpu.memory_space<semaphore_mem>>
      %dma_wait3A_991 = arith.constant 0 : i32
      %dma_wait3A_992 = tpu.memref_slice %arg5[%dma_wait3A_983, %dma_wait3A_991] : memref<8x64xi32, #tpu.memory_space<vmem>> -> memref<1x64xi32, #tpu.memory_space<vmem>>
      %dma_wait3A_993 = tpu.memref_squeeze %dma_wait3A_992 : memref<1x64xi32, #tpu.memory_space<vmem>> -> memref<64xi32, #tpu.memory_space<vmem>>
      %dma_wait3A_994 = tpu.memref_slice %arg2[%add3A_982] : memref<640000xi32, #tpu.memory_space<hbm>> -> memref<64xi32, #tpu.memory_space<hbm>>
      tpu.wait_dma2 semaphore(%dma_wait3A_990 : memref<!tpu.dma_semaphore, #tpu.memory_space<semaphore_mem>>) src(%dma_wait3A_994 : memref<64xi32, #tpu.memory_space<hbm>>) dst(%dma_wait3A_993 : memref<64xi32, #tpu.memory_space<vmem>>)
      %add3A_995 = arith.constant 320000 : i32
      %add3A_996 = arith.addi %add3A_995, %add3A_982 : i32
      %dma_wait3A_997 = arith.constant 4 : i32
      %dma_wait3A_998 = arith.constant 4 : i32
      %dma_wait3A_999 = arith.constant 0 : i32
      %dma_wait3A_1000 = tpu.memref_slice %arg6[%dma_wait3A_997, %dma_wait3A_999] : memref<8x64xi32, #tpu.memory_space<vmem>> -> memref<1x64xi32, #tpu.memory_space<vmem>>
      %dma_wait3A_1001 = tpu.memref_squeeze %dma_wait3A_1000 : memref<1x64xi32, #tpu.memory_space<vmem>> -> memref<64xi32, #tpu.memory_space<vmem>>
      %dma_wait3A_1002 = tpu.memref_slice %arg2[%add3A_996] : memref<640000xi32, #tpu.memory_space<hbm>> -> memref<64xi32, #tpu.memory_space<hbm>>
      %dma_wait3A_1003 = tpu.memref_slice %arg12[%dma_wait3A_998] : memref<8x!tpu.dma_semaphore, #tpu.memory_space<semaphore_mem>> -> memref<1x!tpu.dma_semaphore, #tpu.memory_space<semaphore_mem>>
      %dma_wait3A_1004 = tpu.memref_squeeze %dma_wait3A_1003 : memref<1x!tpu.dma_semaphore, #tpu.memory_space<semaphore_mem>> -> memref<!tpu.dma_semaphore, #tpu.memory_space<semaphore_mem>>
      %dma_wait3A_1005 = arith.constant 0 : i32
      %dma_wait3A_1006 = tpu.memref_slice %arg6[%dma_wait3A_997, %dma_wait3A_1005] : memref<8x64xi32, #tpu.memory_space<vmem>> -> memref<1x64xi32, #tpu.memory_space<vmem>>
      %dma_wait3A_1007 = tpu.memref_squeeze %dma_wait3A_1006 : memref<1x64xi32, #tpu.memory_space<vmem>> -> memref<64xi32, #tpu.memory_space<vmem>>
      %dma_wait3A_1008 = tpu.memref_slice %arg2[%add3A_996] : memref<640000xi32, #tpu.memory_space<hbm>> -> memref<64xi32, #tpu.memory_space<hbm>>
      tpu.wait_dma2 semaphore(%dma_wait3A_1004 : memref<!tpu.dma_semaphore, #tpu.memory_space<semaphore_mem>>) src(%dma_wait3A_1008 : memref<64xi32, #tpu.memory_space<hbm>>) dst(%dma_wait3A_1007 : memref<64xi32, #tpu.memory_space<vmem>>)
      %dma_start3A_1009 = arith.constant 4 : i32
      %dma_start3A_1010 = arith.constant 0 : i32
      %dma_start3A_1011 = arith.constant 0 : i32
      %dma_start3A_1012 = arith.constant 0 : i32
      %dma_start3A_1013 = arith.constant 0 : i32
      %dma_start3A_1014 = tpu.memref_slice %arg7[%dma_start3A_1010, %dma_start3A_1012, %dma_start3A_1013] : memref<4x64x128xf32, #tpu.memory_space<vmem>> -> memref<1x64x128xf32, #tpu.memory_space<vmem>>
      %dma_start3A_1015 = tpu.memref_squeeze %dma_start3A_1014 : memref<1x64x128xf32, #tpu.memory_space<vmem>> -> memref<64x128xf32, #tpu.memory_space<vmem>>
      %dma_start3A_1016 = arith.constant 0 : i32
      %dma_start3A_1017 = tpu.memref_slice %arg5[%dma_start3A_1009, %dma_start3A_1016] : memref<8x64xi32, #tpu.memory_space<vmem>> -> memref<1x64xi32, #tpu.memory_space<vmem>>
      %dma_start3A_1018 = tpu.memref_squeeze %dma_start3A_1017 : memref<1x64xi32, #tpu.memory_space<vmem>> -> memref<64xi32, #tpu.memory_space<vmem>>
      %dma_start3A_1019 = arith.constant 0 : i32
      %dma_start3A_1020 = arith.constant 0 : i32
      %dma_start3A_1021 = tpu.memref_slice %arg3[%dma_start3A_1019, %dma_start3A_1020] : memref<10000x128xf32, #tpu.memory_space<hbm>> -> memref<10000x128xf32, #tpu.memory_space<hbm>>
      %dma_start3A_1022 = tpu.memref_slice %arg13[%dma_start3A_1011] : memref<4x!tpu.dma_semaphore, #tpu.memory_space<semaphore_mem>> -> memref<1x!tpu.dma_semaphore, #tpu.memory_space<semaphore_mem>>
      %dma_start3A_1023 = tpu.memref_squeeze %dma_start3A_1022 : memref<1x!tpu.dma_semaphore, #tpu.memory_space<semaphore_mem>> -> memref<!tpu.dma_semaphore, #tpu.memory_space<semaphore_mem>>
      tpu.enqueue_indirect_dma source(%dma_start3A_1021 : memref<10000x128xf32, #tpu.memory_space<hbm>>) target(%dma_start3A_1015 : memref<64x128xf32, #tpu.memory_space<vmem>>) offsets(%dma_start3A_1018 : memref<64xi32, #tpu.memory_space<vmem>>) semaphore(%dma_start3A_1023 : memref<!tpu.dma_semaphore, #tpu.memory_space<semaphore_mem>>)
      %dma_wait3A_1024 = arith.constant 1 : i32
      %dma_wait3A_1025 = arith.constant 1 : i32
      %dma_wait3A_1026 = arith.constant 1 : i32
      %dma_wait3A_1027 = arith.constant 0 : i32
      %dma_wait3A_1028 = arith.constant 0 : i32
      %dma_wait3A_1029 = tpu.memref_slice %arg7[%dma_wait3A_1025, %dma_wait3A_1027, %dma_wait3A_1028] : memref<4x64x128xf32, #tpu.memory_space<vmem>> -> memref<1x64x128xf32, #tpu.memory_space<vmem>>
      %dma_wait3A_1030 = tpu.memref_squeeze %dma_wait3A_1029 : memref<1x64x128xf32, #tpu.memory_space<vmem>> -> memref<64x128xf32, #tpu.memory_space<vmem>>
      %dma_wait3A_1031 = arith.constant 0 : i32
      %dma_wait3A_1032 = tpu.memref_slice %arg5[%dma_wait3A_1024, %dma_wait3A_1031] : memref<8x64xi32, #tpu.memory_space<vmem>> -> memref<1x64xi32, #tpu.memory_space<vmem>>
      %dma_wait3A_1033 = tpu.memref_squeeze %dma_wait3A_1032 : memref<1x64xi32, #tpu.memory_space<vmem>> -> memref<64xi32, #tpu.memory_space<vmem>>
      %dma_wait3A_1034 = arith.constant 0 : i32
      %dma_wait3A_1035 = arith.constant 0 : i32
      %dma_wait3A_1036 = tpu.memref_slice %arg3[%dma_wait3A_1034, %dma_wait3A_1035] : memref<10000x128xf32, #tpu.memory_space<hbm>> -> memref<10000x128xf32, #tpu.memory_space<hbm>>
      %dma_wait3A_1037 = tpu.memref_slice %arg13[%dma_wait3A_1026] : memref<4x!tpu.dma_semaphore, #tpu.memory_space<semaphore_mem>> -> memref<1x!tpu.dma_semaphore, #tpu.memory_space<semaphore_mem>>
      %dma_wait3A_1038 = tpu.memref_squeeze %dma_wait3A_1037 : memref<1x!tpu.dma_semaphore, #tpu.memory_space<semaphore_mem>> -> memref<!tpu.dma_semaphore, #tpu.memory_space<semaphore_mem>>
      tpu.wait_indirect_dma semaphore(%dma_wait3A_1038 : memref<!tpu.dma_semaphore, #tpu.memory_space<semaphore_mem>>) src(%dma_wait3A_1036 : memref<10000x128xf32, #tpu.memory_space<hbm>>) dst(%dma_wait3A_1030 : memref<64x128xf32, #tpu.memory_space<vmem>>)
      %run_scoped3A_1039 = arith.constant 1 : i32
      %run_scoped3A_1040 = arith.constant 1 : i32
      "tpu.region"() ({
        %run_scoped3A_1611 = tpu.sem_alloc : memref<!tpu.dma_semaphore, #tpu.memory_space<semaphore_mem>>
        %dma_start3A_1612 = arith.constant 0 : i32
        %dma_start3A_1613 = arith.constant 0 : i32
        %dma_start3A_1614 = tpu.memref_slice %arg7[%run_scoped3A_1039, %dma_start3A_1612, %dma_start3A_1613] : memref<4x64x128xf32, #tpu.memory_space<vmem>> -> memref<1x64x128xf32, #tpu.memory_space<vmem>>
        %dma_start3A_1615 = tpu.memref_squeeze %dma_start3A_1614 : memref<1x64x128xf32, #tpu.memory_space<vmem>> -> memref<64x128xf32, #tpu.memory_space<vmem>>
        %dma_start3A_1616 = arith.constant 0 : i32
        %dma_start3A_1617 = tpu.memref_slice %arg6[%run_scoped3A_1040, %dma_start3A_1616] : memref<8x64xi32, #tpu.memory_space<vmem>> -> memref<1x64xi32, #tpu.memory_space<vmem>>
        %dma_start3A_1618 = tpu.memref_squeeze %dma_start3A_1617 : memref<1x64xi32, #tpu.memory_space<vmem>> -> memref<64xi32, #tpu.memory_space<vmem>>
        %dma_start3A_1619 = arith.constant 0 : i32
        %dma_start3A_1620 = arith.constant 0 : i32
        %dma_start3A_1621 = tpu.memref_slice %arg11[%dma_start3A_1619, %dma_start3A_1620] : memref<10112x128xf32, #tpu.memory_space<vmem_shared>> -> memref<10112x128xf32, #tpu.memory_space<vmem_shared>>
        tpu.enqueue_indirect_dma source(%dma_start3A_1615 : memref<64x128xf32, #tpu.memory_space<vmem>>) target(%dma_start3A_1621 : memref<10112x128xf32, #tpu.memory_space<vmem_shared>>) offsets(%dma_start3A_1618 : memref<64xi32, #tpu.memory_space<vmem>>) semaphore(%run_scoped3A_1611 : memref<!tpu.dma_semaphore, #tpu.memory_space<semaphore_mem>>) {add = true}
        %dma_wait3A_1622 = arith.constant 0 : i32
        %dma_wait3A_1623 = arith.constant 0 : i32
        %dma_wait3A_1624 = tpu.memref_slice %arg7[%run_scoped3A_1039, %dma_wait3A_1622, %dma_wait3A_1623] : memref<4x64x128xf32, #tpu.memory_space<vmem>> -> memref<1x64x128xf32, #tpu.memory_space<vmem>>
        %dma_wait3A_1625 = tpu.memref_squeeze %dma_wait3A_1624 : memref<1x64x128xf32, #tpu.memory_space<vmem>> -> memref<64x128xf32, #tpu.memory_space<vmem>>
        %dma_wait3A_1626 = arith.constant 0 : i32
        %dma_wait3A_1627 = tpu.memref_slice %arg6[%run_scoped3A_1040, %dma_wait3A_1626] : memref<8x64xi32, #tpu.memory_space<vmem>> -> memref<1x64xi32, #tpu.memory_space<vmem>>
        %dma_wait3A_1628 = tpu.memref_squeeze %dma_wait3A_1627 : memref<1x64xi32, #tpu.memory_space<vmem>> -> memref<64xi32, #tpu.memory_space<vmem>>
        %dma_wait3A_1629 = arith.constant 0 : i32
        %dma_wait3A_1630 = arith.constant 0 : i32
        %dma_wait3A_1631 = tpu.memref_slice %arg11[%dma_wait3A_1629, %dma_wait3A_1630] : memref<10112x128xf32, #tpu.memory_space<vmem_shared>> -> memref<10112x128xf32, #tpu.memory_space<vmem_shared>>
        tpu.wait_indirect_dma semaphore(%run_scoped3A_1611 : memref<!tpu.dma_semaphore, #tpu.memory_space<semaphore_mem>>) src(%dma_wait3A_1625 : memref<64x128xf32, #tpu.memory_space<vmem>>) dst(%dma_wait3A_1631 : memref<10112x128xf32, #tpu.memory_space<vmem_shared>>)
        tpu.yield
      }) : () -> ()
      %add3A_1041 = arith.constant 1 : i32
      %add3A_1042 = arith.addi %add3A_925, %add3A_1041 : i32
      %add3A_1043 = arith.constant 8 : i32
      %add3A_1044 = arith.addi %add3A_1042, %add3A_1043 : i32
      %mul3A_1045 = arith.constant 64 : i32
      %mul3A_1046 = arith.muli %add3A_1044, %mul3A_1045 : i32
      %add3A_1047 = arith.addi %mul3A_2, %mul3A_1046 : i32
      %dma_start3A_1048 = arith.constant 1 : i32
      %dma_start3A_1049 = arith.constant 1 : i32
      %dma_start3A_1050 = arith.constant 0 : i32
      %dma_start3A_1051 = tpu.memref_slice %arg5[%dma_start3A_1048, %dma_start3A_1050] : memref<8x64xi32, #tpu.memory_space<vmem>> -> memref<1x64xi32, #tpu.memory_space<vmem>>
      %dma_start3A_1052 = tpu.memref_squeeze %dma_start3A_1051 : memref<1x64xi32, #tpu.memory_space<vmem>> -> memref<64xi32, #tpu.memory_space<vmem>>
      %dma_start3A_1053 = tpu.memref_slice %arg2[%add3A_1047] : memref<640000xi32, #tpu.memory_space<hbm>> -> memref<64xi32, #tpu.memory_space<hbm>>
      %dma_start3A_1054 = tpu.memref_slice %arg12[%dma_start3A_1049] : memref<8x!tpu.dma_semaphore, #tpu.memory_space<semaphore_mem>> -> memref<1x!tpu.dma_semaphore, #tpu.memory_space<semaphore_mem>>
      %dma_start3A_1055 = tpu.memref_squeeze %dma_start3A_1054 : memref<1x!tpu.dma_semaphore, #tpu.memory_space<semaphore_mem>> -> memref<!tpu.dma_semaphore, #tpu.memory_space<semaphore_mem>>
      %dma_start3A_1056 = arith.constant 0 : i32
      %dma_start3A_1057 = tpu.memref_slice %arg5[%dma_start3A_1048, %dma_start3A_1056] : memref<8x64xi32, #tpu.memory_space<vmem>> -> memref<1x64xi32, #tpu.memory_space<vmem>>
      %dma_start3A_1058 = tpu.memref_squeeze %dma_start3A_1057 : memref<1x64xi32, #tpu.memory_space<vmem>> -> memref<64xi32, #tpu.memory_space<vmem>>
      %dma_start3A_1059 = tpu.memref_slice %arg2[%add3A_1047] : memref<640000xi32, #tpu.memory_space<hbm>> -> memref<64xi32, #tpu.memory_space<hbm>>
      tpu.enqueue_dma source(%dma_start3A_1059 : memref<64xi32, #tpu.memory_space<hbm>>) target(%dma_start3A_1058 : memref<64xi32, #tpu.memory_space<vmem>>) target_semaphore(%dma_start3A_1055 : memref<!tpu.dma_semaphore, #tpu.memory_space<semaphore_mem>>)
      %add3A_1060 = arith.constant 320000 : i32
      %add3A_1061 = arith.addi %add3A_1060, %add3A_1047 : i32
      %dma_start3A_1062 = arith.constant 1 : i32
      %dma_start3A_1063 = arith.constant 1 : i32
      %dma_start3A_1064 = arith.constant 0 : i32
      %dma_start3A_1065 = tpu.memref_slice %arg6[%dma_start3A_1062, %dma_start3A_1064] : memref<8x64xi32, #tpu.memory_space<vmem>> -> memref<1x64xi32, #tpu.memory_space<vmem>>
      %dma_start3A_1066 = tpu.memref_squeeze %dma_start3A_1065 : memref<1x64xi32, #tpu.memory_space<vmem>> -> memref<64xi32, #tpu.memory_space<vmem>>
      %dma_start3A_1067 = tpu.memref_slice %arg2[%add3A_1061] : memref<640000xi32, #tpu.memory_space<hbm>> -> memref<64xi32, #tpu.memory_space<hbm>>
      %dma_start3A_1068 = tpu.memref_slice %arg12[%dma_start3A_1063] : memref<8x!tpu.dma_semaphore, #tpu.memory_space<semaphore_mem>> -> memref<1x!tpu.dma_semaphore, #tpu.memory_space<semaphore_mem>>
      %dma_start3A_1069 = tpu.memref_squeeze %dma_start3A_1068 : memref<1x!tpu.dma_semaphore, #tpu.memory_space<semaphore_mem>> -> memref<!tpu.dma_semaphore, #tpu.memory_space<semaphore_mem>>
      %dma_start3A_1070 = arith.constant 0 : i32
      %dma_start3A_1071 = tpu.memref_slice %arg6[%dma_start3A_1062, %dma_start3A_1070] : memref<8x64xi32, #tpu.memory_space<vmem>> -> memref<1x64xi32, #tpu.memory_space<vmem>>
      %dma_start3A_1072 = tpu.memref_squeeze %dma_start3A_1071 : memref<1x64xi32, #tpu.memory_space<vmem>> -> memref<64xi32, #tpu.memory_space<vmem>>
      %dma_start3A_1073 = tpu.memref_slice %arg2[%add3A_1061] : memref<640000xi32, #tpu.memory_space<hbm>> -> memref<64xi32, #tpu.memory_space<hbm>>
      tpu.enqueue_dma source(%dma_start3A_1073 : memref<64xi32, #tpu.memory_space<hbm>>) target(%dma_start3A_1072 : memref<64xi32, #tpu.memory_space<vmem>>) target_semaphore(%dma_start3A_1069 : memref<!tpu.dma_semaphore, #tpu.memory_space<semaphore_mem>>)
      %add3A_1074 = arith.constant 1 : i32
      %add3A_1075 = arith.addi %add3A_925, %add3A_1074 : i32
      %add3A_1076 = arith.constant 4 : i32
      %add3A_1077 = arith.addi %add3A_1075, %add3A_1076 : i32
      %mul3A_1078 = arith.constant 64 : i32
      %mul3A_1079 = arith.muli %add3A_1077, %mul3A_1078 : i32
      %add3A_1080 = arith.addi %mul3A_2, %mul3A_1079 : i32
      %dma_wait3A_1081 = arith.constant 5 : i32
      %dma_wait3A_1082 = arith.constant 5 : i32
      %dma_wait3A_1083 = arith.constant 0 : i32
      %dma_wait3A_1084 = tpu.memref_slice %arg5[%dma_wait3A_1081, %dma_wait3A_1083] : memref<8x64xi32, #tpu.memory_space<vmem>> -> memref<1x64xi32, #tpu.memory_space<vmem>>
      %dma_wait3A_1085 = tpu.memref_squeeze %dma_wait3A_1084 : memref<1x64xi32, #tpu.memory_space<vmem>> -> memref<64xi32, #tpu.memory_space<vmem>>
      %dma_wait3A_1086 = tpu.memref_slice %arg2[%add3A_1080] : memref<640000xi32, #tpu.memory_space<hbm>> -> memref<64xi32, #tpu.memory_space<hbm>>
      %dma_wait3A_1087 = tpu.memref_slice %arg12[%dma_wait3A_1082] : memref<8x!tpu.dma_semaphore, #tpu.memory_space<semaphore_mem>> -> memref<1x!tpu.dma_semaphore, #tpu.memory_space<semaphore_mem>>
      %dma_wait3A_1088 = tpu.memref_squeeze %dma_wait3A_1087 : memref<1x!tpu.dma_semaphore, #tpu.memory_space<semaphore_mem>> -> memref<!tpu.dma_semaphore, #tpu.memory_space<semaphore_mem>>
      %dma_wait3A_1089 = arith.constant 0 : i32
      %dma_wait3A_1090 = tpu.memref_slice %arg5[%dma_wait3A_1081, %dma_wait3A_1089] : memref<8x64xi32, #tpu.memory_space<vmem>> -> memref<1x64xi32, #tpu.memory_space<vmem>>
      %dma_wait3A_1091 = tpu.memref_squeeze %dma_wait3A_1090 : memref<1x64xi32, #tpu.memory_space<vmem>> -> memref<64xi32, #tpu.memory_space<vmem>>
      %dma_wait3A_1092 = tpu.memref_slice %arg2[%add3A_1080] : memref<640000xi32, #tpu.memory_space<hbm>> -> memref<64xi32, #tpu.memory_space<hbm>>
      tpu.wait_dma2 semaphore(%dma_wait3A_1088 : memref<!tpu.dma_semaphore, #tpu.memory_space<semaphore_mem>>) src(%dma_wait3A_1092 : memref<64xi32, #tpu.memory_space<hbm>>) dst(%dma_wait3A_1091 : memref<64xi32, #tpu.memory_space<vmem>>)
      %add3A_1093 = arith.constant 320000 : i32
      %add3A_1094 = arith.addi %add3A_1093, %add3A_1080 : i32
      %dma_wait3A_1095 = arith.constant 5 : i32
      %dma_wait3A_1096 = arith.constant 5 : i32
      %dma_wait3A_1097 = arith.constant 0 : i32
      %dma_wait3A_1098 = tpu.memref_slice %arg6[%dma_wait3A_1095, %dma_wait3A_1097] : memref<8x64xi32, #tpu.memory_space<vmem>> -> memref<1x64xi32, #tpu.memory_space<vmem>>
      %dma_wait3A_1099 = tpu.memref_squeeze %dma_wait3A_1098 : memref<1x64xi32, #tpu.memory_space<vmem>> -> memref<64xi32, #tpu.memory_space<vmem>>
      %dma_wait3A_1100 = tpu.memref_slice %arg2[%add3A_1094] : memref<640000xi32, #tpu.memory_space<hbm>> -> memref<64xi32, #tpu.memory_space<hbm>>
      %dma_wait3A_1101 = tpu.memref_slice %arg12[%dma_wait3A_1096] : memref<8x!tpu.dma_semaphore, #tpu.memory_space<semaphore_mem>> -> memref<1x!tpu.dma_semaphore, #tpu.memory_space<semaphore_mem>>
      %dma_wait3A_1102 = tpu.memref_squeeze %dma_wait3A_1101 : memref<1x!tpu.dma_semaphore, #tpu.memory_space<semaphore_mem>> -> memref<!tpu.dma_semaphore, #tpu.memory_space<semaphore_mem>>
      %dma_wait3A_1103 = arith.constant 0 : i32
      %dma_wait3A_1104 = tpu.memref_slice %arg6[%dma_wait3A_1095, %dma_wait3A_1103] : memref<8x64xi32, #tpu.memory_space<vmem>> -> memref<1x64xi32, #tpu.memory_space<vmem>>
      %dma_wait3A_1105 = tpu.memref_squeeze %dma_wait3A_1104 : memref<1x64xi32, #tpu.memory_space<vmem>> -> memref<64xi32, #tpu.memory_space<vmem>>
      %dma_wait3A_1106 = tpu.memref_slice %arg2[%add3A_1094] : memref<640000xi32, #tpu.memory_space<hbm>> -> memref<64xi32, #tpu.memory_space<hbm>>
      tpu.wait_dma2 semaphore(%dma_wait3A_1102 : memref<!tpu.dma_semaphore, #tpu.memory_space<semaphore_mem>>) src(%dma_wait3A_1106 : memref<64xi32, #tpu.memory_space<hbm>>) dst(%dma_wait3A_1105 : memref<64xi32, #tpu.memory_space<vmem>>)
      %dma_start3A_1107 = arith.constant 5 : i32
      %dma_start3A_1108 = arith.constant 1 : i32
      %dma_start3A_1109 = arith.constant 1 : i32
      %dma_start3A_1110 = arith.constant 0 : i32
      %dma_start3A_1111 = arith.constant 0 : i32
      %dma_start3A_1112 = tpu.memref_slice %arg7[%dma_start3A_1108, %dma_start3A_1110, %dma_start3A_1111] : memref<4x64x128xf32, #tpu.memory_space<vmem>> -> memref<1x64x128xf32, #tpu.memory_space<vmem>>
      %dma_start3A_1113 = tpu.memref_squeeze %dma_start3A_1112 : memref<1x64x128xf32, #tpu.memory_space<vmem>> -> memref<64x128xf32, #tpu.memory_space<vmem>>
      %dma_start3A_1114 = arith.constant 0 : i32
      %dma_start3A_1115 = tpu.memref_slice %arg5[%dma_start3A_1107, %dma_start3A_1114] : memref<8x64xi32, #tpu.memory_space<vmem>> -> memref<1x64xi32, #tpu.memory_space<vmem>>
      %dma_start3A_1116 = tpu.memref_squeeze %dma_start3A_1115 : memref<1x64xi32, #tpu.memory_space<vmem>> -> memref<64xi32, #tpu.memory_space<vmem>>
      %dma_start3A_1117 = arith.constant 0 : i32
      %dma_start3A_1118 = arith.constant 0 : i32
      %dma_start3A_1119 = tpu.memref_slice %arg3[%dma_start3A_1117, %dma_start3A_1118] : memref<10000x128xf32, #tpu.memory_space<hbm>> -> memref<10000x128xf32, #tpu.memory_space<hbm>>
      %dma_start3A_1120 = tpu.memref_slice %arg13[%dma_start3A_1109] : memref<4x!tpu.dma_semaphore, #tpu.memory_space<semaphore_mem>> -> memref<1x!tpu.dma_semaphore, #tpu.memory_space<semaphore_mem>>
      %dma_start3A_1121 = tpu.memref_squeeze %dma_start3A_1120 : memref<1x!tpu.dma_semaphore, #tpu.memory_space<semaphore_mem>> -> memref<!tpu.dma_semaphore, #tpu.memory_space<semaphore_mem>>
      tpu.enqueue_indirect_dma source(%dma_start3A_1119 : memref<10000x128xf32, #tpu.memory_space<hbm>>) target(%dma_start3A_1113 : memref<64x128xf32, #tpu.memory_space<vmem>>) offsets(%dma_start3A_1116 : memref<64xi32, #tpu.memory_space<vmem>>) semaphore(%dma_start3A_1121 : memref<!tpu.dma_semaphore, #tpu.memory_space<semaphore_mem>>)
      %dma_wait3A_1122 = arith.constant 2 : i32
      %dma_wait3A_1123 = arith.constant 2 : i32
      %dma_wait3A_1124 = arith.constant 2 : i32
      %dma_wait3A_1125 = arith.constant 0 : i32
      %dma_wait3A_1126 = arith.constant 0 : i32
      %dma_wait3A_1127 = tpu.memref_slice %arg7[%dma_wait3A_1123, %dma_wait3A_1125, %dma_wait3A_1126] : memref<4x64x128xf32, #tpu.memory_space<vmem>> -> memref<1x64x128xf32, #tpu.memory_space<vmem>>
      %dma_wait3A_1128 = tpu.memref_squeeze %dma_wait3A_1127 : memref<1x64x128xf32, #tpu.memory_space<vmem>> -> memref<64x128xf32, #tpu.memory_space<vmem>>
      %dma_wait3A_1129 = arith.constant 0 : i32
      %dma_wait3A_1130 = tpu.memref_slice %arg5[%dma_wait3A_1122, %dma_wait3A_1129] : memref<8x64xi32, #tpu.memory_space<vmem>> -> memref<1x64xi32, #tpu.memory_space<vmem>>
      %dma_wait3A_1131 = tpu.memref_squeeze %dma_wait3A_1130 : memref<1x64xi32, #tpu.memory_space<vmem>> -> memref<64xi32, #tpu.memory_space<vmem>>
      %dma_wait3A_1132 = arith.constant 0 : i32
      %dma_wait3A_1133 = arith.constant 0 : i32
      %dma_wait3A_1134 = tpu.memref_slice %arg3[%dma_wait3A_1132, %dma_wait3A_1133] : memref<10000x128xf32, #tpu.memory_space<hbm>> -> memref<10000x128xf32, #tpu.memory_space<hbm>>
      %dma_wait3A_1135 = tpu.memref_slice %arg13[%dma_wait3A_1124] : memref<4x!tpu.dma_semaphore, #tpu.memory_space<semaphore_mem>> -> memref<1x!tpu.dma_semaphore, #tpu.memory_space<semaphore_mem>>
      %dma_wait3A_1136 = tpu.memref_squeeze %dma_wait3A_1135 : memref<1x!tpu.dma_semaphore, #tpu.memory_space<semaphore_mem>> -> memref<!tpu.dma_semaphore, #tpu.memory_space<semaphore_mem>>
      tpu.wait_indirect_dma semaphore(%dma_wait3A_1136 : memref<!tpu.dma_semaphore, #tpu.memory_space<semaphore_mem>>) src(%dma_wait3A_1134 : memref<10000x128xf32, #tpu.memory_space<hbm>>) dst(%dma_wait3A_1128 : memref<64x128xf32, #tpu.memory_space<vmem>>)
      %run_scoped3A_1137 = arith.constant 2 : i32
      %run_scoped3A_1138 = arith.constant 2 : i32
      "tpu.region"() ({
        %run_scoped3A_1611 = tpu.sem_alloc : memref<!tpu.dma_semaphore, #tpu.memory_space<semaphore_mem>>
        %dma_start3A_1612 = arith.constant 0 : i32
        %dma_start3A_1613 = arith.constant 0 : i32
        %dma_start3A_1614 = tpu.memref_slice %arg7[%run_scoped3A_1137, %dma_start3A_1612, %dma_start3A_1613] : memref<4x64x128xf32, #tpu.memory_space<vmem>> -> memref<1x64x128xf32, #tpu.memory_space<vmem>>
        %dma_start3A_1615 = tpu.memref_squeeze %dma_start3A_1614 : memref<1x64x128xf32, #tpu.memory_space<vmem>> -> memref<64x128xf32, #tpu.memory_space<vmem>>
        %dma_start3A_1616 = arith.constant 0 : i32
        %dma_start3A_1617 = tpu.memref_slice %arg6[%run_scoped3A_1138, %dma_start3A_1616] : memref<8x64xi32, #tpu.memory_space<vmem>> -> memref<1x64xi32, #tpu.memory_space<vmem>>
        %dma_start3A_1618 = tpu.memref_squeeze %dma_start3A_1617 : memref<1x64xi32, #tpu.memory_space<vmem>> -> memref<64xi32, #tpu.memory_space<vmem>>
        %dma_start3A_1619 = arith.constant 0 : i32
        %dma_start3A_1620 = arith.constant 0 : i32
        %dma_start3A_1621 = tpu.memref_slice %arg11[%dma_start3A_1619, %dma_start3A_1620] : memref<10112x128xf32, #tpu.memory_space<vmem_shared>> -> memref<10112x128xf32, #tpu.memory_space<vmem_shared>>
        tpu.enqueue_indirect_dma source(%dma_start3A_1615 : memref<64x128xf32, #tpu.memory_space<vmem>>) target(%dma_start3A_1621 : memref<10112x128xf32, #tpu.memory_space<vmem_shared>>) offsets(%dma_start3A_1618 : memref<64xi32, #tpu.memory_space<vmem>>) semaphore(%run_scoped3A_1611 : memref<!tpu.dma_semaphore, #tpu.memory_space<semaphore_mem>>) {add = true}
        %dma_wait3A_1622 = arith.constant 0 : i32
        %dma_wait3A_1623 = arith.constant 0 : i32
        %dma_wait3A_1624 = tpu.memref_slice %arg7[%run_scoped3A_1137, %dma_wait3A_1622, %dma_wait3A_1623] : memref<4x64x128xf32, #tpu.memory_space<vmem>> -> memref<1x64x128xf32, #tpu.memory_space<vmem>>
        %dma_wait3A_1625 = tpu.memref_squeeze %dma_wait3A_1624 : memref<1x64x128xf32, #tpu.memory_space<vmem>> -> memref<64x128xf32, #tpu.memory_space<vmem>>
        %dma_wait3A_1626 = arith.constant 0 : i32
        %dma_wait3A_1627 = tpu.memref_slice %arg6[%run_scoped3A_1138, %dma_wait3A_1626] : memref<8x64xi32, #tpu.memory_space<vmem>> -> memref<1x64xi32, #tpu.memory_space<vmem>>
        %dma_wait3A_1628 = tpu.memref_squeeze %dma_wait3A_1627 : memref<1x64xi32, #tpu.memory_space<vmem>> -> memref<64xi32, #tpu.memory_space<vmem>>
        %dma_wait3A_1629 = arith.constant 0 : i32
        %dma_wait3A_1630 = arith.constant 0 : i32
        %dma_wait3A_1631 = tpu.memref_slice %arg11[%dma_wait3A_1629, %dma_wait3A_1630] : memref<10112x128xf32, #tpu.memory_space<vmem_shared>> -> memref<10112x128xf32, #tpu.memory_space<vmem_shared>>
        tpu.wait_indirect_dma semaphore(%run_scoped3A_1611 : memref<!tpu.dma_semaphore, #tpu.memory_space<semaphore_mem>>) src(%dma_wait3A_1625 : memref<64x128xf32, #tpu.memory_space<vmem>>) dst(%dma_wait3A_1631 : memref<10112x128xf32, #tpu.memory_space<vmem_shared>>)
        tpu.yield
      }) : () -> ()
      %add3A_1139 = arith.constant 2 : i32
      %add3A_1140 = arith.addi %add3A_925, %add3A_1139 : i32
      %add3A_1141 = arith.constant 8 : i32
      %add3A_1142 = arith.addi %add3A_1140, %add3A_1141 : i32
      %mul3A_1143 = arith.constant 64 : i32
      %mul3A_1144 = arith.muli %add3A_1142, %mul3A_1143 : i32
      %add3A_1145 = arith.addi %mul3A_2, %mul3A_1144 : i32
      %dma_start3A_1146 = arith.constant 2 : i32
      %dma_start3A_1147 = arith.constant 2 : i32
      %dma_start3A_1148 = arith.constant 0 : i32
      %dma_start3A_1149 = tpu.memref_slice %arg5[%dma_start3A_1146, %dma_start3A_1148] : memref<8x64xi32, #tpu.memory_space<vmem>> -> memref<1x64xi32, #tpu.memory_space<vmem>>
      %dma_start3A_1150 = tpu.memref_squeeze %dma_start3A_1149 : memref<1x64xi32, #tpu.memory_space<vmem>> -> memref<64xi32, #tpu.memory_space<vmem>>
      %dma_start3A_1151 = tpu.memref_slice %arg2[%add3A_1145] : memref<640000xi32, #tpu.memory_space<hbm>> -> memref<64xi32, #tpu.memory_space<hbm>>
      %dma_start3A_1152 = tpu.memref_slice %arg12[%dma_start3A_1147] : memref<8x!tpu.dma_semaphore, #tpu.memory_space<semaphore_mem>> -> memref<1x!tpu.dma_semaphore, #tpu.memory_space<semaphore_mem>>
      %dma_start3A_1153 = tpu.memref_squeeze %dma_start3A_1152 : memref<1x!tpu.dma_semaphore, #tpu.memory_space<semaphore_mem>> -> memref<!tpu.dma_semaphore, #tpu.memory_space<semaphore_mem>>
      %dma_start3A_1154 = arith.constant 0 : i32
      %dma_start3A_1155 = tpu.memref_slice %arg5[%dma_start3A_1146, %dma_start3A_1154] : memref<8x64xi32, #tpu.memory_space<vmem>> -> memref<1x64xi32, #tpu.memory_space<vmem>>
      %dma_start3A_1156 = tpu.memref_squeeze %dma_start3A_1155 : memref<1x64xi32, #tpu.memory_space<vmem>> -> memref<64xi32, #tpu.memory_space<vmem>>
      %dma_start3A_1157 = tpu.memref_slice %arg2[%add3A_1145] : memref<640000xi32, #tpu.memory_space<hbm>> -> memref<64xi32, #tpu.memory_space<hbm>>
      tpu.enqueue_dma source(%dma_start3A_1157 : memref<64xi32, #tpu.memory_space<hbm>>) target(%dma_start3A_1156 : memref<64xi32, #tpu.memory_space<vmem>>) target_semaphore(%dma_start3A_1153 : memref<!tpu.dma_semaphore, #tpu.memory_space<semaphore_mem>>)
      %add3A_1158 = arith.constant 320000 : i32
      %add3A_1159 = arith.addi %add3A_1158, %add3A_1145 : i32
      %dma_start3A_1160 = arith.constant 2 : i32
      %dma_start3A_1161 = arith.constant 2 : i32
      %dma_start3A_1162 = arith.constant 0 : i32
      %dma_start3A_1163 = tpu.memref_slice %arg6[%dma_start3A_1160, %dma_start3A_1162] : memref<8x64xi32, #tpu.memory_space<vmem>> -> memref<1x64xi32, #tpu.memory_space<vmem>>
      %dma_start3A_1164 = tpu.memref_squeeze %dma_start3A_1163 : memref<1x64xi32, #tpu.memory_space<vmem>> -> memref<64xi32, #tpu.memory_space<vmem>>
      %dma_start3A_1165 = tpu.memref_slice %arg2[%add3A_1159] : memref<640000xi32, #tpu.memory_space<hbm>> -> memref<64xi32, #tpu.memory_space<hbm>>
      %dma_start3A_1166 = tpu.memref_slice %arg12[%dma_start3A_1161] : memref<8x!tpu.dma_semaphore, #tpu.memory_space<semaphore_mem>> -> memref<1x!tpu.dma_semaphore, #tpu.memory_space<semaphore_mem>>
      %dma_start3A_1167 = tpu.memref_squeeze %dma_start3A_1166 : memref<1x!tpu.dma_semaphore, #tpu.memory_space<semaphore_mem>> -> memref<!tpu.dma_semaphore, #tpu.memory_space<semaphore_mem>>
      %dma_start3A_1168 = arith.constant 0 : i32
      %dma_start3A_1169 = tpu.memref_slice %arg6[%dma_start3A_1160, %dma_start3A_1168] : memref<8x64xi32, #tpu.memory_space<vmem>> -> memref<1x64xi32, #tpu.memory_space<vmem>>
      %dma_start3A_1170 = tpu.memref_squeeze %dma_start3A_1169 : memref<1x64xi32, #tpu.memory_space<vmem>> -> memref<64xi32, #tpu.memory_space<vmem>>
      %dma_start3A_1171 = tpu.memref_slice %arg2[%add3A_1159] : memref<640000xi32, #tpu.memory_space<hbm>> -> memref<64xi32, #tpu.memory_space<hbm>>
      tpu.enqueue_dma source(%dma_start3A_1171 : memref<64xi32, #tpu.memory_space<hbm>>) target(%dma_start3A_1170 : memref<64xi32, #tpu.memory_space<vmem>>) target_semaphore(%dma_start3A_1167 : memref<!tpu.dma_semaphore, #tpu.memory_space<semaphore_mem>>)
      %add3A_1172 = arith.constant 2 : i32
      %add3A_1173 = arith.addi %add3A_925, %add3A_1172 : i32
      %add3A_1174 = arith.constant 4 : i32
      %add3A_1175 = arith.addi %add3A_1173, %add3A_1174 : i32
      %mul3A_1176 = arith.constant 64 : i32
      %mul3A_1177 = arith.muli %add3A_1175, %mul3A_1176 : i32
      %add3A_1178 = arith.addi %mul3A_2, %mul3A_1177 : i32
      %dma_wait3A_1179 = arith.constant 6 : i32
      %dma_wait3A_1180 = arith.constant 6 : i32
      %dma_wait3A_1181 = arith.constant 0 : i32
      %dma_wait3A_1182 = tpu.memref_slice %arg5[%dma_wait3A_1179, %dma_wait3A_1181] : memref<8x64xi32, #tpu.memory_space<vmem>> -> memref<1x64xi32, #tpu.memory_space<vmem>>
      %dma_wait3A_1183 = tpu.memref_squeeze %dma_wait3A_1182 : memref<1x64xi32, #tpu.memory_space<vmem>> -> memref<64xi32, #tpu.memory_space<vmem>>
      %dma_wait3A_1184 = tpu.memref_slice %arg2[%add3A_1178] : memref<640000xi32, #tpu.memory_space<hbm>> -> memref<64xi32, #tpu.memory_space<hbm>>
      %dma_wait3A_1185 = tpu.memref_slice %arg12[%dma_wait3A_1180] : memref<8x!tpu.dma_semaphore, #tpu.memory_space<semaphore_mem>> -> memref<1x!tpu.dma_semaphore, #tpu.memory_space<semaphore_mem>>
      %dma_wait3A_1186 = tpu.memref_squeeze %dma_wait3A_1185 : memref<1x!tpu.dma_semaphore, #tpu.memory_space<semaphore_mem>> -> memref<!tpu.dma_semaphore, #tpu.memory_space<semaphore_mem>>
      %dma_wait3A_1187 = arith.constant 0 : i32
      %dma_wait3A_1188 = tpu.memref_slice %arg5[%dma_wait3A_1179, %dma_wait3A_1187] : memref<8x64xi32, #tpu.memory_space<vmem>> -> memref<1x64xi32, #tpu.memory_space<vmem>>
      %dma_wait3A_1189 = tpu.memref_squeeze %dma_wait3A_1188 : memref<1x64xi32, #tpu.memory_space<vmem>> -> memref<64xi32, #tpu.memory_space<vmem>>
      %dma_wait3A_1190 = tpu.memref_slice %arg2[%add3A_1178] : memref<640000xi32, #tpu.memory_space<hbm>> -> memref<64xi32, #tpu.memory_space<hbm>>
      tpu.wait_dma2 semaphore(%dma_wait3A_1186 : memref<!tpu.dma_semaphore, #tpu.memory_space<semaphore_mem>>) src(%dma_wait3A_1190 : memref<64xi32, #tpu.memory_space<hbm>>) dst(%dma_wait3A_1189 : memref<64xi32, #tpu.memory_space<vmem>>)
      %add3A_1191 = arith.constant 320000 : i32
      %add3A_1192 = arith.addi %add3A_1191, %add3A_1178 : i32
      %dma_wait3A_1193 = arith.constant 6 : i32
      %dma_wait3A_1194 = arith.constant 6 : i32
      %dma_wait3A_1195 = arith.constant 0 : i32
      %dma_wait3A_1196 = tpu.memref_slice %arg6[%dma_wait3A_1193, %dma_wait3A_1195] : memref<8x64xi32, #tpu.memory_space<vmem>> -> memref<1x64xi32, #tpu.memory_space<vmem>>
      %dma_wait3A_1197 = tpu.memref_squeeze %dma_wait3A_1196 : memref<1x64xi32, #tpu.memory_space<vmem>> -> memref<64xi32, #tpu.memory_space<vmem>>
      %dma_wait3A_1198 = tpu.memref_slice %arg2[%add3A_1192] : memref<640000xi32, #tpu.memory_space<hbm>> -> memref<64xi32, #tpu.memory_space<hbm>>
      %dma_wait3A_1199 = tpu.memref_slice %arg12[%dma_wait3A_1194] : memref<8x!tpu.dma_semaphore, #tpu.memory_space<semaphore_mem>> -> memref<1x!tpu.dma_semaphore, #tpu.memory_space<semaphore_mem>>
      %dma_wait3A_1200 = tpu.memref_squeeze %dma_wait3A_1199 : memref<1x!tpu.dma_semaphore, #tpu.memory_space<semaphore_mem>> -> memref<!tpu.dma_semaphore, #tpu.memory_space<semaphore_mem>>
      %dma_wait3A_1201 = arith.constant 0 : i32
      %dma_wait3A_1202 = tpu.memref_slice %arg6[%dma_wait3A_1193, %dma_wait3A_1201] : memref<8x64xi32, #tpu.memory_space<vmem>> -> memref<1x64xi32, #tpu.memory_space<vmem>>
      %dma_wait3A_1203 = tpu.memref_squeeze %dma_wait3A_1202 : memref<1x64xi32, #tpu.memory_space<vmem>> -> memref<64xi32, #tpu.memory_space<vmem>>
      %dma_wait3A_1204 = tpu.memref_slice %arg2[%add3A_1192] : memref<640000xi32, #tpu.memory_space<hbm>> -> memref<64xi32, #tpu.memory_space<hbm>>
      tpu.wait_dma2 semaphore(%dma_wait3A_1200 : memref<!tpu.dma_semaphore, #tpu.memory_space<semaphore_mem>>) src(%dma_wait3A_1204 : memref<64xi32, #tpu.memory_space<hbm>>) dst(%dma_wait3A_1203 : memref<64xi32, #tpu.memory_space<vmem>>)
      %dma_start3A_1205 = arith.constant 6 : i32
      %dma_start3A_1206 = arith.constant 2 : i32
      %dma_start3A_1207 = arith.constant 2 : i32
      %dma_start3A_1208 = arith.constant 0 : i32
      %dma_start3A_1209 = arith.constant 0 : i32
      %dma_start3A_1210 = tpu.memref_slice %arg7[%dma_start3A_1206, %dma_start3A_1208, %dma_start3A_1209] : memref<4x64x128xf32, #tpu.memory_space<vmem>> -> memref<1x64x128xf32, #tpu.memory_space<vmem>>
      %dma_start3A_1211 = tpu.memref_squeeze %dma_start3A_1210 : memref<1x64x128xf32, #tpu.memory_space<vmem>> -> memref<64x128xf32, #tpu.memory_space<vmem>>
      %dma_start3A_1212 = arith.constant 0 : i32
      %dma_start3A_1213 = tpu.memref_slice %arg5[%dma_start3A_1205, %dma_start3A_1212] : memref<8x64xi32, #tpu.memory_space<vmem>> -> memref<1x64xi32, #tpu.memory_space<vmem>>
      %dma_start3A_1214 = tpu.memref_squeeze %dma_start3A_1213 : memref<1x64xi32, #tpu.memory_space<vmem>> -> memref<64xi32, #tpu.memory_space<vmem>>
      %dma_start3A_1215 = arith.constant 0 : i32
      %dma_start3A_1216 = arith.constant 0 : i32
      %dma_start3A_1217 = tpu.memref_slice %arg3[%dma_start3A_1215, %dma_start3A_1216] : memref<10000x128xf32, #tpu.memory_space<hbm>> -> memref<10000x128xf32, #tpu.memory_space<hbm>>
      %dma_start3A_1218 = tpu.memref_slice %arg13[%dma_start3A_1207] : memref<4x!tpu.dma_semaphore, #tpu.memory_space<semaphore_mem>> -> memref<1x!tpu.dma_semaphore, #tpu.memory_space<semaphore_mem>>
      %dma_start3A_1219 = tpu.memref_squeeze %dma_start3A_1218 : memref<1x!tpu.dma_semaphore, #tpu.memory_space<semaphore_mem>> -> memref<!tpu.dma_semaphore, #tpu.memory_space<semaphore_mem>>
      tpu.enqueue_indirect_dma source(%dma_start3A_1217 : memref<10000x128xf32, #tpu.memory_space<hbm>>) target(%dma_start3A_1211 : memref<64x128xf32, #tpu.memory_space<vmem>>) offsets(%dma_start3A_1214 : memref<64xi32, #tpu.memory_space<vmem>>) semaphore(%dma_start3A_1219 : memref<!tpu.dma_semaphore, #tpu.memory_space<semaphore_mem>>)
      %dma_wait3A_1220 = arith.constant 3 : i32
      %dma_wait3A_1221 = arith.constant 3 : i32
      %dma_wait3A_1222 = arith.constant 3 : i32
      %dma_wait3A_1223 = arith.constant 0 : i32
      %dma_wait3A_1224 = arith.constant 0 : i32
      %dma_wait3A_1225 = tpu.memref_slice %arg7[%dma_wait3A_1221, %dma_wait3A_1223, %dma_wait3A_1224] : memref<4x64x128xf32, #tpu.memory_space<vmem>> -> memref<1x64x128xf32, #tpu.memory_space<vmem>>
      %dma_wait3A_1226 = tpu.memref_squeeze %dma_wait3A_1225 : memref<1x64x128xf32, #tpu.memory_space<vmem>> -> memref<64x128xf32, #tpu.memory_space<vmem>>
      %dma_wait3A_1227 = arith.constant 0 : i32
      %dma_wait3A_1228 = tpu.memref_slice %arg5[%dma_wait3A_1220, %dma_wait3A_1227] : memref<8x64xi32, #tpu.memory_space<vmem>> -> memref<1x64xi32, #tpu.memory_space<vmem>>
      %dma_wait3A_1229 = tpu.memref_squeeze %dma_wait3A_1228 : memref<1x64xi32, #tpu.memory_space<vmem>> -> memref<64xi32, #tpu.memory_space<vmem>>
      %dma_wait3A_1230 = arith.constant 0 : i32
      %dma_wait3A_1231 = arith.constant 0 : i32
      %dma_wait3A_1232 = tpu.memref_slice %arg3[%dma_wait3A_1230, %dma_wait3A_1231] : memref<10000x128xf32, #tpu.memory_space<hbm>> -> memref<10000x128xf32, #tpu.memory_space<hbm>>
      %dma_wait3A_1233 = tpu.memref_slice %arg13[%dma_wait3A_1222] : memref<4x!tpu.dma_semaphore, #tpu.memory_space<semaphore_mem>> -> memref<1x!tpu.dma_semaphore, #tpu.memory_space<semaphore_mem>>
      %dma_wait3A_1234 = tpu.memref_squeeze %dma_wait3A_1233 : memref<1x!tpu.dma_semaphore, #tpu.memory_space<semaphore_mem>> -> memref<!tpu.dma_semaphore, #tpu.memory_space<semaphore_mem>>
      tpu.wait_indirect_dma semaphore(%dma_wait3A_1234 : memref<!tpu.dma_semaphore, #tpu.memory_space<semaphore_mem>>) src(%dma_wait3A_1232 : memref<10000x128xf32, #tpu.memory_space<hbm>>) dst(%dma_wait3A_1226 : memref<64x128xf32, #tpu.memory_space<vmem>>)
      %run_scoped3A_1235 = arith.constant 3 : i32
      %run_scoped3A_1236 = arith.constant 3 : i32
      "tpu.region"() ({
        %run_scoped3A_1611 = tpu.sem_alloc : memref<!tpu.dma_semaphore, #tpu.memory_space<semaphore_mem>>
        %dma_start3A_1612 = arith.constant 0 : i32
        %dma_start3A_1613 = arith.constant 0 : i32
        %dma_start3A_1614 = tpu.memref_slice %arg7[%run_scoped3A_1235, %dma_start3A_1612, %dma_start3A_1613] : memref<4x64x128xf32, #tpu.memory_space<vmem>> -> memref<1x64x128xf32, #tpu.memory_space<vmem>>
        %dma_start3A_1615 = tpu.memref_squeeze %dma_start3A_1614 : memref<1x64x128xf32, #tpu.memory_space<vmem>> -> memref<64x128xf32, #tpu.memory_space<vmem>>
        %dma_start3A_1616 = arith.constant 0 : i32
        %dma_start3A_1617 = tpu.memref_slice %arg6[%run_scoped3A_1236, %dma_start3A_1616] : memref<8x64xi32, #tpu.memory_space<vmem>> -> memref<1x64xi32, #tpu.memory_space<vmem>>
        %dma_start3A_1618 = tpu.memref_squeeze %dma_start3A_1617 : memref<1x64xi32, #tpu.memory_space<vmem>> -> memref<64xi32, #tpu.memory_space<vmem>>
        %dma_start3A_1619 = arith.constant 0 : i32
        %dma_start3A_1620 = arith.constant 0 : i32
        %dma_start3A_1621 = tpu.memref_slice %arg11[%dma_start3A_1619, %dma_start3A_1620] : memref<10112x128xf32, #tpu.memory_space<vmem_shared>> -> memref<10112x128xf32, #tpu.memory_space<vmem_shared>>
        tpu.enqueue_indirect_dma source(%dma_start3A_1615 : memref<64x128xf32, #tpu.memory_space<vmem>>) target(%dma_start3A_1621 : memref<10112x128xf32, #tpu.memory_space<vmem_shared>>) offsets(%dma_start3A_1618 : memref<64xi32, #tpu.memory_space<vmem>>) semaphore(%run_scoped3A_1611 : memref<!tpu.dma_semaphore, #tpu.memory_space<semaphore_mem>>) {add = true}
        %dma_wait3A_1622 = arith.constant 0 : i32
        %dma_wait3A_1623 = arith.constant 0 : i32
        %dma_wait3A_1624 = tpu.memref_slice %arg7[%run_scoped3A_1235, %dma_wait3A_1622, %dma_wait3A_1623] : memref<4x64x128xf32, #tpu.memory_space<vmem>> -> memref<1x64x128xf32, #tpu.memory_space<vmem>>
        %dma_wait3A_1625 = tpu.memref_squeeze %dma_wait3A_1624 : memref<1x64x128xf32, #tpu.memory_space<vmem>> -> memref<64x128xf32, #tpu.memory_space<vmem>>
        %dma_wait3A_1626 = arith.constant 0 : i32
        %dma_wait3A_1627 = tpu.memref_slice %arg6[%run_scoped3A_1236, %dma_wait3A_1626] : memref<8x64xi32, #tpu.memory_space<vmem>> -> memref<1x64xi32, #tpu.memory_space<vmem>>
        %dma_wait3A_1628 = tpu.memref_squeeze %dma_wait3A_1627 : memref<1x64xi32, #tpu.memory_space<vmem>> -> memref<64xi32, #tpu.memory_space<vmem>>
        %dma_wait3A_1629 = arith.constant 0 : i32
        %dma_wait3A_1630 = arith.constant 0 : i32
        %dma_wait3A_1631 = tpu.memref_slice %arg11[%dma_wait3A_1629, %dma_wait3A_1630] : memref<10112x128xf32, #tpu.memory_space<vmem_shared>> -> memref<10112x128xf32, #tpu.memory_space<vmem_shared>>
        tpu.wait_indirect_dma semaphore(%run_scoped3A_1611 : memref<!tpu.dma_semaphore, #tpu.memory_space<semaphore_mem>>) src(%dma_wait3A_1625 : memref<64x128xf32, #tpu.memory_space<vmem>>) dst(%dma_wait3A_1631 : memref<10112x128xf32, #tpu.memory_space<vmem_shared>>)
        tpu.yield
      }) : () -> ()
      %add3A_1237 = arith.constant 3 : i32
      %add3A_1238 = arith.addi %add3A_925, %add3A_1237 : i32
      %add3A_1239 = arith.constant 8 : i32
      %add3A_1240 = arith.addi %add3A_1238, %add3A_1239 : i32
      %mul3A_1241 = arith.constant 64 : i32
      %mul3A_1242 = arith.muli %add3A_1240, %mul3A_1241 : i32
      %add3A_1243 = arith.addi %mul3A_2, %mul3A_1242 : i32
      %dma_start3A_1244 = arith.constant 3 : i32
      %dma_start3A_1245 = arith.constant 3 : i32
      %dma_start3A_1246 = arith.constant 0 : i32
      %dma_start3A_1247 = tpu.memref_slice %arg5[%dma_start3A_1244, %dma_start3A_1246] : memref<8x64xi32, #tpu.memory_space<vmem>> -> memref<1x64xi32, #tpu.memory_space<vmem>>
      %dma_start3A_1248 = tpu.memref_squeeze %dma_start3A_1247 : memref<1x64xi32, #tpu.memory_space<vmem>> -> memref<64xi32, #tpu.memory_space<vmem>>
      %dma_start3A_1249 = tpu.memref_slice %arg2[%add3A_1243] : memref<640000xi32, #tpu.memory_space<hbm>> -> memref<64xi32, #tpu.memory_space<hbm>>
      %dma_start3A_1250 = tpu.memref_slice %arg12[%dma_start3A_1245] : memref<8x!tpu.dma_semaphore, #tpu.memory_space<semaphore_mem>> -> memref<1x!tpu.dma_semaphore, #tpu.memory_space<semaphore_mem>>
      %dma_start3A_1251 = tpu.memref_squeeze %dma_start3A_1250 : memref<1x!tpu.dma_semaphore, #tpu.memory_space<semaphore_mem>> -> memref<!tpu.dma_semaphore, #tpu.memory_space<semaphore_mem>>
      %dma_start3A_1252 = arith.constant 0 : i32
      %dma_start3A_1253 = tpu.memref_slice %arg5[%dma_start3A_1244, %dma_start3A_1252] : memref<8x64xi32, #tpu.memory_space<vmem>> -> memref<1x64xi32, #tpu.memory_space<vmem>>
      %dma_start3A_1254 = tpu.memref_squeeze %dma_start3A_1253 : memref<1x64xi32, #tpu.memory_space<vmem>> -> memref<64xi32, #tpu.memory_space<vmem>>
      %dma_start3A_1255 = tpu.memref_slice %arg2[%add3A_1243] : memref<640000xi32, #tpu.memory_space<hbm>> -> memref<64xi32, #tpu.memory_space<hbm>>
      tpu.enqueue_dma source(%dma_start3A_1255 : memref<64xi32, #tpu.memory_space<hbm>>) target(%dma_start3A_1254 : memref<64xi32, #tpu.memory_space<vmem>>) target_semaphore(%dma_start3A_1251 : memref<!tpu.dma_semaphore, #tpu.memory_space<semaphore_mem>>)
      %add3A_1256 = arith.constant 320000 : i32
      %add3A_1257 = arith.addi %add3A_1256, %add3A_1243 : i32
      %dma_start3A_1258 = arith.constant 3 : i32
      %dma_start3A_1259 = arith.constant 3 : i32
      %dma_start3A_1260 = arith.constant 0 : i32
      %dma_start3A_1261 = tpu.memref_slice %arg6[%dma_start3A_1258, %dma_start3A_1260] : memref<8x64xi32, #tpu.memory_space<vmem>> -> memref<1x64xi32, #tpu.memory_space<vmem>>
      %dma_start3A_1262 = tpu.memref_squeeze %dma_start3A_1261 : memref<1x64xi32, #tpu.memory_space<vmem>> -> memref<64xi32, #tpu.memory_space<vmem>>
      %dma_start3A_1263 = tpu.memref_slice %arg2[%add3A_1257] : memref<640000xi32, #tpu.memory_space<hbm>> -> memref<64xi32, #tpu.memory_space<hbm>>
      %dma_start3A_1264 = tpu.memref_slice %arg12[%dma_start3A_1259] : memref<8x!tpu.dma_semaphore, #tpu.memory_space<semaphore_mem>> -> memref<1x!tpu.dma_semaphore, #tpu.memory_space<semaphore_mem>>
      %dma_start3A_1265 = tpu.memref_squeeze %dma_start3A_1264 : memref<1x!tpu.dma_semaphore, #tpu.memory_space<semaphore_mem>> -> memref<!tpu.dma_semaphore, #tpu.memory_space<semaphore_mem>>
      %dma_start3A_1266 = arith.constant 0 : i32
      %dma_start3A_1267 = tpu.memref_slice %arg6[%dma_start3A_1258, %dma_start3A_1266] : memref<8x64xi32, #tpu.memory_space<vmem>> -> memref<1x64xi32, #tpu.memory_space<vmem>>
      %dma_start3A_1268 = tpu.memref_squeeze %dma_start3A_1267 : memref<1x64xi32, #tpu.memory_space<vmem>> -> memref<64xi32, #tpu.memory_space<vmem>>
      %dma_start3A_1269 = tpu.memref_slice %arg2[%add3A_1257] : memref<640000xi32, #tpu.memory_space<hbm>> -> memref<64xi32, #tpu.memory_space<hbm>>
      tpu.enqueue_dma source(%dma_start3A_1269 : memref<64xi32, #tpu.memory_space<hbm>>) target(%dma_start3A_1268 : memref<64xi32, #tpu.memory_space<vmem>>) target_semaphore(%dma_start3A_1265 : memref<!tpu.dma_semaphore, #tpu.memory_space<semaphore_mem>>)
      %add3A_1270 = arith.constant 3 : i32
      %add3A_1271 = arith.addi %add3A_925, %add3A_1270 : i32
      %add3A_1272 = arith.constant 4 : i32
      %add3A_1273 = arith.addi %add3A_1271, %add3A_1272 : i32
      %mul3A_1274 = arith.constant 64 : i32
      %mul3A_1275 = arith.muli %add3A_1273, %mul3A_1274 : i32
      %add3A_1276 = arith.addi %mul3A_2, %mul3A_1275 : i32
      %dma_wait3A_1277 = arith.constant 7 : i32
      %dma_wait3A_1278 = arith.constant 7 : i32
      %dma_wait3A_1279 = arith.constant 0 : i32
      %dma_wait3A_1280 = tpu.memref_slice %arg5[%dma_wait3A_1277, %dma_wait3A_1279] : memref<8x64xi32, #tpu.memory_space<vmem>> -> memref<1x64xi32, #tpu.memory_space<vmem>>
      %dma_wait3A_1281 = tpu.memref_squeeze %dma_wait3A_1280 : memref<1x64xi32, #tpu.memory_space<vmem>> -> memref<64xi32, #tpu.memory_space<vmem>>
      %dma_wait3A_1282 = tpu.memref_slice %arg2[%add3A_1276] : memref<640000xi32, #tpu.memory_space<hbm>> -> memref<64xi32, #tpu.memory_space<hbm>>
      %dma_wait3A_1283 = tpu.memref_slice %arg12[%dma_wait3A_1278] : memref<8x!tpu.dma_semaphore, #tpu.memory_space<semaphore_mem>> -> memref<1x!tpu.dma_semaphore, #tpu.memory_space<semaphore_mem>>
      %dma_wait3A_1284 = tpu.memref_squeeze %dma_wait3A_1283 : memref<1x!tpu.dma_semaphore, #tpu.memory_space<semaphore_mem>> -> memref<!tpu.dma_semaphore, #tpu.memory_space<semaphore_mem>>
      %dma_wait3A_1285 = arith.constant 0 : i32
      %dma_wait3A_1286 = tpu.memref_slice %arg5[%dma_wait3A_1277, %dma_wait3A_1285] : memref<8x64xi32, #tpu.memory_space<vmem>> -> memref<1x64xi32, #tpu.memory_space<vmem>>
      %dma_wait3A_1287 = tpu.memref_squeeze %dma_wait3A_1286 : memref<1x64xi32, #tpu.memory_space<vmem>> -> memref<64xi32, #tpu.memory_space<vmem>>
      %dma_wait3A_1288 = tpu.memref_slice %arg2[%add3A_1276] : memref<640000xi32, #tpu.memory_space<hbm>> -> memref<64xi32, #tpu.memory_space<hbm>>
      tpu.wait_dma2 semaphore(%dma_wait3A_1284 : memref<!tpu.dma_semaphore, #tpu.memory_space<semaphore_mem>>) src(%dma_wait3A_1288 : memref<64xi32, #tpu.memory_space<hbm>>) dst(%dma_wait3A_1287 : memref<64xi32, #tpu.memory_space<vmem>>)
      %add3A_1289 = arith.constant 320000 : i32
      %add3A_1290 = arith.addi %add3A_1289, %add3A_1276 : i32
      %dma_wait3A_1291 = arith.constant 7 : i32
      %dma_wait3A_1292 = arith.constant 7 : i32
      %dma_wait3A_1293 = arith.constant 0 : i32
      %dma_wait3A_1294 = tpu.memref_slice %arg6[%dma_wait3A_1291, %dma_wait3A_1293] : memref<8x64xi32, #tpu.memory_space<vmem>> -> memref<1x64xi32, #tpu.memory_space<vmem>>
      %dma_wait3A_1295 = tpu.memref_squeeze %dma_wait3A_1294 : memref<1x64xi32, #tpu.memory_space<vmem>> -> memref<64xi32, #tpu.memory_space<vmem>>
      %dma_wait3A_1296 = tpu.memref_slice %arg2[%add3A_1290] : memref<640000xi32, #tpu.memory_space<hbm>> -> memref<64xi32, #tpu.memory_space<hbm>>
      %dma_wait3A_1297 = tpu.memref_slice %arg12[%dma_wait3A_1292] : memref<8x!tpu.dma_semaphore, #tpu.memory_space<semaphore_mem>> -> memref<1x!tpu.dma_semaphore, #tpu.memory_space<semaphore_mem>>
      %dma_wait3A_1298 = tpu.memref_squeeze %dma_wait3A_1297 : memref<1x!tpu.dma_semaphore, #tpu.memory_space<semaphore_mem>> -> memref<!tpu.dma_semaphore, #tpu.memory_space<semaphore_mem>>
      %dma_wait3A_1299 = arith.constant 0 : i32
      %dma_wait3A_1300 = tpu.memref_slice %arg6[%dma_wait3A_1291, %dma_wait3A_1299] : memref<8x64xi32, #tpu.memory_space<vmem>> -> memref<1x64xi32, #tpu.memory_space<vmem>>
      %dma_wait3A_1301 = tpu.memref_squeeze %dma_wait3A_1300 : memref<1x64xi32, #tpu.memory_space<vmem>> -> memref<64xi32, #tpu.memory_space<vmem>>
      %dma_wait3A_1302 = tpu.memref_slice %arg2[%add3A_1290] : memref<640000xi32, #tpu.memory_space<hbm>> -> memref<64xi32, #tpu.memory_space<hbm>>
      tpu.wait_dma2 semaphore(%dma_wait3A_1298 : memref<!tpu.dma_semaphore, #tpu.memory_space<semaphore_mem>>) src(%dma_wait3A_1302 : memref<64xi32, #tpu.memory_space<hbm>>) dst(%dma_wait3A_1301 : memref<64xi32, #tpu.memory_space<vmem>>)
      %dma_start3A_1303 = arith.constant 7 : i32
      %dma_start3A_1304 = arith.constant 3 : i32
      %dma_start3A_1305 = arith.constant 3 : i32
      %dma_start3A_1306 = arith.constant 0 : i32
      %dma_start3A_1307 = arith.constant 0 : i32
      %dma_start3A_1308 = tpu.memref_slice %arg7[%dma_start3A_1304, %dma_start3A_1306, %dma_start3A_1307] : memref<4x64x128xf32, #tpu.memory_space<vmem>> -> memref<1x64x128xf32, #tpu.memory_space<vmem>>
      %dma_start3A_1309 = tpu.memref_squeeze %dma_start3A_1308 : memref<1x64x128xf32, #tpu.memory_space<vmem>> -> memref<64x128xf32, #tpu.memory_space<vmem>>
      %dma_start3A_1310 = arith.constant 0 : i32
      %dma_start3A_1311 = tpu.memref_slice %arg5[%dma_start3A_1303, %dma_start3A_1310] : memref<8x64xi32, #tpu.memory_space<vmem>> -> memref<1x64xi32, #tpu.memory_space<vmem>>
      %dma_start3A_1312 = tpu.memref_squeeze %dma_start3A_1311 : memref<1x64xi32, #tpu.memory_space<vmem>> -> memref<64xi32, #tpu.memory_space<vmem>>
      %dma_start3A_1313 = arith.constant 0 : i32
      %dma_start3A_1314 = arith.constant 0 : i32
      %dma_start3A_1315 = tpu.memref_slice %arg3[%dma_start3A_1313, %dma_start3A_1314] : memref<10000x128xf32, #tpu.memory_space<hbm>> -> memref<10000x128xf32, #tpu.memory_space<hbm>>
      %dma_start3A_1316 = tpu.memref_slice %arg13[%dma_start3A_1305] : memref<4x!tpu.dma_semaphore, #tpu.memory_space<semaphore_mem>> -> memref<1x!tpu.dma_semaphore, #tpu.memory_space<semaphore_mem>>
      %dma_start3A_1317 = tpu.memref_squeeze %dma_start3A_1316 : memref<1x!tpu.dma_semaphore, #tpu.memory_space<semaphore_mem>> -> memref<!tpu.dma_semaphore, #tpu.memory_space<semaphore_mem>>
      tpu.enqueue_indirect_dma source(%dma_start3A_1315 : memref<10000x128xf32, #tpu.memory_space<hbm>>) target(%dma_start3A_1309 : memref<64x128xf32, #tpu.memory_space<vmem>>) offsets(%dma_start3A_1312 : memref<64xi32, #tpu.memory_space<vmem>>) semaphore(%dma_start3A_1317 : memref<!tpu.dma_semaphore, #tpu.memory_space<semaphore_mem>>)
      %dma_wait3A_1318 = arith.constant 4 : i32
      %dma_wait3A_1319 = arith.constant 0 : i32
      %dma_wait3A_1320 = arith.constant 0 : i32
      %dma_wait3A_1321 = arith.constant 0 : i32
      %dma_wait3A_1322 = arith.constant 0 : i32
      %dma_wait3A_1323 = tpu.memref_slice %arg7[%dma_wait3A_1319, %dma_wait3A_1321, %dma_wait3A_1322] : memref<4x64x128xf32, #tpu.memory_space<vmem>> -> memref<1x64x128xf32, #tpu.memory_space<vmem>>
      %dma_wait3A_1324 = tpu.memref_squeeze %dma_wait3A_1323 : memref<1x64x128xf32, #tpu.memory_space<vmem>> -> memref<64x128xf32, #tpu.memory_space<vmem>>
      %dma_wait3A_1325 = arith.constant 0 : i32
      %dma_wait3A_1326 = tpu.memref_slice %arg5[%dma_wait3A_1318, %dma_wait3A_1325] : memref<8x64xi32, #tpu.memory_space<vmem>> -> memref<1x64xi32, #tpu.memory_space<vmem>>
      %dma_wait3A_1327 = tpu.memref_squeeze %dma_wait3A_1326 : memref<1x64xi32, #tpu.memory_space<vmem>> -> memref<64xi32, #tpu.memory_space<vmem>>
      %dma_wait3A_1328 = arith.constant 0 : i32
      %dma_wait3A_1329 = arith.constant 0 : i32
      %dma_wait3A_1330 = tpu.memref_slice %arg3[%dma_wait3A_1328, %dma_wait3A_1329] : memref<10000x128xf32, #tpu.memory_space<hbm>> -> memref<10000x128xf32, #tpu.memory_space<hbm>>
      %dma_wait3A_1331 = tpu.memref_slice %arg13[%dma_wait3A_1320] : memref<4x!tpu.dma_semaphore, #tpu.memory_space<semaphore_mem>> -> memref<1x!tpu.dma_semaphore, #tpu.memory_space<semaphore_mem>>
      %dma_wait3A_1332 = tpu.memref_squeeze %dma_wait3A_1331 : memref<1x!tpu.dma_semaphore, #tpu.memory_space<semaphore_mem>> -> memref<!tpu.dma_semaphore, #tpu.memory_space<semaphore_mem>>
      tpu.wait_indirect_dma semaphore(%dma_wait3A_1332 : memref<!tpu.dma_semaphore, #tpu.memory_space<semaphore_mem>>) src(%dma_wait3A_1330 : memref<10000x128xf32, #tpu.memory_space<hbm>>) dst(%dma_wait3A_1324 : memref<64x128xf32, #tpu.memory_space<vmem>>)
      %run_scoped3A_1333 = arith.constant 0 : i32
      %run_scoped3A_1334 = arith.constant 4 : i32
      "tpu.region"() ({
        %run_scoped3A_1611 = tpu.sem_alloc : memref<!tpu.dma_semaphore, #tpu.memory_space<semaphore_mem>>
        %dma_start3A_1612 = arith.constant 0 : i32
        %dma_start3A_1613 = arith.constant 0 : i32
        %dma_start3A_1614 = tpu.memref_slice %arg7[%run_scoped3A_1333, %dma_start3A_1612, %dma_start3A_1613] : memref<4x64x128xf32, #tpu.memory_space<vmem>> -> memref<1x64x128xf32, #tpu.memory_space<vmem>>
        %dma_start3A_1615 = tpu.memref_squeeze %dma_start3A_1614 : memref<1x64x128xf32, #tpu.memory_space<vmem>> -> memref<64x128xf32, #tpu.memory_space<vmem>>
        %dma_start3A_1616 = arith.constant 0 : i32
        %dma_start3A_1617 = tpu.memref_slice %arg6[%run_scoped3A_1334, %dma_start3A_1616] : memref<8x64xi32, #tpu.memory_space<vmem>> -> memref<1x64xi32, #tpu.memory_space<vmem>>
        %dma_start3A_1618 = tpu.memref_squeeze %dma_start3A_1617 : memref<1x64xi32, #tpu.memory_space<vmem>> -> memref<64xi32, #tpu.memory_space<vmem>>
        %dma_start3A_1619 = arith.constant 0 : i32
        %dma_start3A_1620 = arith.constant 0 : i32
        %dma_start3A_1621 = tpu.memref_slice %arg11[%dma_start3A_1619, %dma_start3A_1620] : memref<10112x128xf32, #tpu.memory_space<vmem_shared>> -> memref<10112x128xf32, #tpu.memory_space<vmem_shared>>
        tpu.enqueue_indirect_dma source(%dma_start3A_1615 : memref<64x128xf32, #tpu.memory_space<vmem>>) target(%dma_start3A_1621 : memref<10112x128xf32, #tpu.memory_space<vmem_shared>>) offsets(%dma_start3A_1618 : memref<64xi32, #tpu.memory_space<vmem>>) semaphore(%run_scoped3A_1611 : memref<!tpu.dma_semaphore, #tpu.memory_space<semaphore_mem>>) {add = true}
        %dma_wait3A_1622 = arith.constant 0 : i32
        %dma_wait3A_1623 = arith.constant 0 : i32
        %dma_wait3A_1624 = tpu.memref_slice %arg7[%run_scoped3A_1333, %dma_wait3A_1622, %dma_wait3A_1623] : memref<4x64x128xf32, #tpu.memory_space<vmem>> -> memref<1x64x128xf32, #tpu.memory_space<vmem>>
        %dma_wait3A_1625 = tpu.memref_squeeze %dma_wait3A_1624 : memref<1x64x128xf32, #tpu.memory_space<vmem>> -> memref<64x128xf32, #tpu.memory_space<vmem>>
        %dma_wait3A_1626 = arith.constant 0 : i32
        %dma_wait3A_1627 = tpu.memref_slice %arg6[%run_scoped3A_1334, %dma_wait3A_1626] : memref<8x64xi32, #tpu.memory_space<vmem>> -> memref<1x64xi32, #tpu.memory_space<vmem>>
        %dma_wait3A_1628 = tpu.memref_squeeze %dma_wait3A_1627 : memref<1x64xi32, #tpu.memory_space<vmem>> -> memref<64xi32, #tpu.memory_space<vmem>>
        %dma_wait3A_1629 = arith.constant 0 : i32
        %dma_wait3A_1630 = arith.constant 0 : i32
        %dma_wait3A_1631 = tpu.memref_slice %arg11[%dma_wait3A_1629, %dma_wait3A_1630] : memref<10112x128xf32, #tpu.memory_space<vmem_shared>> -> memref<10112x128xf32, #tpu.memory_space<vmem_shared>>
        tpu.wait_indirect_dma semaphore(%run_scoped3A_1611 : memref<!tpu.dma_semaphore, #tpu.memory_space<semaphore_mem>>) src(%dma_wait3A_1625 : memref<64x128xf32, #tpu.memory_space<vmem>>) dst(%dma_wait3A_1631 : memref<10112x128xf32, #tpu.memory_space<vmem_shared>>)
        tpu.yield
      }) : () -> ()
      %add3A_1335 = arith.constant 4 : i32
      %add3A_1336 = arith.addi %add3A_925, %add3A_1335 : i32
      %add3A_1337 = arith.constant 8 : i32
      %add3A_1338 = arith.addi %add3A_1336, %add3A_1337 : i32
      %lt3A = arith.constant 156 : i32
      %lt3A_1339 = arith.cmpi slt, %add3A_1338, %lt3A : i32
      %convert_element_type3A = arith.extui %lt3A_1339 : i1 to i32
      %cond3A = arith.constant 0 : i32
      %cond3A_1340 = arith.cmpi ne, %convert_element_type3A, %cond3A : i32
      scf.if %cond3A_1340 {
        %add3A_1611 = arith.constant 4 : i32
        %add3A_1612 = arith.addi %add3A_925, %add3A_1611 : i32
        %add3A_1613 = arith.constant 8 : i32
        %add3A_1614 = arith.addi %add3A_1612, %add3A_1613 : i32
        %mul3A_1615 = arith.constant 64 : i32
        %mul3A_1616 = arith.muli %add3A_1614, %mul3A_1615 : i32
        %add3A_1617 = arith.addi %mul3A_2, %mul3A_1616 : i32
        %dma_start3A_1618 = arith.constant 4 : i32
        %dma_start3A_1619 = arith.constant 4 : i32
        %dma_start3A_1620 = arith.constant 0 : i32
        %dma_start3A_1621 = tpu.memref_slice %arg5[%dma_start3A_1618, %dma_start3A_1620] : memref<8x64xi32, #tpu.memory_space<vmem>> -> memref<1x64xi32, #tpu.memory_space<vmem>>
        %dma_start3A_1622 = tpu.memref_squeeze %dma_start3A_1621 : memref<1x64xi32, #tpu.memory_space<vmem>> -> memref<64xi32, #tpu.memory_space<vmem>>
        %dma_start3A_1623 = tpu.memref_slice %arg2[%add3A_1617] : memref<640000xi32, #tpu.memory_space<hbm>> -> memref<64xi32, #tpu.memory_space<hbm>>
        %dma_start3A_1624 = tpu.memref_slice %arg12[%dma_start3A_1619] : memref<8x!tpu.dma_semaphore, #tpu.memory_space<semaphore_mem>> -> memref<1x!tpu.dma_semaphore, #tpu.memory_space<semaphore_mem>>
        %dma_start3A_1625 = tpu.memref_squeeze %dma_start3A_1624 : memref<1x!tpu.dma_semaphore, #tpu.memory_space<semaphore_mem>> -> memref<!tpu.dma_semaphore, #tpu.memory_space<semaphore_mem>>
        %dma_start3A_1626 = arith.constant 0 : i32
        %dma_start3A_1627 = tpu.memref_slice %arg5[%dma_start3A_1618, %dma_start3A_1626] : memref<8x64xi32, #tpu.memory_space<vmem>> -> memref<1x64xi32, #tpu.memory_space<vmem>>
        %dma_start3A_1628 = tpu.memref_squeeze %dma_start3A_1627 : memref<1x64xi32, #tpu.memory_space<vmem>> -> memref<64xi32, #tpu.memory_space<vmem>>
        %dma_start3A_1629 = tpu.memref_slice %arg2[%add3A_1617] : memref<640000xi32, #tpu.memory_space<hbm>> -> memref<64xi32, #tpu.memory_space<hbm>>
        tpu.enqueue_dma source(%dma_start3A_1629 : memref<64xi32, #tpu.memory_space<hbm>>) target(%dma_start3A_1628 : memref<64xi32, #tpu.memory_space<vmem>>) target_semaphore(%dma_start3A_1625 : memref<!tpu.dma_semaphore, #tpu.memory_space<semaphore_mem>>)
        %add3A_1630 = arith.constant 320000 : i32
        %add3A_1631 = arith.addi %add3A_1630, %add3A_1617 : i32
        %dma_start3A_1632 = arith.constant 4 : i32
        %dma_start3A_1633 = arith.constant 4 : i32
        %dma_start3A_1634 = arith.constant 0 : i32
        %dma_start3A_1635 = tpu.memref_slice %arg6[%dma_start3A_1632, %dma_start3A_1634] : memref<8x64xi32, #tpu.memory_space<vmem>> -> memref<1x64xi32, #tpu.memory_space<vmem>>
        %dma_start3A_1636 = tpu.memref_squeeze %dma_start3A_1635 : memref<1x64xi32, #tpu.memory_space<vmem>> -> memref<64xi32, #tpu.memory_space<vmem>>
        %dma_start3A_1637 = tpu.memref_slice %arg2[%add3A_1631] : memref<640000xi32, #tpu.memory_space<hbm>> -> memref<64xi32, #tpu.memory_space<hbm>>
        %dma_start3A_1638 = tpu.memref_slice %arg12[%dma_start3A_1633] : memref<8x!tpu.dma_semaphore, #tpu.memory_space<semaphore_mem>> -> memref<1x!tpu.dma_semaphore, #tpu.memory_space<semaphore_mem>>
        %dma_start3A_1639 = tpu.memref_squeeze %dma_start3A_1638 : memref<1x!tpu.dma_semaphore, #tpu.memory_space<semaphore_mem>> -> memref<!tpu.dma_semaphore, #tpu.memory_space<semaphore_mem>>
        %dma_start3A_1640 = arith.constant 0 : i32
        %dma_start3A_1641 = tpu.memref_slice %arg6[%dma_start3A_1632, %dma_start3A_1640] : memref<8x64xi32, #tpu.memory_space<vmem>> -> memref<1x64xi32, #tpu.memory_space<vmem>>
        %dma_start3A_1642 = tpu.memref_squeeze %dma_start3A_1641 : memref<1x64xi32, #tpu.memory_space<vmem>> -> memref<64xi32, #tpu.memory_space<vmem>>
        %dma_start3A_1643 = tpu.memref_slice %arg2[%add3A_1631] : memref<640000xi32, #tpu.memory_space<hbm>> -> memref<64xi32, #tpu.memory_space<hbm>>
        tpu.enqueue_dma source(%dma_start3A_1643 : memref<64xi32, #tpu.memory_space<hbm>>) target(%dma_start3A_1642 : memref<64xi32, #tpu.memory_space<vmem>>) target_semaphore(%dma_start3A_1639 : memref<!tpu.dma_semaphore, #tpu.memory_space<semaphore_mem>>)
      } else {
      }
      %add3A_1341 = arith.constant 4 : i32
      %add3A_1342 = arith.addi %add3A_925, %add3A_1341 : i32
      %add3A_1343 = arith.constant 4 : i32
      %add3A_1344 = arith.addi %add3A_1342, %add3A_1343 : i32
      %mul3A_1345 = arith.constant 64 : i32
      %mul3A_1346 = arith.muli %add3A_1344, %mul3A_1345 : i32
      %add3A_1347 = arith.addi %mul3A_2, %mul3A_1346 : i32
      %dma_wait3A_1348 = arith.constant 0 : i32
      %dma_wait3A_1349 = arith.constant 0 : i32
      %dma_wait3A_1350 = arith.constant 0 : i32
      %dma_wait3A_1351 = tpu.memref_slice %arg5[%dma_wait3A_1348, %dma_wait3A_1350] : memref<8x64xi32, #tpu.memory_space<vmem>> -> memref<1x64xi32, #tpu.memory_space<vmem>>
      %dma_wait3A_1352 = tpu.memref_squeeze %dma_wait3A_1351 : memref<1x64xi32, #tpu.memory_space<vmem>> -> memref<64xi32, #tpu.memory_space<vmem>>
      %dma_wait3A_1353 = tpu.memref_slice %arg2[%add3A_1347] : memref<640000xi32, #tpu.memory_space<hbm>> -> memref<64xi32, #tpu.memory_space<hbm>>
      %dma_wait3A_1354 = tpu.memref_slice %arg12[%dma_wait3A_1349] : memref<8x!tpu.dma_semaphore, #tpu.memory_space<semaphore_mem>> -> memref<1x!tpu.dma_semaphore, #tpu.memory_space<semaphore_mem>>
      %dma_wait3A_1355 = tpu.memref_squeeze %dma_wait3A_1354 : memref<1x!tpu.dma_semaphore, #tpu.memory_space<semaphore_mem>> -> memref<!tpu.dma_semaphore, #tpu.memory_space<semaphore_mem>>
      %dma_wait3A_1356 = arith.constant 0 : i32
      %dma_wait3A_1357 = tpu.memref_slice %arg5[%dma_wait3A_1348, %dma_wait3A_1356] : memref<8x64xi32, #tpu.memory_space<vmem>> -> memref<1x64xi32, #tpu.memory_space<vmem>>
      %dma_wait3A_1358 = tpu.memref_squeeze %dma_wait3A_1357 : memref<1x64xi32, #tpu.memory_space<vmem>> -> memref<64xi32, #tpu.memory_space<vmem>>
      %dma_wait3A_1359 = tpu.memref_slice %arg2[%add3A_1347] : memref<640000xi32, #tpu.memory_space<hbm>> -> memref<64xi32, #tpu.memory_space<hbm>>
      tpu.wait_dma2 semaphore(%dma_wait3A_1355 : memref<!tpu.dma_semaphore, #tpu.memory_space<semaphore_mem>>) src(%dma_wait3A_1359 : memref<64xi32, #tpu.memory_space<hbm>>) dst(%dma_wait3A_1358 : memref<64xi32, #tpu.memory_space<vmem>>)
      %add3A_1360 = arith.constant 320000 : i32
      %add3A_1361 = arith.addi %add3A_1360, %add3A_1347 : i32
      %dma_wait3A_1362 = arith.constant 0 : i32
      %dma_wait3A_1363 = arith.constant 0 : i32
      %dma_wait3A_1364 = arith.constant 0 : i32
      %dma_wait3A_1365 = tpu.memref_slice %arg6[%dma_wait3A_1362, %dma_wait3A_1364] : memref<8x64xi32, #tpu.memory_space<vmem>> -> memref<1x64xi32, #tpu.memory_space<vmem>>
      %dma_wait3A_1366 = tpu.memref_squeeze %dma_wait3A_1365 : memref<1x64xi32, #tpu.memory_space<vmem>> -> memref<64xi32, #tpu.memory_space<vmem>>
      %dma_wait3A_1367 = tpu.memref_slice %arg2[%add3A_1361] : memref<640000xi32, #tpu.memory_space<hbm>> -> memref<64xi32, #tpu.memory_space<hbm>>
      %dma_wait3A_1368 = tpu.memref_slice %arg12[%dma_wait3A_1363] : memref<8x!tpu.dma_semaphore, #tpu.memory_space<semaphore_mem>> -> memref<1x!tpu.dma_semaphore, #tpu.memory_space<semaphore_mem>>
      %dma_wait3A_1369 = tpu.memref_squeeze %dma_wait3A_1368 : memref<1x!tpu.dma_semaphore, #tpu.memory_space<semaphore_mem>> -> memref<!tpu.dma_semaphore, #tpu.memory_space<semaphore_mem>>
      %dma_wait3A_1370 = arith.constant 0 : i32
      %dma_wait3A_1371 = tpu.memref_slice %arg6[%dma_wait3A_1362, %dma_wait3A_1370] : memref<8x64xi32, #tpu.memory_space<vmem>> -> memref<1x64xi32, #tpu.memory_space<vmem>>
      %dma_wait3A_1372 = tpu.memref_squeeze %dma_wait3A_1371 : memref<1x64xi32, #tpu.memory_space<vmem>> -> memref<64xi32, #tpu.memory_space<vmem>>
      %dma_wait3A_1373 = tpu.memref_slice %arg2[%add3A_1361] : memref<640000xi32, #tpu.memory_space<hbm>> -> memref<64xi32, #tpu.memory_space<hbm>>
      tpu.wait_dma2 semaphore(%dma_wait3A_1369 : memref<!tpu.dma_semaphore, #tpu.memory_space<semaphore_mem>>) src(%dma_wait3A_1373 : memref<64xi32, #tpu.memory_space<hbm>>) dst(%dma_wait3A_1372 : memref<64xi32, #tpu.memory_space<vmem>>)
      %dma_start3A_1374 = arith.constant 0 : i32
      %dma_start3A_1375 = arith.constant 0 : i32
      %dma_start3A_1376 = arith.constant 0 : i32
      %dma_start3A_1377 = arith.constant 0 : i32
      %dma_start3A_1378 = arith.constant 0 : i32
      %dma_start3A_1379 = tpu.memref_slice %arg7[%dma_start3A_1375, %dma_start3A_1377, %dma_start3A_1378] : memref<4x64x128xf32, #tpu.memory_space<vmem>> -> memref<1x64x128xf32, #tpu.memory_space<vmem>>
      %dma_start3A_1380 = tpu.memref_squeeze %dma_start3A_1379 : memref<1x64x128xf32, #tpu.memory_space<vmem>> -> memref<64x128xf32, #tpu.memory_space<vmem>>
      %dma_start3A_1381 = arith.constant 0 : i32
      %dma_start3A_1382 = tpu.memref_slice %arg5[%dma_start3A_1374, %dma_start3A_1381] : memref<8x64xi32, #tpu.memory_space<vmem>> -> memref<1x64xi32, #tpu.memory_space<vmem>>
      %dma_start3A_1383 = tpu.memref_squeeze %dma_start3A_1382 : memref<1x64xi32, #tpu.memory_space<vmem>> -> memref<64xi32, #tpu.memory_space<vmem>>
      %dma_start3A_1384 = arith.constant 0 : i32
      %dma_start3A_1385 = arith.constant 0 : i32
      %dma_start3A_1386 = tpu.memref_slice %arg3[%dma_start3A_1384, %dma_start3A_1385] : memref<10000x128xf32, #tpu.memory_space<hbm>> -> memref<10000x128xf32, #tpu.memory_space<hbm>>
      %dma_start3A_1387 = tpu.memref_slice %arg13[%dma_start3A_1376] : memref<4x!tpu.dma_semaphore, #tpu.memory_space<semaphore_mem>> -> memref<1x!tpu.dma_semaphore, #tpu.memory_space<semaphore_mem>>
      %dma_start3A_1388 = tpu.memref_squeeze %dma_start3A_1387 : memref<1x!tpu.dma_semaphore, #tpu.memory_space<semaphore_mem>> -> memref<!tpu.dma_semaphore, #tpu.memory_space<semaphore_mem>>
      tpu.enqueue_indirect_dma source(%dma_start3A_1386 : memref<10000x128xf32, #tpu.memory_space<hbm>>) target(%dma_start3A_1380 : memref<64x128xf32, #tpu.memory_space<vmem>>) offsets(%dma_start3A_1383 : memref<64xi32, #tpu.memory_space<vmem>>) semaphore(%dma_start3A_1388 : memref<!tpu.dma_semaphore, #tpu.memory_space<semaphore_mem>>)
      %dma_wait3A_1389 = arith.constant 5 : i32
      %dma_wait3A_1390 = arith.constant 1 : i32
      %dma_wait3A_1391 = arith.constant 1 : i32
      %dma_wait3A_1392 = arith.constant 0 : i32
      %dma_wait3A_1393 = arith.constant 0 : i32
      %dma_wait3A_1394 = tpu.memref_slice %arg7[%dma_wait3A_1390, %dma_wait3A_1392, %dma_wait3A_1393] : memref<4x64x128xf32, #tpu.memory_space<vmem>> -> memref<1x64x128xf32, #tpu.memory_space<vmem>>
      %dma_wait3A_1395 = tpu.memref_squeeze %dma_wait3A_1394 : memref<1x64x128xf32, #tpu.memory_space<vmem>> -> memref<64x128xf32, #tpu.memory_space<vmem>>
      %dma_wait3A_1396 = arith.constant 0 : i32
      %dma_wait3A_1397 = tpu.memref_slice %arg5[%dma_wait3A_1389, %dma_wait3A_1396] : memref<8x64xi32, #tpu.memory_space<vmem>> -> memref<1x64xi32, #tpu.memory_space<vmem>>
      %dma_wait3A_1398 = tpu.memref_squeeze %dma_wait3A_1397 : memref<1x64xi32, #tpu.memory_space<vmem>> -> memref<64xi32, #tpu.memory_space<vmem>>
      %dma_wait3A_1399 = arith.constant 0 : i32
      %dma_wait3A_1400 = arith.constant 0 : i32
      %dma_wait3A_1401 = tpu.memref_slice %arg3[%dma_wait3A_1399, %dma_wait3A_1400] : memref<10000x128xf32, #tpu.memory_space<hbm>> -> memref<10000x128xf32, #tpu.memory_space<hbm>>
      %dma_wait3A_1402 = tpu.memref_slice %arg13[%dma_wait3A_1391] : memref<4x!tpu.dma_semaphore, #tpu.memory_space<semaphore_mem>> -> memref<1x!tpu.dma_semaphore, #tpu.memory_space<semaphore_mem>>
      %dma_wait3A_1403 = tpu.memref_squeeze %dma_wait3A_1402 : memref<1x!tpu.dma_semaphore, #tpu.memory_space<semaphore_mem>> -> memref<!tpu.dma_semaphore, #tpu.memory_space<semaphore_mem>>
      tpu.wait_indirect_dma semaphore(%dma_wait3A_1403 : memref<!tpu.dma_semaphore, #tpu.memory_space<semaphore_mem>>) src(%dma_wait3A_1401 : memref<10000x128xf32, #tpu.memory_space<hbm>>) dst(%dma_wait3A_1395 : memref<64x128xf32, #tpu.memory_space<vmem>>)
      %run_scoped3A_1404 = arith.constant 1 : i32
      %run_scoped3A_1405 = arith.constant 5 : i32
      "tpu.region"() ({
        %run_scoped3A_1611 = tpu.sem_alloc : memref<!tpu.dma_semaphore, #tpu.memory_space<semaphore_mem>>
        %dma_start3A_1612 = arith.constant 0 : i32
        %dma_start3A_1613 = arith.constant 0 : i32
        %dma_start3A_1614 = tpu.memref_slice %arg7[%run_scoped3A_1404, %dma_start3A_1612, %dma_start3A_1613] : memref<4x64x128xf32, #tpu.memory_space<vmem>> -> memref<1x64x128xf32, #tpu.memory_space<vmem>>
        %dma_start3A_1615 = tpu.memref_squeeze %dma_start3A_1614 : memref<1x64x128xf32, #tpu.memory_space<vmem>> -> memref<64x128xf32, #tpu.memory_space<vmem>>
        %dma_start3A_1616 = arith.constant 0 : i32
        %dma_start3A_1617 = tpu.memref_slice %arg6[%run_scoped3A_1405, %dma_start3A_1616] : memref<8x64xi32, #tpu.memory_space<vmem>> -> memref<1x64xi32, #tpu.memory_space<vmem>>
        %dma_start3A_1618 = tpu.memref_squeeze %dma_start3A_1617 : memref<1x64xi32, #tpu.memory_space<vmem>> -> memref<64xi32, #tpu.memory_space<vmem>>
        %dma_start3A_1619 = arith.constant 0 : i32
        %dma_start3A_1620 = arith.constant 0 : i32
        %dma_start3A_1621 = tpu.memref_slice %arg11[%dma_start3A_1619, %dma_start3A_1620] : memref<10112x128xf32, #tpu.memory_space<vmem_shared>> -> memref<10112x128xf32, #tpu.memory_space<vmem_shared>>
        tpu.enqueue_indirect_dma source(%dma_start3A_1615 : memref<64x128xf32, #tpu.memory_space<vmem>>) target(%dma_start3A_1621 : memref<10112x128xf32, #tpu.memory_space<vmem_shared>>) offsets(%dma_start3A_1618 : memref<64xi32, #tpu.memory_space<vmem>>) semaphore(%run_scoped3A_1611 : memref<!tpu.dma_semaphore, #tpu.memory_space<semaphore_mem>>) {add = true}
        %dma_wait3A_1622 = arith.constant 0 : i32
        %dma_wait3A_1623 = arith.constant 0 : i32
        %dma_wait3A_1624 = tpu.memref_slice %arg7[%run_scoped3A_1404, %dma_wait3A_1622, %dma_wait3A_1623] : memref<4x64x128xf32, #tpu.memory_space<vmem>> -> memref<1x64x128xf32, #tpu.memory_space<vmem>>
        %dma_wait3A_1625 = tpu.memref_squeeze %dma_wait3A_1624 : memref<1x64x128xf32, #tpu.memory_space<vmem>> -> memref<64x128xf32, #tpu.memory_space<vmem>>
        %dma_wait3A_1626 = arith.constant 0 : i32
        %dma_wait3A_1627 = tpu.memref_slice %arg6[%run_scoped3A_1405, %dma_wait3A_1626] : memref<8x64xi32, #tpu.memory_space<vmem>> -> memref<1x64xi32, #tpu.memory_space<vmem>>
        %dma_wait3A_1628 = tpu.memref_squeeze %dma_wait3A_1627 : memref<1x64xi32, #tpu.memory_space<vmem>> -> memref<64xi32, #tpu.memory_space<vmem>>
        %dma_wait3A_1629 = arith.constant 0 : i32
        %dma_wait3A_1630 = arith.constant 0 : i32
        %dma_wait3A_1631 = tpu.memref_slice %arg11[%dma_wait3A_1629, %dma_wait3A_1630] : memref<10112x128xf32, #tpu.memory_space<vmem_shared>> -> memref<10112x128xf32, #tpu.memory_space<vmem_shared>>
        tpu.wait_indirect_dma semaphore(%run_scoped3A_1611 : memref<!tpu.dma_semaphore, #tpu.memory_space<semaphore_mem>>) src(%dma_wait3A_1625 : memref<64x128xf32, #tpu.memory_space<vmem>>) dst(%dma_wait3A_1631 : memref<10112x128xf32, #tpu.memory_space<vmem_shared>>)
        tpu.yield
      }) : () -> ()
      %add3A_1406 = arith.constant 5 : i32
      %add3A_1407 = arith.addi %add3A_925, %add3A_1406 : i32
      %add3A_1408 = arith.constant 8 : i32
      %add3A_1409 = arith.addi %add3A_1407, %add3A_1408 : i32
      %lt3A_1410 = arith.constant 156 : i32
      %lt3A_1411 = arith.cmpi slt, %add3A_1409, %lt3A_1410 : i32
      %convert_element_type3A_1412 = arith.extui %lt3A_1411 : i1 to i32
      %cond3A_1413 = arith.constant 0 : i32
      %cond3A_1414 = arith.cmpi ne, %convert_element_type3A_1412, %cond3A_1413 : i32
      scf.if %cond3A_1414 {
        %add3A_1611 = arith.constant 5 : i32
        %add3A_1612 = arith.addi %add3A_925, %add3A_1611 : i32
        %add3A_1613 = arith.constant 8 : i32
        %add3A_1614 = arith.addi %add3A_1612, %add3A_1613 : i32
        %mul3A_1615 = arith.constant 64 : i32
        %mul3A_1616 = arith.muli %add3A_1614, %mul3A_1615 : i32
        %add3A_1617 = arith.addi %mul3A_2, %mul3A_1616 : i32
        %dma_start3A_1618 = arith.constant 5 : i32
        %dma_start3A_1619 = arith.constant 5 : i32
        %dma_start3A_1620 = arith.constant 0 : i32
        %dma_start3A_1621 = tpu.memref_slice %arg5[%dma_start3A_1618, %dma_start3A_1620] : memref<8x64xi32, #tpu.memory_space<vmem>> -> memref<1x64xi32, #tpu.memory_space<vmem>>
        %dma_start3A_1622 = tpu.memref_squeeze %dma_start3A_1621 : memref<1x64xi32, #tpu.memory_space<vmem>> -> memref<64xi32, #tpu.memory_space<vmem>>
        %dma_start3A_1623 = tpu.memref_slice %arg2[%add3A_1617] : memref<640000xi32, #tpu.memory_space<hbm>> -> memref<64xi32, #tpu.memory_space<hbm>>
        %dma_start3A_1624 = tpu.memref_slice %arg12[%dma_start3A_1619] : memref<8x!tpu.dma_semaphore, #tpu.memory_space<semaphore_mem>> -> memref<1x!tpu.dma_semaphore, #tpu.memory_space<semaphore_mem>>
        %dma_start3A_1625 = tpu.memref_squeeze %dma_start3A_1624 : memref<1x!tpu.dma_semaphore, #tpu.memory_space<semaphore_mem>> -> memref<!tpu.dma_semaphore, #tpu.memory_space<semaphore_mem>>
        %dma_start3A_1626 = arith.constant 0 : i32
        %dma_start3A_1627 = tpu.memref_slice %arg5[%dma_start3A_1618, %dma_start3A_1626] : memref<8x64xi32, #tpu.memory_space<vmem>> -> memref<1x64xi32, #tpu.memory_space<vmem>>
        %dma_start3A_1628 = tpu.memref_squeeze %dma_start3A_1627 : memref<1x64xi32, #tpu.memory_space<vmem>> -> memref<64xi32, #tpu.memory_space<vmem>>
        %dma_start3A_1629 = tpu.memref_slice %arg2[%add3A_1617] : memref<640000xi32, #tpu.memory_space<hbm>> -> memref<64xi32, #tpu.memory_space<hbm>>
        tpu.enqueue_dma source(%dma_start3A_1629 : memref<64xi32, #tpu.memory_space<hbm>>) target(%dma_start3A_1628 : memref<64xi32, #tpu.memory_space<vmem>>) target_semaphore(%dma_start3A_1625 : memref<!tpu.dma_semaphore, #tpu.memory_space<semaphore_mem>>)
        %add3A_1630 = arith.constant 320000 : i32
        %add3A_1631 = arith.addi %add3A_1630, %add3A_1617 : i32
        %dma_start3A_1632 = arith.constant 5 : i32
        %dma_start3A_1633 = arith.constant 5 : i32
        %dma_start3A_1634 = arith.constant 0 : i32
        %dma_start3A_1635 = tpu.memref_slice %arg6[%dma_start3A_1632, %dma_start3A_1634] : memref<8x64xi32, #tpu.memory_space<vmem>> -> memref<1x64xi32, #tpu.memory_space<vmem>>
        %dma_start3A_1636 = tpu.memref_squeeze %dma_start3A_1635 : memref<1x64xi32, #tpu.memory_space<vmem>> -> memref<64xi32, #tpu.memory_space<vmem>>
        %dma_start3A_1637 = tpu.memref_slice %arg2[%add3A_1631] : memref<640000xi32, #tpu.memory_space<hbm>> -> memref<64xi32, #tpu.memory_space<hbm>>
        %dma_start3A_1638 = tpu.memref_slice %arg12[%dma_start3A_1633] : memref<8x!tpu.dma_semaphore, #tpu.memory_space<semaphore_mem>> -> memref<1x!tpu.dma_semaphore, #tpu.memory_space<semaphore_mem>>
        %dma_start3A_1639 = tpu.memref_squeeze %dma_start3A_1638 : memref<1x!tpu.dma_semaphore, #tpu.memory_space<semaphore_mem>> -> memref<!tpu.dma_semaphore, #tpu.memory_space<semaphore_mem>>
        %dma_start3A_1640 = arith.constant 0 : i32
        %dma_start3A_1641 = tpu.memref_slice %arg6[%dma_start3A_1632, %dma_start3A_1640] : memref<8x64xi32, #tpu.memory_space<vmem>> -> memref<1x64xi32, #tpu.memory_space<vmem>>
        %dma_start3A_1642 = tpu.memref_squeeze %dma_start3A_1641 : memref<1x64xi32, #tpu.memory_space<vmem>> -> memref<64xi32, #tpu.memory_space<vmem>>
        %dma_start3A_1643 = tpu.memref_slice %arg2[%add3A_1631] : memref<640000xi32, #tpu.memory_space<hbm>> -> memref<64xi32, #tpu.memory_space<hbm>>
        tpu.enqueue_dma source(%dma_start3A_1643 : memref<64xi32, #tpu.memory_space<hbm>>) target(%dma_start3A_1642 : memref<64xi32, #tpu.memory_space<vmem>>) target_semaphore(%dma_start3A_1639 : memref<!tpu.dma_semaphore, #tpu.memory_space<semaphore_mem>>)
      } else {
      }
      %add3A_1415 = arith.constant 5 : i32
      %add3A_1416 = arith.addi %add3A_925, %add3A_1415 : i32
      %add3A_1417 = arith.constant 4 : i32
      %add3A_1418 = arith.addi %add3A_1416, %add3A_1417 : i32
      %mul3A_1419 = arith.constant 64 : i32
      %mul3A_1420 = arith.muli %add3A_1418, %mul3A_1419 : i32
      %add3A_1421 = arith.addi %mul3A_2, %mul3A_1420 : i32
      %dma_wait3A_1422 = arith.constant 1 : i32
      %dma_wait3A_1423 = arith.constant 1 : i32
      %dma_wait3A_1424 = arith.constant 0 : i32
      %dma_wait3A_1425 = tpu.memref_slice %arg5[%dma_wait3A_1422, %dma_wait3A_1424] : memref<8x64xi32, #tpu.memory_space<vmem>> -> memref<1x64xi32, #tpu.memory_space<vmem>>
      %dma_wait3A_1426 = tpu.memref_squeeze %dma_wait3A_1425 : memref<1x64xi32, #tpu.memory_space<vmem>> -> memref<64xi32, #tpu.memory_space<vmem>>
      %dma_wait3A_1427 = tpu.memref_slice %arg2[%add3A_1421] : memref<640000xi32, #tpu.memory_space<hbm>> -> memref<64xi32, #tpu.memory_space<hbm>>
      %dma_wait3A_1428 = tpu.memref_slice %arg12[%dma_wait3A_1423] : memref<8x!tpu.dma_semaphore, #tpu.memory_space<semaphore_mem>> -> memref<1x!tpu.dma_semaphore, #tpu.memory_space<semaphore_mem>>
      %dma_wait3A_1429 = tpu.memref_squeeze %dma_wait3A_1428 : memref<1x!tpu.dma_semaphore, #tpu.memory_space<semaphore_mem>> -> memref<!tpu.dma_semaphore, #tpu.memory_space<semaphore_mem>>
      %dma_wait3A_1430 = arith.constant 0 : i32
      %dma_wait3A_1431 = tpu.memref_slice %arg5[%dma_wait3A_1422, %dma_wait3A_1430] : memref<8x64xi32, #tpu.memory_space<vmem>> -> memref<1x64xi32, #tpu.memory_space<vmem>>
      %dma_wait3A_1432 = tpu.memref_squeeze %dma_wait3A_1431 : memref<1x64xi32, #tpu.memory_space<vmem>> -> memref<64xi32, #tpu.memory_space<vmem>>
      %dma_wait3A_1433 = tpu.memref_slice %arg2[%add3A_1421] : memref<640000xi32, #tpu.memory_space<hbm>> -> memref<64xi32, #tpu.memory_space<hbm>>
      tpu.wait_dma2 semaphore(%dma_wait3A_1429 : memref<!tpu.dma_semaphore, #tpu.memory_space<semaphore_mem>>) src(%dma_wait3A_1433 : memref<64xi32, #tpu.memory_space<hbm>>) dst(%dma_wait3A_1432 : memref<64xi32, #tpu.memory_space<vmem>>)
      %add3A_1434 = arith.constant 320000 : i32
      %add3A_1435 = arith.addi %add3A_1434, %add3A_1421 : i32
      %dma_wait3A_1436 = arith.constant 1 : i32
      %dma_wait3A_1437 = arith.constant 1 : i32
      %dma_wait3A_1438 = arith.constant 0 : i32
      %dma_wait3A_1439 = tpu.memref_slice %arg6[%dma_wait3A_1436, %dma_wait3A_1438] : memref<8x64xi32, #tpu.memory_space<vmem>> -> memref<1x64xi32, #tpu.memory_space<vmem>>
      %dma_wait3A_1440 = tpu.memref_squeeze %dma_wait3A_1439 : memref<1x64xi32, #tpu.memory_space<vmem>> -> memref<64xi32, #tpu.memory_space<vmem>>
      %dma_wait3A_1441 = tpu.memref_slice %arg2[%add3A_1435] : memref<640000xi32, #tpu.memory_space<hbm>> -> memref<64xi32, #tpu.memory_space<hbm>>
      %dma_wait3A_1442 = tpu.memref_slice %arg12[%dma_wait3A_1437] : memref<8x!tpu.dma_semaphore, #tpu.memory_space<semaphore_mem>> -> memref<1x!tpu.dma_semaphore, #tpu.memory_space<semaphore_mem>>
      %dma_wait3A_1443 = tpu.memref_squeeze %dma_wait3A_1442 : memref<1x!tpu.dma_semaphore, #tpu.memory_space<semaphore_mem>> -> memref<!tpu.dma_semaphore, #tpu.memory_space<semaphore_mem>>
      %dma_wait3A_1444 = arith.constant 0 : i32
      %dma_wait3A_1445 = tpu.memref_slice %arg6[%dma_wait3A_1436, %dma_wait3A_1444] : memref<8x64xi32, #tpu.memory_space<vmem>> -> memref<1x64xi32, #tpu.memory_space<vmem>>
      %dma_wait3A_1446 = tpu.memref_squeeze %dma_wait3A_1445 : memref<1x64xi32, #tpu.memory_space<vmem>> -> memref<64xi32, #tpu.memory_space<vmem>>
      %dma_wait3A_1447 = tpu.memref_slice %arg2[%add3A_1435] : memref<640000xi32, #tpu.memory_space<hbm>> -> memref<64xi32, #tpu.memory_space<hbm>>
      tpu.wait_dma2 semaphore(%dma_wait3A_1443 : memref<!tpu.dma_semaphore, #tpu.memory_space<semaphore_mem>>) src(%dma_wait3A_1447 : memref<64xi32, #tpu.memory_space<hbm>>) dst(%dma_wait3A_1446 : memref<64xi32, #tpu.memory_space<vmem>>)
      %dma_start3A_1448 = arith.constant 1 : i32
      %dma_start3A_1449 = arith.constant 1 : i32
      %dma_start3A_1450 = arith.constant 1 : i32
      %dma_start3A_1451 = arith.constant 0 : i32
      %dma_start3A_1452 = arith.constant 0 : i32
      %dma_start3A_1453 = tpu.memref_slice %arg7[%dma_start3A_1449, %dma_start3A_1451, %dma_start3A_1452] : memref<4x64x128xf32, #tpu.memory_space<vmem>> -> memref<1x64x128xf32, #tpu.memory_space<vmem>>
      %dma_start3A_1454 = tpu.memref_squeeze %dma_start3A_1453 : memref<1x64x128xf32, #tpu.memory_space<vmem>> -> memref<64x128xf32, #tpu.memory_space<vmem>>
      %dma_start3A_1455 = arith.constant 0 : i32
      %dma_start3A_1456 = tpu.memref_slice %arg5[%dma_start3A_1448, %dma_start3A_1455] : memref<8x64xi32, #tpu.memory_space<vmem>> -> memref<1x64xi32, #tpu.memory_space<vmem>>
      %dma_start3A_1457 = tpu.memref_squeeze %dma_start3A_1456 : memref<1x64xi32, #tpu.memory_space<vmem>> -> memref<64xi32, #tpu.memory_space<vmem>>
      %dma_start3A_1458 = arith.constant 0 : i32
      %dma_start3A_1459 = arith.constant 0 : i32
      %dma_start3A_1460 = tpu.memref_slice %arg3[%dma_start3A_1458, %dma_start3A_1459] : memref<10000x128xf32, #tpu.memory_space<hbm>> -> memref<10000x128xf32, #tpu.memory_space<hbm>>
      %dma_start3A_1461 = tpu.memref_slice %arg13[%dma_start3A_1450] : memref<4x!tpu.dma_semaphore, #tpu.memory_space<semaphore_mem>> -> memref<1x!tpu.dma_semaphore, #tpu.memory_space<semaphore_mem>>
      %dma_start3A_1462 = tpu.memref_squeeze %dma_start3A_1461 : memref<1x!tpu.dma_semaphore, #tpu.memory_space<semaphore_mem>> -> memref<!tpu.dma_semaphore, #tpu.memory_space<semaphore_mem>>
      tpu.enqueue_indirect_dma source(%dma_start3A_1460 : memref<10000x128xf32, #tpu.memory_space<hbm>>) target(%dma_start3A_1454 : memref<64x128xf32, #tpu.memory_space<vmem>>) offsets(%dma_start3A_1457 : memref<64xi32, #tpu.memory_space<vmem>>) semaphore(%dma_start3A_1462 : memref<!tpu.dma_semaphore, #tpu.memory_space<semaphore_mem>>)
      %dma_wait3A_1463 = arith.constant 6 : i32
      %dma_wait3A_1464 = arith.constant 2 : i32
      %dma_wait3A_1465 = arith.constant 2 : i32
      %dma_wait3A_1466 = arith.constant 0 : i32
      %dma_wait3A_1467 = arith.constant 0 : i32
      %dma_wait3A_1468 = tpu.memref_slice %arg7[%dma_wait3A_1464, %dma_wait3A_1466, %dma_wait3A_1467] : memref<4x64x128xf32, #tpu.memory_space<vmem>> -> memref<1x64x128xf32, #tpu.memory_space<vmem>>
      %dma_wait3A_1469 = tpu.memref_squeeze %dma_wait3A_1468 : memref<1x64x128xf32, #tpu.memory_space<vmem>> -> memref<64x128xf32, #tpu.memory_space<vmem>>
      %dma_wait3A_1470 = arith.constant 0 : i32
      %dma_wait3A_1471 = tpu.memref_slice %arg5[%dma_wait3A_1463, %dma_wait3A_1470] : memref<8x64xi32, #tpu.memory_space<vmem>> -> memref<1x64xi32, #tpu.memory_space<vmem>>
      %dma_wait3A_1472 = tpu.memref_squeeze %dma_wait3A_1471 : memref<1x64xi32, #tpu.memory_space<vmem>> -> memref<64xi32, #tpu.memory_space<vmem>>
      %dma_wait3A_1473 = arith.constant 0 : i32
      %dma_wait3A_1474 = arith.constant 0 : i32
      %dma_wait3A_1475 = tpu.memref_slice %arg3[%dma_wait3A_1473, %dma_wait3A_1474] : memref<10000x128xf32, #tpu.memory_space<hbm>> -> memref<10000x128xf32, #tpu.memory_space<hbm>>
      %dma_wait3A_1476 = tpu.memref_slice %arg13[%dma_wait3A_1465] : memref<4x!tpu.dma_semaphore, #tpu.memory_space<semaphore_mem>> -> memref<1x!tpu.dma_semaphore, #tpu.memory_space<semaphore_mem>>
      %dma_wait3A_1477 = tpu.memref_squeeze %dma_wait3A_1476 : memref<1x!tpu.dma_semaphore, #tpu.memory_space<semaphore_mem>> -> memref<!tpu.dma_semaphore, #tpu.memory_space<semaphore_mem>>
      tpu.wait_indirect_dma semaphore(%dma_wait3A_1477 : memref<!tpu.dma_semaphore, #tpu.memory_space<semaphore_mem>>) src(%dma_wait3A_1475 : memref<10000x128xf32, #tpu.memory_space<hbm>>) dst(%dma_wait3A_1469 : memref<64x128xf32, #tpu.memory_space<vmem>>)
      %run_scoped3A_1478 = arith.constant 2 : i32
      %run_scoped3A_1479 = arith.constant 6 : i32
      "tpu.region"() ({
        %run_scoped3A_1611 = tpu.sem_alloc : memref<!tpu.dma_semaphore, #tpu.memory_space<semaphore_mem>>
        %dma_start3A_1612 = arith.constant 0 : i32
        %dma_start3A_1613 = arith.constant 0 : i32
        %dma_start3A_1614 = tpu.memref_slice %arg7[%run_scoped3A_1478, %dma_start3A_1612, %dma_start3A_1613] : memref<4x64x128xf32, #tpu.memory_space<vmem>> -> memref<1x64x128xf32, #tpu.memory_space<vmem>>
        %dma_start3A_1615 = tpu.memref_squeeze %dma_start3A_1614 : memref<1x64x128xf32, #tpu.memory_space<vmem>> -> memref<64x128xf32, #tpu.memory_space<vmem>>
        %dma_start3A_1616 = arith.constant 0 : i32
        %dma_start3A_1617 = tpu.memref_slice %arg6[%run_scoped3A_1479, %dma_start3A_1616] : memref<8x64xi32, #tpu.memory_space<vmem>> -> memref<1x64xi32, #tpu.memory_space<vmem>>
        %dma_start3A_1618 = tpu.memref_squeeze %dma_start3A_1617 : memref<1x64xi32, #tpu.memory_space<vmem>> -> memref<64xi32, #tpu.memory_space<vmem>>
        %dma_start3A_1619 = arith.constant 0 : i32
        %dma_start3A_1620 = arith.constant 0 : i32
        %dma_start3A_1621 = tpu.memref_slice %arg11[%dma_start3A_1619, %dma_start3A_1620] : memref<10112x128xf32, #tpu.memory_space<vmem_shared>> -> memref<10112x128xf32, #tpu.memory_space<vmem_shared>>
        tpu.enqueue_indirect_dma source(%dma_start3A_1615 : memref<64x128xf32, #tpu.memory_space<vmem>>) target(%dma_start3A_1621 : memref<10112x128xf32, #tpu.memory_space<vmem_shared>>) offsets(%dma_start3A_1618 : memref<64xi32, #tpu.memory_space<vmem>>) semaphore(%run_scoped3A_1611 : memref<!tpu.dma_semaphore, #tpu.memory_space<semaphore_mem>>) {add = true}
        %dma_wait3A_1622 = arith.constant 0 : i32
        %dma_wait3A_1623 = arith.constant 0 : i32
        %dma_wait3A_1624 = tpu.memref_slice %arg7[%run_scoped3A_1478, %dma_wait3A_1622, %dma_wait3A_1623] : memref<4x64x128xf32, #tpu.memory_space<vmem>> -> memref<1x64x128xf32, #tpu.memory_space<vmem>>
        %dma_wait3A_1625 = tpu.memref_squeeze %dma_wait3A_1624 : memref<1x64x128xf32, #tpu.memory_space<vmem>> -> memref<64x128xf32, #tpu.memory_space<vmem>>
        %dma_wait3A_1626 = arith.constant 0 : i32
        %dma_wait3A_1627 = tpu.memref_slice %arg6[%run_scoped3A_1479, %dma_wait3A_1626] : memref<8x64xi32, #tpu.memory_space<vmem>> -> memref<1x64xi32, #tpu.memory_space<vmem>>
        %dma_wait3A_1628 = tpu.memref_squeeze %dma_wait3A_1627 : memref<1x64xi32, #tpu.memory_space<vmem>> -> memref<64xi32, #tpu.memory_space<vmem>>
        %dma_wait3A_1629 = arith.constant 0 : i32
        %dma_wait3A_1630 = arith.constant 0 : i32
        %dma_wait3A_1631 = tpu.memref_slice %arg11[%dma_wait3A_1629, %dma_wait3A_1630] : memref<10112x128xf32, #tpu.memory_space<vmem_shared>> -> memref<10112x128xf32, #tpu.memory_space<vmem_shared>>
        tpu.wait_indirect_dma semaphore(%run_scoped3A_1611 : memref<!tpu.dma_semaphore, #tpu.memory_space<semaphore_mem>>) src(%dma_wait3A_1625 : memref<64x128xf32, #tpu.memory_space<vmem>>) dst(%dma_wait3A_1631 : memref<10112x128xf32, #tpu.memory_space<vmem_shared>>)
        tpu.yield
      }) : () -> ()
      %add3A_1480 = arith.constant 6 : i32
      %add3A_1481 = arith.addi %add3A_925, %add3A_1480 : i32
      %add3A_1482 = arith.constant 8 : i32
      %add3A_1483 = arith.addi %add3A_1481, %add3A_1482 : i32
      %lt3A_1484 = arith.constant 156 : i32
      %lt3A_1485 = arith.cmpi slt, %add3A_1483, %lt3A_1484 : i32
      %convert_element_type3A_1486 = arith.extui %lt3A_1485 : i1 to i32
      %cond3A_1487 = arith.constant 0 : i32
      %cond3A_1488 = arith.cmpi ne, %convert_element_type3A_1486, %cond3A_1487 : i32
      scf.if %cond3A_1488 {
        %add3A_1611 = arith.constant 6 : i32
        %add3A_1612 = arith.addi %add3A_925, %add3A_1611 : i32
        %add3A_1613 = arith.constant 8 : i32
        %add3A_1614 = arith.addi %add3A_1612, %add3A_1613 : i32
        %mul3A_1615 = arith.constant 64 : i32
        %mul3A_1616 = arith.muli %add3A_1614, %mul3A_1615 : i32
        %add3A_1617 = arith.addi %mul3A_2, %mul3A_1616 : i32
        %dma_start3A_1618 = arith.constant 6 : i32
        %dma_start3A_1619 = arith.constant 6 : i32
        %dma_start3A_1620 = arith.constant 0 : i32
        %dma_start3A_1621 = tpu.memref_slice %arg5[%dma_start3A_1618, %dma_start3A_1620] : memref<8x64xi32, #tpu.memory_space<vmem>> -> memref<1x64xi32, #tpu.memory_space<vmem>>
        %dma_start3A_1622 = tpu.memref_squeeze %dma_start3A_1621 : memref<1x64xi32, #tpu.memory_space<vmem>> -> memref<64xi32, #tpu.memory_space<vmem>>
        %dma_start3A_1623 = tpu.memref_slice %arg2[%add3A_1617] : memref<640000xi32, #tpu.memory_space<hbm>> -> memref<64xi32, #tpu.memory_space<hbm>>
        %dma_start3A_1624 = tpu.memref_slice %arg12[%dma_start3A_1619] : memref<8x!tpu.dma_semaphore, #tpu.memory_space<semaphore_mem>> -> memref<1x!tpu.dma_semaphore, #tpu.memory_space<semaphore_mem>>
        %dma_start3A_1625 = tpu.memref_squeeze %dma_start3A_1624 : memref<1x!tpu.dma_semaphore, #tpu.memory_space<semaphore_mem>> -> memref<!tpu.dma_semaphore, #tpu.memory_space<semaphore_mem>>
        %dma_start3A_1626 = arith.constant 0 : i32
        %dma_start3A_1627 = tpu.memref_slice %arg5[%dma_start3A_1618, %dma_start3A_1626] : memref<8x64xi32, #tpu.memory_space<vmem>> -> memref<1x64xi32, #tpu.memory_space<vmem>>
        %dma_start3A_1628 = tpu.memref_squeeze %dma_start3A_1627 : memref<1x64xi32, #tpu.memory_space<vmem>> -> memref<64xi32, #tpu.memory_space<vmem>>
        %dma_start3A_1629 = tpu.memref_slice %arg2[%add3A_1617] : memref<640000xi32, #tpu.memory_space<hbm>> -> memref<64xi32, #tpu.memory_space<hbm>>
        tpu.enqueue_dma source(%dma_start3A_1629 : memref<64xi32, #tpu.memory_space<hbm>>) target(%dma_start3A_1628 : memref<64xi32, #tpu.memory_space<vmem>>) target_semaphore(%dma_start3A_1625 : memref<!tpu.dma_semaphore, #tpu.memory_space<semaphore_mem>>)
        %add3A_1630 = arith.constant 320000 : i32
        %add3A_1631 = arith.addi %add3A_1630, %add3A_1617 : i32
        %dma_start3A_1632 = arith.constant 6 : i32
        %dma_start3A_1633 = arith.constant 6 : i32
        %dma_start3A_1634 = arith.constant 0 : i32
        %dma_start3A_1635 = tpu.memref_slice %arg6[%dma_start3A_1632, %dma_start3A_1634] : memref<8x64xi32, #tpu.memory_space<vmem>> -> memref<1x64xi32, #tpu.memory_space<vmem>>
        %dma_start3A_1636 = tpu.memref_squeeze %dma_start3A_1635 : memref<1x64xi32, #tpu.memory_space<vmem>> -> memref<64xi32, #tpu.memory_space<vmem>>
        %dma_start3A_1637 = tpu.memref_slice %arg2[%add3A_1631] : memref<640000xi32, #tpu.memory_space<hbm>> -> memref<64xi32, #tpu.memory_space<hbm>>
        %dma_start3A_1638 = tpu.memref_slice %arg12[%dma_start3A_1633] : memref<8x!tpu.dma_semaphore, #tpu.memory_space<semaphore_mem>> -> memref<1x!tpu.dma_semaphore, #tpu.memory_space<semaphore_mem>>
        %dma_start3A_1639 = tpu.memref_squeeze %dma_start3A_1638 : memref<1x!tpu.dma_semaphore, #tpu.memory_space<semaphore_mem>> -> memref<!tpu.dma_semaphore, #tpu.memory_space<semaphore_mem>>
        %dma_start3A_1640 = arith.constant 0 : i32
        %dma_start3A_1641 = tpu.memref_slice %arg6[%dma_start3A_1632, %dma_start3A_1640] : memref<8x64xi32, #tpu.memory_space<vmem>> -> memref<1x64xi32, #tpu.memory_space<vmem>>
        %dma_start3A_1642 = tpu.memref_squeeze %dma_start3A_1641 : memref<1x64xi32, #tpu.memory_space<vmem>> -> memref<64xi32, #tpu.memory_space<vmem>>
        %dma_start3A_1643 = tpu.memref_slice %arg2[%add3A_1631] : memref<640000xi32, #tpu.memory_space<hbm>> -> memref<64xi32, #tpu.memory_space<hbm>>
        tpu.enqueue_dma source(%dma_start3A_1643 : memref<64xi32, #tpu.memory_space<hbm>>) target(%dma_start3A_1642 : memref<64xi32, #tpu.memory_space<vmem>>) target_semaphore(%dma_start3A_1639 : memref<!tpu.dma_semaphore, #tpu.memory_space<semaphore_mem>>)
      } else {
      }
      %add3A_1489 = arith.constant 6 : i32
      %add3A_1490 = arith.addi %add3A_925, %add3A_1489 : i32
      %add3A_1491 = arith.constant 4 : i32
      %add3A_1492 = arith.addi %add3A_1490, %add3A_1491 : i32
      %mul3A_1493 = arith.constant 64 : i32
      %mul3A_1494 = arith.muli %add3A_1492, %mul3A_1493 : i32
      %add3A_1495 = arith.addi %mul3A_2, %mul3A_1494 : i32
      %dma_wait3A_1496 = arith.constant 2 : i32
      %dma_wait3A_1497 = arith.constant 2 : i32
      %dma_wait3A_1498 = arith.constant 0 : i32
      %dma_wait3A_1499 = tpu.memref_slice %arg5[%dma_wait3A_1496, %dma_wait3A_1498] : memref<8x64xi32, #tpu.memory_space<vmem>> -> memref<1x64xi32, #tpu.memory_space<vmem>>
      %dma_wait3A_1500 = tpu.memref_squeeze %dma_wait3A_1499 : memref<1x64xi32, #tpu.memory_space<vmem>> -> memref<64xi32, #tpu.memory_space<vmem>>
      %dma_wait3A_1501 = tpu.memref_slice %arg2[%add3A_1495] : memref<640000xi32, #tpu.memory_space<hbm>> -> memref<64xi32, #tpu.memory_space<hbm>>
      %dma_wait3A_1502 = tpu.memref_slice %arg12[%dma_wait3A_1497] : memref<8x!tpu.dma_semaphore, #tpu.memory_space<semaphore_mem>> -> memref<1x!tpu.dma_semaphore, #tpu.memory_space<semaphore_mem>>
      %dma_wait3A_1503 = tpu.memref_squeeze %dma_wait3A_1502 : memref<1x!tpu.dma_semaphore, #tpu.memory_space<semaphore_mem>> -> memref<!tpu.dma_semaphore, #tpu.memory_space<semaphore_mem>>
      %dma_wait3A_1504 = arith.constant 0 : i32
      %dma_wait3A_1505 = tpu.memref_slice %arg5[%dma_wait3A_1496, %dma_wait3A_1504] : memref<8x64xi32, #tpu.memory_space<vmem>> -> memref<1x64xi32, #tpu.memory_space<vmem>>
      %dma_wait3A_1506 = tpu.memref_squeeze %dma_wait3A_1505 : memref<1x64xi32, #tpu.memory_space<vmem>> -> memref<64xi32, #tpu.memory_space<vmem>>
      %dma_wait3A_1507 = tpu.memref_slice %arg2[%add3A_1495] : memref<640000xi32, #tpu.memory_space<hbm>> -> memref<64xi32, #tpu.memory_space<hbm>>
      tpu.wait_dma2 semaphore(%dma_wait3A_1503 : memref<!tpu.dma_semaphore, #tpu.memory_space<semaphore_mem>>) src(%dma_wait3A_1507 : memref<64xi32, #tpu.memory_space<hbm>>) dst(%dma_wait3A_1506 : memref<64xi32, #tpu.memory_space<vmem>>)
      %add3A_1508 = arith.constant 320000 : i32
      %add3A_1509 = arith.addi %add3A_1508, %add3A_1495 : i32
      %dma_wait3A_1510 = arith.constant 2 : i32
      %dma_wait3A_1511 = arith.constant 2 : i32
      %dma_wait3A_1512 = arith.constant 0 : i32
      %dma_wait3A_1513 = tpu.memref_slice %arg6[%dma_wait3A_1510, %dma_wait3A_1512] : memref<8x64xi32, #tpu.memory_space<vmem>> -> memref<1x64xi32, #tpu.memory_space<vmem>>
      %dma_wait3A_1514 = tpu.memref_squeeze %dma_wait3A_1513 : memref<1x64xi32, #tpu.memory_space<vmem>> -> memref<64xi32, #tpu.memory_space<vmem>>
      %dma_wait3A_1515 = tpu.memref_slice %arg2[%add3A_1509] : memref<640000xi32, #tpu.memory_space<hbm>> -> memref<64xi32, #tpu.memory_space<hbm>>
      %dma_wait3A_1516 = tpu.memref_slice %arg12[%dma_wait3A_1511] : memref<8x!tpu.dma_semaphore, #tpu.memory_space<semaphore_mem>> -> memref<1x!tpu.dma_semaphore, #tpu.memory_space<semaphore_mem>>
      %dma_wait3A_1517 = tpu.memref_squeeze %dma_wait3A_1516 : memref<1x!tpu.dma_semaphore, #tpu.memory_space<semaphore_mem>> -> memref<!tpu.dma_semaphore, #tpu.memory_space<semaphore_mem>>
      %dma_wait3A_1518 = arith.constant 0 : i32
      %dma_wait3A_1519 = tpu.memref_slice %arg6[%dma_wait3A_1510, %dma_wait3A_1518] : memref<8x64xi32, #tpu.memory_space<vmem>> -> memref<1x64xi32, #tpu.memory_space<vmem>>
      %dma_wait3A_1520 = tpu.memref_squeeze %dma_wait3A_1519 : memref<1x64xi32, #tpu.memory_space<vmem>> -> memref<64xi32, #tpu.memory_space<vmem>>
      %dma_wait3A_1521 = tpu.memref_slice %arg2[%add3A_1509] : memref<640000xi32, #tpu.memory_space<hbm>> -> memref<64xi32, #tpu.memory_space<hbm>>
      tpu.wait_dma2 semaphore(%dma_wait3A_1517 : memref<!tpu.dma_semaphore, #tpu.memory_space<semaphore_mem>>) src(%dma_wait3A_1521 : memref<64xi32, #tpu.memory_space<hbm>>) dst(%dma_wait3A_1520 : memref<64xi32, #tpu.memory_space<vmem>>)
      %dma_start3A_1522 = arith.constant 2 : i32
      %dma_start3A_1523 = arith.constant 2 : i32
      %dma_start3A_1524 = arith.constant 2 : i32
      %dma_start3A_1525 = arith.constant 0 : i32
      %dma_start3A_1526 = arith.constant 0 : i32
      %dma_start3A_1527 = tpu.memref_slice %arg7[%dma_start3A_1523, %dma_start3A_1525, %dma_start3A_1526] : memref<4x64x128xf32, #tpu.memory_space<vmem>> -> memref<1x64x128xf32, #tpu.memory_space<vmem>>
      %dma_start3A_1528 = tpu.memref_squeeze %dma_start3A_1527 : memref<1x64x128xf32, #tpu.memory_space<vmem>> -> memref<64x128xf32, #tpu.memory_space<vmem>>
      %dma_start3A_1529 = arith.constant 0 : i32
      %dma_start3A_1530 = tpu.memref_slice %arg5[%dma_start3A_1522, %dma_start3A_1529] : memref<8x64xi32, #tpu.memory_space<vmem>> -> memref<1x64xi32, #tpu.memory_space<vmem>>
      %dma_start3A_1531 = tpu.memref_squeeze %dma_start3A_1530 : memref<1x64xi32, #tpu.memory_space<vmem>> -> memref<64xi32, #tpu.memory_space<vmem>>
      %dma_start3A_1532 = arith.constant 0 : i32
      %dma_start3A_1533 = arith.constant 0 : i32
      %dma_start3A_1534 = tpu.memref_slice %arg3[%dma_start3A_1532, %dma_start3A_1533] : memref<10000x128xf32, #tpu.memory_space<hbm>> -> memref<10000x128xf32, #tpu.memory_space<hbm>>
      %dma_start3A_1535 = tpu.memref_slice %arg13[%dma_start3A_1524] : memref<4x!tpu.dma_semaphore, #tpu.memory_space<semaphore_mem>> -> memref<1x!tpu.dma_semaphore, #tpu.memory_space<semaphore_mem>>
      %dma_start3A_1536 = tpu.memref_squeeze %dma_start3A_1535 : memref<1x!tpu.dma_semaphore, #tpu.memory_space<semaphore_mem>> -> memref<!tpu.dma_semaphore, #tpu.memory_space<semaphore_mem>>
      tpu.enqueue_indirect_dma source(%dma_start3A_1534 : memref<10000x128xf32, #tpu.memory_space<hbm>>) target(%dma_start3A_1528 : memref<64x128xf32, #tpu.memory_space<vmem>>) offsets(%dma_start3A_1531 : memref<64xi32, #tpu.memory_space<vmem>>) semaphore(%dma_start3A_1536 : memref<!tpu.dma_semaphore, #tpu.memory_space<semaphore_mem>>)
      %dma_wait3A_1537 = arith.constant 7 : i32
      %dma_wait3A_1538 = arith.constant 3 : i32
      %dma_wait3A_1539 = arith.constant 3 : i32
      %dma_wait3A_1540 = arith.constant 0 : i32
      %dma_wait3A_1541 = arith.constant 0 : i32
      %dma_wait3A_1542 = tpu.memref_slice %arg7[%dma_wait3A_1538, %dma_wait3A_1540, %dma_wait3A_1541] : memref<4x64x128xf32, #tpu.memory_space<vmem>> -> memref<1x64x128xf32, #tpu.memory_space<vmem>>
      %dma_wait3A_1543 = tpu.memref_squeeze %dma_wait3A_1542 : memref<1x64x128xf32, #tpu.memory_space<vmem>> -> memref<64x128xf32, #tpu.memory_space<vmem>>
      %dma_wait3A_1544 = arith.constant 0 : i32
      %dma_wait3A_1545 = tpu.memref_slice %arg5[%dma_wait3A_1537, %dma_wait3A_1544] : memref<8x64xi32, #tpu.memory_space<vmem>> -> memref<1x64xi32, #tpu.memory_space<vmem>>
      %dma_wait3A_1546 = tpu.memref_squeeze %dma_wait3A_1545 : memref<1x64xi32, #tpu.memory_space<vmem>> -> memref<64xi32, #tpu.memory_space<vmem>>
      %dma_wait3A_1547 = arith.constant 0 : i32
      %dma_wait3A_1548 = arith.constant 0 : i32
      %dma_wait3A_1549 = tpu.memref_slice %arg3[%dma_wait3A_1547, %dma_wait3A_1548] : memref<10000x128xf32, #tpu.memory_space<hbm>> -> memref<10000x128xf32, #tpu.memory_space<hbm>>
      %dma_wait3A_1550 = tpu.memref_slice %arg13[%dma_wait3A_1539] : memref<4x!tpu.dma_semaphore, #tpu.memory_space<semaphore_mem>> -> memref<1x!tpu.dma_semaphore, #tpu.memory_space<semaphore_mem>>
      %dma_wait3A_1551 = tpu.memref_squeeze %dma_wait3A_1550 : memref<1x!tpu.dma_semaphore, #tpu.memory_space<semaphore_mem>> -> memref<!tpu.dma_semaphore, #tpu.memory_space<semaphore_mem>>
      tpu.wait_indirect_dma semaphore(%dma_wait3A_1551 : memref<!tpu.dma_semaphore, #tpu.memory_space<semaphore_mem>>) src(%dma_wait3A_1549 : memref<10000x128xf32, #tpu.memory_space<hbm>>) dst(%dma_wait3A_1543 : memref<64x128xf32, #tpu.memory_space<vmem>>)
      %run_scoped3A_1552 = arith.constant 3 : i32
      %run_scoped3A_1553 = arith.constant 7 : i32
      "tpu.region"() ({
        %run_scoped3A_1611 = tpu.sem_alloc : memref<!tpu.dma_semaphore, #tpu.memory_space<semaphore_mem>>
        %dma_start3A_1612 = arith.constant 0 : i32
        %dma_start3A_1613 = arith.constant 0 : i32
        %dma_start3A_1614 = tpu.memref_slice %arg7[%run_scoped3A_1552, %dma_start3A_1612, %dma_start3A_1613] : memref<4x64x128xf32, #tpu.memory_space<vmem>> -> memref<1x64x128xf32, #tpu.memory_space<vmem>>
        %dma_start3A_1615 = tpu.memref_squeeze %dma_start3A_1614 : memref<1x64x128xf32, #tpu.memory_space<vmem>> -> memref<64x128xf32, #tpu.memory_space<vmem>>
        %dma_start3A_1616 = arith.constant 0 : i32
        %dma_start3A_1617 = tpu.memref_slice %arg6[%run_scoped3A_1553, %dma_start3A_1616] : memref<8x64xi32, #tpu.memory_space<vmem>> -> memref<1x64xi32, #tpu.memory_space<vmem>>
        %dma_start3A_1618 = tpu.memref_squeeze %dma_start3A_1617 : memref<1x64xi32, #tpu.memory_space<vmem>> -> memref<64xi32, #tpu.memory_space<vmem>>
        %dma_start3A_1619 = arith.constant 0 : i32
        %dma_start3A_1620 = arith.constant 0 : i32
        %dma_start3A_1621 = tpu.memref_slice %arg11[%dma_start3A_1619, %dma_start3A_1620] : memref<10112x128xf32, #tpu.memory_space<vmem_shared>> -> memref<10112x128xf32, #tpu.memory_space<vmem_shared>>
        tpu.enqueue_indirect_dma source(%dma_start3A_1615 : memref<64x128xf32, #tpu.memory_space<vmem>>) target(%dma_start3A_1621 : memref<10112x128xf32, #tpu.memory_space<vmem_shared>>) offsets(%dma_start3A_1618 : memref<64xi32, #tpu.memory_space<vmem>>) semaphore(%run_scoped3A_1611 : memref<!tpu.dma_semaphore, #tpu.memory_space<semaphore_mem>>) {add = true}
        %dma_wait3A_1622 = arith.constant 0 : i32
        %dma_wait3A_1623 = arith.constant 0 : i32
        %dma_wait3A_1624 = tpu.memref_slice %arg7[%run_scoped3A_1552, %dma_wait3A_1622, %dma_wait3A_1623] : memref<4x64x128xf32, #tpu.memory_space<vmem>> -> memref<1x64x128xf32, #tpu.memory_space<vmem>>
        %dma_wait3A_1625 = tpu.memref_squeeze %dma_wait3A_1624 : memref<1x64x128xf32, #tpu.memory_space<vmem>> -> memref<64x128xf32, #tpu.memory_space<vmem>>
        %dma_wait3A_1626 = arith.constant 0 : i32
        %dma_wait3A_1627 = tpu.memref_slice %arg6[%run_scoped3A_1553, %dma_wait3A_1626] : memref<8x64xi32, #tpu.memory_space<vmem>> -> memref<1x64xi32, #tpu.memory_space<vmem>>
        %dma_wait3A_1628 = tpu.memref_squeeze %dma_wait3A_1627 : memref<1x64xi32, #tpu.memory_space<vmem>> -> memref<64xi32, #tpu.memory_space<vmem>>
        %dma_wait3A_1629 = arith.constant 0 : i32
        %dma_wait3A_1630 = arith.constant 0 : i32
        %dma_wait3A_1631 = tpu.memref_slice %arg11[%dma_wait3A_1629, %dma_wait3A_1630] : memref<10112x128xf32, #tpu.memory_space<vmem_shared>> -> memref<10112x128xf32, #tpu.memory_space<vmem_shared>>
        tpu.wait_indirect_dma semaphore(%run_scoped3A_1611 : memref<!tpu.dma_semaphore, #tpu.memory_space<semaphore_mem>>) src(%dma_wait3A_1625 : memref<64x128xf32, #tpu.memory_space<vmem>>) dst(%dma_wait3A_1631 : memref<10112x128xf32, #tpu.memory_space<vmem_shared>>)
        tpu.yield
      }) : () -> ()
      %add3A_1554 = arith.constant 7 : i32
      %add3A_1555 = arith.addi %add3A_925, %add3A_1554 : i32
      %add3A_1556 = arith.constant 8 : i32
      %add3A_1557 = arith.addi %add3A_1555, %add3A_1556 : i32
      %lt3A_1558 = arith.constant 156 : i32
      %lt3A_1559 = arith.cmpi slt, %add3A_1557, %lt3A_1558 : i32
      %convert_element_type3A_1560 = arith.extui %lt3A_1559 : i1 to i32
      %cond3A_1561 = arith.constant 0 : i32
      %cond3A_1562 = arith.cmpi ne, %convert_element_type3A_1560, %cond3A_1561 : i32
      scf.if %cond3A_1562 {
        %add3A_1611 = arith.constant 7 : i32
        %add3A_1612 = arith.addi %add3A_925, %add3A_1611 : i32
        %add3A_1613 = arith.constant 8 : i32
        %add3A_1614 = arith.addi %add3A_1612, %add3A_1613 : i32
        %mul3A_1615 = arith.constant 64 : i32
        %mul3A_1616 = arith.muli %add3A_1614, %mul3A_1615 : i32
        %add3A_1617 = arith.addi %mul3A_2, %mul3A_1616 : i32
        %dma_start3A_1618 = arith.constant 7 : i32
        %dma_start3A_1619 = arith.constant 7 : i32
        %dma_start3A_1620 = arith.constant 0 : i32
        %dma_start3A_1621 = tpu.memref_slice %arg5[%dma_start3A_1618, %dma_start3A_1620] : memref<8x64xi32, #tpu.memory_space<vmem>> -> memref<1x64xi32, #tpu.memory_space<vmem>>
        %dma_start3A_1622 = tpu.memref_squeeze %dma_start3A_1621 : memref<1x64xi32, #tpu.memory_space<vmem>> -> memref<64xi32, #tpu.memory_space<vmem>>
        %dma_start3A_1623 = tpu.memref_slice %arg2[%add3A_1617] : memref<640000xi32, #tpu.memory_space<hbm>> -> memref<64xi32, #tpu.memory_space<hbm>>
        %dma_start3A_1624 = tpu.memref_slice %arg12[%dma_start3A_1619] : memref<8x!tpu.dma_semaphore, #tpu.memory_space<semaphore_mem>> -> memref<1x!tpu.dma_semaphore, #tpu.memory_space<semaphore_mem>>
        %dma_start3A_1625 = tpu.memref_squeeze %dma_start3A_1624 : memref<1x!tpu.dma_semaphore, #tpu.memory_space<semaphore_mem>> -> memref<!tpu.dma_semaphore, #tpu.memory_space<semaphore_mem>>
        %dma_start3A_1626 = arith.constant 0 : i32
        %dma_start3A_1627 = tpu.memref_slice %arg5[%dma_start3A_1618, %dma_start3A_1626] : memref<8x64xi32, #tpu.memory_space<vmem>> -> memref<1x64xi32, #tpu.memory_space<vmem>>
        %dma_start3A_1628 = tpu.memref_squeeze %dma_start3A_1627 : memref<1x64xi32, #tpu.memory_space<vmem>> -> memref<64xi32, #tpu.memory_space<vmem>>
        %dma_start3A_1629 = tpu.memref_slice %arg2[%add3A_1617] : memref<640000xi32, #tpu.memory_space<hbm>> -> memref<64xi32, #tpu.memory_space<hbm>>
        tpu.enqueue_dma source(%dma_start3A_1629 : memref<64xi32, #tpu.memory_space<hbm>>) target(%dma_start3A_1628 : memref<64xi32, #tpu.memory_space<vmem>>) target_semaphore(%dma_start3A_1625 : memref<!tpu.dma_semaphore, #tpu.memory_space<semaphore_mem>>)
        %add3A_1630 = arith.constant 320000 : i32
        %add3A_1631 = arith.addi %add3A_1630, %add3A_1617 : i32
        %dma_start3A_1632 = arith.constant 7 : i32
        %dma_start3A_1633 = arith.constant 7 : i32
        %dma_start3A_1634 = arith.constant 0 : i32
        %dma_start3A_1635 = tpu.memref_slice %arg6[%dma_start3A_1632, %dma_start3A_1634] : memref<8x64xi32, #tpu.memory_space<vmem>> -> memref<1x64xi32, #tpu.memory_space<vmem>>
        %dma_start3A_1636 = tpu.memref_squeeze %dma_start3A_1635 : memref<1x64xi32, #tpu.memory_space<vmem>> -> memref<64xi32, #tpu.memory_space<vmem>>
        %dma_start3A_1637 = tpu.memref_slice %arg2[%add3A_1631] : memref<640000xi32, #tpu.memory_space<hbm>> -> memref<64xi32, #tpu.memory_space<hbm>>
        %dma_start3A_1638 = tpu.memref_slice %arg12[%dma_start3A_1633] : memref<8x!tpu.dma_semaphore, #tpu.memory_space<semaphore_mem>> -> memref<1x!tpu.dma_semaphore, #tpu.memory_space<semaphore_mem>>
        %dma_start3A_1639 = tpu.memref_squeeze %dma_start3A_1638 : memref<1x!tpu.dma_semaphore, #tpu.memory_space<semaphore_mem>> -> memref<!tpu.dma_semaphore, #tpu.memory_space<semaphore_mem>>
        %dma_start3A_1640 = arith.constant 0 : i32
        %dma_start3A_1641 = tpu.memref_slice %arg6[%dma_start3A_1632, %dma_start3A_1640] : memref<8x64xi32, #tpu.memory_space<vmem>> -> memref<1x64xi32, #tpu.memory_space<vmem>>
        %dma_start3A_1642 = tpu.memref_squeeze %dma_start3A_1641 : memref<1x64xi32, #tpu.memory_space<vmem>> -> memref<64xi32, #tpu.memory_space<vmem>>
        %dma_start3A_1643 = tpu.memref_slice %arg2[%add3A_1631] : memref<640000xi32, #tpu.memory_space<hbm>> -> memref<64xi32, #tpu.memory_space<hbm>>
        tpu.enqueue_dma source(%dma_start3A_1643 : memref<64xi32, #tpu.memory_space<hbm>>) target(%dma_start3A_1642 : memref<64xi32, #tpu.memory_space<vmem>>) target_semaphore(%dma_start3A_1639 : memref<!tpu.dma_semaphore, #tpu.memory_space<semaphore_mem>>)
      } else {
      }
      %add3A_1563 = arith.constant 7 : i32
      %add3A_1564 = arith.addi %add3A_925, %add3A_1563 : i32
      %add3A_1565 = arith.constant 4 : i32
      %add3A_1566 = arith.addi %add3A_1564, %add3A_1565 : i32
      %mul3A_1567 = arith.constant 64 : i32
      %mul3A_1568 = arith.muli %add3A_1566, %mul3A_1567 : i32
      %add3A_1569 = arith.addi %mul3A_2, %mul3A_1568 : i32
      %dma_wait3A_1570 = arith.constant 3 : i32
      %dma_wait3A_1571 = arith.constant 3 : i32
      %dma_wait3A_1572 = arith.constant 0 : i32
      %dma_wait3A_1573 = tpu.memref_slice %arg5[%dma_wait3A_1570, %dma_wait3A_1572] : memref<8x64xi32, #tpu.memory_space<vmem>> -> memref<1x64xi32, #tpu.memory_space<vmem>>
      %dma_wait3A_1574 = tpu.memref_squeeze %dma_wait3A_1573 : memref<1x64xi32, #tpu.memory_space<vmem>> -> memref<64xi32, #tpu.memory_space<vmem>>
      %dma_wait3A_1575 = tpu.memref_slice %arg2[%add3A_1569] : memref<640000xi32, #tpu.memory_space<hbm>> -> memref<64xi32, #tpu.memory_space<hbm>>
      %dma_wait3A_1576 = tpu.memref_slice %arg12[%dma_wait3A_1571] : memref<8x!tpu.dma_semaphore, #tpu.memory_space<semaphore_mem>> -> memref<1x!tpu.dma_semaphore, #tpu.memory_space<semaphore_mem>>
      %dma_wait3A_1577 = tpu.memref_squeeze %dma_wait3A_1576 : memref<1x!tpu.dma_semaphore, #tpu.memory_space<semaphore_mem>> -> memref<!tpu.dma_semaphore, #tpu.memory_space<semaphore_mem>>
      %dma_wait3A_1578 = arith.constant 0 : i32
      %dma_wait3A_1579 = tpu.memref_slice %arg5[%dma_wait3A_1570, %dma_wait3A_1578] : memref<8x64xi32, #tpu.memory_space<vmem>> -> memref<1x64xi32, #tpu.memory_space<vmem>>
      %dma_wait3A_1580 = tpu.memref_squeeze %dma_wait3A_1579 : memref<1x64xi32, #tpu.memory_space<vmem>> -> memref<64xi32, #tpu.memory_space<vmem>>
      %dma_wait3A_1581 = tpu.memref_slice %arg2[%add3A_1569] : memref<640000xi32, #tpu.memory_space<hbm>> -> memref<64xi32, #tpu.memory_space<hbm>>
      tpu.wait_dma2 semaphore(%dma_wait3A_1577 : memref<!tpu.dma_semaphore, #tpu.memory_space<semaphore_mem>>) src(%dma_wait3A_1581 : memref<64xi32, #tpu.memory_space<hbm>>) dst(%dma_wait3A_1580 : memref<64xi32, #tpu.memory_space<vmem>>)
      %add3A_1582 = arith.constant 320000 : i32
      %add3A_1583 = arith.addi %add3A_1582, %add3A_1569 : i32
      %dma_wait3A_1584 = arith.constant 3 : i32
      %dma_wait3A_1585 = arith.constant 3 : i32
      %dma_wait3A_1586 = arith.constant 0 : i32
      %dma_wait3A_1587 = tpu.memref_slice %arg6[%dma_wait3A_1584, %dma_wait3A_1586] : memref<8x64xi32, #tpu.memory_space<vmem>> -> memref<1x64xi32, #tpu.memory_space<vmem>>
      %dma_wait3A_1588 = tpu.memref_squeeze %dma_wait3A_1587 : memref<1x64xi32, #tpu.memory_space<vmem>> -> memref<64xi32, #tpu.memory_space<vmem>>
      %dma_wait3A_1589 = tpu.memref_slice %arg2[%add3A_1583] : memref<640000xi32, #tpu.memory_space<hbm>> -> memref<64xi32, #tpu.memory_space<hbm>>
      %dma_wait3A_1590 = tpu.memref_slice %arg12[%dma_wait3A_1585] : memref<8x!tpu.dma_semaphore, #tpu.memory_space<semaphore_mem>> -> memref<1x!tpu.dma_semaphore, #tpu.memory_space<semaphore_mem>>
      %dma_wait3A_1591 = tpu.memref_squeeze %dma_wait3A_1590 : memref<1x!tpu.dma_semaphore, #tpu.memory_space<semaphore_mem>> -> memref<!tpu.dma_semaphore, #tpu.memory_space<semaphore_mem>>
      %dma_wait3A_1592 = arith.constant 0 : i32
      %dma_wait3A_1593 = tpu.memref_slice %arg6[%dma_wait3A_1584, %dma_wait3A_1592] : memref<8x64xi32, #tpu.memory_space<vmem>> -> memref<1x64xi32, #tpu.memory_space<vmem>>
      %dma_wait3A_1594 = tpu.memref_squeeze %dma_wait3A_1593 : memref<1x64xi32, #tpu.memory_space<vmem>> -> memref<64xi32, #tpu.memory_space<vmem>>
      %dma_wait3A_1595 = tpu.memref_slice %arg2[%add3A_1583] : memref<640000xi32, #tpu.memory_space<hbm>> -> memref<64xi32, #tpu.memory_space<hbm>>
      tpu.wait_dma2 semaphore(%dma_wait3A_1591 : memref<!tpu.dma_semaphore, #tpu.memory_space<semaphore_mem>>) src(%dma_wait3A_1595 : memref<64xi32, #tpu.memory_space<hbm>>) dst(%dma_wait3A_1594 : memref<64xi32, #tpu.memory_space<vmem>>)
      %dma_start3A_1596 = arith.constant 3 : i32
      %dma_start3A_1597 = arith.constant 3 : i32
      %dma_start3A_1598 = arith.constant 3 : i32
      %dma_start3A_1599 = arith.constant 0 : i32
      %dma_start3A_1600 = arith.constant 0 : i32
      %dma_start3A_1601 = tpu.memref_slice %arg7[%dma_start3A_1597, %dma_start3A_1599, %dma_start3A_1600] : memref<4x64x128xf32, #tpu.memory_space<vmem>> -> memref<1x64x128xf32, #tpu.memory_space<vmem>>
      %dma_start3A_1602 = tpu.memref_squeeze %dma_start3A_1601 : memref<1x64x128xf32, #tpu.memory_space<vmem>> -> memref<64x128xf32, #tpu.memory_space<vmem>>
      %dma_start3A_1603 = arith.constant 0 : i32
      %dma_start3A_1604 = tpu.memref_slice %arg5[%dma_start3A_1596, %dma_start3A_1603] : memref<8x64xi32, #tpu.memory_space<vmem>> -> memref<1x64xi32, #tpu.memory_space<vmem>>
      %dma_start3A_1605 = tpu.memref_squeeze %dma_start3A_1604 : memref<1x64xi32, #tpu.memory_space<vmem>> -> memref<64xi32, #tpu.memory_space<vmem>>
      %dma_start3A_1606 = arith.constant 0 : i32
      %dma_start3A_1607 = arith.constant 0 : i32
      %dma_start3A_1608 = tpu.memref_slice %arg3[%dma_start3A_1606, %dma_start3A_1607] : memref<10000x128xf32, #tpu.memory_space<hbm>> -> memref<10000x128xf32, #tpu.memory_space<hbm>>
      %dma_start3A_1609 = tpu.memref_slice %arg13[%dma_start3A_1598] : memref<4x!tpu.dma_semaphore, #tpu.memory_space<semaphore_mem>> -> memref<1x!tpu.dma_semaphore, #tpu.memory_space<semaphore_mem>>
      %dma_start3A_1610 = tpu.memref_squeeze %dma_start3A_1609 : memref<1x!tpu.dma_semaphore, #tpu.memory_space<semaphore_mem>> -> memref<!tpu.dma_semaphore, #tpu.memory_space<semaphore_mem>>
      tpu.enqueue_indirect_dma source(%dma_start3A_1608 : memref<10000x128xf32, #tpu.memory_space<hbm>>) target(%dma_start3A_1602 : memref<64x128xf32, #tpu.memory_space<vmem>>) offsets(%dma_start3A_1605 : memref<64xi32, #tpu.memory_space<vmem>>) semaphore(%dma_start3A_1610 : memref<!tpu.dma_semaphore, #tpu.memory_space<semaphore_mem>>)
    }
    %scan3A_839 = arith.constant 19 : i32
    %dma_wait3A_840 = arith.constant 0 : i32
    %dma_wait3A_841 = arith.constant 0 : i32
    %dma_wait3A_842 = arith.constant 0 : i32
    %dma_wait3A_843 = arith.constant 0 : i32
    %dma_wait3A_844 = arith.constant 0 : i32
    %dma_wait3A_845 = tpu.memref_slice %arg7[%dma_wait3A_841, %dma_wait3A_843, %dma_wait3A_844] : memref<4x64x128xf32, #tpu.memory_space<vmem>> -> memref<1x64x128xf32, #tpu.memory_space<vmem>>
    %dma_wait3A_846 = tpu.memref_squeeze %dma_wait3A_845 : memref<1x64x128xf32, #tpu.memory_space<vmem>> -> memref<64x128xf32, #tpu.memory_space<vmem>>
    %dma_wait3A_847 = arith.constant 0 : i32
    %dma_wait3A_848 = tpu.memref_slice %arg5[%dma_wait3A_840, %dma_wait3A_847] : memref<8x64xi32, #tpu.memory_space<vmem>> -> memref<1x64xi32, #tpu.memory_space<vmem>>
    %dma_wait3A_849 = tpu.memref_squeeze %dma_wait3A_848 : memref<1x64xi32, #tpu.memory_space<vmem>> -> memref<64xi32, #tpu.memory_space<vmem>>
    %dma_wait3A_850 = arith.constant 0 : i32
    %dma_wait3A_851 = arith.constant 0 : i32
    %dma_wait3A_852 = tpu.memref_slice %arg3[%dma_wait3A_850, %dma_wait3A_851] : memref<10000x128xf32, #tpu.memory_space<hbm>> -> memref<10000x128xf32, #tpu.memory_space<hbm>>
    %dma_wait3A_853 = tpu.memref_slice %arg13[%dma_wait3A_842] : memref<4x!tpu.dma_semaphore, #tpu.memory_space<semaphore_mem>> -> memref<1x!tpu.dma_semaphore, #tpu.memory_space<semaphore_mem>>
    %dma_wait3A_854 = tpu.memref_squeeze %dma_wait3A_853 : memref<1x!tpu.dma_semaphore, #tpu.memory_space<semaphore_mem>> -> memref<!tpu.dma_semaphore, #tpu.memory_space<semaphore_mem>>
    tpu.wait_indirect_dma semaphore(%dma_wait3A_854 : memref<!tpu.dma_semaphore, #tpu.memory_space<semaphore_mem>>) src(%dma_wait3A_852 : memref<10000x128xf32, #tpu.memory_space<hbm>>) dst(%dma_wait3A_846 : memref<64x128xf32, #tpu.memory_space<vmem>>)
    %run_scoped3A_855 = arith.constant 0 : i32
    %run_scoped3A_856 = arith.constant 0 : i32
    "tpu.region"() ({
      %run_scoped3A_921 = tpu.sem_alloc : memref<!tpu.dma_semaphore, #tpu.memory_space<semaphore_mem>>
      %dma_start3A_922 = arith.constant 0 : i32
      %dma_start3A_923 = arith.constant 0 : i32
      %dma_start3A_924 = tpu.memref_slice %arg7[%run_scoped3A_855, %dma_start3A_922, %dma_start3A_923] : memref<4x64x128xf32, #tpu.memory_space<vmem>> -> memref<1x64x128xf32, #tpu.memory_space<vmem>>
      %dma_start3A_925 = tpu.memref_squeeze %dma_start3A_924 : memref<1x64x128xf32, #tpu.memory_space<vmem>> -> memref<64x128xf32, #tpu.memory_space<vmem>>
      %dma_start3A_926 = arith.constant 0 : i32
      %dma_start3A_927 = tpu.memref_slice %arg6[%run_scoped3A_856, %dma_start3A_926] : memref<8x64xi32, #tpu.memory_space<vmem>> -> memref<1x64xi32, #tpu.memory_space<vmem>>
      %dma_start3A_928 = tpu.memref_squeeze %dma_start3A_927 : memref<1x64xi32, #tpu.memory_space<vmem>> -> memref<64xi32, #tpu.memory_space<vmem>>
      %dma_start3A_929 = arith.constant 0 : i32
      %dma_start3A_930 = arith.constant 0 : i32
      %dma_start3A_931 = tpu.memref_slice %arg11[%dma_start3A_929, %dma_start3A_930] : memref<10112x128xf32, #tpu.memory_space<vmem_shared>> -> memref<10112x128xf32, #tpu.memory_space<vmem_shared>>
      tpu.enqueue_indirect_dma source(%dma_start3A_925 : memref<64x128xf32, #tpu.memory_space<vmem>>) target(%dma_start3A_931 : memref<10112x128xf32, #tpu.memory_space<vmem_shared>>) offsets(%dma_start3A_928 : memref<64xi32, #tpu.memory_space<vmem>>) semaphore(%run_scoped3A_921 : memref<!tpu.dma_semaphore, #tpu.memory_space<semaphore_mem>>) {add = true}
      %dma_wait3A_932 = arith.constant 0 : i32
      %dma_wait3A_933 = arith.constant 0 : i32
      %dma_wait3A_934 = tpu.memref_slice %arg7[%run_scoped3A_855, %dma_wait3A_932, %dma_wait3A_933] : memref<4x64x128xf32, #tpu.memory_space<vmem>> -> memref<1x64x128xf32, #tpu.memory_space<vmem>>
      %dma_wait3A_935 = tpu.memref_squeeze %dma_wait3A_934 : memref<1x64x128xf32, #tpu.memory_space<vmem>> -> memref<64x128xf32, #tpu.memory_space<vmem>>
      %dma_wait3A_936 = arith.constant 0 : i32
      %dma_wait3A_937 = tpu.memref_slice %arg6[%run_scoped3A_856, %dma_wait3A_936] : memref<8x64xi32, #tpu.memory_space<vmem>> -> memref<1x64xi32, #tpu.memory_space<vmem>>
      %dma_wait3A_938 = tpu.memref_squeeze %dma_wait3A_937 : memref<1x64xi32, #tpu.memory_space<vmem>> -> memref<64xi32, #tpu.memory_space<vmem>>
      %dma_wait3A_939 = arith.constant 0 : i32
      %dma_wait3A_940 = arith.constant 0 : i32
      %dma_wait3A_941 = tpu.memref_slice %arg11[%dma_wait3A_939, %dma_wait3A_940] : memref<10112x128xf32, #tpu.memory_space<vmem_shared>> -> memref<10112x128xf32, #tpu.memory_space<vmem_shared>>
      tpu.wait_indirect_dma semaphore(%run_scoped3A_921 : memref<!tpu.dma_semaphore, #tpu.memory_space<semaphore_mem>>) src(%dma_wait3A_935 : memref<64x128xf32, #tpu.memory_space<vmem>>) dst(%dma_wait3A_941 : memref<10112x128xf32, #tpu.memory_space<vmem_shared>>)
      tpu.yield
    }) : () -> ()
    %dma_wait3A_857 = arith.constant 1 : i32
    %dma_wait3A_858 = arith.constant 1 : i32
    %dma_wait3A_859 = arith.constant 1 : i32
    %dma_wait3A_860 = arith.constant 0 : i32
    %dma_wait3A_861 = arith.constant 0 : i32
    %dma_wait3A_862 = tpu.memref_slice %arg7[%dma_wait3A_858, %dma_wait3A_860, %dma_wait3A_861] : memref<4x64x128xf32, #tpu.memory_space<vmem>> -> memref<1x64x128xf32, #tpu.memory_space<vmem>>
    %dma_wait3A_863 = tpu.memref_squeeze %dma_wait3A_862 : memref<1x64x128xf32, #tpu.memory_space<vmem>> -> memref<64x128xf32, #tpu.memory_space<vmem>>
    %dma_wait3A_864 = arith.constant 0 : i32
    %dma_wait3A_865 = tpu.memref_slice %arg5[%dma_wait3A_857, %dma_wait3A_864] : memref<8x64xi32, #tpu.memory_space<vmem>> -> memref<1x64xi32, #tpu.memory_space<vmem>>
    %dma_wait3A_866 = tpu.memref_squeeze %dma_wait3A_865 : memref<1x64xi32, #tpu.memory_space<vmem>> -> memref<64xi32, #tpu.memory_space<vmem>>
    %dma_wait3A_867 = arith.constant 0 : i32
    %dma_wait3A_868 = arith.constant 0 : i32
    %dma_wait3A_869 = tpu.memref_slice %arg3[%dma_wait3A_867, %dma_wait3A_868] : memref<10000x128xf32, #tpu.memory_space<hbm>> -> memref<10000x128xf32, #tpu.memory_space<hbm>>
    %dma_wait3A_870 = tpu.memref_slice %arg13[%dma_wait3A_859] : memref<4x!tpu.dma_semaphore, #tpu.memory_space<semaphore_mem>> -> memref<1x!tpu.dma_semaphore, #tpu.memory_space<semaphore_mem>>
    %dma_wait3A_871 = tpu.memref_squeeze %dma_wait3A_870 : memref<1x!tpu.dma_semaphore, #tpu.memory_space<semaphore_mem>> -> memref<!tpu.dma_semaphore, #tpu.memory_space<semaphore_mem>>
    tpu.wait_indirect_dma semaphore(%dma_wait3A_871 : memref<!tpu.dma_semaphore, #tpu.memory_space<semaphore_mem>>) src(%dma_wait3A_869 : memref<10000x128xf32, #tpu.memory_space<hbm>>) dst(%dma_wait3A_863 : memref<64x128xf32, #tpu.memory_space<vmem>>)
    %run_scoped3A_872 = arith.constant 1 : i32
    %run_scoped3A_873 = arith.constant 1 : i32
    "tpu.region"() ({
      %run_scoped3A_921 = tpu.sem_alloc : memref<!tpu.dma_semaphore, #tpu.memory_space<semaphore_mem>>
      %dma_start3A_922 = arith.constant 0 : i32
      %dma_start3A_923 = arith.constant 0 : i32
      %dma_start3A_924 = tpu.memref_slice %arg7[%run_scoped3A_872, %dma_start3A_922, %dma_start3A_923] : memref<4x64x128xf32, #tpu.memory_space<vmem>> -> memref<1x64x128xf32, #tpu.memory_space<vmem>>
      %dma_start3A_925 = tpu.memref_squeeze %dma_start3A_924 : memref<1x64x128xf32, #tpu.memory_space<vmem>> -> memref<64x128xf32, #tpu.memory_space<vmem>>
      %dma_start3A_926 = arith.constant 0 : i32
      %dma_start3A_927 = tpu.memref_slice %arg6[%run_scoped3A_873, %dma_start3A_926] : memref<8x64xi32, #tpu.memory_space<vmem>> -> memref<1x64xi32, #tpu.memory_space<vmem>>
      %dma_start3A_928 = tpu.memref_squeeze %dma_start3A_927 : memref<1x64xi32, #tpu.memory_space<vmem>> -> memref<64xi32, #tpu.memory_space<vmem>>
      %dma_start3A_929 = arith.constant 0 : i32
      %dma_start3A_930 = arith.constant 0 : i32
      %dma_start3A_931 = tpu.memref_slice %arg11[%dma_start3A_929, %dma_start3A_930] : memref<10112x128xf32, #tpu.memory_space<vmem_shared>> -> memref<10112x128xf32, #tpu.memory_space<vmem_shared>>
      tpu.enqueue_indirect_dma source(%dma_start3A_925 : memref<64x128xf32, #tpu.memory_space<vmem>>) target(%dma_start3A_931 : memref<10112x128xf32, #tpu.memory_space<vmem_shared>>) offsets(%dma_start3A_928 : memref<64xi32, #tpu.memory_space<vmem>>) semaphore(%run_scoped3A_921 : memref<!tpu.dma_semaphore, #tpu.memory_space<semaphore_mem>>) {add = true}
      %dma_wait3A_932 = arith.constant 0 : i32
      %dma_wait3A_933 = arith.constant 0 : i32
      %dma_wait3A_934 = tpu.memref_slice %arg7[%run_scoped3A_872, %dma_wait3A_932, %dma_wait3A_933] : memref<4x64x128xf32, #tpu.memory_space<vmem>> -> memref<1x64x128xf32, #tpu.memory_space<vmem>>
      %dma_wait3A_935 = tpu.memref_squeeze %dma_wait3A_934 : memref<1x64x128xf32, #tpu.memory_space<vmem>> -> memref<64x128xf32, #tpu.memory_space<vmem>>
      %dma_wait3A_936 = arith.constant 0 : i32
      %dma_wait3A_937 = tpu.memref_slice %arg6[%run_scoped3A_873, %dma_wait3A_936] : memref<8x64xi32, #tpu.memory_space<vmem>> -> memref<1x64xi32, #tpu.memory_space<vmem>>
      %dma_wait3A_938 = tpu.memref_squeeze %dma_wait3A_937 : memref<1x64xi32, #tpu.memory_space<vmem>> -> memref<64xi32, #tpu.memory_space<vmem>>
      %dma_wait3A_939 = arith.constant 0 : i32
      %dma_wait3A_940 = arith.constant 0 : i32
      %dma_wait3A_941 = tpu.memref_slice %arg11[%dma_wait3A_939, %dma_wait3A_940] : memref<10112x128xf32, #tpu.memory_space<vmem_shared>> -> memref<10112x128xf32, #tpu.memory_space<vmem_shared>>
      tpu.wait_indirect_dma semaphore(%run_scoped3A_921 : memref<!tpu.dma_semaphore, #tpu.memory_space<semaphore_mem>>) src(%dma_wait3A_935 : memref<64x128xf32, #tpu.memory_space<vmem>>) dst(%dma_wait3A_941 : memref<10112x128xf32, #tpu.memory_space<vmem_shared>>)
      tpu.yield
    }) : () -> ()
    %dma_wait3A_874 = arith.constant 2 : i32
    %dma_wait3A_875 = arith.constant 2 : i32
    %dma_wait3A_876 = arith.constant 2 : i32
    %dma_wait3A_877 = arith.constant 0 : i32
    %dma_wait3A_878 = arith.constant 0 : i32
    %dma_wait3A_879 = tpu.memref_slice %arg7[%dma_wait3A_875, %dma_wait3A_877, %dma_wait3A_878] : memref<4x64x128xf32, #tpu.memory_space<vmem>> -> memref<1x64x128xf32, #tpu.memory_space<vmem>>
    %dma_wait3A_880 = tpu.memref_squeeze %dma_wait3A_879 : memref<1x64x128xf32, #tpu.memory_space<vmem>> -> memref<64x128xf32, #tpu.memory_space<vmem>>
    %dma_wait3A_881 = arith.constant 0 : i32
    %dma_wait3A_882 = tpu.memref_slice %arg5[%dma_wait3A_874, %dma_wait3A_881] : memref<8x64xi32, #tpu.memory_space<vmem>> -> memref<1x64xi32, #tpu.memory_space<vmem>>
    %dma_wait3A_883 = tpu.memref_squeeze %dma_wait3A_882 : memref<1x64xi32, #tpu.memory_space<vmem>> -> memref<64xi32, #tpu.memory_space<vmem>>
    %dma_wait3A_884 = arith.constant 0 : i32
    %dma_wait3A_885 = arith.constant 0 : i32
    %dma_wait3A_886 = tpu.memref_slice %arg3[%dma_wait3A_884, %dma_wait3A_885] : memref<10000x128xf32, #tpu.memory_space<hbm>> -> memref<10000x128xf32, #tpu.memory_space<hbm>>
    %dma_wait3A_887 = tpu.memref_slice %arg13[%dma_wait3A_876] : memref<4x!tpu.dma_semaphore, #tpu.memory_space<semaphore_mem>> -> memref<1x!tpu.dma_semaphore, #tpu.memory_space<semaphore_mem>>
    %dma_wait3A_888 = tpu.memref_squeeze %dma_wait3A_887 : memref<1x!tpu.dma_semaphore, #tpu.memory_space<semaphore_mem>> -> memref<!tpu.dma_semaphore, #tpu.memory_space<semaphore_mem>>
    tpu.wait_indirect_dma semaphore(%dma_wait3A_888 : memref<!tpu.dma_semaphore, #tpu.memory_space<semaphore_mem>>) src(%dma_wait3A_886 : memref<10000x128xf32, #tpu.memory_space<hbm>>) dst(%dma_wait3A_880 : memref<64x128xf32, #tpu.memory_space<vmem>>)
    %run_scoped3A_889 = arith.constant 2 : i32
    %run_scoped3A_890 = arith.constant 2 : i32
    "tpu.region"() ({
      %run_scoped3A_921 = tpu.sem_alloc : memref<!tpu.dma_semaphore, #tpu.memory_space<semaphore_mem>>
      %dma_start3A_922 = arith.constant 0 : i32
      %dma_start3A_923 = arith.constant 0 : i32
      %dma_start3A_924 = tpu.memref_slice %arg7[%run_scoped3A_889, %dma_start3A_922, %dma_start3A_923] : memref<4x64x128xf32, #tpu.memory_space<vmem>> -> memref<1x64x128xf32, #tpu.memory_space<vmem>>
      %dma_start3A_925 = tpu.memref_squeeze %dma_start3A_924 : memref<1x64x128xf32, #tpu.memory_space<vmem>> -> memref<64x128xf32, #tpu.memory_space<vmem>>
      %dma_start3A_926 = arith.constant 0 : i32
      %dma_start3A_927 = tpu.memref_slice %arg6[%run_scoped3A_890, %dma_start3A_926] : memref<8x64xi32, #tpu.memory_space<vmem>> -> memref<1x64xi32, #tpu.memory_space<vmem>>
      %dma_start3A_928 = tpu.memref_squeeze %dma_start3A_927 : memref<1x64xi32, #tpu.memory_space<vmem>> -> memref<64xi32, #tpu.memory_space<vmem>>
      %dma_start3A_929 = arith.constant 0 : i32
      %dma_start3A_930 = arith.constant 0 : i32
      %dma_start3A_931 = tpu.memref_slice %arg11[%dma_start3A_929, %dma_start3A_930] : memref<10112x128xf32, #tpu.memory_space<vmem_shared>> -> memref<10112x128xf32, #tpu.memory_space<vmem_shared>>
      tpu.enqueue_indirect_dma source(%dma_start3A_925 : memref<64x128xf32, #tpu.memory_space<vmem>>) target(%dma_start3A_931 : memref<10112x128xf32, #tpu.memory_space<vmem_shared>>) offsets(%dma_start3A_928 : memref<64xi32, #tpu.memory_space<vmem>>) semaphore(%run_scoped3A_921 : memref<!tpu.dma_semaphore, #tpu.memory_space<semaphore_mem>>) {add = true}
      %dma_wait3A_932 = arith.constant 0 : i32
      %dma_wait3A_933 = arith.constant 0 : i32
      %dma_wait3A_934 = tpu.memref_slice %arg7[%run_scoped3A_889, %dma_wait3A_932, %dma_wait3A_933] : memref<4x64x128xf32, #tpu.memory_space<vmem>> -> memref<1x64x128xf32, #tpu.memory_space<vmem>>
      %dma_wait3A_935 = tpu.memref_squeeze %dma_wait3A_934 : memref<1x64x128xf32, #tpu.memory_space<vmem>> -> memref<64x128xf32, #tpu.memory_space<vmem>>
      %dma_wait3A_936 = arith.constant 0 : i32
      %dma_wait3A_937 = tpu.memref_slice %arg6[%run_scoped3A_890, %dma_wait3A_936] : memref<8x64xi32, #tpu.memory_space<vmem>> -> memref<1x64xi32, #tpu.memory_space<vmem>>
      %dma_wait3A_938 = tpu.memref_squeeze %dma_wait3A_937 : memref<1x64xi32, #tpu.memory_space<vmem>> -> memref<64xi32, #tpu.memory_space<vmem>>
      %dma_wait3A_939 = arith.constant 0 : i32
      %dma_wait3A_940 = arith.constant 0 : i32
      %dma_wait3A_941 = tpu.memref_slice %arg11[%dma_wait3A_939, %dma_wait3A_940] : memref<10112x128xf32, #tpu.memory_space<vmem_shared>> -> memref<10112x128xf32, #tpu.memory_space<vmem_shared>>
      tpu.wait_indirect_dma semaphore(%run_scoped3A_921 : memref<!tpu.dma_semaphore, #tpu.memory_space<semaphore_mem>>) src(%dma_wait3A_935 : memref<64x128xf32, #tpu.memory_space<vmem>>) dst(%dma_wait3A_941 : memref<10112x128xf32, #tpu.memory_space<vmem_shared>>)
      tpu.yield
    }) : () -> ()
    %dma_wait3A_891 = arith.constant 3 : i32
    %dma_wait3A_892 = arith.constant 3 : i32
    %dma_wait3A_893 = arith.constant 3 : i32
    %dma_wait3A_894 = arith.constant 0 : i32
    %dma_wait3A_895 = arith.constant 0 : i32
    %dma_wait3A_896 = tpu.memref_slice %arg7[%dma_wait3A_892, %dma_wait3A_894, %dma_wait3A_895] : memref<4x64x128xf32, #tpu.memory_space<vmem>> -> memref<1x64x128xf32, #tpu.memory_space<vmem>>
    %dma_wait3A_897 = tpu.memref_squeeze %dma_wait3A_896 : memref<1x64x128xf32, #tpu.memory_space<vmem>> -> memref<64x128xf32, #tpu.memory_space<vmem>>
    %dma_wait3A_898 = arith.constant 0 : i32
    %dma_wait3A_899 = tpu.memref_slice %arg5[%dma_wait3A_891, %dma_wait3A_898] : memref<8x64xi32, #tpu.memory_space<vmem>> -> memref<1x64xi32, #tpu.memory_space<vmem>>
    %dma_wait3A_900 = tpu.memref_squeeze %dma_wait3A_899 : memref<1x64xi32, #tpu.memory_space<vmem>> -> memref<64xi32, #tpu.memory_space<vmem>>
    %dma_wait3A_901 = arith.constant 0 : i32
    %dma_wait3A_902 = arith.constant 0 : i32
    %dma_wait3A_903 = tpu.memref_slice %arg3[%dma_wait3A_901, %dma_wait3A_902] : memref<10000x128xf32, #tpu.memory_space<hbm>> -> memref<10000x128xf32, #tpu.memory_space<hbm>>
    %dma_wait3A_904 = tpu.memref_slice %arg13[%dma_wait3A_893] : memref<4x!tpu.dma_semaphore, #tpu.memory_space<semaphore_mem>> -> memref<1x!tpu.dma_semaphore, #tpu.memory_space<semaphore_mem>>
    %dma_wait3A_905 = tpu.memref_squeeze %dma_wait3A_904 : memref<1x!tpu.dma_semaphore, #tpu.memory_space<semaphore_mem>> -> memref<!tpu.dma_semaphore, #tpu.memory_space<semaphore_mem>>
    tpu.wait_indirect_dma semaphore(%dma_wait3A_905 : memref<!tpu.dma_semaphore, #tpu.memory_space<semaphore_mem>>) src(%dma_wait3A_903 : memref<10000x128xf32, #tpu.memory_space<hbm>>) dst(%dma_wait3A_897 : memref<64x128xf32, #tpu.memory_space<vmem>>)
    %run_scoped3A_906 = arith.constant 3 : i32
    %run_scoped3A_907 = arith.constant 3 : i32
    "tpu.region"() ({
      %run_scoped3A_921 = tpu.sem_alloc : memref<!tpu.dma_semaphore, #tpu.memory_space<semaphore_mem>>
      %dma_start3A_922 = arith.constant 0 : i32
      %dma_start3A_923 = arith.constant 0 : i32
      %dma_start3A_924 = tpu.memref_slice %arg7[%run_scoped3A_906, %dma_start3A_922, %dma_start3A_923] : memref<4x64x128xf32, #tpu.memory_space<vmem>> -> memref<1x64x128xf32, #tpu.memory_space<vmem>>
      %dma_start3A_925 = tpu.memref_squeeze %dma_start3A_924 : memref<1x64x128xf32, #tpu.memory_space<vmem>> -> memref<64x128xf32, #tpu.memory_space<vmem>>
      %dma_start3A_926 = arith.constant 0 : i32
      %dma_start3A_927 = tpu.memref_slice %arg6[%run_scoped3A_907, %dma_start3A_926] : memref<8x64xi32, #tpu.memory_space<vmem>> -> memref<1x64xi32, #tpu.memory_space<vmem>>
      %dma_start3A_928 = tpu.memref_squeeze %dma_start3A_927 : memref<1x64xi32, #tpu.memory_space<vmem>> -> memref<64xi32, #tpu.memory_space<vmem>>
      %dma_start3A_929 = arith.constant 0 : i32
      %dma_start3A_930 = arith.constant 0 : i32
      %dma_start3A_931 = tpu.memref_slice %arg11[%dma_start3A_929, %dma_start3A_930] : memref<10112x128xf32, #tpu.memory_space<vmem_shared>> -> memref<10112x128xf32, #tpu.memory_space<vmem_shared>>
      tpu.enqueue_indirect_dma source(%dma_start3A_925 : memref<64x128xf32, #tpu.memory_space<vmem>>) target(%dma_start3A_931 : memref<10112x128xf32, #tpu.memory_space<vmem_shared>>) offsets(%dma_start3A_928 : memref<64xi32, #tpu.memory_space<vmem>>) semaphore(%run_scoped3A_921 : memref<!tpu.dma_semaphore, #tpu.memory_space<semaphore_mem>>) {add = true}
      %dma_wait3A_932 = arith.constant 0 : i32
      %dma_wait3A_933 = arith.constant 0 : i32
      %dma_wait3A_934 = tpu.memref_slice %arg7[%run_scoped3A_906, %dma_wait3A_932, %dma_wait3A_933] : memref<4x64x128xf32, #tpu.memory_space<vmem>> -> memref<1x64x128xf32, #tpu.memory_space<vmem>>
      %dma_wait3A_935 = tpu.memref_squeeze %dma_wait3A_934 : memref<1x64x128xf32, #tpu.memory_space<vmem>> -> memref<64x128xf32, #tpu.memory_space<vmem>>
      %dma_wait3A_936 = arith.constant 0 : i32
      %dma_wait3A_937 = tpu.memref_slice %arg6[%run_scoped3A_907, %dma_wait3A_936] : memref<8x64xi32, #tpu.memory_space<vmem>> -> memref<1x64xi32, #tpu.memory_space<vmem>>
      %dma_wait3A_938 = tpu.memref_squeeze %dma_wait3A_937 : memref<1x64xi32, #tpu.memory_space<vmem>> -> memref<64xi32, #tpu.memory_space<vmem>>
      %dma_wait3A_939 = arith.constant 0 : i32
      %dma_wait3A_940 = arith.constant 0 : i32
      %dma_wait3A_941 = tpu.memref_slice %arg11[%dma_wait3A_939, %dma_wait3A_940] : memref<10112x128xf32, #tpu.memory_space<vmem_shared>> -> memref<10112x128xf32, #tpu.memory_space<vmem_shared>>
      tpu.wait_indirect_dma semaphore(%run_scoped3A_921 : memref<!tpu.dma_semaphore, #tpu.memory_space<semaphore_mem>>) src(%dma_wait3A_935 : memref<64x128xf32, #tpu.memory_space<vmem>>) dst(%dma_wait3A_941 : memref<10112x128xf32, #tpu.memory_space<vmem_shared>>)
      tpu.yield
    }) : () -> ()
    %dma_wait3A_908 = arith.constant 0 : i32
    %dma_wait3A_909 = arith.constant 0 : i32
    %dma_wait3A_910 = tpu.memref_slice %arg8[%dma_wait3A_908, %dma_wait3A_909] : memref<1x16xi32, #tpu.memory_space<vmem>> -> memref<1x16xi32, #tpu.memory_space<vmem>>
    %dma_wait3A_911 = tpu.memref_squeeze %dma_wait3A_910 : memref<1x16xi32, #tpu.memory_space<vmem>> -> memref<16xi32, #tpu.memory_space<vmem>>
    %dma_wait3A_912 = arith.constant 0 : i32
    %dma_wait3A_913 = arith.constant 0 : i32
    %dma_wait3A_914 = tpu.memref_slice %arg3[%dma_wait3A_912, %dma_wait3A_913] : memref<10000x128xf32, #tpu.memory_space<hbm>> -> memref<10000x128xf32, #tpu.memory_space<hbm>>
    tpu.wait_indirect_dma semaphore(%arg14 : memref<!tpu.dma_semaphore, #tpu.memory_space<semaphore_mem>>) src(%dma_wait3A_914 : memref<10000x128xf32, #tpu.memory_space<hbm>>) dst(%arg10 : memref<16x128xf32, #tpu.memory_space<vmem>>)
    %run_scoped3A_915 = arith.constant 0 : i32
    "tpu.region"() ({
      %run_scoped3A_921 = tpu.sem_alloc : memref<!tpu.dma_semaphore, #tpu.memory_space<semaphore_mem>>
      %dma_start3A_922 = arith.constant 0 : i32
      %dma_start3A_923 = tpu.memref_slice %arg9[%run_scoped3A_915, %dma_start3A_922] : memref<1x16xi32, #tpu.memory_space<vmem>> -> memref<1x16xi32, #tpu.memory_space<vmem>>
      %dma_start3A_924 = tpu.memref_squeeze %dma_start3A_923 : memref<1x16xi32, #tpu.memory_space<vmem>> -> memref<16xi32, #tpu.memory_space<vmem>>
      %dma_start3A_925 = arith.constant 0 : i32
      %dma_start3A_926 = arith.constant 0 : i32
      %dma_start3A_927 = tpu.memref_slice %arg11[%dma_start3A_925, %dma_start3A_926] : memref<10112x128xf32, #tpu.memory_space<vmem_shared>> -> memref<10112x128xf32, #tpu.memory_space<vmem_shared>>
      tpu.enqueue_indirect_dma source(%arg10 : memref<16x128xf32, #tpu.memory_space<vmem>>) target(%dma_start3A_927 : memref<10112x128xf32, #tpu.memory_space<vmem_shared>>) offsets(%dma_start3A_924 : memref<16xi32, #tpu.memory_space<vmem>>) semaphore(%run_scoped3A_921 : memref<!tpu.dma_semaphore, #tpu.memory_space<semaphore_mem>>) {add = true}
      %dma_wait3A_928 = arith.constant 0 : i32
      %dma_wait3A_929 = tpu.memref_slice %arg9[%run_scoped3A_915, %dma_wait3A_928] : memref<1x16xi32, #tpu.memory_space<vmem>> -> memref<1x16xi32, #tpu.memory_space<vmem>>
      %dma_wait3A_930 = tpu.memref_squeeze %dma_wait3A_929 : memref<1x16xi32, #tpu.memory_space<vmem>> -> memref<16xi32, #tpu.memory_space<vmem>>
      %dma_wait3A_931 = arith.constant 0 : i32
      %dma_wait3A_932 = arith.constant 0 : i32
      %dma_wait3A_933 = tpu.memref_slice %arg11[%dma_wait3A_931, %dma_wait3A_932] : memref<10112x128xf32, #tpu.memory_space<vmem_shared>> -> memref<10112x128xf32, #tpu.memory_space<vmem_shared>>
      tpu.wait_indirect_dma semaphore(%run_scoped3A_921 : memref<!tpu.dma_semaphore, #tpu.memory_space<semaphore_mem>>) src(%arg10 : memref<16x128xf32, #tpu.memory_space<vmem>>) dst(%dma_wait3A_933 : memref<10112x128xf32, #tpu.memory_space<vmem_shared>>)
      tpu.yield
    }) : () -> ()
    %barrier3A_916 = arith.constant 0 : index
    tpu.barrier barrier_id(%barrier3A_916)
    %mul3A_917 = arith.constant 632 : i32
    %mul3A_918 = arith.muli %arg1, %mul3A_917 : i32
    %mul3A_919 = arith.constant 632 : i32
    %mul3A_920 = arith.muli %arg1, %mul3A_919 : i32
    "tpu.region"() ({
      %run_scoped3A_921 = tpu.sem_alloc : memref<!tpu.dma_semaphore, #tpu.memory_space<semaphore_mem>>
      %dma_start3A_922 = arith.constant 0 : i32
      %dma_start3A_923 = tpu.memref_slice %arg4[%arg0, %mul3A_920, %dma_start3A_922] : memref<2x10112x128xf32, #tpu.memory_space<hbm>> -> memref<1x632x128xf32, #tpu.memory_space<hbm>>
      %dma_start3A_924 = tpu.memref_squeeze %dma_start3A_923 : memref<1x632x128xf32, #tpu.memory_space<hbm>> -> memref<632x128xf32, #tpu.memory_space<hbm>>
      %dma_start3A_925 = arith.constant 0 : i32
      %dma_start3A_926 = tpu.memref_slice %arg11[%mul3A_918, %dma_start3A_925] : memref<10112x128xf32, #tpu.memory_space<vmem_shared>> -> memref<632x128xf32, #tpu.memory_space<vmem_shared>>
      tpu.enqueue_dma source(%dma_start3A_926 : memref<632x128xf32, #tpu.memory_space<vmem_shared>>) target(%dma_start3A_924 : memref<632x128xf32, #tpu.memory_space<hbm>>) target_semaphore(%run_scoped3A_921 : memref<!tpu.dma_semaphore, #tpu.memory_space<semaphore_mem>>)
      %dma_wait3A_927 = arith.constant 0 : i32
      %dma_wait3A_928 = tpu.memref_slice %arg4[%arg0, %mul3A_920, %dma_wait3A_927] : memref<2x10112x128xf32, #tpu.memory_space<hbm>> -> memref<1x632x128xf32, #tpu.memory_space<hbm>>
      %dma_wait3A_929 = tpu.memref_squeeze %dma_wait3A_928 : memref<1x632x128xf32, #tpu.memory_space<hbm>> -> memref<632x128xf32, #tpu.memory_space<hbm>>
      %dma_wait3A_930 = arith.constant 0 : i32
      %dma_wait3A_931 = tpu.memref_slice %arg11[%mul3A_918, %dma_wait3A_930] : memref<10112x128xf32, #tpu.memory_space<vmem_shared>> -> memref<632x128xf32, #tpu.memory_space<vmem_shared>>
      tpu.wait_dma2 semaphore(%run_scoped3A_921 : memref<!tpu.dma_semaphore, #tpu.memory_space<semaphore_mem>>) src(%dma_wait3A_931 : memref<632x128xf32, #tpu.memory_space<vmem_shared>>) dst(%dma_wait3A_929 : memref<632x128xf32, #tpu.memory_space<hbm>>)
      tpu.yield
    }) : () -> ()
    return
  }
}

module attributes {stable_mosaic.version = 14 : i64} {
  func.func @_tc_mlp_body(%arg0: i32, %arg1: memref<1000x128xf32, #tpu.memory_space<vmem>>, %arg2: memref<1x1000x128xf32, #tpu.memory_space<vmem>>, %arg3: memref<1x1000x128xf32, #tpu.memory_space<vmem>>, %arg4: memref<128x128xf32, #tpu.memory_space<vmem>>, %arg5: memref<1x128xf32, #tpu.memory_space<vmem>>, %arg6: memref<128x128xf32, #tpu.memory_space<vmem>>, %arg7: memref<1x128xf32, #tpu.memory_space<vmem>>, %arg8: memref<1000x128xf32, #tpu.memory_space<vmem>>) attributes {dimension_semantics = [#tpu.dimension_semantics<arbitrary>], iteration_bounds = array<i64: 10>, scalar_prefetch = 0 : i64, scratch_operands = 0 : i64, tpu.core_type = #tpu.core_type<tc>, window_params = [{transform_indices = @transform_0, window_bounds = array<i64: 1000, 128>}, {transform_indices = @transform_1, window_bounds = array<i64: 1, 1000, 128>}, {transform_indices = @transform_2, window_bounds = array<i64: 1, 1000, 128>}, {pipeline_mode = #tpu.pipeline_mode<synchronous>, transform_indices = @transform_3, window_bounds = array<i64: 128, 128>}, {pipeline_mode = #tpu.pipeline_mode<synchronous>, transform_indices = @transform_4, window_bounds = array<i64: 1, 128>}, {pipeline_mode = #tpu.pipeline_mode<synchronous>, transform_indices = @transform_5, window_bounds = array<i64: 128, 128>}, {pipeline_mode = #tpu.pipeline_mode<synchronous>, transform_indices = @transform_6, window_bounds = array<i64: 1, 128>}, {transform_indices = @transform_7, window_bounds = array<i64: 1000, 128>}]} {
    %get3A = arith.constant 0 : index
    %get3A_0 = arith.constant 0 : index
    %get3A_1 = vector.load %arg1[%get3A, %get3A_0] : memref<1000x128xf32, #tpu.memory_space<vmem>>, vector<1000x128xf32>
    %get3A_2 = arith.constant 0 : index
    %get3A_3 = arith.constant 0 : index
    %get3A_4 = arith.constant 0 : index
    %get3A_5 = vector.load %arg2[%get3A_2, %get3A_3, %get3A_4] : memref<1x1000x128xf32, #tpu.memory_space<vmem>>, vector<1x1000x128xf32>
    %get3A_6 = vector.shape_cast %get3A_5 : vector<1x1000x128xf32> to vector<1000x128xf32>
    %add3A = arith.addf %get3A_1, %get3A_6 : vector<1000x128xf32>
    %get3A_7 = arith.constant 0 : index
    %get3A_8 = arith.constant 0 : index
    %get3A_9 = arith.constant 0 : index
    %get3A_10 = vector.load %arg3[%get3A_7, %get3A_8, %get3A_9] : memref<1x1000x128xf32, #tpu.memory_space<vmem>>, vector<1x1000x128xf32>
    %get3A_11 = vector.shape_cast %get3A_10 : vector<1x1000x128xf32> to vector<1000x128xf32>
    %add3A_12 = arith.addf %add3A, %get3A_11 : vector<1000x128xf32>
    %get3A_13 = arith.constant 0 : index
    %get3A_14 = arith.constant 0 : index
    %get3A_15 = vector.load %arg4[%get3A_13, %get3A_14] : memref<128x128xf32, #tpu.memory_space<vmem>>, vector<128x128xf32>
    %dot_general3A = arith.constant dense<0.000000e+00> : vector<1000x128xf32>
    %dot_general3A_16 = tpu.matmul %add3A_12, %get3A_15, %dot_general3A {dimension_numbers = #tpu.dot_dimension_numbers<[1], [0], [0], [1], [0, 0, 1, 1], [], []>, transpose_lhs_hint = false} : vector<1000x128xf32>, vector<128x128xf32>, vector<1000x128xf32> -> vector<1000x128xf32>
    %get3A_17 = arith.constant 0 : index
    %get3A_18 = arith.constant 0 : index
    %get3A_19 = vector.load %arg5[%get3A_17, %get3A_18] : memref<1x128xf32, #tpu.memory_space<vmem>>, vector<1x128xf32>
    %add3A_20 = vector.broadcast %get3A_19 : vector<1x128xf32> to vector<1000x128xf32>
    %add3A_21 = arith.addf %dot_general3A_16, %add3A_20 : vector<1000x128xf32>
    %max3A = arith.constant 0.000000e+00 : f32
    %max3A_22 = vector.broadcast %max3A : f32 to vector<1000x128xf32>
    %max3A_23 = arith.maximumf %add3A_21, %max3A_22 : vector<1000x128xf32>
    %get3A_24 = arith.constant 0 : index
    %get3A_25 = arith.constant 0 : index
    %get3A_26 = vector.load %arg6[%get3A_24, %get3A_25] : memref<128x128xf32, #tpu.memory_space<vmem>>, vector<128x128xf32>
    %dot_general3A_27 = arith.constant dense<0.000000e+00> : vector<1000x128xf32>
    %dot_general3A_28 = tpu.matmul %max3A_23, %get3A_26, %dot_general3A_27 {dimension_numbers = #tpu.dot_dimension_numbers<[1], [0], [0], [1], [0, 0, 1, 1], [], []>, transpose_lhs_hint = false} : vector<1000x128xf32>, vector<128x128xf32>, vector<1000x128xf32> -> vector<1000x128xf32>
    %get3A_29 = arith.constant 0 : index
    %get3A_30 = arith.constant 0 : index
    %get3A_31 = vector.load %arg7[%get3A_29, %get3A_30] : memref<1x128xf32, #tpu.memory_space<vmem>>, vector<1x128xf32>
    %add3A_32 = vector.broadcast %get3A_31 : vector<1x128xf32> to vector<1000x128xf32>
    %add3A_33 = arith.addf %dot_general3A_28, %add3A_32 : vector<1000x128xf32>
    %swap3A = arith.constant 0 : index
    %swap3A_34 = arith.constant 0 : index
    %swap3A_35 = vector.load %arg8[%swap3A, %swap3A_34] : memref<1000x128xf32, #tpu.memory_space<vmem>>, vector<1000x128xf32>
    tpu.vector_store %arg8[%swap3A, %swap3A_34], %add3A_33 {strides = array<i32>} : memref<1000x128xf32, #tpu.memory_space<vmem>>, vector<1000x128xf32>,
    return
  }
  func.func @transform_0(%arg0: i32) -> (i32, i32) {
    %c0_i32 = arith.constant 0 : i32
    %c0_i32_0 = arith.constant 0 : i32
    return %arg0, %c0_i32 : i32, i32
  }
  func.func @transform_1(%arg0: i32) -> (i32, i32, i32) {
    %c0_i32 = arith.constant 0 : i32
    %c0_i32_0 = arith.constant 0 : i32
    %c0_i32_1 = arith.constant 0 : i32
    return %c0_i32, %arg0, %c0_i32_0 : i32, i32, i32
  }
  func.func @transform_2(%arg0: i32) -> (i32, i32, i32) {
    %c1_i32 = arith.constant 1 : i32
    %c0_i32 = arith.constant 0 : i32
    %c0_i32_0 = arith.constant 0 : i32
    return %c1_i32, %arg0, %c0_i32 : i32, i32, i32
  }
  func.func @transform_3(%arg0: i32) -> (i32, i32) {
    %c0_i32 = arith.constant 0 : i32
    %c0_i32_0 = arith.constant 0 : i32
    %c0_i32_1 = arith.constant 0 : i32
    return %c0_i32, %c0_i32_0 : i32, i32
  }
  func.func @transform_4(%arg0: i32) -> (i32, i32) {
    %c0_i32 = arith.constant 0 : i32
    %c0_i32_0 = arith.constant 0 : i32
    %c0_i32_1 = arith.constant 0 : i32
    return %c0_i32, %c0_i32_0 : i32, i32
  }
  func.func @transform_5(%arg0: i32) -> (i32, i32) {
    %c0_i32 = arith.constant 0 : i32
    %c0_i32_0 = arith.constant 0 : i32
    %c0_i32_1 = arith.constant 0 : i32
    return %c0_i32, %c0_i32_0 : i32, i32
  }
  func.func @transform_6(%arg0: i32) -> (i32, i32) {
    %c0_i32 = arith.constant 0 : i32
    %c0_i32_0 = arith.constant 0 : i32
    %c0_i32_1 = arith.constant 0 : i32
    return %c0_i32, %c0_i32_0 : i32, i32
  }
  func.func @transform_7(%arg0: i32) -> (i32, i32) {
    %c0_i32 = arith.constant 0 : i32
    %c0_i32_0 = arith.constant 0 : i32
    return %arg0, %c0_i32 : i32, i32
  }
}

</mosaic_0001>

<sc_bundles>
// kernel: kernel.4.cloned.1.call-start
scs
__scs_entry_jumppad:
0x0: {  	(pc) =	sbr.rel $0x88, $3  }
0x1: {  	(tag) =	ssettag $0x0;
	lr =	simm.s32 $0x1  }
0x2: {  	[smem:$0x3F9B] =	sst lr;
	_ =	strace $0xD0000000  }
0x3: {  	_ = 	snop  }
0x4: {  	_ = 	snop  }
0x5: {  	_ = 	snop  }
0x6: {  	_ = 	snop  }
0x7: {  	_ = 	snop  }
__scs_overlays_trampoline_lowered:
0x8: {  	[smem:$0x3FAA] =	sst s0  }
0x9: {  	[smem:$0x3FAB] =	sst s1  }
0xa: {  	[smem:$0x3FAC] =	sst s2  }
0xb: {  	[smem:$0x3FAD] =	sst s3  }
0xc: {  	[smem:$0x3FAE] =	sst s4  }
0xd: {  	[smem:$0x3FAF] =	sst s5  }
0xe: {  	[smem:$0x3FB0] =	sst s6  }
0xf: {  	[smem:$0x3FB1] =	sst s7  }
0x10: {  	[smem:$0x3FB2] =	sst s8  }
0x11: {  	[smem:$0x3FB3] =	sst s9;
	s0 =	simm.s32 @!p0 $0x0  }
0x12: {  	s1 =	sld [smem:$0x3F99];
	s0 =	simm.s32 @p0 $0x1  }
0x13: {  	[smem:$0x3FB4] =	sst s0;
	s0 =	simm.s32 @!p1 $0x0  }
0x14: {  	s2 =	sld [smem:$0x3F98];
	s0 =	simm.s32 @p1 $0x1  }
0x15: {  	[smem:$0x3FB5] =	sst s0;
	s0 =	simm.s32 @!p2 $0x0  }
0x16: {  	s3 =	sld [smem:$0x3FDB];
	s0 =	simm.s32 @p2 $0x1  }
0x17: {  	s4 =	simm.s32 $0x1BF5;
	[smem:$0x3FB7] =	sst s0  }
0x18: {  	s0 =	sld [smem:$0x3F9A];
	_ =	swait.ge [sflag:s4], $0x0  }
0x19: {  	s7 =	sld [smem:$0x3F9B]  }
0x1a: {  	s8 =	sadd.s32 $0xFFFFE003, lr  }
0x1b: {  	s9 =	sadd.s32 $0xFFFFFEF7, lr;
	s5 =	simm.s32 $0xFFFFFFFF;
	p2 =	slt.u32 s8, $0xFFFFF086  }
0x1c: {  	p1 =	slt.u32 s9, $0xF7A;
	s5 =	simm.s32 @!p2 $0x0  }
0x1d: {  	s5 =	simm.s32 @p1 $0x1;
	p0 =	seq.s32 s7, s2  }
0x1e: {  	s7 =	smul.u32 @!p0 $0xF7A, s2;
	p2 =	seq.s32 @!p0 s5, $0x0  }
0x1f: {  	s9 =	smul.u32 $0xF7A, s1;
	s8 =	simm.s32 @!p0 $0x1BF5;
	p2 =	por !p2, p0  }
0x20: {  	[sflag:s8] =	ssyncset.s32 @!p0 $0xFFFFF086;
	s6 =	sadd.s32 @!p0 s3, s7;
	s7 =	simm.s32 @!p0 $0x108  }
0x21: {  	s3 =	sadd.s32 s3, s9;
	s6 =	sadd.s32 @!p0 $0x88, s6;
	s7 =	simm.s32 @p2 $0x1082  }
0x22: {  	[simem:s7], [sflag:s8] =	dma.local @!p0 [hbm:s6], $0xF7A  }
0x23: {  	s9 =	sor.u32 $0xD0000000, s2;
	s6 =	simm.s32 $0x108;
	_ =	swait.ge @!p0 [sflag:s8], $0x0  }
0x24: {  	s3 =	sadd.s32 $0x88, s3;
	s6 =	simm.s32 @!p1 $0x1082;
	[sflag:s4] =	ssyncset.s32 $0xFFFFF086  }
0x25: {  	[simem:s6], [sflag:s4] =	dma.local [hbm:s3], $0xF7A  }
0x26: {  	[smem:$0x3F9B] =	sst s1;
	(tag) =	ssettag s2;
	_ =	strace s9  }
0x27: {  	s1 =	sld [smem:$0x3FAB]  }
0x28: {  	s2 =	sld [smem:$0x3FAC]  }
0x29: {  	s4 =	sld [smem:$0x3FAE]  }
0x2a: {  	p0 =	seq.s32 s5, $0x0;
	s5 =	sld [smem:$0x3FAF]  }
0x2b: {  	s6 =	sld [smem:$0x3FB0]  }
0x2c: {  	s7 =	sld [smem:$0x3FB1]  }
0x2d: {  	s3 =	simm.s32 $0x108;
	s8 =	sld [smem:$0x3FB2]  }
0x2e: {  	s3 =	simm.s32 @!p0 $0x1082;
	s9 =	sld [smem:$0x3FB3]  }
0x2f: {  	lr =	sadd.s32 s0, s3;
	s0 =	sld [smem:$0x3FAA]  }
0x30: {  	s3 =	sld [smem:$0x3FAD]  }
0x31: {  	[smem:$0x3FB6] =	sst s10  }
0x32: {  	s10 =	sld [smem:$0x3FB4];
	_ =	sdelay $0x3  }
0x33: {  	p0 =	seq.s32 s10, $0x1;
	s10 =	sld [smem:$0x3FB6];
	_ =	sdelay $0x3  }
0x34: {  	[smem:$0x3FB6] =	sst s10  }
0x35: {  	s10 =	sld [smem:$0x3FB5];
	_ =	sdelay $0x3  }
0x36: {  	p1 =	seq.s32 s10, $0x1;
	s10 =	sld [smem:$0x3FB6];
	_ =	sdelay $0x3  }
0x37: {  	[smem:$0x3FB6] =	sst s10  }
0x38: {  	s10 =	sld [smem:$0x3FB7]  }
0x39: {  	_ = 	snop;
	(pc) =	sbr.ind lr, $3  }
0x3a: {  	_ = 	snop  }
0x3b: {  	_ = 	snop  }
0x3c: {  	p2 =	seq.s32 s10, $0x1;
	s10 =	sld [smem:$0x3FB6]  }
0x3d: {  	_ =	shalt  }
0x3e: {  	_ =	shalt  }
0x3f: {  	_ =	shalt  }
0x40: {  	_ =	shalt  }
0x41: {  	_ =	shalt  }
0x42: {  	_ =	shalt  }
0x43: {  	_ =	shalt  }
0x44: {  	_ =	shalt  }
0x45: {  	_ =	shalt  }
0x46: {  	_ =	shalt  }
0x47: {  	_ =	shalt  }
0x48: {  	_ =	shalt  }
0x49: {  	_ =	shalt  }
0x4a: {  	_ =	shalt  }
0x4b: {  	_ =	shalt  }
0x4c: {  	_ =	shalt  }
0x4d: {  	_ =	shalt  }
0x4e: {  	_ =	shalt  }
0x4f: {  	_ =	shalt  }
0x50: {  	_ =	shalt  }
0x51: {  	_ =	shalt  }
0x52: {  	_ =	shalt  }
0x53: {  	_ =	shalt  }
0x54: {  	_ =	shalt  }
0x55: {  	_ =	shalt  }
0x56: {  	_ =	shalt  }
0x57: {  	_ =	shalt  }
0x58: {  	_ =	shalt  }
0x59: {  	_ =	shalt  }
0x5a: {  	_ =	shalt  }
0x5b: {  	_ =	shalt  }
0x5c: {  	_ =	shalt  }
0x5d: {  	_ =	shalt  }
0x5e: {  	_ =	shalt  }
0x5f: {  	_ =	shalt  }
0x60: {  	_ =	shalt  }
0x61: {  	_ =	shalt  }
0x62: {  	_ =	shalt  }
0x63: {  	_ =	shalt  }
0x64: {  	_ =	shalt  }
0x65: {  	_ =	shalt  }
0x66: {  	_ =	shalt  }
0x67: {  	_ =	shalt  }
0x68: {  	_ =	shalt  }
0x69: {  	_ =	shalt  }
0x6a: {  	_ =	shalt  }
0x6b: {  	_ =	shalt  }
0x6c: {  	_ =	shalt  }
0x6d: {  	_ =	shalt  }
0x6e: {  	_ =	shalt  }
0x6f: {  	_ =	shalt  }
0x70: {  	_ =	shalt  }
0x71: {  	_ =	shalt  }
0x72: {  	_ =	shalt  }
0x73: {  	_ =	shalt  }
0x74: {  	_ =	shalt  }
0x75: {  	_ =	shalt  }
0x76: {  	_ =	shalt  }
0x77: {  	_ =	shalt  }
0x78: {  	_ =	shalt  }
0x79: {  	_ =	shalt  }
0x7a: {  	_ =	shalt  }
0x7b: {  	_ =	shalt  }
0x7c: {  	_ =	shalt  }
0x7d: {  	_ =	shalt  }
0x7e: {  	_ =	shalt  }
0x7f: {  	_ =	shalt  }
0x80: {  	_ =	shalt  }
0x81: {  	_ =	shalt  }
0x82: {  	_ =	shalt  }
0x83: {  	_ =	shalt  }
0x84: {  	_ =	shalt  }
0x85: {  	_ =	shalt  }
0x86: {  	_ =	shalt  }
0x87: {  	_ =	shalt  }
.Lfunc_end0:
.L_simem_size_0:
called_computation_lowered:
.L_overlay_start_0:
0x88: {  	s2 =	sld [smem:$0x3FD9]  }
0x89: {  	s3 =	sld [smem:$0x3FFE];
	_ =	sdelay $0x1  }
0x8a: {  	s1 =	srdreg.scid  }
0x8b: {  	s0 =	sand.u32 $0x1, s1  }
0x8c: {  	s17 =	sshll.u32 s0, $0xA;
	s2 =	sadd.s32 s3, s2  }
0x8d: {  	s2 =	sadd.s32 s2, s17  }
0x8e: {  	[smem:$0x3FC2] =	sst s2  }
0x8f: {  	_ = 	snop  }
0x90: {  	s2 =	sld [smem:$0x3FC9]  }
0x91: {  	s18 =	sld [smem:$0x3FD0];
	(tm) =	ssettm $0x1  }
0x92: {  	s4 =	sld [smem:$0x3FFB];
	_ =	sdelay $0x3  }
0x93: {  	_ =	strace s4  }
0x94: {  	s4 =	sld [smem:$0x3FFC];
	_ =	sdelay $0x3  }
0x95: {  	_ =	strace s4  }
0x96: {  	s4 =	sld [smem:$0x3FFD];
	_ =	sdelay $0x3  }
0x97: {  	_ =	strace s4  }
0x98: {  	_ =	strace $0x8FFFFFFF  }
0x99: {  	s19 =	sld [smem:$0x3FDB];
	_ =	sdelay $0x1  }
0x9a: {  	s5 =	simm.s32 $_scs_section_size  }
0x9b: {  	s6 =	simm.s32 $_size__tile_overlayer_lowered;
	s7 =	simm.s32 $_tile_overlayer_lowered  }
0x9c: {  	s22 =	simm.s32 $0x1BFF;
	s21 =	sshll.u32 s7, $0x1;
	s4 =	sadd.s32 s5, s19  }
0x9d: {  	s8 =	simm.s32 $0x0;
	s20 =	sshll.u32 s6, $0x1;
	s6 =	sadd.s32 s21, s4  }
0x9e: {  	[timem:s8], [sflag:s22] =	dma.local [hbm:s6], s20  }
0x9f: {  	_ =	swait.ge [sflag:s22], s20  }
0xa0: {  	s5 =	ssub.s32 $0x0, s20;
	[sflag:s22] =	ssyncset.done $0x0  }
0xa1: {  	[sflag:s22] =	ssyncadd.s32 s5;
	_ =	sdelay $0x1  }
0xa2: {  	s23 =	simm.s32 $0x1B8B  }
0xa3: {  	_ =	swait.ge [sflag:s23], $0x1  }
0xa4: {  	[sflag:s23] =	ssyncset.done $0x0  }
0xa5: {  	s25 =	simm.s32 $0x1B8E;
	s24 =	sld [smem:$0x3FFE];
	[sflag:s23] =	ssyncadd.s32 $0xFFFFFFFF  }
0xa6: {  	s26 =	simm.s32 $execute0_lowered;
	[smem:$0x3FD2] =	sst s25  }
0xa7: {  	s6 =	sshll.u32 s26, $0x1;
	_ =	strace $0x80000046;
	[dreg:$0x1] =	wrdreg $0xFFFFFFFF  }
0xa8: {  	s28 =	simm.s32 $_size_execute0_lowered;
	s4 =	sadd.s32 s4, s6;
	[dreg:$0x0] =	wrdreg $0x0  }
0xa9: {  	s6 =	sshll.u32 s28, $0x1;
	[dreg:$0x2] =	wrdreg s4  }
0xaa: {  	[dreg:$0x3] =	wrdreg s6  }
0xab: {  	[dreg:$0x4] =	wrdreg $0xC0  }
0xac: {  	_ =	task [dreg:s8], $0x5FFFF  }
0xad: {  	[dreg:$0x1] =	wrdreg $0xFFFFFFFF  }
0xae: {  	[dreg:$0x0] =	wrdreg $0x60  }
0xaf: {  	[dreg:$0x2] =	wrdreg s18  }
0xb0: {  	[dreg:$0x3] =	wrdreg s2  }
0xb1: {  	[dreg:$0x4] =	wrdreg s24  }
0xb2: {  	[dreg:$0x5] =	wrdreg $0x91000  }
0xb3: {  	[dreg:$0x6] =	wrdreg $0x9  }
0xb4: {  	_ =	task.clear_ibuf [dreg:s8], $0x7FFFF;
	_ =	strace $0x90000046  }
0xb5: {  	s29 =	simm.s32 $0x9;
	_ =	strace $0x80000048  }
0xb6: {  	_ =	swait.ge [sflag:s29], $0x1  }
0xb7: {  	[sflag:s29] =	ssyncadd.s32 $0xFFFFFFFF  }
0xb8: {  	_ =	strace $0x90000048  }
0xb9: {  	_ =	sfence  }
0xba: {  	s30 =	sld [smem:$0x0];
	_ =	sdelay $0x2  }
0xbb: {  	s31 =	sshll.u32 s1, $0xD;
	s1 =	sshrl.u32 s1, $0x2  }
0xbc: {  	s3 =	sand.u32 $0x4000, s31;
	s1 =	sadd.s32 s1, s30  }
0xbd: {  	s0 =	sor.u32 s3, s0;
	s1 =	sshll.u32 s1, $0x11  }
0xbe: {  	s0 =	sor.u32 s1, s0  }
0xbf: {  	s0 =	sadd.s32 $0x8F2B, s0  }
0xc0: {  	[sflag:s0] =	ssyncadd.remote.s32 $0x1  }
0xc1: {  	_ =	sfence.sel $0xFFFF  }
0xc2: {  	[dreg:$0x0] =	wrdreg $0xFFFFFFFF;
	(pc) =	sbr.abs _section_cstart, $3  }
0xc3: {  	[dreg:$0x1] =	wrdreg $0xFFFFFFFF  }
0xc4: {  	_ =	task.clear_ibuf [dreg:s8], $0x2FFFF;
	_ =	strace $0x9FFFFFFF  }
0xc5: {  	(tm) =	ssettm $0x7FFFFFFF  }
tec
execute0_lowered:
.L_overlay_start_1:
0x0: {  	(tag) =	ssettag $0x1  }
0x1: {  	s13 =	rddreg [dreg:$0x0]  }
0x2: {  	s1 =	srdreg.scid;
	s9 =	stileid.u32  }
0x3: {  	s31 =	rddreg [dreg:$0x1];
	s3 =	sand.u32 $0x1, s1;
	s17 =	smul.u32 $0x2710, s9  }
0x4: {  	s0 =	rddreg [dreg:$0x2];
	s1 =	smul.u32 $0x13C000, s3  }
0x5: {  	s6 =	sshll.u32 s3, $0x4;
	s12 =	ssub.s32 $0x2, s3;
	s3 =	smul.u32 $0x27100, s3  }
0x6: {  	s4 =	rddreg [dreg:$0x3];
	s5 =	simm.s32 $0x0;
	s7 =	smul.u32 $0x13C00, s9  }
0x7: {  	[smem:$0x7FF] =	sst s5;
	s3 =	sadd.s32 s17, s3  }
0x8: {  	s6 =	sor.u32 s9, s6;
	s1 =	sadd.s32 s7, s1;
	s2 =	sadd.s32 $0x4E5C0, s3  }
0x9: {  	s6 =	smul.u32 $0x2710, s6;
	s1 =	sshrl.u32 s1, $0x3;
	s7 =	sshrl.u32 s2, $0x3  }
0xa: {  	_ =	strace $0x80000047;
	s0 =	sadd.s32 s1, s0;
	s11 =	sadd.s32 s7, s13  }
0xb: {  	s6 =	sshrl.u32 s6, $0x3;
	s0 =	sadd.s32 $0x1600, s0;
	[dreg:$0x6] =	wrdreg s11  }
0xc: {  	s10 =	sadd.s32 s13, s6;
	[smem:$0x7EE] =	sst s0  }
0xd: {  	s6 =	sadd.s32 $0x9C40, s10;
	[dreg:$0x14] =	wrdreg s10  }
0xe: {  	s30 =	simm.s32 $0xF;
	s14 =	sadd.s32 $0x8, s10;
	[dreg:$0x15] =	wrdreg s6  }
0xf: {  	s28 =	simm.s32 $0x8900;
	s15 =	sadd.s32 $0x9C48, s10;
	[dreg:$0x16] =	wrdreg s14  }
0x10: {  	s29 =	simm.s32 $0x2800;
	s16 =	sadd.s32 $0x10, s10;
	[dreg:$0x17] =	wrdreg s15  }
0x11: {  	s8 =	sshrl.u32 s12, $0x1;
	s18 =	sadd.s32 $0x9C50, s10;
	[dreg:$0x18] =	wrdreg s16  }
0x12: {  	s25 =	sadd.s32 $0x3C0, s3;
	s19 =	sadd.s32 $0x18, s10;
	[dreg:$0x19] =	wrdreg s18  }
0x13: {  	s1 =	ssub.s32 s12, s8;
	s20 =	sadd.s32 $0x9C58, s10;
	[dreg:$0x1a] =	wrdreg s19  }
0x14: {  	s8 =	smul.u32 $0x4F000, s9;
	s21 =	sadd.s32 $0x20, s10;
	[dreg:$0x1b] =	wrdreg s20  }
0x15: {  	s12 =	sadd.s32 $0x380, s3;
	s22 =	sadd.s32 $0x9C60, s10;
	[dreg:$0x1c] =	wrdreg s21  }
0x16: {  	s2 =	sadd.s32 $0x2C0, s3;
	s23 =	sadd.s32 $0x28, s10;
	[dreg:$0x1d] =	wrdreg s22  }
0x17: {  	s9 =	sshrl.u32 s2, $0x3;
	s24 =	sadd.s32 $0x9C68, s10;
	[dreg:$0x1e] =	wrdreg s23  }
0x18: {  	s26 =	sadd.s32 $0x30, s10;
	s2 =	sadd.s32 $0x38, s10;
	[dreg:$0x1f] =	wrdreg s24  }
0x19: {  	[smem:$0x7EA] =	sst s26;
	s6 =	sshrl.u32 s25, $0x3;
	s14 =	sshrl.u32 s12, $0x3  }
0x1a: {  	s15 =	sadd.s32 $0x4E580, s3;
	s16 =	sadd.s32 $0x340, s3;
	s12 =	sadd.s32 $0x280, s3  }
0x1b: {  	[smem:$0x7EC] =	sst s2;
	s6 =	sadd.s32 s6, s13;
	s7 =	sshrl.u32 s15, $0x3  }
0x1c: {  	s15 =	sshrl.u32 s12, $0x3;
	s12 =	smax.u32 s1, $0x1;
	[dreg:$0x5] =	wrdreg s6  }
0x1d: {  	s23 =	sadd.s32 $0x4E500, s3;
	s6 =	sadd.s32 s14, s13;
	[smem:$0x7EF] =	sst s12  }
0x1e: {  	s18 =	sshrl.u32 s16, $0x3;
	s17 =	sadd.s32 s7, s13;
	[dreg:$0x7] =	wrdreg s6  }
0x1f: {  	s25 =	sshrl.u32 s23, $0x3;
	s19 =	sadd.s32 s18, s13;
	[dreg:$0x8] =	wrdreg s17  }
0x20: {  	s20 =	sadd.s32 $0x4E540, s3;
	s26 =	sadd.s32 s25, s13;
	[dreg:$0x9] =	wrdreg s19  }
0x21: {  	s22 =	sadd.s32 $0x300, s3;
	s16 =	sadd.s32 s15, s13;
	[dreg:$0xc] =	wrdreg s26  }
0x22: {  	s21 =	sshrl.u32 s20, $0x3;
	s25 =	sadd.s32 $0x9C70, s10;
	[dreg:$0xf] =	wrdreg s16  }
0x23: {  	s20 =	sadd.s32 $0x4E440, s3;
	s15 =	sadd.s32 $0x200, s3;
	[smem:$0x7EB] =	sst s25  }
0x24: {  	s7 =	sshrl.u32 s22, $0x3;
	s6 =	sadd.s32 s21, s13;
	[smem:$0x7F0] =	sst s15  }
0x25: {  	s22 =	sshrl.u32 s20, $0x3;
	s24 =	sadd.s32 s7, s13;
	[dreg:$0xa] =	wrdreg s6  }
0x26: {  	s11 =	sadd.s32 $0x4E4C0, s3;
	s23 =	sadd.s32 s22, s13;
	[dreg:$0xb] =	wrdreg s24  }
0x27: {  	s7 =	sshrl.u32 s11, $0x3;
	s11 =	sadd.s32 $0x9C78, s10;
	[dreg:$0x12] =	wrdreg s23  }
0x28: {  	s0 =	simm.s32 $0x4800;
	s16 =	sadd.s32 $0x4E0, s10;
	[smem:$0x7ED] =	sst s11  }
0x29: {  	s17 =	sadd.s32 $0x4E480, s3;
	s6 =	sadd.s32 s9, s13;
	[smem:$0x7F1] =	sst s16  }
0x2a: {  	s19 =	sadd.s32 $0x240, s3;
	s14 =	sadd.s32 s7, s13;
	[dreg:$0xd] =	wrdreg s6  }
0x2b: {  	s18 =	sshrl.u32 s17, $0x3;
	s17 =	sadd.s32 $0xA120, s10;
	[dreg:$0xe] =	wrdreg s14  }
0x2c: {  	s7 =	sshrl.u32 s19, $0x3;
	s11 =	simm.s32 $0x0;
	[smem:$0x7F2] =	sst s17  }
0x2d: {  	s24 =	sadd.s32 $0x4E400, s3;
	s6 =	sadd.s32 s18, s13;
	[smem:$0x7FC] =	sst s11  }
0x2e: {  	s9 =	sshrl.u32 s8, $0x2;
	s21 =	sadd.s32 s7, s13;
	[dreg:$0x10] =	wrdreg s6  }
0x2f: {  	s26 =	sshrl.u32 s24, $0x3;
	s14 =	sadd.s32 s9, s4;
	[dreg:$0x11] =	wrdreg s21  }
0x30: {  	s2 =	simm.s32 $0x8;
	s6 =	sadd.s32 s26, s13;
	[smem:$0x7FD] =	sst s14  }
0x31: {  	s1 =	simm.s32 $0x5;
	s18 =	sadd.s32 $0x2000, s14;
	[dreg:$0x13] =	wrdreg s6  }
0x32: {  	s12 =	simm.s32 $0x180;
	s19 =	sadd.s32 $0x4000, s14;
	[smem:$0x7F3] =	sst s18  }
0x33: {  	s15 =	simm.s32 $0x100;
	s20 =	sadd.s32 $0x6000, s14;
	[smem:$0x7F4] =	sst s19  }
0x34: {  	s16 =	simm.s32 $0x400;
	s21 =	sadd.s32 $0x8000, s14;
	[smem:$0x7F5] =	sst s20  }
0x35: {  	s8 =	simm.s32 $0x40;
	s22 =	sadd.s32 $0xA000, s14;
	[smem:$0x7F6] =	sst s21  }
0x36: {  	s10 =	simm.s32 $0x3;
	s23 =	sadd.s32 $0xC000, s14;
	[smem:$0x7F7] =	sst s22  }
0x37: {  	s3 =	simm.s32 $0x6800;
	s24 =	sadd.s32 $0xE000, s14;
	[smem:$0x7F8] =	sst s23  }
0x38: {  	s9 =	simm.s32 $0x500;
	s25 =	sadd.s32 $0x10000, s14;
	[smem:$0x7F9] =	sst s24  }
0x39: {  	s17 =	simm.s32 $0x8880;
	s26 =	sadd.s32 $0x12000, s14;
	[smem:$0x7FA] =	sst s25  }
0x3a: {  	s7 =	simm.s32 $0x2;
	[smem:$0x7FB] =	sst s26;
	s23 =	simm.s32 $0x80  }
0x3b: {  	s20 =	simm.s32 $0x480;
	s24 =	simm.s32 $0x580;
	s26 =	simm.s32 $0x10  }
0x3c: {  	s25 =	simm.s32 $0x4;
	s22 =	simm.s32 $0x1;
	s6 =	simm.s32 $0x9  }
0x3d: {  	v0 =	vimm.f32 $0.0e+00;
	s18 =	simm.s32 $0xA;
	s19 =	simm.s32 $0x6;
	s21 =	simm.s32 $0x7  }
.LBB2_1:
0x3e: {  	s11 =	rddreg [dreg:$0x14]  }
0x3f: {  	[tilespmem:s5], [sflag:$0x1] =	stream.linear.gather [hbm4b:s11+s5], $0x40, $0x38;
	[tilespmem:$0x1CD00] =	vst v63  }
0x40: {  	s11 =	rddreg [dreg:$0x15]  }
0x41: {  	[tilespmem:s16], [sflag:$0x1] =	stream.linear.gather [hbm4b:s11+s5], $0x40, $0x38;
	[tilespmem:$0x1CD00] =	vst v63  }
0x42: {  	s11 =	rddreg [dreg:$0x16]  }
0x43: {  	[tilespmem:s23], [sflag:$0x2] =	stream.linear.gather [hbm4b:s11+s5], $0x40, $0x38;
	[tilespmem:$0x1CD00] =	vst v63  }
0x44: {  	s11 =	rddreg [dreg:$0x17]  }
0x45: {  	[tilespmem:s20], [sflag:$0x2] =	stream.linear.gather [hbm4b:s11+s5], $0x40, $0x38;
	[tilespmem:$0x1CD00] =	vst v63  }
0x46: {  	s20 =	rddreg [dreg:$0x18]  }
0x47: {  	[tilespmem:s15], [sflag:$0x3] =	stream.linear.gather [hbm4b:s20+s5], $0x40, $0x38;
	[tilespmem:$0x1CD00] =	vst v63  }
0x48: {  	s20 =	rddreg [dreg:$0x19]  }
0x49: {  	[tilespmem:s9], [sflag:$0x3] =	stream.linear.gather [hbm4b:s20+s5], $0x40, $0x38;
	[tilespmem:$0x1CD00] =	vst v63  }
0x4a: {  	s9 =	rddreg [dreg:$0x1a]  }
0x4b: {  	[tilespmem:s12], [sflag:$0x4] =	stream.linear.gather [hbm4b:s9+s5], $0x40, $0x38;
	[tilespmem:$0x1CD00] =	vst v63  }
0x4c: {  	s20 =	rddreg [dreg:$0x1b]  }
0x4d: {  	[tilespmem:s24], [sflag:$0x4] =	stream.linear.gather [hbm4b:s20+s5], $0x40, $0x38;
	[tilespmem:$0x1CD00] =	vst v63  }
0x4e: {  	s9 =	rddreg [dreg:$0x1c];
	s20 =	simm.s32 $0x200  }
0x4f: {  	[tilespmem:s20], [sflag:$0x5] =	stream.linear.gather [hbm4b:s9+s5], $0x40, $0x38;
	[tilespmem:$0x1CD00] =	vst v63  }
0x50: {  	s9 =	rddreg [dreg:$0x1d];
	s20 =	simm.s32 $0x600  }
0x51: {  	[tilespmem:s20], [sflag:$0x5] =	stream.linear.gather [hbm4b:s9+s5], $0x40, $0x38;
	[tilespmem:$0x1CD00] =	vst v63  }
0x52: {  	s24 =	rddreg [dreg:$0x1e];
	s9 =	simm.s32 $0x280  }
0x53: {  	[tilespmem:s9], [sflag:$0x6] =	stream.linear.gather [hbm4b:s24+s5], $0x40, $0x38;
	[tilespmem:$0x1CD00] =	vst v63  }
0x54: {  	s24 =	rddreg [dreg:$0x1f];
	s9 =	simm.s32 $0x680  }
0x55: {  	[tilespmem:s9], [sflag:$0x6] =	stream.linear.gather [hbm4b:s24+s5], $0x40, $0x38;
	[tilespmem:$0x1CD00] =	vst v63  }
0x56: {  	s9 =	sld [smem:$0x7EA];
	_ =	sdelay $0x1  }
0x57: {  	s24 =	simm.s32 $0x300  }
0x58: {  	[tilespmem:s24], [sflag:$0x7] =	stream.linear.gather [hbm4b:s9+s5], $0x40, $0x38;
	[tilespmem:$0x1CD00] =	vst v63  }
0x59: {  	s24 =	sld [smem:$0x7EB];
	_ =	sdelay $0x1  }
0x5a: {  	s9 =	simm.s32 $0x700  }
0x5b: {  	[tilespmem:s9], [sflag:$0x7] =	stream.linear.gather [hbm4b:s24+s5], $0x40, $0x38;
	[tilespmem:$0x1CD00] =	vst v63  }
0x5c: {  	s9 =	sld [smem:$0x7EC];
	_ =	sdelay $0x1  }
0x5d: {  	s24 =	simm.s32 $0x380  }
0x5e: {  	[tilespmem:s24], [sflag:$0x8] =	stream.linear.gather [hbm4b:s9+s5], $0x40, $0x38;
	[tilespmem:$0x1CD00] =	vst v63  }
0x5f: {  	s24 =	sld [smem:$0x7ED];
	_ =	sdelay $0x1  }
0x60: {  	s9 =	simm.s32 $0x780  }
0x61: {  	[tilespmem:s9], [sflag:$0x8] =	stream.linear.gather [hbm4b:s24+s5], $0x40, $0x38;
	[tilespmem:$0x1CD00] =	vst v63  }
0x62: {  	s9 =	sld [smem:$0x7F1];
	_ =	sdelay $0x1  }
0x63: {  	s24 =	simm.s32 $0x8800  }
0x64: {  	[tilespmem:s24], [sflag:$0xF] =	stream.linear.gather [hbm4b:s9+s5], $0x10, $0x38;
	[tilespmem:$0x1CD00] =	vst v63  }
0x65: {  	_ =	swait.ge [sflag:s30], $0x10  }
0x66: {  	s9 =	sld [smem:$0x7F2]  }
0x67: {  	[sflag:s30] =	ssyncset.done $0x0  }
0x68: {  	[sflag:s30] =	ssyncadd.s32 $0xFFFFFFF0  }
0x69: {  	[tilespmem:s17], [sflag:$0xF] =	stream.linear.gather [hbm4b:s9+s5], $0x10, $0x38;
	[tilespmem:$0x1CD00] =	vst v63  }
0x6a: {  	_ =	swait.ge [sflag:s30], $0x10  }
0x6b: {  	[sflag:s30] =	ssyncset.done $0x0  }
0x6c: {  	[sflag:s30] =	ssyncadd.s32 $0xFFFFFFF0  }
0x6d: {  	[tilespmem:s28], [sflag:$0xD] =	stream.indirect.gather [hbm4b:s31+s26], $0x80, s24, s26, $0xb8;
	[tilespmem:$0x1CD00] =	vst v63  }
0x6e: {  	_ =	swait.ge [sflag:s7], $0x40  }
0x6f: {  	[sflag:s7] =	ssyncset.done $0x0  }
0x70: {  	[sflag:s7] =	ssyncadd.s32 $0xFFFFFFC0  }
0x71: {  	_ =	swait.ge [sflag:s7], $0x40  }
0x72: {  	[sflag:s7] =	ssyncset.done $0x0  }
0x73: {  	[sflag:s7] =	ssyncadd.s32 $0xFFFFFFC0  }
0x74: {  	[tilespmem:s29], [sflag:$0xA] =	stream.indirect.gather [hbm4b:s31+s8], $0x80, s23, s8, $0xb8;
	[tilespmem:$0x1CD00] =	vst v63  }
0x75: {  	_ =	swait.ge [sflag:s10], $0x40  }
0x76: {  	[sflag:s10] =	ssyncset.done $0x0  }
0x77: {  	[sflag:s10] =	ssyncadd.s32 $0xFFFFFFC0  }
0x78: {  	_ =	swait.ge [sflag:s10], $0x40  }
0x79: {  	[sflag:s10] =	ssyncset.done $0x0  }
0x7a: {  	[sflag:s10] =	ssyncadd.s32 $0xFFFFFFC0  }
0x7b: {  	[tilespmem:s0], [sflag:$0xB] =	stream.indirect.gather [hbm4b:s31+s8], $0x80, s15, s8, $0xb8;
	[tilespmem:$0x1CD00] =	vst v63  }
0x7c: {  	_ =	swait.ge [sflag:s25], $0x40  }
0x7d: {  	[sflag:s25] =	ssyncset.done $0x0  }
0x7e: {  	[sflag:s25] =	ssyncadd.s32 $0xFFFFFFC0  }
0x7f: {  	_ =	swait.ge [sflag:s25], $0x40  }
0x80: {  	s11 =	simm.s32 $0x0;
	s9 =	simm.s32 $0x2800;
	[sflag:s25] =	ssyncset.done $0x0  }
0x81: {  	s17 =	simm.s32 $0x100;
	s24 =	simm.s32 $0x200;
	[sflag:s25] =	ssyncadd.s32 $0xFFFFFFC0  }
0x82: {  	[tilespmem:s3], [sflag:$0xC] =	stream.indirect.gather [hbm4b:s31+s8], $0x80, s12, s8, $0xb8;
	[tilespmem:$0x1CD00] =	vst v63  }
0x83: {  	s0 =	simm.s32 $0x4800;
	s15 =	simm.s32 $0x80;
	s3 =	simm.s32 $0x6800  }
.LBB2_2:
0x84: {  	p0 =	sne.s32 s24, $0x7E00;
	[tilespmem:s11+$0x870] =	vst v0  }
0x85: {  	[tilespmem:s11+$0x800] =	vst v0  }
0x86: {  	[tilespmem:s11+$0x810] =	vst v0  }
.Ltmp0:
0x87: {  	[tilespmem:s11+$0x820] =	vst v0;
	(pc) =	sbr.rel @p0 .LBB2_2-.Ltmp0, $4  }
0x88: {  	[tilespmem:s11+$0x830] =	vst v0  }
0x89: {  	[tilespmem:s11+$0x840] =	vst v0  }
0x8a: {  	[tilespmem:s11+$0x850] =	vst v0  }
0x8b: {  	[tilespmem:s11+$0x860] =	vst v0;
	s11 =	sshra.s32 s24, $0x2;
	s24 =	sadd.s32 $0x200, s24  }
0x8c: {  	[tilespmem:s11+$0x870] =	vst v0  }
0x8d: {  	[tilespmem:s11+$0x800] =	vst v0  }
0x8e: {  	[tilespmem:s11+$0x810] =	vst v0  }
0x8f: {  	[tilespmem:s11+$0x820] =	vst v0  }
0x90: {  	[tilespmem:s11+$0x830] =	vst v0  }
0x91: {  	[tilespmem:s11+$0x840] =	vst v0  }
0x92: {  	[tilespmem:s11+$0x850] =	vst v0  }
0x93: {  	[tilespmem:s11+$0x860] =	vst v0;
	s7 =	simm.s32 $0x800;
	s28 =	sld [smem:$0x7F3]  }
0x94: {  	[spmem:s14] =	stream.linear.scatter [tilespmem:s7], [sflag:$0xE], $0x2000, $0x38;
	[tilespmem:$0x1CD00] =	vst v63  }
0x95: {  	s12 =	sld [smem:$0x7F4]  }
0x96: {  	[spmem:s28] =	stream.linear.scatter [tilespmem:s7], [sflag:$0xE], $0x2000, $0x38;
	[tilespmem:$0x1CD00] =	vst v63  }
0x97: {  	s14 =	sld [smem:$0x7F5]  }
0x98: {  	[spmem:s12] =	stream.linear.scatter [tilespmem:s7], [sflag:$0xE], $0x2000, $0x38;
	[tilespmem:$0x1CD00] =	vst v63  }
0x99: {  	s23 =	sld [smem:$0x7F6]  }
0x9a: {  	[spmem:s14] =	stream.linear.scatter [tilespmem:s7], [sflag:$0xE], $0x2000, $0x38;
	[tilespmem:$0x1CD00] =	vst v63  }
0x9b: {  	s24 =	sld [smem:$0x7F7]  }
0x9c: {  	[spmem:s23] =	stream.linear.scatter [tilespmem:s7], [sflag:$0xE], $0x2000, $0x38;
	[tilespmem:$0x1CD00] =	vst v63  }
0x9d: {  	s26 =	sld [smem:$0x7F8]  }
0x9e: {  	[spmem:s24] =	stream.linear.scatter [tilespmem:s7], [sflag:$0xE], $0x2000, $0x38;
	[tilespmem:$0x1CD00] =	vst v63  }
0x9f: {  	s28 =	sld [smem:$0x7F9]  }
0xa0: {  	[spmem:s26] =	stream.linear.scatter [tilespmem:s7], [sflag:$0xE], $0x2000, $0x38;
	[tilespmem:$0x1CD00] =	vst v63  }
0xa1: {  	s12 =	sld [smem:$0x7FA]  }
0xa2: {  	[spmem:s28] =	stream.linear.scatter [tilespmem:s7], [sflag:$0xE], $0x2000, $0x38;
	[tilespmem:$0x1CD00] =	vst v63  }
0xa3: {  	s14 =	sld [smem:$0x7FB]  }
0xa4: {  	[spmem:s12] =	stream.linear.scatter [tilespmem:s7], [sflag:$0xE], $0x2000, $0x38;
	[tilespmem:$0x1CD00] =	vst v63  }
0xa5: {  	s23 =	simm.s32 $0xE  }
0xa6: {  	[spmem:s14] =	stream.linear.scatter [tilespmem:s7], [sflag:$0xE], $0x1C00, $0x38;
	[tilespmem:$0x1CD00] =	vst v63  }
0xa7: {  	_ =	swait.ge [sflag:s23], $0x2000  }
0xa8: {  	[sflag:s23] =	ssyncset.done $0x0  }
0xa9: {  	[sflag:s23] =	ssyncadd.s32 $0xFFFFE000  }
0xaa: {  	_ =	swait.ge [sflag:s23], $0x2000  }
0xab: {  	[sflag:s23] =	ssyncset.done $0x0  }
0xac: {  	[sflag:s23] =	ssyncadd.s32 $0xFFFFE000  }
0xad: {  	_ =	swait.ge [sflag:s23], $0x2000  }
0xae: {  	[sflag:s23] =	ssyncset.done $0x0  }
0xaf: {  	[sflag:s23] =	ssyncadd.s32 $0xFFFFE000  }
0xb0: {  	_ =	swait.ge [sflag:s23], $0x2000  }
0xb1: {  	[sflag:s23] =	ssyncset.done $0x0  }
0xb2: {  	[sflag:s23] =	ssyncadd.s32 $0xFFFFE000  }
0xb3: {  	_ =	swait.ge [sflag:s23], $0x2000  }
0xb4: {  	[sflag:s23] =	ssyncset.done $0x0  }
0xb5: {  	[sflag:s23] =	ssyncadd.s32 $0xFFFFE000  }
0xb6: {  	_ =	swait.ge [sflag:s23], $0x2000  }
0xb7: {  	[sflag:s23] =	ssyncset.done $0x0  }
0xb8: {  	[sflag:s23] =	ssyncadd.s32 $0xFFFFE000  }
0xb9: {  	_ =	swait.ge [sflag:s23], $0x2000  }
0xba: {  	[sflag:s23] =	ssyncset.done $0x0  }
0xbb: {  	[sflag:s23] =	ssyncadd.s32 $0xFFFFE000  }
0xbc: {  	_ =	swait.ge [sflag:s23], $0x2000  }
0xbd: {  	[sflag:s23] =	ssyncset.done $0x0  }
0xbe: {  	[sflag:s23] =	ssyncadd.s32 $0xFFFFE000  }
0xbf: {  	_ =	swait.ge [sflag:s23], $0x2000  }
0xc0: {  	[sflag:s23] =	ssyncset.done $0x0  }
0xc1: {  	[sflag:s23] =	ssyncadd.s32 $0xFFFFE000  }
0xc2: {  	_ =	swait.ge [sflag:s23], $0x1C00  }
0xc3: {  	[sflag:s23] =	ssyncset.done $0x0  }
0xc4: {  	[sflag:s23] =	ssyncadd.s32 $0xFFFFE400  }
0xc5: {  	_ =	swait.ge [sflag:s22], $0x40  }
0xc6: {  	[sflag:s22] =	ssyncset.done $0x0  }
0xc7: {  	[sflag:s22] =	ssyncadd.s32 $0xFFFFFFC0  }
0xc8: {  	_ =	swait.ge [sflag:s22], $0x40  }
0xc9: {  	[sflag:s22] =	ssyncset.done $0x0  }
0xca: {  	s24 =	simm.s32 $0x0;
	[sflag:s22] =	ssyncadd.s32 $0xFFFFFFC0  }
0xcb: {  	[tilespmem:s7], [sflag:$0x9] =	stream.indirect.gather [hbm4b:s31+s8], $0x80, s24, s8, $0xb8;
	[tilespmem:$0x1CD00] =	vst v63  }
0xcc: {  	[bflag:$0x0] =	sbarrier.arrive $0xFFFF  }
0xcd: {  	_ =	swait.ge [sflag:s6], $0x2000  }
0xce: {  	[sflag:s6] =	ssyncset.done $0x0  }
0xcf: {  	[sflag:s6] =	ssyncadd.s32 $0xFFFFE000  }
0xd0: {  	[spmem:s4] =	stream.indirect.scatter.add.f32 [tilespmem:s7], [sflag:$0xF], $0x80, s16, s8, $0xb8;
	[tilespmem:$0x1CD00] =	vst v63  }
0xd1: {  	_ =	swait.ge [sflag:s30], $0x2000  }
0xd2: {  	s12 =	sld [smem:$0x7F0];
	_ =	sdelay $0x2  }
0xd3: {  	[sflag:s30] =	ssyncset.done $0x0;
	s26 =	sshrl.u32 s12, $0x3  }
0xd4: {  	s24 =	rddreg [dreg:$0x13];
	[sflag:s30] =	ssyncadd.s32 $0xFFFFE000;
	s11 =	sadd.s32 s13, s26  }
0xd5: {  	[tilespmem:s5], [sflag:$0x1] =	stream.linear.gather [hbm4b:s11+s5], $0x40, $0x38;
	[tilespmem:$0x1CD00] =	vst v63  }
0xd6: {  	s28 =	sadd.s32 $0x0, s24  }
0xd7: {  	[tilespmem:s16], [sflag:$0x1] =	stream.linear.gather [hbm4b:s28+s5], $0x40, $0x38;
	[tilespmem:$0x1CD00] =	vst v63  }
0xd8: {  	_ =	swait.ge [sflag:s1], $0x40  }
0xd9: {  	[sflag:s1] =	ssyncset.done $0x0  }
0xda: {  	[sflag:s1] =	ssyncadd.s32 $0xFFFFFFC0  }
0xdb: {  	_ =	swait.ge [sflag:s1], $0x40  }
0xdc: {  	[sflag:s1] =	ssyncset.done $0x0  }
0xdd: {  	s14 =	simm.s32 $0x200;
	[sflag:s1] =	ssyncadd.s32 $0xFFFFFFC0  }
0xde: {  	[tilespmem:s7], [sflag:$0x9] =	stream.indirect.gather [hbm4b:s31+s8], $0x80, s14, s8, $0xb8;
	[tilespmem:$0x1CD00] =	vst v63  }
0xdf: {  	_ =	swait.ge [sflag:s18], $0x2000  }
0xe0: {  	[sflag:s18] =	ssyncset.done $0x0  }
0xe1: {  	s23 =	simm.s32 $0x480;
	[sflag:s18] =	ssyncadd.s32 $0xFFFFE000  }
0xe2: {  	[spmem:s4] =	stream.indirect.scatter.add.f32 [tilespmem:s9], [sflag:$0xF], $0x80, s23, s8, $0xb8;
	[tilespmem:$0x1CD00] =	vst v63  }
0xe3: {  	_ =	swait.ge [sflag:s30], $0x2000  }
0xe4: {  	s24 =	rddreg [dreg:$0x11];
	[sflag:s30] =	ssyncset.done $0x0  }
0xe5: {  	s26 =	rddreg [dreg:$0x12];
	[sflag:s30] =	ssyncadd.s32 $0xFFFFE000;
	s11 =	sadd.s32 $0x0, s24  }
0xe6: {  	[tilespmem:s15], [sflag:$0x2] =	stream.linear.gather [hbm4b:s11+s5], $0x40, $0x38;
	[tilespmem:$0x1CD00] =	vst v63  }
0xe7: {  	s28 =	sadd.s32 $0x0, s26  }
0xe8: {  	[tilespmem:s23], [sflag:$0x2] =	stream.linear.gather [hbm4b:s28+s5], $0x40, $0x38;
	[tilespmem:$0x1CD00] =	vst v63  }
0xe9: {  	_ =	swait.ge [sflag:s19], $0x40  }
0xea: {  	[sflag:s19] =	ssyncset.done $0x0  }
0xeb: {  	[sflag:s19] =	ssyncadd.s32 $0xFFFFFFC0  }
0xec: {  	_ =	swait.ge [sflag:s19], $0x40  }
0xed: {  	[sflag:s19] =	ssyncset.done $0x0  }
0xee: {  	s7 =	simm.s32 $0x280;
	[sflag:s19] =	ssyncadd.s32 $0xFFFFFFC0;
	s19 =	simm.s32 $0xB  }
0xef: {  	[tilespmem:s9], [sflag:$0xA] =	stream.indirect.gather [hbm4b:s31+s8], $0x80, s7, s8, $0xb8;
	[tilespmem:$0x1CD00] =	vst v63  }
0xf0: {  	_ =	swait.ge [sflag:s19], $0x2000  }
0xf1: {  	[sflag:s19] =	ssyncset.done $0x0  }
0xf2: {  	s14 =	simm.s32 $0x500;
	[sflag:s19] =	ssyncadd.s32 $0xFFFFE000  }
0xf3: {  	[spmem:s4] =	stream.indirect.scatter.add.f32 [tilespmem:s0], [sflag:$0xF], $0x80, s14, s8, $0xb8;
	[tilespmem:$0x1CD00] =	vst v63  }
0xf4: {  	_ =	swait.ge [sflag:s30], $0x2000  }
0xf5: {  	s15 =	rddreg [dreg:$0xf];
	[sflag:s30] =	ssyncset.done $0x0  }
0xf6: {  	s23 =	rddreg [dreg:$0x10];
	[sflag:s30] =	ssyncadd.s32 $0xFFFFE000;
	s11 =	sadd.s32 $0x0, s15  }
0xf7: {  	[tilespmem:s17], [sflag:$0x3] =	stream.linear.gather [hbm4b:s11+s5], $0x40, $0x38;
	[tilespmem:$0x1CD00] =	vst v63  }
0xf8: {  	s24 =	sadd.s32 $0x0, s23  }
0xf9: {  	[tilespmem:s14], [sflag:$0x3] =	stream.linear.gather [hbm4b:s24+s5], $0x40, $0x38;
	[tilespmem:$0x1CD00] =	vst v63  }
0xfa: {  	_ =	swait.ge [sflag:s21], $0x40  }
0xfb: {  	[sflag:s21] =	ssyncset.done $0x0  }
0xfc: {  	[sflag:s21] =	ssyncadd.s32 $0xFFFFFFC0  }
0xfd: {  	_ =	swait.ge [sflag:s21], $0x40  }
0xfe: {  	[sflag:s21] =	ssyncset.done $0x0  }
0xff: {  	s26 =	simm.s32 $0x300;
	s15 =	simm.s32 $0xC;
	[sflag:s21] =	ssyncadd.s32 $0xFFFFFFC0  }
0x100: {  	[tilespmem:s0], [sflag:$0xB] =	stream.indirect.gather [hbm4b:s31+s8], $0x80, s26, s8, $0xb8;
	[tilespmem:$0x1CD00] =	vst v63  }
0x101: {  	_ =	swait.ge [sflag:s15], $0x2000  }
0x102: {  	[sflag:s15] =	ssyncset.done $0x0  }
0x103: {  	s28 =	simm.s32 $0x580;
	[sflag:s15] =	ssyncadd.s32 $0xFFFFE000  }
0x104: {  	[spmem:s4] =	stream.indirect.scatter.add.f32 [tilespmem:s3], [sflag:$0xF], $0x80, s28, s8, $0xb8;
	[tilespmem:$0x1CD00] =	vst v63  }
0x105: {  	_ =	swait.ge [sflag:s30], $0x2000  }
0x106: {  	s7 =	simm.s32 $0x180;
	s0 =	rddreg [dreg:$0xd];
	[sflag:s30] =	ssyncset.done $0x0  }
0x107: {  	s1 =	rddreg [dreg:$0xe];
	[sflag:s30] =	ssyncadd.s32 $0xFFFFE000;
	s11 =	sadd.s32 $0x0, s0  }
0x108: {  	[tilespmem:s7], [sflag:$0x4] =	stream.linear.gather [hbm4b:s11+s5], $0x40, $0x38;
	[tilespmem:$0x1CD00] =	vst v63  }
0x109: {  	s9 =	sadd.s32 $0x0, s1  }
0x10a: {  	[tilespmem:s28], [sflag:$0x4] =	stream.linear.gather [hbm4b:s9+s5], $0x40, $0x38;
	[tilespmem:$0x1CD00] =	vst v63  }
0x10b: {  	_ =	swait.ge [sflag:s2], $0x40  }
0x10c: {  	[sflag:s2] =	ssyncset.done $0x0  }
0x10d: {  	[sflag:s2] =	ssyncadd.s32 $0xFFFFFFC0  }
0x10e: {  	_ =	swait.ge [sflag:s2], $0x40  }
0x10f: {  	[sflag:s2] =	ssyncset.done $0x0  }
0x110: {  	s17 =	simm.s32 $0x380;
	[sflag:s2] =	ssyncadd.s32 $0xFFFFFFC0  }
0x111: {  	[tilespmem:s3], [sflag:$0xC] =	stream.indirect.gather [hbm4b:s31+s8], $0x80, s17, s8, $0xb8;
	[tilespmem:$0x1CD00] =	vst v63  }
0x112: {  	_ =	swait.ge [sflag:s6], $0x2000  }
0x113: {  	[sflag:s6] =	ssyncset.done $0x0  }
0x114: {  	p0 =	por $0x0, $0x0;
	s14 =	simm.s32 $0x800;
	[sflag:s6] =	ssyncadd.s32 $0xFFFFE000  }
0x115: {  	[spmem:s4] =	stream.indirect.scatter.add.f32 [tilespmem:s14], [sflag:$0xF], $0x80, s20, s8, $0xb8;
	[tilespmem:$0x1CD00] =	vst v63  }
0x116: {  	s11 =	simm.s32 @!p0 $0x0;
	_ =	swait.ge [sflag:s30], $0x2000  }
0x117: {  	s28 =	simm.s32 @!p0 $0x200;
	s24 =	rddreg [dreg:$0xb];
	[sflag:s30] =	ssyncset.done $0x0  }
0x118: {  	s26 =	rddreg [dreg:$0xc];
	[sflag:s30] =	ssyncadd.s32 $0xFFFFE000;
	s24 =	sadd.s32 @!p0 $0x0, s24  }
0x119: {  	[tilespmem:s28], [sflag:$0x5] =	stream.linear.gather @!p0 [hbm4b:s24+s11], $0x40, $0x38;
	[tilespmem:$0x1CD00] =	vst v63  }
0x11a: {  	s26 =	sadd.s32 @!p0 $0x0, s26;
	s24 =	simm.s32 @!p0 $0x600  }
0x11b: {  	[tilespmem:s24], [sflag:$0x5] =	stream.linear.gather @!p0 [hbm4b:s26+s11], $0x40, $0x38;
	[tilespmem:$0x1CD00] =	vst v63  }
0x11c: {  	_ =	swait.ge [sflag:s22], $0x40  }
0x11d: {  	[sflag:s22] =	ssyncset.done $0x0  }
0x11e: {  	[sflag:s22] =	ssyncadd.s32 $0xFFFFFFC0  }
0x11f: {  	_ =	swait.ge [sflag:s22], $0x40  }
0x120: {  	[sflag:s22] =	ssyncset.done $0x0  }
0x121: {  	[sflag:s22] =	ssyncadd.s32 $0xFFFFFFC0  }
0x122: {  	[tilespmem:s14], [sflag:$0x9] =	stream.indirect.gather [hbm4b:s31+s8], $0x80, s5, s8, $0xb8;
	[tilespmem:$0x1CD00] =	vst v63  }
0x123: {  	_ =	swait.ge [sflag:s18], $0x2000  }
0x124: {  	[sflag:s18] =	ssyncset.done $0x0  }
0x125: {  	s29 =	simm.s32 $0x2800;
	s23 =	simm.s32 $0x680;
	[sflag:s18] =	ssyncadd.s32 $0xFFFFE000  }
0x126: {  	[spmem:s4] =	stream.indirect.scatter.add.f32 [tilespmem:s29], [sflag:$0xF], $0x80, s23, s8, $0xb8;
	[tilespmem:$0x1CD00] =	vst v63  }
0x127: {  	_ =	swait.ge [sflag:s30], $0x2000  }
0x128: {  	s28 =	simm.s32 @!p0 $0x280;
	s24 =	rddreg [dreg:$0x9];
	[sflag:s30] =	ssyncset.done $0x0  }
0x129: {  	s26 =	rddreg [dreg:$0xa];
	[sflag:s30] =	ssyncadd.s32 $0xFFFFE000;
	s24 =	sadd.s32 @!p0 $0x0, s24  }
0x12a: {  	[tilespmem:s28], [sflag:$0x6] =	stream.linear.gather @!p0 [hbm4b:s24+s11], $0x40, $0x38;
	[tilespmem:$0x1CD00] =	vst v63  }
0x12b: {  	s26 =	sadd.s32 @!p0 $0x0, s26;
	s24 =	simm.s32 @!p0 $0x680  }
0x12c: {  	[tilespmem:s24], [sflag:$0x6] =	stream.linear.gather @!p0 [hbm4b:s26+s11], $0x40, $0x38;
	[tilespmem:$0x1CD00] =	vst v63  }
0x12d: {  	s24 =	simm.s32 $0x2  }
0x12e: {  	_ =	swait.ge [sflag:s24], $0x40  }
0x12f: {  	[sflag:s24] =	ssyncset.done $0x0  }
0x130: {  	[sflag:s24] =	ssyncadd.s32 $0xFFFFFFC0  }
0x131: {  	_ =	swait.ge [sflag:s24], $0x40  }
0x132: {  	[sflag:s24] =	ssyncset.done $0x0  }
0x133: {  	s20 =	simm.s32 $0x80;
	[sflag:s24] =	ssyncadd.s32 $0xFFFFFFC0  }
0x134: {  	[tilespmem:s29], [sflag:$0xA] =	stream.indirect.gather [hbm4b:s31+s8], $0x80, s20, s8, $0xb8;
	[tilespmem:$0x1CD00] =	vst v63  }
0x135: {  	_ =	swait.ge [sflag:s19], $0x2000  }
0x136: {  	[sflag:s19] =	ssyncset.done $0x0  }
0x137: {  	s0 =	simm.s32 $0x4800;
	s26 =	simm.s32 $0x700;
	[sflag:s19] =	ssyncadd.s32 $0xFFFFE000  }
0x138: {  	[spmem:s4] =	stream.indirect.scatter.add.f32 [tilespmem:s0], [sflag:$0xF], $0x80, s26, s8, $0xb8;
	[tilespmem:$0x1CD00] =	vst v63  }
0x139: {  	_ =	swait.ge [sflag:s30], $0x2000  }
0x13a: {  	s28 =	simm.s32 @!p0 $0x300;
	s24 =	rddreg [dreg:$0x7];
	[sflag:s30] =	ssyncset.done $0x0  }
0x13b: {  	s26 =	rddreg [dreg:$0x8];
	[sflag:s30] =	ssyncadd.s32 $0xFFFFE000;
	s24 =	sadd.s32 @!p0 $0x0, s24  }
0x13c: {  	[tilespmem:s28], [sflag:$0x7] =	stream.linear.gather @!p0 [hbm4b:s24+s11], $0x40, $0x38;
	[tilespmem:$0x1CD00] =	vst v63  }
0x13d: {  	s26 =	sadd.s32 @!p0 $0x0, s26;
	s24 =	simm.s32 @!p0 $0x700  }
0x13e: {  	[tilespmem:s24], [sflag:$0x7] =	stream.linear.gather @!p0 [hbm4b:s26+s11], $0x40, $0x38;
	[tilespmem:$0x1CD00] =	vst v63  }
0x13f: {  	_ =	swait.ge [sflag:s10], $0x40  }
0x140: {  	[sflag:s10] =	ssyncset.done $0x0  }
0x141: {  	[sflag:s10] =	ssyncadd.s32 $0xFFFFFFC0  }
0x142: {  	_ =	swait.ge [sflag:s10], $0x40  }
0x143: {  	[sflag:s10] =	ssyncset.done $0x0  }
0x144: {  	s21 =	simm.s32 $0x100;
	[sflag:s10] =	ssyncadd.s32 $0xFFFFFFC0  }
0x145: {  	[tilespmem:s0], [sflag:$0xB] =	stream.indirect.gather [hbm4b:s31+s8], $0x80, s21, s8, $0xb8;
	[tilespmem:$0x1CD00] =	vst v63  }
0x146: {  	_ =	swait.ge [sflag:s15], $0x2000  }
0x147: {  	s1 =	simm.s32 $0x5;
	[sflag:s15] =	ssyncset.done $0x0  }
0x148: {  	s3 =	simm.s32 $0x6800;
	s28 =	simm.s32 $0x780;
	[sflag:s15] =	ssyncadd.s32 $0xFFFFE000  }
0x149: {  	[spmem:s4] =	stream.indirect.scatter.add.f32 [tilespmem:s3], [sflag:$0xF], $0x80, s28, s8, $0xb8;
	[tilespmem:$0x1CD00] =	vst v63  }
0x14a: {  	s2 =	simm.s32 $0x8;
	s6 =	simm.s32 $0x9;
	_ =	swait.ge [sflag:s30], $0x2000  }
0x14b: {  	s28 =	simm.s32 @!p0 $0x380;
	s24 =	rddreg [dreg:$0x5];
	[sflag:s30] =	ssyncset.done $0x0  }
0x14c: {  	s26 =	rddreg [dreg:$0x6];
	[sflag:s30] =	ssyncadd.s32 $0xFFFFE000;
	s24 =	sadd.s32 @!p0 $0x0, s24  }
0x14d: {  	[tilespmem:s28], [sflag:$0x8] =	stream.linear.gather @!p0 [hbm4b:s24+s11], $0x40, $0x38;
	[tilespmem:$0x1CD00] =	vst v63  }
0x14e: {  	s22 =	simm.s32 $0x1;
	s26 =	sadd.s32 @!p0 $0x0, s26;
	s24 =	simm.s32 @!p0 $0x780  }
0x14f: {  	[tilespmem:s24], [sflag:$0x8] =	stream.linear.gather @!p0 [hbm4b:s26+s11], $0x40, $0x38;
	[tilespmem:$0x1CD00] =	vst v63  }
0x150: {  	s5 =	simm.s32 $0x3;
	s18 =	simm.s32 $0xA;
	_ =	swait.ge [sflag:s25], $0x40  }
0x151: {  	s23 =	simm.s32 $0xC;
	s20 =	simm.s32 $0xB;
	[sflag:s25] =	ssyncset.done $0x0  }
0x152: {  	s19 =	simm.s32 $0x6;
	s10 =	simm.s32 $0x0;
	[sflag:s25] =	ssyncadd.s32 $0xFFFFFFC0  }
0x153: {  	s21 =	simm.s32 $0x7;
	s24 =	simm.s32 $0x40;
	_ =	swait.ge [sflag:s25], $0x40  }
0x154: {  	s26 =	smov.u32 s12;
	[sflag:s25] =	ssyncset.done $0x0;
	s25 =	simm.s32 $0x4  }
.LBB2_4:
0x155: {  	[sflag:s25] =	ssyncadd.s32 $0xFFFFFFC0;
	s15 =	simm.s32 $0x180  }
0x156: {  	[tilespmem:s3], [sflag:$0xC] =	stream.indirect.gather [hbm4b:s31+s8], $0x80, s15, s8, $0xb8;
	[tilespmem:$0x1CD00] =	vst v63  }
0x157: {  	_ =	swait.ge [sflag:s6], $0x2000  }
0x158: {  	[sflag:s6] =	ssyncset.done $0x0  }
0x159: {  	[sflag:s6] =	ssyncadd.s32 $0xFFFFE000  }
0x15a: {  	[spmem:s4] =	stream.indirect.scatter.add.f32 [tilespmem:s14], [sflag:$0xF], $0x80, s16, s8, $0xb8;
	[tilespmem:$0x1CD00] =	vst v63  }
0x15b: {  	s26 =	sadd.s32 $0x200, s26;
	_ =	swait.ge [sflag:s30], $0x2000  }
0x15c: {  	s28 =	smov.u32 s24;
	s11 =	sshrl.u32 s26, $0x3;
	[sflag:s30] =	ssyncset.done $0x0  }
0x15d: {  	s11 =	sadd.s32 s13, s11;
	s12 =	rddreg [dreg:$0x13];
	[sflag:s30] =	ssyncadd.s32 $0xFFFFE000  }
0x15e: {  	[tilespmem:s10], [sflag:$0x1] =	stream.linear.gather [hbm4b:s11+s10], $0x40, $0x38;
	[tilespmem:$0x1CD00] =	vst v63  }
0x15f: {  	s7 =	sadd.s32 s28, s12  }
0x160: {  	[tilespmem:s16], [sflag:$0x1] =	stream.linear.gather [hbm4b:s7+s10], $0x40, $0x38;
	[tilespmem:$0x1CD00] =	vst v63  }
0x161: {  	_ =	swait.ge [sflag:s1], $0x40  }
0x162: {  	[sflag:s1] =	ssyncset.done $0x0  }
0x163: {  	[sflag:s1] =	ssyncadd.s32 $0xFFFFFFC0  }
0x164: {  	_ =	swait.ge [sflag:s1], $0x40  }
0x165: {  	[sflag:s1] =	ssyncset.done $0x0  }
0x166: {  	s9 =	simm.s32 $0x200;
	[sflag:s1] =	ssyncadd.s32 $0xFFFFFFC0  }
0x167: {  	[tilespmem:s14], [sflag:$0x9] =	stream.indirect.gather [hbm4b:s31+s8], $0x80, s9, s8, $0xb8;
	[tilespmem:$0x1CD00] =	vst v63  }
0x168: {  	_ =	swait.ge [sflag:s18], $0x2000  }
0x169: {  	[sflag:s18] =	ssyncset.done $0x0  }
0x16a: {  	s7 =	simm.s32 $0x480;
	[sflag:s18] =	ssyncadd.s32 $0xFFFFE000  }
0x16b: {  	[spmem:s4] =	stream.indirect.scatter.add.f32 [tilespmem:s29], [sflag:$0xF], $0x80, s7, s8, $0xb8;
	[tilespmem:$0x1CD00] =	vst v63  }
0x16c: {  	_ =	swait.ge [sflag:s30], $0x2000  }
0x16d: {  	s17 =	simm.s32 $0x80;
	s12 =	rddreg [dreg:$0x11];
	[sflag:s30] =	ssyncset.done $0x0  }
0x16e: {  	s14 =	rddreg [dreg:$0x12];
	[sflag:s30] =	ssyncadd.s32 $0xFFFFE000;
	s11 =	sadd.s32 s28, s12  }
0x16f: {  	[tilespmem:s17], [sflag:$0x2] =	stream.linear.gather [hbm4b:s11+s10], $0x40, $0x38;
	[tilespmem:$0x1CD00] =	vst v63  }
0x170: {  	s16 =	sadd.s32 s28, s14  }
0x171: {  	[tilespmem:s7], [sflag:$0x2] =	stream.linear.gather [hbm4b:s16+s10], $0x40, $0x38;
	[tilespmem:$0x1CD00] =	vst v63  }
0x172: {  	_ =	swait.ge [sflag:s19], $0x40  }
0x173: {  	[sflag:s19] =	ssyncset.done $0x0  }
0x174: {  	[sflag:s19] =	ssyncadd.s32 $0xFFFFFFC0  }
0x175: {  	_ =	swait.ge [sflag:s19], $0x40  }
0x176: {  	[sflag:s19] =	ssyncset.done $0x0  }
0x177: {  	s9 =	simm.s32 $0x280;
	[sflag:s19] =	ssyncadd.s32 $0xFFFFFFC0  }
0x178: {  	[tilespmem:s29], [sflag:$0xA] =	stream.indirect.gather [hbm4b:s31+s8], $0x80, s9, s8, $0xb8;
	[tilespmem:$0x1CD00] =	vst v63  }
0x179: {  	_ =	swait.ge [sflag:s20], $0x2000  }
0x17a: {  	[sflag:s20] =	ssyncset.done $0x0  }
0x17b: {  	s7 =	simm.s32 $0x500;
	[sflag:s20] =	ssyncadd.s32 $0xFFFFE000  }
0x17c: {  	[spmem:s4] =	stream.indirect.scatter.add.f32 [tilespmem:s0], [sflag:$0xF], $0x80, s7, s8, $0xb8;
	[tilespmem:$0x1CD00] =	vst v63  }
0x17d: {  	_ =	swait.ge [sflag:s30], $0x2000  }
0x17e: {  	s9 =	simm.s32 $0x100;
	s12 =	rddreg [dreg:$0xf];
	[sflag:s30] =	ssyncset.done $0x0  }
0x17f: {  	s14 =	rddreg [dreg:$0x10];
	[sflag:s30] =	ssyncadd.s32 $0xFFFFE000;
	s11 =	sadd.s32 s28, s12  }
0x180: {  	[tilespmem:s9], [sflag:$0x3] =	stream.linear.gather [hbm4b:s11+s10], $0x40, $0x38;
	[tilespmem:$0x1CD00] =	vst v63  }
0x181: {  	s16 =	sadd.s32 s28, s14  }
0x182: {  	[tilespmem:s7], [sflag:$0x3] =	stream.linear.gather [hbm4b:s16+s10], $0x40, $0x38;
	[tilespmem:$0x1CD00] =	vst v63  }
0x183: {  	_ =	swait.ge [sflag:s21], $0x40  }
0x184: {  	[sflag:s21] =	ssyncset.done $0x0  }
0x185: {  	[sflag:s21] =	ssyncadd.s32 $0xFFFFFFC0  }
0x186: {  	_ =	swait.ge [sflag:s21], $0x40  }
0x187: {  	[sflag:s21] =	ssyncset.done $0x0  }
0x188: {  	s11 =	simm.s32 $0x300;
	[sflag:s21] =	ssyncadd.s32 $0xFFFFFFC0  }
0x189: {  	[tilespmem:s0], [sflag:$0xB] =	stream.indirect.gather [hbm4b:s31+s8], $0x80, s11, s8, $0xb8;
	[tilespmem:$0x1CD00] =	vst v63  }
0x18a: {  	_ =	swait.ge [sflag:s23], $0x2000  }
0x18b: {  	[sflag:s23] =	ssyncset.done $0x0  }
0x18c: {  	s14 =	simm.s32 $0x580;
	[sflag:s23] =	ssyncadd.s32 $0xFFFFE000  }
0x18d: {  	[spmem:s4] =	stream.indirect.scatter.add.f32 [tilespmem:s3], [sflag:$0xF], $0x80, s14, s8, $0xb8;
	[tilespmem:$0x1CD00] =	vst v63  }
0x18e: {  	_ =	swait.ge [sflag:s30], $0x2000  }
0x18f: {  	s12 =	rddreg [dreg:$0xd];
	[sflag:s30] =	ssyncset.done $0x0  }
0x190: {  	s16 =	rddreg [dreg:$0xe];
	[sflag:s30] =	ssyncadd.s32 $0xFFFFE000;
	s11 =	sadd.s32 s28, s12  }
0x191: {  	[tilespmem:s15], [sflag:$0x4] =	stream.linear.gather [hbm4b:s11+s10], $0x40, $0x38;
	[tilespmem:$0x1CD00] =	vst v63  }
0x192: {  	s15 =	sadd.s32 s28, s16  }
0x193: {  	[tilespmem:s14], [sflag:$0x4] =	stream.linear.gather [hbm4b:s15+s10], $0x40, $0x38;
	[tilespmem:$0x1CD00] =	vst v63  }
0x194: {  	_ =	swait.ge [sflag:s2], $0x40  }
0x195: {  	[sflag:s2] =	ssyncset.done $0x0  }
0x196: {  	[sflag:s2] =	ssyncadd.s32 $0xFFFFFFC0  }
0x197: {  	_ =	swait.ge [sflag:s2], $0x40  }
0x198: {  	[sflag:s2] =	ssyncset.done $0x0  }
0x199: {  	s16 =	simm.s32 $0x380;
	[sflag:s2] =	ssyncadd.s32 $0xFFFFFFC0  }
0x19a: {  	[tilespmem:s3], [sflag:$0xC] =	stream.indirect.gather [hbm4b:s31+s8], $0x80, s16, s8, $0xb8;
	[tilespmem:$0x1CD00] =	vst v63  }
0x19b: {  	_ =	swait.ge [sflag:s6], $0x2000  }
0x19c: {  	p1 =	seq.s32 s28, $0x480;
	[sflag:s6] =	ssyncset.done $0x0  }
0x19d: {  	s7 =	simm.s32 $0x800;
	s12 =	simm.s32 $0x600;
	[sflag:s6] =	ssyncadd.s32 $0xFFFFE000  }
0x19e: {  	[spmem:s4] =	stream.indirect.scatter.add.f32 [tilespmem:s7], [sflag:$0xF], $0x80, s12, s8, $0xb8;
	[tilespmem:$0x1CD00] =	vst v63  }
0x19f: {  	s11 =	simm.s32 @!p1 $0x0;
	s14 =	simm.s32 @!p1 $0x200;
	_ =	swait.ge [sflag:s30], $0x2000  }
0x1a0: {  	s16 =	smov.u32 s13;
	s12 =	rddreg [dreg:$0xb];
	[sflag:s30] =	ssyncset.done $0x0  }
0x1a1: {  	s13 =	rddreg [dreg:$0xc];
	[sflag:s30] =	ssyncadd.s32 $0xFFFFE000;
	s12 =	sadd.s32 @!p1 s28, s12  }
0x1a2: {  	[tilespmem:s14], [sflag:$0x5] =	stream.linear.gather @!p1 [hbm4b:s12+s11], $0x40, $0x38;
	[tilespmem:$0x1CD00] =	vst v63  }
0x1a3: {  	s15 =	simm.s32 @!p1 $0x600;
	s12 =	sadd.s32 @!p1 s28, s13  }
0x1a4: {  	[tilespmem:s15], [sflag:$0x5] =	stream.linear.gather @!p1 [hbm4b:s12+s11], $0x40, $0x38;
	[tilespmem:$0x1CD00] =	vst v63  }
0x1a5: {  	_ =	swait.ge [sflag:s22], $0x40  }
0x1a6: {  	[sflag:s22] =	ssyncset.done $0x0  }
0x1a7: {  	[sflag:s22] =	ssyncadd.s32 $0xFFFFFFC0  }
0x1a8: {  	_ =	swait.ge [sflag:s22], $0x40  }
0x1a9: {  	[sflag:s22] =	ssyncset.done $0x0  }
0x1aa: {  	[sflag:s22] =	ssyncadd.s32 $0xFFFFFFC0  }
0x1ab: {  	[tilespmem:s7], [sflag:$0x9] =	stream.indirect.gather [hbm4b:s31+s8], $0x80, s10, s8, $0xb8;
	[tilespmem:$0x1CD00] =	vst v63  }
0x1ac: {  	_ =	swait.ge [sflag:s18], $0x2000  }
0x1ad: {  	[sflag:s18] =	ssyncset.done $0x0  }
0x1ae: {  	s14 =	simm.s32 $0x680;
	[sflag:s18] =	ssyncadd.s32 $0xFFFFE000  }
0x1af: {  	[spmem:s4] =	stream.indirect.scatter.add.f32 [tilespmem:s29], [sflag:$0xF], $0x80, s14, s8, $0xb8;
	[tilespmem:$0x1CD00] =	vst v63  }
0x1b0: {  	_ =	swait.ge [sflag:s30], $0x2000  }
0x1b1: {  	s14 =	simm.s32 @!p1 $0x280;
	s12 =	rddreg [dreg:$0x9];
	[sflag:s30] =	ssyncset.done $0x0  }
0x1b2: {  	s13 =	rddreg [dreg:$0xa];
	[sflag:s30] =	ssyncadd.s32 $0xFFFFE000;
	s12 =	sadd.s32 @!p1 s28, s12  }
0x1b3: {  	[tilespmem:s14], [sflag:$0x6] =	stream.linear.gather @!p1 [hbm4b:s12+s11], $0x40, $0x38;
	[tilespmem:$0x1CD00] =	vst v63  }
0x1b4: {  	s15 =	simm.s32 @!p1 $0x680;
	s7 =	simm.s32 $0x2;
	s12 =	sadd.s32 @!p1 s28, s13  }
0x1b5: {  	[tilespmem:s15], [sflag:$0x6] =	stream.linear.gather @!p1 [hbm4b:s12+s11], $0x40, $0x38;
	[tilespmem:$0x1CD00] =	vst v63  }
0x1b6: {  	_ =	swait.ge [sflag:s7], $0x40  }
0x1b7: {  	[sflag:s7] =	ssyncset.done $0x0  }
0x1b8: {  	[sflag:s7] =	ssyncadd.s32 $0xFFFFFFC0  }
0x1b9: {  	_ =	swait.ge [sflag:s7], $0x40  }
0x1ba: {  	[sflag:s7] =	ssyncset.done $0x0  }
0x1bb: {  	[sflag:s7] =	ssyncadd.s32 $0xFFFFFFC0  }
0x1bc: {  	[tilespmem:s29], [sflag:$0xA] =	stream.indirect.gather [hbm4b:s31+s8], $0x80, s17, s8, $0xb8;
	[tilespmem:$0x1CD00] =	vst v63  }
0x1bd: {  	_ =	swait.ge [sflag:s20], $0x2000  }
0x1be: {  	[sflag:s20] =	ssyncset.done $0x0  }
0x1bf: {  	s15 =	simm.s32 $0x700;
	[sflag:s20] =	ssyncadd.s32 $0xFFFFE000  }
0x1c0: {  	[spmem:s4] =	stream.indirect.scatter.add.f32 [tilespmem:s0], [sflag:$0xF], $0x80, s15, s8, $0xb8;
	[tilespmem:$0x1CD00] =	vst v63  }
0x1c1: {  	_ =	swait.ge [sflag:s30], $0x2000  }
0x1c2: {  	s14 =	simm.s32 @!p1 $0x300;
	s12 =	rddreg [dreg:$0x7];
	[sflag:s30] =	ssyncset.done $0x0  }
0x1c3: {  	s13 =	rddreg [dreg:$0x8];
	[sflag:s30] =	ssyncadd.s32 $0xFFFFE000;
	s12 =	sadd.s32 @!p1 s28, s12  }
0x1c4: {  	[tilespmem:s14], [sflag:$0x7] =	stream.linear.gather @!p1 [hbm4b:s12+s11], $0x40, $0x38;
	[tilespmem:$0x1CD00] =	vst v63  }
0x1c5: {  	s15 =	simm.s32 @!p1 $0x700;
	s12 =	sadd.s32 @!p1 s28, s13  }
0x1c6: {  	[tilespmem:s15], [sflag:$0x7] =	stream.linear.gather @!p1 [hbm4b:s12+s11], $0x40, $0x38;
	[tilespmem:$0x1CD00] =	vst v63  }
0x1c7: {  	_ =	swait.ge [sflag:s5], $0x40  }
0x1c8: {  	[sflag:s5] =	ssyncset.done $0x0  }
0x1c9: {  	[sflag:s5] =	ssyncadd.s32 $0xFFFFFFC0  }
0x1ca: {  	_ =	swait.ge [sflag:s5], $0x40  }
0x1cb: {  	[sflag:s5] =	ssyncset.done $0x0  }
0x1cc: {  	[sflag:s5] =	ssyncadd.s32 $0xFFFFFFC0  }
0x1cd: {  	[tilespmem:s0], [sflag:$0xB] =	stream.indirect.gather [hbm4b:s31+s8], $0x80, s9, s8, $0xb8;
	[tilespmem:$0x1CD00] =	vst v63  }
0x1ce: {  	_ =	swait.ge [sflag:s23], $0x2000  }
0x1cf: {  	[sflag:s23] =	ssyncset.done $0x0  }
0x1d0: {  	s17 =	simm.s32 $0x780;
	[sflag:s23] =	ssyncadd.s32 $0xFFFFE000  }
0x1d1: {  	[spmem:s4] =	stream.indirect.scatter.add.f32 [tilespmem:s3], [sflag:$0xF], $0x80, s17, s8, $0xb8;
	[tilespmem:$0x1CD00] =	vst v63  }
0x1d2: {  	s24 =	sadd.s32 $0x40, s24;
	_ =	swait.ge [sflag:s30], $0x2000  }
0x1d3: {  	s14 =	simm.s32 @!p1 $0x380;
	s12 =	rddreg [dreg:$0x5];
	[sflag:s30] =	ssyncset.done $0x0  }
0x1d4: {  	s13 =	rddreg [dreg:$0x6];
	[sflag:s30] =	ssyncadd.s32 $0xFFFFE000;
	s12 =	sadd.s32 @!p1 s28, s12  }
0x1d5: {  	[tilespmem:s14], [sflag:$0x8] =	stream.linear.gather @!p1 [hbm4b:s12+s11], $0x40, $0x38;
	[tilespmem:$0x1CD00] =	vst v63  }
0x1d6: {  	p0 =	sne.s32 s24, $0x4C0;
	s15 =	simm.s32 @!p1 $0x780;
	s12 =	sadd.s32 @!p1 s28, s13  }
0x1d7: {  	[tilespmem:s15], [sflag:$0x8] =	stream.linear.gather @!p1 [hbm4b:s12+s11], $0x40, $0x38;
	[tilespmem:$0x1CD00] =	vst v63  }
.Ltmp1:
0x1d8: {  	_ =	swait.ge [sflag:s25], $0x40;
	(pc) =	sbr.rel @p0 .LBB2_4-.Ltmp1, $4  }
0x1d9: {  	[sflag:s25] =	ssyncset.done $0x0  }
0x1da: {  	[sflag:s25] =	ssyncadd.s32 $0xFFFFFFC0  }
0x1db: {  	s14 =	simm.s32 $0x800;
	_ =	swait.ge [sflag:s25], $0x40  }
0x1dc: {  	s13 =	smov.u32 s16;
	s16 =	simm.s32 $0x400;
	[sflag:s25] =	ssyncset.done $0x0  }
0x1dd: {  	[sflag:s25] =	ssyncadd.s32 $0xFFFFFFC0;
	s1 =	simm.s32 $0x180  }
0x1de: {  	[tilespmem:s3], [sflag:$0xC] =	stream.indirect.gather [hbm4b:s31+s8], $0x80, s1, s8, $0xb8;
	[tilespmem:$0x1CD00] =	vst v63  }
0x1df: {  	_ =	swait.ge [sflag:s6], $0x2000  }
0x1e0: {  	[sflag:s6] =	ssyncset.done $0x0  }
0x1e1: {  	[sflag:s6] =	ssyncadd.s32 $0xFFFFE000  }
0x1e2: {  	[spmem:s4] =	stream.indirect.scatter.add.f32 [tilespmem:s14], [sflag:$0xF], $0x80, s16, s8, $0xb8;
	[tilespmem:$0x1CD00] =	vst v63  }
0x1e3: {  	_ =	swait.ge [sflag:s30], $0x2000  }
0x1e4: {  	[sflag:s30] =	ssyncset.done $0x0  }
0x1e5: {  	[sflag:s30] =	ssyncadd.s32 $0xFFFFE000  }
0x1e6: {  	_ =	swait.ge [sflag:s18], $0x2000  }
0x1e7: {  	[sflag:s18] =	ssyncset.done $0x0  }
0x1e8: {  	s19 =	simm.s32 $0x480;
	[sflag:s18] =	ssyncadd.s32 $0xFFFFE000  }
0x1e9: {  	[spmem:s4] =	stream.indirect.scatter.add.f32 [tilespmem:s29], [sflag:$0xF], $0x80, s19, s8, $0xb8;
	[tilespmem:$0x1CD00] =	vst v63  }
0x1ea: {  	_ =	swait.ge [sflag:s30], $0x2000  }
0x1eb: {  	[sflag:s30] =	ssyncset.done $0x0  }
0x1ec: {  	[sflag:s30] =	ssyncadd.s32 $0xFFFFE000  }
0x1ed: {  	_ =	swait.ge [sflag:s20], $0x2000  }
0x1ee: {  	[sflag:s20] =	ssyncset.done $0x0  }
0x1ef: {  	s21 =	simm.s32 $0x500;
	[sflag:s20] =	ssyncadd.s32 $0xFFFFE000  }
0x1f0: {  	[spmem:s4] =	stream.indirect.scatter.add.f32 [tilespmem:s0], [sflag:$0xF], $0x80, s21, s8, $0xb8;
	[tilespmem:$0x1CD00] =	vst v63  }
0x1f1: {  	_ =	swait.ge [sflag:s30], $0x2000  }
0x1f2: {  	[sflag:s30] =	ssyncset.done $0x0  }
0x1f3: {  	[sflag:s30] =	ssyncadd.s32 $0xFFFFE000  }
0x1f4: {  	_ =	swait.ge [sflag:s23], $0x2000  }
0x1f5: {  	[sflag:s23] =	ssyncset.done $0x0  }
0x1f6: {  	s22 =	simm.s32 $0x580;
	[sflag:s23] =	ssyncadd.s32 $0xFFFFE000  }
0x1f7: {  	[spmem:s4] =	stream.indirect.scatter.add.f32 [tilespmem:s3], [sflag:$0xF], $0x80, s22, s8, $0xb8;
	[tilespmem:$0x1CD00] =	vst v63  }
0x1f8: {  	_ =	swait.ge [sflag:s30], $0x2000  }
0x1f9: {  	[sflag:s30] =	ssyncset.done $0x0  }
0x1fa: {  	s11 =	simm.s32 $0xD;
	[sflag:s30] =	ssyncadd.s32 $0xFFFFE000  }
0x1fb: {  	_ =	swait.ge [sflag:s11], $0x800  }
0x1fc: {  	s17 =	simm.s32 $0x8880;
	[sflag:s11] =	ssyncset.done $0x0  }
0x1fd: {  	s26 =	simm.s32 $0x10;
	s28 =	simm.s32 $0x8900;
	[sflag:s11] =	ssyncadd.s32 $0xFFFFF800  }
0x1fe: {  	[spmem:s4] =	stream.indirect.scatter.add.f32 [tilespmem:s28], [sflag:$0xF], $0x80, s17, s26, $0xb8;
	[tilespmem:$0x1CD00] =	vst v63  }
0x1ff: {  	_ =	swait.ge [sflag:s30], $0x800  }
0x200: {  	[sflag:s30] =	ssyncset.done $0x0  }
0x201: {  	[sflag:s30] =	ssyncadd.s32 $0xFFFFF800  }
0x202: {  	[bflag:$0x0] =	sbarrier.arrive $0xFFFF  }
0x203: {  	s14 =	sld [smem:$0x7FD]  }
0x204: {  	s23 =	stileid.u32;
	s15 =	sld [smem:$0x7EE]  }
0x205: {  	s11 =	sshll.u32 s23, $0x6  }
0x206: {  	s11 =	sor.u32 $0x1C0F, s11;
	s12 =	sshrl.u32 s14, $0x3  }
0x207: {  	[hbm:s15], [sflag:s11] =	dma.local [spmem:s12], $0x2780  }
0x208: {  	_ =	swait.ge [sflag:s30], $0x2780  }
0x209: {  	s24 =	sld [smem:$0x7FC]  }
0x20a: {  	s25 =	sld [smem:$0x7EF]  }
0x20b: {  	s9 =	simm.s32 $0x500  }
0x20c: {  	s10 =	simm.s32 $0x3;
	s2 =	simm.s32 $0x8;
	s12 =	sadd.s32 $0x1, s24  }
0x20d: {  	s5 =	simm.s32 $0x0;
	s1 =	simm.s32 $0x5;
	p0 =	sne.s32 s12, s25  }
.Ltmp2:
0x20e: {  	s6 =	simm.s32 $0x9;
	s18 =	simm.s32 $0xA;
	(pc) =	sbr.rel @p0 .LBB2_1-.Ltmp2, $4  }
0x20f: {  	s19 =	simm.s32 $0x6;
	s20 =	simm.s32 $0x480;
	s21 =	simm.s32 $0x7  }
0x210: {  	s22 =	simm.s32 $0x1;
	s23 =	simm.s32 $0x80;
	[sflag:s30] =	ssyncset.done $0x0  }
0x211: {  	s15 =	simm.s32 $0x100;
	[sflag:s30] =	ssyncadd.s32 $0xFFFFD880;
	s24 =	simm.s32 $0x580  }
0x212: {  	[smem:$0x7FC] =	sst s12;
	s12 =	simm.s32 $0x180;
	s25 =	simm.s32 $0x4  }
0x213: {  	_ =	sfence.sel $0x180000  }
0x214: {  	[bflag:$0x0] =	sbarrier.arrive $0xFFFF  }
0x215: {  	_ =	strace $0x90000047  }
0x216: {  	s0 =	stileid.u32;
	[bflag:$0x2] =	sbarrier.arrive $0xFFFF  }
0x217: {  	p0 =	sne.s32 s0, $0x0;
	s0 =	rddreg [dreg:$0x4]  }
0x218: {  	s0 =	sadd.s32 @!p0 $0x100000, s0  }
0x219: {  	[sflag:s0] =	ssyncadd.tile.s32 @!p0 $0x1;
	_ =	shalt  }
.Lfunc_end2:
_tile_overlayer_lowered:
.L_overlay_start_2:
0x21a: {  	(tag) =	ssettag $0x2  }
0x21b: {  	s0 =	rddreg [dreg:$0x0];
	s2 =	stileid.u32  }
0x21c: {  	s1 =	rddreg [dreg:$0x1];
	p0 =	sne.s32 s2, $0x0  }
0x21d: {  	s3 =	rddreg [dreg:$0x2];
	[bflag:$0x3] =	sbarrier.arrive $0xFFFF;
	s2 =	simm.s32 @!p0 $0x1C0F  }
0x21e: {  	[timem:s3], [sflag:s2] =	dma.local @!p0 [hbm:s0], s1  }
0x21f: {  	s0 =	simm.s32 @!p0 $0xF  }
0x220: {  	_ =	swait.ge @!p0 [sflag:s0], s1  }
0x221: {  	s1 =	ssub.s32 @!p0 $0x0, s1;
	[sflag:s0] =	ssyncset.done @!p0 $0x0  }
0x222: {  	[sflag:s0] =	ssyncadd.s32 @!p0 s1  }
0x223: {  	[bflag:$0x3] =	sbarrier.arrive $0xFFFF  }
0x224: {  	_ =	shalt  }

</sc_bundles>
